<compile_context>
chip_gen: v7x
topology: tpu7x:2x2x1
jax: 0.10.2.dev20260603
libtpu: 0.0.44.dev20260713+nightly
codegen_flags: <defaults>
</compile_context>

<pallas_src>
import functools

import jax
import jax.numpy as jnp
from jax import lax
from jax.experimental import pallas as pl
from jax.experimental.pallas import tpu as pltpu
from jax.experimental.pallas import tpu_sc as plsc

BB = 8
SV = 197
SP = 256
NV = BB * SV
NT = 2048
D = 768
NH = 12
DK = 64
F = 1024
EE = 16
CAP = 197
CAPP = 208
NSLOT = EE * CAPP
TRASH = NSLOT
XR = NSLOT + 8
NW = 32
TPW = NT // NW
NCLS = 1000
NCLSP = 1024
NEG = -1e30

_f32 = jnp.float32
_bf16 = jnp.bfloat16


def _dot(a, b):
    return jnp.dot(a.astype(_bf16), b.astype(_bf16),
                   preferred_element_type=_f32)


def _embed_body(p_ref, w_ref, b_ref, o_ref):
    o_ref[...] = _dot(p_ref[...], w_ref[...]) + b_ref[...]


def _embed(patches, W, b):
    return pl.pallas_call(
        _embed_body,
        out_shape=jax.ShapeDtypeStruct((BB * 196, D), _f32),
    )(patches, W, b)


def _ln_body(h_ref, s_ref, b_ref, o_ref):
    hb = h_ref[...]
    m = jnp.mean(hb, -1, keepdims=True)
    v = jnp.mean((hb - m) ** 2, -1, keepdims=True)
    o_ref[...] = (hb - m) / jnp.sqrt(v + 1e-6) * s_ref[...] + b_ref[...]


def _ln(h, s, b):
    return pl.pallas_call(
        _ln_body,
        out_shape=jax.ShapeDtypeStruct((BB, SV, D), _f32),
    )(h, s, b)


def _qkv_body(hn_ref, wq_ref, bq_ref, wk_ref, bk_ref, wv_ref, bv_ref,
              q_ref, k_ref, v_ref):
    hn = hn_ref[...]
    q_ref[...] = _dot(hn, wq_ref[...]) + bq_ref[...]
    k_ref[...] = _dot(hn, wk_ref[...]) + bk_ref[...]
    v_ref[...] = _dot(hn, wv_ref[...]) + bv_ref[...]


def _qkv(hn, Wq, bq, Wk, bk, Wv, bv):
    sh = jax.ShapeDtypeStruct((NV, D), _f32)
    return pl.pallas_call(
        _qkv_body,
        out_shape=[sh, sh, sh],
    )(hn, Wq, bq, Wk, bk, Wv, bv)


def _proj_body(h_ref, o_ref, wo_ref, bo_ref, out_ref):
    out_ref[...] = h_ref[...] + (_dot(o_ref[...], wo_ref[...]) + bo_ref[...])


def _proj(h, o, Wo, bo):
    return pl.pallas_call(
        _proj_body,
        out_shape=jax.ShapeDtypeStruct((NV, D), _f32),
    )(h, o, Wo, bo)


def _gate_body(hn_ref, g_ref, o_ref):
    o_ref[...] = _dot(hn_ref[...], g_ref[...])


def _gate(hn, gate_w):
    return pl.pallas_call(
        _gate_body,
        out_shape=jax.ShapeDtypeStruct((NV, EE), _f32),
    )(hn, gate_w)


def _attn_body(q_ref, k_ref, v_ref, o_ref):
    q = q_ref[0]
    k = k_ref[0]
    vv = v_ref[0]
    kmask = jnp.where(
        lax.broadcasted_iota(jnp.int32, (1, SP), 1) < SV, 0.0, NEG)
    outs = []
    for hd in range(NH):
        sl = slice(hd * DK, (hd + 1) * DK)
        qh, kh, vh = q[:, sl], k[:, sl], vv[:, sl]
        sc = lax.dot_general(qh.astype(_bf16), kh.astype(_bf16),
                             (((1,), (1,)), ((), ())),
                             preferred_element_type=_f32) * 0.125 + kmask
        mx = jnp.max(sc, -1, keepdims=True)
        e = jnp.exp(sc - mx)
        s = (jnp.sum(e[:, :128], -1, keepdims=True)
             + jnp.sum(e[:, 128:], -1, keepdims=True))
        p = e / s
        outs.append(_dot(p, vh))
    o_ref[0] = jnp.concatenate(outs, axis=-1)


def _attncore(q, k, v):
    blk = pl.BlockSpec((1, SP, D), lambda i: (i, 0, 0))
    return pl.pallas_call(
        _attn_body,
        grid=(BB,),
        in_specs=[blk, blk, blk],
        out_specs=blk,
        out_shape=jax.ShapeDtypeStruct((BB, SP, D), _f32),
    )(q.reshape(BB, SP, D), k.reshape(BB, SP, D), v.reshape(BB, SP, D))


def _rgb_body(lg_ref, d1_ref, d2_ref, c1_ref, c2_ref, g1_ref, g2_ref):
    lg = lg_ref[...]
    it = lax.broadcasted_iota(jnp.int32, (NT, EE), 1)
    rowid = lax.broadcasted_iota(jnp.int32, (NT, EE), 0)
    valid = rowid < NV
    p = jnp.exp(lg - jnp.max(lg, -1, keepdims=True))
    p = p / jnp.sum(p, -1, keepdims=True)
    mx1 = jnp.max(p, -1, keepdims=True)
    e1 = jnp.min(jnp.where(p == mx1, it, EE), -1)
    sel1 = it == e1[:, None]
    m1 = jnp.where(sel1 & valid, 1.0, 0.0)
    p2m = jnp.where(sel1, 0.0, p)
    mx2 = jnp.max(p2m, -1, keepdims=True)
    e2 = jnp.min(jnp.where(p2m == mx2, it, EE), -1)
    m2 = jnp.where((it == e2[:, None]) & valid, 1.0, 0.0)

    ri = lax.broadcasted_iota(jnp.int32, (256, 256), 0)
    ci = lax.broadcasted_iota(jnp.int32, (256, 256), 1)
    T = jnp.where(ri > ci, 1.0, 0.0)

    def exclusive_cumsum(mm):
        locs = []
        carry = jnp.zeros((1, EE), _f32)
        for bb in range(NT // 256):
            mb = mm[bb * 256:(bb + 1) * 256]
            locs.append(_dot(T, mb) + carry)
            carry = carry + jnp.sum(mb, 0, keepdims=True)
        return jnp.concatenate(locs, 0), carry

    loc1, tot1 = exclusive_cumsum(m1)
    loc2, _ = exclusive_cumsum(m2)
    loc2 = loc2 + tot1
    m1c = jnp.where(loc1 < CAP, m1, 0.0)
    m2c = jnp.where(loc2 < CAP, m2, 0.0)
    p1 = jnp.sum(loc1 * m1c, -1).astype(jnp.int32)
    p2 = jnp.sum(loc2 * m2c, -1).astype(jnp.int32)
    g1 = jnp.sum(p * m1c, -1)
    g2 = jnp.sum(p * m2c, -1)
    den = g1 + g2 + 1e-9
    g1_ref[...] = g1 / den
    g2_ref[...] = g2 / den
    k1 = jnp.sum(m1c, -1) > 0
    k2 = jnp.sum(m2c, -1) > 0
    s1 = e1 * CAPP + p1
    s2 = e2 * CAPP + p2
    d1_ref[...] = jnp.where(k1, s1, TRASH).astype(jnp.int32)
    d2_ref[...] = jnp.where(k2, s2, TRASH).astype(jnp.int32)
    c1_ref[...] = jnp.where(k1, s1, 0).astype(jnp.int32)
    c2_ref[...] = jnp.where(k2, s2, 0).astype(jnp.int32)


def _rgb(lg):
    i32 = jnp.int32
    return pl.pallas_call(
        _rgb_body,
        out_shape=[jax.ShapeDtypeStruct((NT,), i32),
                   jax.ShapeDtypeStruct((NT,), i32),
                   jax.ShapeDtypeStruct((NT,), i32),
                   jax.ShapeDtypeStruct((NT,), i32),
                   jax.ShapeDtypeStruct((NT,), _f32),
                   jax.ShapeDtypeStruct((NT,), _f32)],
    )(lg)


def _ffn_body(x_ref, w1_ref, b1_ref, w2_ref, b2_ref, o_ref):
    xb = x_ref[0]
    h1 = jax.nn.gelu(_dot(xb, w1_ref[0]) + b1_ref[0])
    o_ref[0] = _dot(h1, w2_ref[0]) + b2_ref[0]


def _ffn(X, W1, b1, W2, b2):
    return pl.pallas_call(
        _ffn_body,
        grid=(EE,),
        in_specs=[pl.BlockSpec((1, CAPP, D), lambda i: (i, 0, 0)),
                  pl.BlockSpec((1, D, F), lambda i: (i, 0, 0)),
                  pl.BlockSpec((1, 1, F), lambda i: (i, 0, 0)),
                  pl.BlockSpec((1, F, D), lambda i: (i, 0, 0)),
                  pl.BlockSpec((1, 1, D), lambda i: (i, 0, 0))],
        out_specs=pl.BlockSpec((1, CAPP, D), lambda i: (i, 0, 0)),
        out_shape=jax.ShapeDtypeStruct((EE, CAPP, D), _f32),
    )(X, W1, b1.reshape(EE, 1, F), W2, b2.reshape(EE, 1, D))


def _epi_body(h_ref, r1_ref, r2_ref, g1_ref, g2_ref, o_ref):
    g1 = g1_ref[...].astype(_bf16).astype(_f32)[:, None]
    g2 = g2_ref[...].astype(_bf16).astype(_f32)[:, None]
    r1 = r1_ref[...].astype(_bf16).astype(_f32)
    r2 = r2_ref[...].astype(_bf16).astype(_f32)
    t1 = jnp.where(g1 > 0, g1 * r1, 0.0)
    t2 = jnp.where(g2 > 0, g2 * r2, 0.0)
    o_ref[...] = h_ref[...] + (t1 + t2)


def _epi(hf, r1, r2, g1, g2):
    row = pl.BlockSpec((256, D), lambda i: (i, 0))
    gv = pl.BlockSpec((256,), lambda i: (i,))
    return pl.pallas_call(
        _epi_body,
        grid=(NT // 256,),
        in_specs=[row, row, row, gv, gv],
        out_specs=row,
        out_shape=jax.ShapeDtypeStruct((NT, D), _f32),
    )(hf, r1, r2, g1, g2)


def _final_body(hn_ref, wc_ref, bc_ref, o_ref):
    pooled = jnp.sum(hn_ref[...], axis=1) / float(SV)
    o_ref[...] = _dot(pooled, wc_ref[...]) + bc_ref[...]


def _final(hn, Wc, bc):
    return pl.pallas_call(
        _final_body,
        out_shape=jax.ShapeDtypeStruct((BB, NCLSP), _f32),
    )(hn, Wc, bc)


@functools.lru_cache(maxsize=None)
def _build_dispatch():
    info = plsc.get_sparse_core_info()
    nc = info.num_cores
    mesh = plsc.VectorSubcoreMesh(core_axis_name="c", subcore_axis_name="s")

    @functools.partial(
        pl.kernel, mesh=mesh,
        out_type=jax.ShapeDtypeStruct((XR, D), _f32),
        scratch_types=[pltpu.VMEM((TPW, D), _f32),
                       pltpu.VMEM((TPW,), jnp.int32),
                       pltpu.VMEM((TPW,), jnp.int32),
                       pltpu.SemaphoreType.DMA],
    )
    def dispatch(hn2, d1, d2, xout, rows_v, i1_v, i2_v, sem):
        wid = lax.axis_index("s") * nc + lax.axis_index("c")
        base = wid * TPW
        pltpu.sync_copy(hn2.at[pl.ds(base, TPW)], rows_v)
        pltpu.sync_copy(d1.at[pl.ds(base, TPW)], i1_v)
        pltpu.sync_copy(d2.at[pl.ds(base, TPW)], i2_v)
        pltpu.async_copy(rows_v, xout.at[i1_v], sem).wait()
        pltpu.async_copy(rows_v, xout.at[i2_v], sem).wait()

    return dispatch


@functools.lru_cache(maxsize=None)
def _build_combine():
    info = plsc.get_sparse_core_info()
    nc = info.num_cores
    mesh = plsc.VectorSubcoreMesh(core_axis_name="c", subcore_axis_name="s")

    @functools.partial(
        pl.kernel, mesh=mesh,
        out_type=(jax.ShapeDtypeStruct((NT, D), _f32),
                  jax.ShapeDtypeStruct((NT, D), _f32)),
        scratch_types=[pltpu.VMEM((TPW,), jnp.int32),
                       pltpu.VMEM((TPW, D), _f32),
                       pltpu.SemaphoreType.DMA],
    )
    def combine(eo, c1, c2, r1, r2, i_v, rows_v, sem):
        wid = lax.axis_index("s") * nc + lax.axis_index("c")
        base = wid * TPW
        pltpu.sync_copy(c1.at[pl.ds(base, TPW)], i_v)
        pltpu.async_copy(eo.at[i_v], rows_v, sem).wait()
        pltpu.sync_copy(rows_v, r1.at[pl.ds(base, TPW)])
        pltpu.sync_copy(c2.at[pl.ds(base, TPW)], i_v)
        pltpu.async_copy(eo.at[i_v], rows_v, sem).wait()
        pltpu.sync_copy(rows_v, r2.at[pl.ds(base, TPW)])

    return combine


def _dispatch(hn2, d1, d2):
    return _build_dispatch()(hn2, d1, d2)


def _combine(eo, c1, c2):
    return _build_combine()(eo, c1, c2)


def _pad_rows(xflat, n):
    return jnp.pad(xflat, ((0, n - NV), (0, 0)))


def _pad_img(x197):
    return jnp.pad(x197, ((0, 0), (0, SP - SV), (0, 0)))


def kernel(x, Wpatch, bpatch, cls_tok, pos_emb, ln1_s, ln1_b, ln2_s, ln2_b,
           Wq, bq, Wk, bk, Wv, bv, Wo, bo, gate_w, W1, b1, W2, b2,
           lnf_s, lnf_b, Wc, bc):
    g = 224 // 16
    patches = x.reshape(BB, 3, g, 16, g, 16).transpose(
        0, 2, 4, 1, 3, 5).reshape(BB * g * g, D)
    emb = _embed(patches, Wpatch, bpatch).reshape(BB, g * g, D)
    h = jnp.concatenate(
        [jnp.broadcast_to(cls_tok, (BB, 1, D)), emb], 1) + pos_emb

    Wc_p = jnp.pad(Wc, ((0, 0), (0, NCLSP - NCLS)))
    bc_p = jnp.pad(bc, ((0, NCLSP - NCLS),))

    for i in range(4):
        hn1 = _ln(h, ln1_s[i], ln1_b[i])
        q, k, v = _qkv(hn1.reshape(NV, D), Wq, bq, Wk, bk, Wv, bv)
        o = _attncore(_pad_img(q.reshape(BB, SV, D)),
                      _pad_img(k.reshape(BB, SV, D)),
                      _pad_img(v.reshape(BB, SV, D)))
        of = o[:, :SV].reshape(NV, D)
        hf = _proj(h.reshape(NV, D), of, Wo, bo)
        h = hf.reshape(BB, SV, D)
        hn2 = _ln(h, ln2_s[i], ln2_b[i])
        hn2f = hn2.reshape(NV, D)
        lg = _gate(hn2f, gate_w)
        d1, d2, c1, c2, g1, g2 = _rgb(_pad_rows(lg, NT))
        X = _dispatch(_pad_rows(hn2f, NT), d1, d2)
        eo = _ffn(X[:NSLOT].reshape(EE, CAPP, D), W1, b1, W2, b2)
        r1, r2 = _combine(eo.reshape(NSLOT, D), c1, c2)
        hf = _epi(_pad_rows(hf, NT), r1, r2, g1, g2)
        h = hf[:NV].reshape(BB, SV, D)

    hn = _ln(h, lnf_s, lnf_b)
    out = _final(hn, Wc_p, bc_p)
    return out[:, :NCLS]

# --- scband reference (transcript-rebuilt; emitter-appended) ---
"""Pipeline reference for scband-widenet-8237747273787 (READ-ONLY COPY).

The authoritative reference and input builder live on the scoring server;
editing this copy changes nothing except your own understanding.
"""

import jax, jax.numpy as jnp
import numpy as np

B = 8; IMG = 224; P = 16; HID = 768; HEADS = 12; DKV = 64; DFF = 1024; E = 16; DEPTH = 4; NCLS = 1000; CAPF = 2.0


def _ln(x, s, b):
    m = x.mean(-1, keepdims=True)
    v = ((x - m) ** 2).mean(-1, keepdims=True)
    return (x - m) / jnp.sqrt(v + 1e-6) * s + b


def _moe(tok, gate_w, W1, b1, W2, b2):
    S = tok.shape[0]
    cap = int(CAPF * S / E)
    probs = jax.nn.softmax(tok @ gate_w, -1)
    idx1 = jnp.argmax(probs, -1)
    m1 = jax.nn.one_hot(idx1, E, dtype=tok.dtype)
    idx2 = jnp.argmax(probs * (1.0 - m1), -1)
    m2 = jax.nn.one_hot(idx2, E, dtype=tok.dtype)
    loc1 = jnp.cumsum(m1, 0) - m1
    loc2 = jnp.cumsum(m2, 0) - m2 + jnp.sum(m1, 0, keepdims=True)
    m1 = m1 * (loc1 < cap)
    m2 = m2 * (loc2 < cap)
    p1 = jnp.sum(loc1 * m1, -1).astype(jnp.int32)
    p2 = jnp.sum(loc2 * m2, -1).astype(jnp.int32)
    g1 = jnp.sum(probs * m1, -1)
    g2 = jnp.sum(probs * m2, -1)
    den = g1 + g2 + 1e-9
    g1 = g1 / den
    g2 = g2 / den
    oh1 = jax.nn.one_hot(p1, cap, dtype=tok.dtype)
    oh2 = jax.nn.one_hot(p2, cap, dtype=tok.dtype)
    combine = g1[:, None, None] * m1[:, :, None] * oh1[:, None, :] + g2[:, None, None] * m2[:, :, None] * oh2[:, None, :]
    disp = (combine > 0).astype(tok.dtype)
    ein = jnp.einsum('sec,sd->ecd', disp, tok)
    h = jax.nn.gelu(jnp.einsum('ecd,edf->ecf', ein, W1) + b1[:, None, :])
    eo = jnp.einsum('ecf,efd->ecd', h, W2) + b2[:, None, :]
    out = jnp.einsum('sec,ecd->sd', combine, eo)
    laux = E * jnp.sum(probs.mean(0) * m1.mean(0))
    return out, laux


def _forward(x, Wpatch, bpatch, cls_tok, pos_emb, ln1_s, ln1_b, ln2_s, ln2_b, Wq, bq, Wk, bk, Wv, bv, Wo, bo, gate_w, W1, b1, W2, b2, lnf_s, lnf_b, Wc, bc):
    n = x.shape[0]
    g = IMG // P
    patches = x.reshape(n, 3, g, P, g, P).transpose(0, 2, 4, 1, 3, 5).reshape(n, g * g, 3 * P * P)
    h = patches @ Wpatch + bpatch
    h = jnp.concatenate([jnp.broadcast_to(cls_tok, (n, 1, HID)), h], 1) + pos_emb
    S = h.shape[1]
    y = 0.0
    for i in range(DEPTH):
        hn = _ln(h, ln1_s[i], ln1_b[i])
        q = (hn @ Wq + bq).reshape(n, S, HEADS, DKV).transpose(0, 2, 1, 3)
        k = (hn @ Wk + bk).reshape(n, S, HEADS, DKV).transpose(0, 2, 1, 3)
        v = (hn @ Wv + bv).reshape(n, S, HEADS, DKV).transpose(0, 2, 1, 3)
        a = jax.nn.softmax(jnp.einsum('nhqd,nhkd->nhqk', q, k) / jnp.sqrt(float(DKV)), -1)
        o = jnp.einsum('nhqk,nhkd->nhqd', a, v).transpose(0, 2, 1, 3).reshape(n, S, HEADS * DKV)
        h = h + (o @ Wo + bo)
        hn2 = _ln(h, ln2_s[i], ln2_b[i])
        mo, la = _moe(hn2.reshape(-1, HID), gate_w, W1, b1, W2, b2)
        h = h + mo.reshape(n, S, HID)
        y = y + la
    h = _ln(h, lnf_s, lnf_b)
    return h.mean(1) @ Wc + bc


def setup_inputs(seed: int = 0):
    key = jax.random.key(seed)
    ks = jax.random.split(key, 16)
    dP = 3 * P * P
    nt = (IMG // P) ** 2 + 1
    s = 0.02
    return {
        'x': jax.random.normal(ks[0], (B, 3, IMG, IMG), jnp.float32),
        'Wpatch': jax.random.normal(ks[1], (dP, HID), jnp.float32) * s,
        'bpatch': jnp.zeros((HID,), jnp.float32),
        'cls_tok': jax.random.normal(ks[2], (1, 1, HID), jnp.float32) * s,
        'pos_emb': jax.random.normal(ks[3], (1, nt, HID), jnp.float32) * s,
        'ln1_s': jnp.ones((DEPTH, HID), jnp.float32),
        'ln1_b': jnp.zeros((DEPTH, HID), jnp.float32),
        'ln2_s': jnp.ones((DEPTH, HID), jnp.float32),
        'ln2_b': jnp.zeros((DEPTH, HID), jnp.float32),
        'Wq': jax.random.normal(ks[4], (HID, HEADS * DKV), jnp.float32) * s,
        'bq': jnp.zeros((HEADS * DKV,), jnp.float32),
        'Wk': jax.random.normal(ks[5], (HID, HEADS * DKV), jnp.float32) * s,
        'bk': jnp.zeros((HEADS * DKV,), jnp.float32),
        'Wv': jax.random.normal(ks[6], (HID, HEADS * DKV), jnp.float32) * s,
        'bv': jnp.zeros((HEADS * DKV,), jnp.float32),
        'Wo': jax.random.normal(ks[7], (HEADS * DKV, HID), jnp.float32) * s,
        'bo': jnp.zeros((HID,), jnp.float32),
        'gate_w': jax.random.normal(ks[8], (HID, E), jnp.float32) * s,
        'W1': jax.random.normal(ks[9], (E, HID, DFF), jnp.float32) * s,
        'b1': jnp.zeros((E, DFF), jnp.float32),
        'W2': jax.random.normal(ks[10], (E, DFF, HID), jnp.float32) * s,
        'b2': jnp.zeros((E, HID), jnp.float32),
        'lnf_s': jnp.ones((HID,), jnp.float32),
        'lnf_b': jnp.zeros((HID,), jnp.float32),
        'Wc': jax.random.normal(ks[11], (HID, NCLS), jnp.float32) * s,
        'bc': jnp.zeros((NCLS,), jnp.float32),
    }


def reference(x, Wpatch, bpatch, cls_tok, pos_emb, ln1_s, ln1_b, ln2_s, ln2_b, Wq, bq, Wk, bk, Wv, bv, Wo, bo, gate_w, W1, b1, W2, b2, lnf_s, lnf_b, Wc, bc):
    return _forward(x, Wpatch, bpatch, cls_tok, pos_emb, ln1_s, ln1_b, ln2_s, ln2_b, Wq, bq, Wk, bk, Wv, bv, Wo, bo, gate_w, W1, b1, W2, b2, lnf_s, lnf_b, Wc, bc)

if __name__ == "__main__":
    import jax
    _d = setup_inputs()
    print(jax.jit(kernel)(*tuple(_d.values())))

</pallas_src>

<mosaic_0001>
#map = affine_map<(d0, d1) -> (0, 0)>
#map1 = affine_map<(d0, d1) -> (0)>
module attributes {stable_mosaic.version = 14 : i64} {
  func.func @combine(%arg0: i32, %arg1: i32, %arg2: memref<3328x768xf32, #tpu.memory_space<hbm>>, %arg3: memref<2048xi32, #tpu.memory_space<hbm>>, %arg4: memref<2048xi32, #tpu.memory_space<hbm>>, %arg5: memref<2048x768xf32, #tpu.memory_space<hbm>>, %arg6: memref<2048x768xf32, #tpu.memory_space<hbm>>, %arg7: memref<64xi32, #tpu.memory_space<vmem>>, %arg8: memref<64x768xf32, #tpu.memory_space<vmem>>, %arg9: memref<!tpu.dma_semaphore, #tpu.memory_space<semaphore_mem>>) attributes {dimension_semantics = [#tpu.dimension_semantics<core_parallel>, #tpu.dimension_semantics<subcore_parallel>], iteration_bounds = array<i64: 2, 16>, scalar_prefetch = 0 : i64, scratch_operands = 3 : i64, tpu.core_type = #tpu.core_type<sc_vector_subcore>, window_params = [{transform_indices = #map}, {transform_indices = #map1}, {transform_indices = #map1}, {transform_indices = #map}, {transform_indices = #map}]} {
    %mul3A = arith.constant 2 : i32
    %mul3A_0 = arith.muli %arg1, %mul3A : i32
    %add3A = arith.addi %mul3A_0, %arg0 : i32
    %mul3A_1 = arith.constant 64 : i32
    %mul3A_2 = arith.muli %add3A, %mul3A_1 : i32
    "tpu.region"() ({
      %run_scoped3A = tpu.sem_alloc : memref<!tpu.dma_semaphore, #tpu.memory_space<semaphore_mem>>
      %dma_start3A_13 = tpu.memref_slice %arg3[%mul3A_2] : memref<2048xi32, #tpu.memory_space<hbm>> -> memref<64xi32, #tpu.memory_space<hbm>>
      %dma_start3A_14 = tpu.memref_slice %arg3[%mul3A_2] : memref<2048xi32, #tpu.memory_space<hbm>> -> memref<64xi32, #tpu.memory_space<hbm>>
      tpu.enqueue_dma source(%dma_start3A_14 : memref<64xi32, #tpu.memory_space<hbm>>) target(%arg7 : memref<64xi32, #tpu.memory_space<vmem>>) target_semaphore(%run_scoped3A : memref<!tpu.dma_semaphore, #tpu.memory_space<semaphore_mem>>)
      %dma_wait3A_15 = tpu.memref_slice %arg3[%mul3A_2] : memref<2048xi32, #tpu.memory_space<hbm>> -> memref<64xi32, #tpu.memory_space<hbm>>
      %dma_wait3A_16 = tpu.memref_slice %arg3[%mul3A_2] : memref<2048xi32, #tpu.memory_space<hbm>> -> memref<64xi32, #tpu.memory_space<hbm>>
      tpu.wait_dma2 semaphore(%run_scoped3A : memref<!tpu.dma_semaphore, #tpu.memory_space<semaphore_mem>>) src(%dma_wait3A_16 : memref<64xi32, #tpu.memory_space<hbm>>) dst(%arg7 : memref<64xi32, #tpu.memory_space<vmem>>)
      tpu.yield
    }) : () -> ()
    %dma_start3A = arith.constant 0 : i32
    %dma_start3A_3 = arith.constant 0 : i32
    %dma_start3A_4 = tpu.memref_slice %arg2[%dma_start3A, %dma_start3A_3] : memref<3328x768xf32, #tpu.memory_space<hbm>> -> memref<3328x768xf32, #tpu.memory_space<hbm>>
    tpu.enqueue_indirect_dma source(%dma_start3A_4 : memref<3328x768xf32, #tpu.memory_space<hbm>>) target(%arg8 : memref<64x768xf32, #tpu.memory_space<vmem>>) offsets(%arg7 : memref<64xi32, #tpu.memory_space<vmem>>) semaphore(%arg9 : memref<!tpu.dma_semaphore, #tpu.memory_space<semaphore_mem>>)
    %dma_wait3A = arith.constant 0 : i32
    %dma_wait3A_5 = arith.constant 0 : i32
    %dma_wait3A_6 = tpu.memref_slice %arg2[%dma_wait3A, %dma_wait3A_5] : memref<3328x768xf32, #tpu.memory_space<hbm>> -> memref<3328x768xf32, #tpu.memory_space<hbm>>
    tpu.wait_indirect_dma semaphore(%arg9 : memref<!tpu.dma_semaphore, #tpu.memory_space<semaphore_mem>>) src(%dma_wait3A_6 : memref<3328x768xf32, #tpu.memory_space<hbm>>) dst(%arg8 : memref<64x768xf32, #tpu.memory_space<vmem>>)
    "tpu.region"() ({
      %run_scoped3A = tpu.sem_alloc : memref<!tpu.dma_semaphore, #tpu.memory_space<semaphore_mem>>
      %dma_start3A_13 = arith.constant 0 : i32
      %dma_start3A_14 = tpu.memref_slice %arg5[%mul3A_2, %dma_start3A_13] : memref<2048x768xf32, #tpu.memory_space<hbm>> -> memref<64x768xf32, #tpu.memory_space<hbm>>
      %dma_start3A_15 = arith.constant 0 : i32
      %dma_start3A_16 = tpu.memref_slice %arg5[%mul3A_2, %dma_start3A_15] : memref<2048x768xf32, #tpu.memory_space<hbm>> -> memref<64x768xf32, #tpu.memory_space<hbm>>
      tpu.enqueue_dma source(%arg8 : memref<64x768xf32, #tpu.memory_space<vmem>>) target(%dma_start3A_16 : memref<64x768xf32, #tpu.memory_space<hbm>>) target_semaphore(%run_scoped3A : memref<!tpu.dma_semaphore, #tpu.memory_space<semaphore_mem>>)
      %dma_wait3A_17 = arith.constant 0 : i32
      %dma_wait3A_18 = tpu.memref_slice %arg5[%mul3A_2, %dma_wait3A_17] : memref<2048x768xf32, #tpu.memory_space<hbm>> -> memref<64x768xf32, #tpu.memory_space<hbm>>
      %dma_wait3A_19 = arith.constant 0 : i32
      %dma_wait3A_20 = tpu.memref_slice %arg5[%mul3A_2, %dma_wait3A_19] : memref<2048x768xf32, #tpu.memory_space<hbm>> -> memref<64x768xf32, #tpu.memory_space<hbm>>
      tpu.wait_dma2 semaphore(%run_scoped3A : memref<!tpu.dma_semaphore, #tpu.memory_space<semaphore_mem>>) src(%arg8 : memref<64x768xf32, #tpu.memory_space<vmem>>) dst(%dma_wait3A_20 : memref<64x768xf32, #tpu.memory_space<hbm>>)
      tpu.yield
    }) : () -> ()
    "tpu.region"() ({
      %run_scoped3A = tpu.sem_alloc : memref<!tpu.dma_semaphore, #tpu.memory_space<semaphore_mem>>
      %dma_start3A_13 = tpu.memref_slice %arg4[%mul3A_2] : memref<2048xi32, #tpu.memory_space<hbm>> -> memref<64xi32, #tpu.memory_space<hbm>>
      %dma_start3A_14 = tpu.memref_slice %arg4[%mul3A_2] : memref<2048xi32, #tpu.memory_space<hbm>> -> memref<64xi32, #tpu.memory_space<hbm>>
      tpu.enqueue_dma source(%dma_start3A_14 : memref<64xi32, #tpu.memory_space<hbm>>) target(%arg7 : memref<64xi32, #tpu.memory_space<vmem>>) target_semaphore(%run_scoped3A : memref<!tpu.dma_semaphore, #tpu.memory_space<semaphore_mem>>)
      %dma_wait3A_15 = tpu.memref_slice %arg4[%mul3A_2] : memref<2048xi32, #tpu.memory_space<hbm>> -> memref<64xi32, #tpu.memory_space<hbm>>
      %dma_wait3A_16 = tpu.memref_slice %arg4[%mul3A_2] : memref<2048xi32, #tpu.memory_space<hbm>> -> memref<64xi32, #tpu.memory_space<hbm>>
      tpu.wait_dma2 semaphore(%run_scoped3A : memref<!tpu.dma_semaphore, #tpu.memory_space<semaphore_mem>>) src(%dma_wait3A_16 : memref<64xi32, #tpu.memory_space<hbm>>) dst(%arg7 : memref<64xi32, #tpu.memory_space<vmem>>)
      tpu.yield
    }) : () -> ()
    %dma_start3A_7 = arith.constant 0 : i32
    %dma_start3A_8 = arith.constant 0 : i32
    %dma_start3A_9 = tpu.memref_slice %arg2[%dma_start3A_7, %dma_start3A_8] : memref<3328x768xf32, #tpu.memory_space<hbm>> -> memref<3328x768xf32, #tpu.memory_space<hbm>>
    tpu.enqueue_indirect_dma source(%dma_start3A_9 : memref<3328x768xf32, #tpu.memory_space<hbm>>) target(%arg8 : memref<64x768xf32, #tpu.memory_space<vmem>>) offsets(%arg7 : memref<64xi32, #tpu.memory_space<vmem>>) semaphore(%arg9 : memref<!tpu.dma_semaphore, #tpu.memory_space<semaphore_mem>>)
    %dma_wait3A_10 = arith.constant 0 : i32
    %dma_wait3A_11 = arith.constant 0 : i32
    %dma_wait3A_12 = tpu.memref_slice %arg2[%dma_wait3A_10, %dma_wait3A_11] : memref<3328x768xf32, #tpu.memory_space<hbm>> -> memref<3328x768xf32, #tpu.memory_space<hbm>>
    tpu.wait_indirect_dma semaphore(%arg9 : memref<!tpu.dma_semaphore, #tpu.memory_space<semaphore_mem>>) src(%dma_wait3A_12 : memref<3328x768xf32, #tpu.memory_space<hbm>>) dst(%arg8 : memref<64x768xf32, #tpu.memory_space<vmem>>)
    "tpu.region"() ({
      %run_scoped3A = tpu.sem_alloc : memref<!tpu.dma_semaphore, #tpu.memory_space<semaphore_mem>>
      %dma_start3A_13 = arith.constant 0 : i32
      %dma_start3A_14 = tpu.memref_slice %arg6[%mul3A_2, %dma_start3A_13] : memref<2048x768xf32, #tpu.memory_space<hbm>> -> memref<64x768xf32, #tpu.memory_space<hbm>>
      %dma_start3A_15 = arith.constant 0 : i32
      %dma_start3A_16 = tpu.memref_slice %arg6[%mul3A_2, %dma_start3A_15] : memref<2048x768xf32, #tpu.memory_space<hbm>> -> memref<64x768xf32, #tpu.memory_space<hbm>>
      tpu.enqueue_dma source(%arg8 : memref<64x768xf32, #tpu.memory_space<vmem>>) target(%dma_start3A_16 : memref<64x768xf32, #tpu.memory_space<hbm>>) target_semaphore(%run_scoped3A : memref<!tpu.dma_semaphore, #tpu.memory_space<semaphore_mem>>)
      %dma_wait3A_17 = arith.constant 0 : i32
      %dma_wait3A_18 = tpu.memref_slice %arg6[%mul3A_2, %dma_wait3A_17] : memref<2048x768xf32, #tpu.memory_space<hbm>> -> memref<64x768xf32, #tpu.memory_space<hbm>>
      %dma_wait3A_19 = arith.constant 0 : i32
      %dma_wait3A_20 = tpu.memref_slice %arg6[%mul3A_2, %dma_wait3A_19] : memref<2048x768xf32, #tpu.memory_space<hbm>> -> memref<64x768xf32, #tpu.memory_space<hbm>>
      tpu.wait_dma2 semaphore(%run_scoped3A : memref<!tpu.dma_semaphore, #tpu.memory_space<semaphore_mem>>) src(%arg8 : memref<64x768xf32, #tpu.memory_space<vmem>>) dst(%dma_wait3A_20 : memref<64x768xf32, #tpu.memory_space<hbm>>)
      tpu.yield
    }) : () -> ()
    return
  }
}

#map = affine_map<(d0, d1) -> (0, 0)>
#map1 = affine_map<(d0, d1) -> (0)>
module attributes {stable_mosaic.version = 14 : i64} {
  func.func @combine(%arg0: i32, %arg1: i32, %arg2: memref<3328x768xf32, #tpu.memory_space<hbm>>, %arg3: memref<2048xi32, #tpu.memory_space<hbm>>, %arg4: memref<2048xi32, #tpu.memory_space<hbm>>, %arg5: memref<2048x768xf32, #tpu.memory_space<hbm>>, %arg6: memref<2048x768xf32, #tpu.memory_space<hbm>>, %arg7: memref<64xi32, #tpu.memory_space<vmem>>, %arg8: memref<64x768xf32, #tpu.memory_space<vmem>>, %arg9: memref<!tpu.dma_semaphore, #tpu.memory_space<semaphore_mem>>) attributes {dimension_semantics = [#tpu.dimension_semantics<core_parallel>, #tpu.dimension_semantics<subcore_parallel>], iteration_bounds = array<i64: 2, 16>, scalar_prefetch = 0 : i64, scratch_operands = 3 : i64, tpu.core_type = #tpu.core_type<sc_vector_subcore>, window_params = [{transform_indices = #map}, {transform_indices = #map1}, {transform_indices = #map1}, {transform_indices = #map}, {transform_indices = #map}]} {
    %mul3A = arith.constant 2 : i32
    %mul3A_0 = arith.muli %arg1, %mul3A : i32
    %add3A = arith.addi %mul3A_0, %arg0 : i32
    %mul3A_1 = arith.constant 64 : i32
    %mul3A_2 = arith.muli %add3A, %mul3A_1 : i32
    "tpu.region"() ({
      %run_scoped3A = tpu.sem_alloc : memref<!tpu.dma_semaphore, #tpu.memory_space<semaphore_mem>>
      %dma_start3A_13 = tpu.memref_slice %arg3[%mul3A_2] : memref<2048xi32, #tpu.memory_space<hbm>> -> memref<64xi32, #tpu.memory_space<hbm>>
      %dma_start3A_14 = tpu.memref_slice %arg3[%mul3A_2] : memref<2048xi32, #tpu.memory_space<hbm>> -> memref<64xi32, #tpu.memory_space<hbm>>
      tpu.enqueue_dma source(%dma_start3A_14 : memref<64xi32, #tpu.memory_space<hbm>>) target(%arg7 : memref<64xi32, #tpu.memory_space<vmem>>) target_semaphore(%run_scoped3A : memref<!tpu.dma_semaphore, #tpu.memory_space<semaphore_mem>>)
      %dma_wait3A_15 = tpu.memref_slice %arg3[%mul3A_2] : memref<2048xi32, #tpu.memory_space<hbm>> -> memref<64xi32, #tpu.memory_space<hbm>>
      %dma_wait3A_16 = tpu.memref_slice %arg3[%mul3A_2] : memref<2048xi32, #tpu.memory_space<hbm>> -> memref<64xi32, #tpu.memory_space<hbm>>
      tpu.wait_dma2 semaphore(%run_scoped3A : memref<!tpu.dma_semaphore, #tpu.memory_space<semaphore_mem>>) src(%dma_wait3A_16 : memref<64xi32, #tpu.memory_space<hbm>>) dst(%arg7 : memref<64xi32, #tpu.memory_space<vmem>>)
      tpu.yield
    }) : () -> ()
    %dma_start3A = arith.constant 0 : i32
    %dma_start3A_3 = arith.constant 0 : i32
    %dma_start3A_4 = tpu.memref_slice %arg2[%dma_start3A, %dma_start3A_3] : memref<3328x768xf32, #tpu.memory_space<hbm>> -> memref<3328x768xf32, #tpu.memory_space<hbm>>
    tpu.enqueue_indirect_dma source(%dma_start3A_4 : memref<3328x768xf32, #tpu.memory_space<hbm>>) target(%arg8 : memref<64x768xf32, #tpu.memory_space<vmem>>) offsets(%arg7 : memref<64xi32, #tpu.memory_space<vmem>>) semaphore(%arg9 : memref<!tpu.dma_semaphore, #tpu.memory_space<semaphore_mem>>)
    %dma_wait3A = arith.constant 0 : i32
    %dma_wait3A_5 = arith.constant 0 : i32
    %dma_wait3A_6 = tpu.memref_slice %arg2[%dma_wait3A, %dma_wait3A_5] : memref<3328x768xf32, #tpu.memory_space<hbm>> -> memref<3328x768xf32, #tpu.memory_space<hbm>>
    tpu.wait_indirect_dma semaphore(%arg9 : memref<!tpu.dma_semaphore, #tpu.memory_space<semaphore_mem>>) src(%dma_wait3A_6 : memref<3328x768xf32, #tpu.memory_space<hbm>>) dst(%arg8 : memref<64x768xf32, #tpu.memory_space<vmem>>)
    "tpu.region"() ({
      %run_scoped3A = tpu.sem_alloc : memref<!tpu.dma_semaphore, #tpu.memory_space<semaphore_mem>>
      %dma_start3A_13 = arith.constant 0 : i32
      %dma_start3A_14 = tpu.memref_slice %arg5[%mul3A_2, %dma_start3A_13] : memref<2048x768xf32, #tpu.memory_space<hbm>> -> memref<64x768xf32, #tpu.memory_space<hbm>>
      %dma_start3A_15 = arith.constant 0 : i32
      %dma_start3A_16 = tpu.memref_slice %arg5[%mul3A_2, %dma_start3A_15] : memref<2048x768xf32, #tpu.memory_space<hbm>> -> memref<64x768xf32, #tpu.memory_space<hbm>>
      tpu.enqueue_dma source(%arg8 : memref<64x768xf32, #tpu.memory_space<vmem>>) target(%dma_start3A_16 : memref<64x768xf32, #tpu.memory_space<hbm>>) target_semaphore(%run_scoped3A : memref<!tpu.dma_semaphore, #tpu.memory_space<semaphore_mem>>)
      %dma_wait3A_17 = arith.constant 0 : i32
      %dma_wait3A_18 = tpu.memref_slice %arg5[%mul3A_2, %dma_wait3A_17] : memref<2048x768xf32, #tpu.memory_space<hbm>> -> memref<64x768xf32, #tpu.memory_space<hbm>>
      %dma_wait3A_19 = arith.constant 0 : i32
      %dma_wait3A_20 = tpu.memref_slice %arg5[%mul3A_2, %dma_wait3A_19] : memref<2048x768xf32, #tpu.memory_space<hbm>> -> memref<64x768xf32, #tpu.memory_space<hbm>>
      tpu.wait_dma2 semaphore(%run_scoped3A : memref<!tpu.dma_semaphore, #tpu.memory_space<semaphore_mem>>) src(%arg8 : memref<64x768xf32, #tpu.memory_space<vmem>>) dst(%dma_wait3A_20 : memref<64x768xf32, #tpu.memory_space<hbm>>)
      tpu.yield
    }) : () -> ()
    "tpu.region"() ({
      %run_scoped3A = tpu.sem_alloc : memref<!tpu.dma_semaphore, #tpu.memory_space<semaphore_mem>>
      %dma_start3A_13 = tpu.memref_slice %arg4[%mul3A_2] : memref<2048xi32, #tpu.memory_space<hbm>> -> memref<64xi32, #tpu.memory_space<hbm>>
      %dma_start3A_14 = tpu.memref_slice %arg4[%mul3A_2] : memref<2048xi32, #tpu.memory_space<hbm>> -> memref<64xi32, #tpu.memory_space<hbm>>
      tpu.enqueue_dma source(%dma_start3A_14 : memref<64xi32, #tpu.memory_space<hbm>>) target(%arg7 : memref<64xi32, #tpu.memory_space<vmem>>) target_semaphore(%run_scoped3A : memref<!tpu.dma_semaphore, #tpu.memory_space<semaphore_mem>>)
      %dma_wait3A_15 = tpu.memref_slice %arg4[%mul3A_2] : memref<2048xi32, #tpu.memory_space<hbm>> -> memref<64xi32, #tpu.memory_space<hbm>>
      %dma_wait3A_16 = tpu.memref_slice %arg4[%mul3A_2] : memref<2048xi32, #tpu.memory_space<hbm>> -> memref<64xi32, #tpu.memory_space<hbm>>
      tpu.wait_dma2 semaphore(%run_scoped3A : memref<!tpu.dma_semaphore, #tpu.memory_space<semaphore_mem>>) src(%dma_wait3A_16 : memref<64xi32, #tpu.memory_space<hbm>>) dst(%arg7 : memref<64xi32, #tpu.memory_space<vmem>>)
      tpu.yield
    }) : () -> ()
    %dma_start3A_7 = arith.constant 0 : i32
    %dma_start3A_8 = arith.constant 0 : i32
    %dma_start3A_9 = tpu.memref_slice %arg2[%dma_start3A_7, %dma_start3A_8] : memref<3328x768xf32, #tpu.memory_space<hbm>> -> memref<3328x768xf32, #tpu.memory_space<hbm>>
    tpu.enqueue_indirect_dma source(%dma_start3A_9 : memref<3328x768xf32, #tpu.memory_space<hbm>>) target(%arg8 : memref<64x768xf32, #tpu.memory_space<vmem>>) offsets(%arg7 : memref<64xi32, #tpu.memory_space<vmem>>) semaphore(%arg9 : memref<!tpu.dma_semaphore, #tpu.memory_space<semaphore_mem>>)
    %dma_wait3A_10 = arith.constant 0 : i32
    %dma_wait3A_11 = arith.constant 0 : i32
    %dma_wait3A_12 = tpu.memref_slice %arg2[%dma_wait3A_10, %dma_wait3A_11] : memref<3328x768xf32, #tpu.memory_space<hbm>> -> memref<3328x768xf32, #tpu.memory_space<hbm>>
    tpu.wait_indirect_dma semaphore(%arg9 : memref<!tpu.dma_semaphore, #tpu.memory_space<semaphore_mem>>) src(%dma_wait3A_12 : memref<3328x768xf32, #tpu.memory_space<hbm>>) dst(%arg8 : memref<64x768xf32, #tpu.memory_space<vmem>>)
    "tpu.region"() ({
      %run_scoped3A = tpu.sem_alloc : memref<!tpu.dma_semaphore, #tpu.memory_space<semaphore_mem>>
      %dma_start3A_13 = arith.constant 0 : i32
      %dma_start3A_14 = tpu.memref_slice %arg6[%mul3A_2, %dma_start3A_13] : memref<2048x768xf32, #tpu.memory_space<hbm>> -> memref<64x768xf32, #tpu.memory_space<hbm>>
      %dma_start3A_15 = arith.constant 0 : i32
      %dma_start3A_16 = tpu.memref_slice %arg6[%mul3A_2, %dma_start3A_15] : memref<2048x768xf32, #tpu.memory_space<hbm>> -> memref<64x768xf32, #tpu.memory_space<hbm>>
      tpu.enqueue_dma source(%arg8 : memref<64x768xf32, #tpu.memory_space<vmem>>) target(%dma_start3A_16 : memref<64x768xf32, #tpu.memory_space<hbm>>) target_semaphore(%run_scoped3A : memref<!tpu.dma_semaphore, #tpu.memory_space<semaphore_mem>>)
      %dma_wait3A_17 = arith.constant 0 : i32
      %dma_wait3A_18 = tpu.memref_slice %arg6[%mul3A_2, %dma_wait3A_17] : memref<2048x768xf32, #tpu.memory_space<hbm>> -> memref<64x768xf32, #tpu.memory_space<hbm>>
      %dma_wait3A_19 = arith.constant 0 : i32
      %dma_wait3A_20 = tpu.memref_slice %arg6[%mul3A_2, %dma_wait3A_19] : memref<2048x768xf32, #tpu.memory_space<hbm>> -> memref<64x768xf32, #tpu.memory_space<hbm>>
      tpu.wait_dma2 semaphore(%run_scoped3A : memref<!tpu.dma_semaphore, #tpu.memory_space<semaphore_mem>>) src(%arg8 : memref<64x768xf32, #tpu.memory_space<vmem>>) dst(%dma_wait3A_20 : memref<64x768xf32, #tpu.memory_space<hbm>>)
      tpu.yield
    }) : () -> ()
    return
  }
}

#map = affine_map<(d0, d1) -> (0, 0)>
#map1 = affine_map<(d0, d1) -> (0)>
module attributes {stable_mosaic.version = 14 : i64} {
  func.func @dispatch(%arg0: i32, %arg1: i32, %arg2: memref<2048x768xf32, #tpu.memory_space<hbm>>, %arg3: memref<2048xi32, #tpu.memory_space<hbm>>, %arg4: memref<2048xi32, #tpu.memory_space<hbm>>, %arg5: memref<3336x768xf32, #tpu.memory_space<hbm>>, %arg6: memref<64x768xf32, #tpu.memory_space<vmem>>, %arg7: memref<64xi32, #tpu.memory_space<vmem>>, %arg8: memref<64xi32, #tpu.memory_space<vmem>>, %arg9: memref<!tpu.dma_semaphore, #tpu.memory_space<semaphore_mem>>) attributes {dimension_semantics = [#tpu.dimension_semantics<core_parallel>, #tpu.dimension_semantics<subcore_parallel>], iteration_bounds = array<i64: 2, 16>, scalar_prefetch = 0 : i64, scratch_operands = 4 : i64, tpu.core_type = #tpu.core_type<sc_vector_subcore>, window_params = [{transform_indices = #map}, {transform_indices = #map1}, {transform_indices = #map1}, {transform_indices = #map}]} {
    %mul3A = arith.constant 2 : i32
    %mul3A_0 = arith.muli %arg1, %mul3A : i32
    %add3A = arith.addi %mul3A_0, %arg0 : i32
    %mul3A_1 = arith.constant 64 : i32
    %mul3A_2 = arith.muli %add3A, %mul3A_1 : i32
    "tpu.region"() ({
      %run_scoped3A = tpu.sem_alloc : memref<!tpu.dma_semaphore, #tpu.memory_space<semaphore_mem>>
      %dma_start3A_13 = arith.constant 0 : i32
      %dma_start3A_14 = tpu.memref_slice %arg2[%mul3A_2, %dma_start3A_13] : memref<2048x768xf32, #tpu.memory_space<hbm>> -> memref<64x768xf32, #tpu.memory_space<hbm>>
      %dma_start3A_15 = arith.constant 0 : i32
      %dma_start3A_16 = tpu.memref_slice %arg2[%mul3A_2, %dma_start3A_15] : memref<2048x768xf32, #tpu.memory_space<hbm>> -> memref<64x768xf32, #tpu.memory_space<hbm>>
      tpu.enqueue_dma source(%dma_start3A_16 : memref<64x768xf32, #tpu.memory_space<hbm>>) target(%arg6 : memref<64x768xf32, #tpu.memory_space<vmem>>) target_semaphore(%run_scoped3A : memref<!tpu.dma_semaphore, #tpu.memory_space<semaphore_mem>>)
      %dma_wait3A_17 = arith.constant 0 : i32
      %dma_wait3A_18 = tpu.memref_slice %arg2[%mul3A_2, %dma_wait3A_17] : memref<2048x768xf32, #tpu.memory_space<hbm>> -> memref<64x768xf32, #tpu.memory_space<hbm>>
      %dma_wait3A_19 = arith.constant 0 : i32
      %dma_wait3A_20 = tpu.memref_slice %arg2[%mul3A_2, %dma_wait3A_19] : memref<2048x768xf32, #tpu.memory_space<hbm>> -> memref<64x768xf32, #tpu.memory_space<hbm>>
      tpu.wait_dma2 semaphore(%run_scoped3A : memref<!tpu.dma_semaphore, #tpu.memory_space<semaphore_mem>>) src(%dma_wait3A_20 : memref<64x768xf32, #tpu.memory_space<hbm>>) dst(%arg6 : memref<64x768xf32, #tpu.memory_space<vmem>>)
      tpu.yield
    }) : () -> ()
    "tpu.region"() ({
      %run_scoped3A = tpu.sem_alloc : memref<!tpu.dma_semaphore, #tpu.memory_space<semaphore_mem>>
      %dma_start3A_13 = tpu.memref_slice %arg3[%mul3A_2] : memref<2048xi32, #tpu.memory_space<hbm>> -> memref<64xi32, #tpu.memory_space<hbm>>
      %dma_start3A_14 = tpu.memref_slice %arg3[%mul3A_2] : memref<2048xi32, #tpu.memory_space<hbm>> -> memref<64xi32, #tpu.memory_space<hbm>>
      tpu.enqueue_dma source(%dma_start3A_14 : memref<64xi32, #tpu.memory_space<hbm>>) target(%arg7 : memref<64xi32, #tpu.memory_space<vmem>>) target_semaphore(%run_scoped3A : memref<!tpu.dma_semaphore, #tpu.memory_space<semaphore_mem>>)
      %dma_wait3A_15 = tpu.memref_slice %arg3[%mul3A_2] : memref<2048xi32, #tpu.memory_space<hbm>> -> memref<64xi32, #tpu.memory_space<hbm>>
      %dma_wait3A_16 = tpu.memref_slice %arg3[%mul3A_2] : memref<2048xi32, #tpu.memory_space<hbm>> -> memref<64xi32, #tpu.memory_space<hbm>>
      tpu.wait_dma2 semaphore(%run_scoped3A : memref<!tpu.dma_semaphore, #tpu.memory_space<semaphore_mem>>) src(%dma_wait3A_16 : memref<64xi32, #tpu.memory_space<hbm>>) dst(%arg7 : memref<64xi32, #tpu.memory_space<vmem>>)
      tpu.yield
    }) : () -> ()
    "tpu.region"() ({
      %run_scoped3A = tpu.sem_alloc : memref<!tpu.dma_semaphore, #tpu.memory_space<semaphore_mem>>
      %dma_start3A_13 = tpu.memref_slice %arg4[%mul3A_2] : memref<2048xi32, #tpu.memory_space<hbm>> -> memref<64xi32, #tpu.memory_space<hbm>>
      %dma_start3A_14 = tpu.memref_slice %arg4[%mul3A_2] : memref<2048xi32, #tpu.memory_space<hbm>> -> memref<64xi32, #tpu.memory_space<hbm>>
      tpu.enqueue_dma source(%dma_start3A_14 : memref<64xi32, #tpu.memory_space<hbm>>) target(%arg8 : memref<64xi32, #tpu.memory_space<vmem>>) target_semaphore(%run_scoped3A : memref<!tpu.dma_semaphore, #tpu.memory_space<semaphore_mem>>)
      %dma_wait3A_15 = tpu.memref_slice %arg4[%mul3A_2] : memref<2048xi32, #tpu.memory_space<hbm>> -> memref<64xi32, #tpu.memory_space<hbm>>
      %dma_wait3A_16 = tpu.memref_slice %arg4[%mul3A_2] : memref<2048xi32, #tpu.memory_space<hbm>> -> memref<64xi32, #tpu.memory_space<hbm>>
      tpu.wait_dma2 semaphore(%run_scoped3A : memref<!tpu.dma_semaphore, #tpu.memory_space<semaphore_mem>>) src(%dma_wait3A_16 : memref<64xi32, #tpu.memory_space<hbm>>) dst(%arg8 : memref<64xi32, #tpu.memory_space<vmem>>)
      tpu.yield
    }) : () -> ()
    %dma_start3A = arith.constant 0 : i32
    %dma_start3A_3 = arith.constant 0 : i32
    %dma_start3A_4 = tpu.memref_slice %arg5[%dma_start3A, %dma_start3A_3] : memref<3336x768xf32, #tpu.memory_space<hbm>> -> memref<3336x768xf32, #tpu.memory_space<hbm>>
    tpu.enqueue_indirect_dma source(%arg6 : memref<64x768xf32, #tpu.memory_space<vmem>>) target(%dma_start3A_4 : memref<3336x768xf32, #tpu.memory_space<hbm>>) offsets(%arg7 : memref<64xi32, #tpu.memory_space<vmem>>) semaphore(%arg9 : memref<!tpu.dma_semaphore, #tpu.memory_space<semaphore_mem>>)
    %dma_wait3A = arith.constant 0 : i32
    %dma_wait3A_5 = arith.constant 0 : i32
    %dma_wait3A_6 = tpu.memref_slice %arg5[%dma_wait3A, %dma_wait3A_5] : memref<3336x768xf32, #tpu.memory_space<hbm>> -> memref<3336x768xf32, #tpu.memory_space<hbm>>
    tpu.wait_indirect_dma semaphore(%arg9 : memref<!tpu.dma_semaphore, #tpu.memory_space<semaphore_mem>>) src(%arg6 : memref<64x768xf32, #tpu.memory_space<vmem>>) dst(%dma_wait3A_6 : memref<3336x768xf32, #tpu.memory_space<hbm>>)
    %dma_start3A_7 = arith.constant 0 : i32
    %dma_start3A_8 = arith.constant 0 : i32
    %dma_start3A_9 = tpu.memref_slice %arg5[%dma_start3A_7, %dma_start3A_8] : memref<3336x768xf32, #tpu.memory_space<hbm>> -> memref<3336x768xf32, #tpu.memory_space<hbm>>
    tpu.enqueue_indirect_dma source(%arg6 : memref<64x768xf32, #tpu.memory_space<vmem>>) target(%dma_start3A_9 : memref<3336x768xf32, #tpu.memory_space<hbm>>) offsets(%arg8 : memref<64xi32, #tpu.memory_space<vmem>>) semaphore(%arg9 : memref<!tpu.dma_semaphore, #tpu.memory_space<semaphore_mem>>)
    %dma_wait3A_10 = arith.constant 0 : i32
    %dma_wait3A_11 = arith.constant 0 : i32
    %dma_wait3A_12 = tpu.memref_slice %arg5[%dma_wait3A_10, %dma_wait3A_11] : memref<3336x768xf32, #tpu.memory_space<hbm>> -> memref<3336x768xf32, #tpu.memory_space<hbm>>
    tpu.wait_indirect_dma semaphore(%arg9 : memref<!tpu.dma_semaphore, #tpu.memory_space<semaphore_mem>>) src(%arg6 : memref<64x768xf32, #tpu.memory_space<vmem>>) dst(%dma_wait3A_12 : memref<3336x768xf32, #tpu.memory_space<hbm>>)
    return
  }
}

#map = affine_map<(d0, d1) -> (0, 0)>
#map1 = affine_map<(d0, d1) -> (0)>
module attributes {stable_mosaic.version = 14 : i64} {
  func.func @dispatch(%arg0: i32, %arg1: i32, %arg2: memref<2048x768xf32, #tpu.memory_space<hbm>>, %arg3: memref<2048xi32, #tpu.memory_space<hbm>>, %arg4: memref<2048xi32, #tpu.memory_space<hbm>>, %arg5: memref<3336x768xf32, #tpu.memory_space<hbm>>, %arg6: memref<64x768xf32, #tpu.memory_space<vmem>>, %arg7: memref<64xi32, #tpu.memory_space<vmem>>, %arg8: memref<64xi32, #tpu.memory_space<vmem>>, %arg9: memref<!tpu.dma_semaphore, #tpu.memory_space<semaphore_mem>>) attributes {dimension_semantics = [#tpu.dimension_semantics<core_parallel>, #tpu.dimension_semantics<subcore_parallel>], iteration_bounds = array<i64: 2, 16>, scalar_prefetch = 0 : i64, scratch_operands = 4 : i64, tpu.core_type = #tpu.core_type<sc_vector_subcore>, window_params = [{transform_indices = #map}, {transform_indices = #map1}, {transform_indices = #map1}, {transform_indices = #map}]} {
    %mul3A = arith.constant 2 : i32
    %mul3A_0 = arith.muli %arg1, %mul3A : i32
    %add3A = arith.addi %mul3A_0, %arg0 : i32
    %mul3A_1 = arith.constant 64 : i32
    %mul3A_2 = arith.muli %add3A, %mul3A_1 : i32
    "tpu.region"() ({
      %run_scoped3A = tpu.sem_alloc : memref<!tpu.dma_semaphore, #tpu.memory_space<semaphore_mem>>
      %dma_start3A_13 = arith.constant 0 : i32
      %dma_start3A_14 = tpu.memref_slice %arg2[%mul3A_2, %dma_start3A_13] : memref<2048x768xf32, #tpu.memory_space<hbm>> -> memref<64x768xf32, #tpu.memory_space<hbm>>
      %dma_start3A_15 = arith.constant 0 : i32
      %dma_start3A_16 = tpu.memref_slice %arg2[%mul3A_2, %dma_start3A_15] : memref<2048x768xf32, #tpu.memory_space<hbm>> -> memref<64x768xf32, #tpu.memory_space<hbm>>
      tpu.enqueue_dma source(%dma_start3A_16 : memref<64x768xf32, #tpu.memory_space<hbm>>) target(%arg6 : memref<64x768xf32, #tpu.memory_space<vmem>>) target_semaphore(%run_scoped3A : memref<!tpu.dma_semaphore, #tpu.memory_space<semaphore_mem>>)
      %dma_wait3A_17 = arith.constant 0 : i32
      %dma_wait3A_18 = tpu.memref_slice %arg2[%mul3A_2, %dma_wait3A_17] : memref<2048x768xf32, #tpu.memory_space<hbm>> -> memref<64x768xf32, #tpu.memory_space<hbm>>
      %dma_wait3A_19 = arith.constant 0 : i32
      %dma_wait3A_20 = tpu.memref_slice %arg2[%mul3A_2, %dma_wait3A_19] : memref<2048x768xf32, #tpu.memory_space<hbm>> -> memref<64x768xf32, #tpu.memory_space<hbm>>
      tpu.wait_dma2 semaphore(%run_scoped3A : memref<!tpu.dma_semaphore, #tpu.memory_space<semaphore_mem>>) src(%dma_wait3A_20 : memref<64x768xf32, #tpu.memory_space<hbm>>) dst(%arg6 : memref<64x768xf32, #tpu.memory_space<vmem>>)
      tpu.yield
    }) : () -> ()
    "tpu.region"() ({
      %run_scoped3A = tpu.sem_alloc : memref<!tpu.dma_semaphore, #tpu.memory_space<semaphore_mem>>
      %dma_start3A_13 = tpu.memref_slice %arg3[%mul3A_2] : memref<2048xi32, #tpu.memory_space<hbm>> -> memref<64xi32, #tpu.memory_space<hbm>>
      %dma_start3A_14 = tpu.memref_slice %arg3[%mul3A_2] : memref<2048xi32, #tpu.memory_space<hbm>> -> memref<64xi32, #tpu.memory_space<hbm>>
      tpu.enqueue_dma source(%dma_start3A_14 : memref<64xi32, #tpu.memory_space<hbm>>) target(%arg7 : memref<64xi32, #tpu.memory_space<vmem>>) target_semaphore(%run_scoped3A : memref<!tpu.dma_semaphore, #tpu.memory_space<semaphore_mem>>)
      %dma_wait3A_15 = tpu.memref_slice %arg3[%mul3A_2] : memref<2048xi32, #tpu.memory_space<hbm>> -> memref<64xi32, #tpu.memory_space<hbm>>
      %dma_wait3A_16 = tpu.memref_slice %arg3[%mul3A_2] : memref<2048xi32, #tpu.memory_space<hbm>> -> memref<64xi32, #tpu.memory_space<hbm>>
      tpu.wait_dma2 semaphore(%run_scoped3A : memref<!tpu.dma_semaphore, #tpu.memory_space<semaphore_mem>>) src(%dma_wait3A_16 : memref<64xi32, #tpu.memory_space<hbm>>) dst(%arg7 : memref<64xi32, #tpu.memory_space<vmem>>)
      tpu.yield
    }) : () -> ()
    "tpu.region"() ({
      %run_scoped3A = tpu.sem_alloc : memref<!tpu.dma_semaphore, #tpu.memory_space<semaphore_mem>>
      %dma_start3A_13 = tpu.memref_slice %arg4[%mul3A_2] : memref<2048xi32, #tpu.memory_space<hbm>> -> memref<64xi32, #tpu.memory_space<hbm>>
      %dma_start3A_14 = tpu.memref_slice %arg4[%mul3A_2] : memref<2048xi32, #tpu.memory_space<hbm>> -> memref<64xi32, #tpu.memory_space<hbm>>
      tpu.enqueue_dma source(%dma_start3A_14 : memref<64xi32, #tpu.memory_space<hbm>>) target(%arg8 : memref<64xi32, #tpu.memory_space<vmem>>) target_semaphore(%run_scoped3A : memref<!tpu.dma_semaphore, #tpu.memory_space<semaphore_mem>>)
      %dma_wait3A_15 = tpu.memref_slice %arg4[%mul3A_2] : memref<2048xi32, #tpu.memory_space<hbm>> -> memref<64xi32, #tpu.memory_space<hbm>>
      %dma_wait3A_16 = tpu.memref_slice %arg4[%mul3A_2] : memref<2048xi32, #tpu.memory_space<hbm>> -> memref<64xi32, #tpu.memory_space<hbm>>
      tpu.wait_dma2 semaphore(%run_scoped3A : memref<!tpu.dma_semaphore, #tpu.memory_space<semaphore_mem>>) src(%dma_wait3A_16 : memref<64xi32, #tpu.memory_space<hbm>>) dst(%arg8 : memref<64xi32, #tpu.memory_space<vmem>>)
      tpu.yield
    }) : () -> ()
    %dma_start3A = arith.constant 0 : i32
    %dma_start3A_3 = arith.constant 0 : i32
    %dma_start3A_4 = tpu.memref_slice %arg5[%dma_start3A, %dma_start3A_3] : memref<3336x768xf32, #tpu.memory_space<hbm>> -> memref<3336x768xf32, #tpu.memory_space<hbm>>
    tpu.enqueue_indirect_dma source(%arg6 : memref<64x768xf32, #tpu.memory_space<vmem>>) target(%dma_start3A_4 : memref<3336x768xf32, #tpu.memory_space<hbm>>) offsets(%arg7 : memref<64xi32, #tpu.memory_space<vmem>>) semaphore(%arg9 : memref<!tpu.dma_semaphore, #tpu.memory_space<semaphore_mem>>)
    %dma_wait3A = arith.constant 0 : i32
    %dma_wait3A_5 = arith.constant 0 : i32
    %dma_wait3A_6 = tpu.memref_slice %arg5[%dma_wait3A, %dma_wait3A_5] : memref<3336x768xf32, #tpu.memory_space<hbm>> -> memref<3336x768xf32, #tpu.memory_space<hbm>>
    tpu.wait_indirect_dma semaphore(%arg9 : memref<!tpu.dma_semaphore, #tpu.memory_space<semaphore_mem>>) src(%arg6 : memref<64x768xf32, #tpu.memory_space<vmem>>) dst(%dma_wait3A_6 : memref<3336x768xf32, #tpu.memory_space<hbm>>)
    %dma_start3A_7 = arith.constant 0 : i32
    %dma_start3A_8 = arith.constant 0 : i32
    %dma_start3A_9 = tpu.memref_slice %arg5[%dma_start3A_7, %dma_start3A_8] : memref<3336x768xf32, #tpu.memory_space<hbm>> -> memref<3336x768xf32, #tpu.memory_space<hbm>>
    tpu.enqueue_indirect_dma source(%arg6 : memref<64x768xf32, #tpu.memory_space<vmem>>) target(%dma_start3A_9 : memref<3336x768xf32, #tpu.memory_space<hbm>>) offsets(%arg8 : memref<64xi32, #tpu.memory_space<vmem>>) semaphore(%arg9 : memref<!tpu.dma_semaphore, #tpu.memory_space<semaphore_mem>>)
    %dma_wait3A_10 = arith.constant 0 : i32
    %dma_wait3A_11 = arith.constant 0 : i32
    %dma_wait3A_12 = tpu.memref_slice %arg5[%dma_wait3A_10, %dma_wait3A_11] : memref<3336x768xf32, #tpu.memory_space<hbm>> -> memref<3336x768xf32, #tpu.memory_space<hbm>>
    tpu.wait_indirect_dma semaphore(%arg9 : memref<!tpu.dma_semaphore, #tpu.memory_space<semaphore_mem>>) src(%arg6 : memref<64x768xf32, #tpu.memory_space<vmem>>) dst(%dma_wait3A_12 : memref<3336x768xf32, #tpu.memory_space<hbm>>)
    return
  }
}

#map = affine_map<(d0, d1) -> (0, 0)>
#map1 = affine_map<(d0, d1) -> (0)>
module attributes {stable_mosaic.version = 14 : i64} {
  func.func @dispatch(%arg0: i32, %arg1: i32, %arg2: memref<2048x768xf32, #tpu.memory_space<hbm>>, %arg3: memref<2048xi32, #tpu.memory_space<hbm>>, %arg4: memref<2048xi32, #tpu.memory_space<hbm>>, %arg5: memref<3336x768xf32, #tpu.memory_space<hbm>>, %arg6: memref<64x768xf32, #tpu.memory_space<vmem>>, %arg7: memref<64xi32, #tpu.memory_space<vmem>>, %arg8: memref<64xi32, #tpu.memory_space<vmem>>, %arg9: memref<!tpu.dma_semaphore, #tpu.memory_space<semaphore_mem>>) attributes {dimension_semantics = [#tpu.dimension_semantics<core_parallel>, #tpu.dimension_semantics<subcore_parallel>], iteration_bounds = array<i64: 2, 16>, scalar_prefetch = 0 : i64, scratch_operands = 4 : i64, tpu.core_type = #tpu.core_type<sc_vector_subcore>, window_params = [{transform_indices = #map}, {transform_indices = #map1}, {transform_indices = #map1}, {transform_indices = #map}]} {
    %mul3A = arith.constant 2 : i32
    %mul3A_0 = arith.muli %arg1, %mul3A : i32
    %add3A = arith.addi %mul3A_0, %arg0 : i32
    %mul3A_1 = arith.constant 64 : i32
    %mul3A_2 = arith.muli %add3A, %mul3A_1 : i32
    "tpu.region"() ({
      %run_scoped3A = tpu.sem_alloc : memref<!tpu.dma_semaphore, #tpu.memory_space<semaphore_mem>>
      %dma_start3A_13 = arith.constant 0 : i32
      %dma_start3A_14 = tpu.memref_slice %arg2[%mul3A_2, %dma_start3A_13] : memref<2048x768xf32, #tpu.memory_space<hbm>> -> memref<64x768xf32, #tpu.memory_space<hbm>>
      %dma_start3A_15 = arith.constant 0 : i32
      %dma_start3A_16 = tpu.memref_slice %arg2[%mul3A_2, %dma_start3A_15] : memref<2048x768xf32, #tpu.memory_space<hbm>> -> memref<64x768xf32, #tpu.memory_space<hbm>>
      tpu.enqueue_dma source(%dma_start3A_16 : memref<64x768xf32, #tpu.memory_space<hbm>>) target(%arg6 : memref<64x768xf32, #tpu.memory_space<vmem>>) target_semaphore(%run_scoped3A : memref<!tpu.dma_semaphore, #tpu.memory_space<semaphore_mem>>)
      %dma_wait3A_17 = arith.constant 0 : i32
      %dma_wait3A_18 = tpu.memref_slice %arg2[%mul3A_2, %dma_wait3A_17] : memref<2048x768xf32, #tpu.memory_space<hbm>> -> memref<64x768xf32, #tpu.memory_space<hbm>>
      %dma_wait3A_19 = arith.constant 0 : i32
      %dma_wait3A_20 = tpu.memref_slice %arg2[%mul3A_2, %dma_wait3A_19] : memref<2048x768xf32, #tpu.memory_space<hbm>> -> memref<64x768xf32, #tpu.memory_space<hbm>>
      tpu.wait_dma2 semaphore(%run_scoped3A : memref<!tpu.dma_semaphore, #tpu.memory_space<semaphore_mem>>) src(%dma_wait3A_20 : memref<64x768xf32, #tpu.memory_space<hbm>>) dst(%arg6 : memref<64x768xf32, #tpu.memory_space<vmem>>)
      tpu.yield
    }) : () -> ()
    "tpu.region"() ({
      %run_scoped3A = tpu.sem_alloc : memref<!tpu.dma_semaphore, #tpu.memory_space<semaphore_mem>>
      %dma_start3A_13 = tpu.memref_slice %arg3[%mul3A_2] : memref<2048xi32, #tpu.memory_space<hbm>> -> memref<64xi32, #tpu.memory_space<hbm>>
      %dma_start3A_14 = tpu.memref_slice %arg3[%mul3A_2] : memref<2048xi32, #tpu.memory_space<hbm>> -> memref<64xi32, #tpu.memory_space<hbm>>
      tpu.enqueue_dma source(%dma_start3A_14 : memref<64xi32, #tpu.memory_space<hbm>>) target(%arg7 : memref<64xi32, #tpu.memory_space<vmem>>) target_semaphore(%run_scoped3A : memref<!tpu.dma_semaphore, #tpu.memory_space<semaphore_mem>>)
      %dma_wait3A_15 = tpu.memref_slice %arg3[%mul3A_2] : memref<2048xi32, #tpu.memory_space<hbm>> -> memref<64xi32, #tpu.memory_space<hbm>>
      %dma_wait3A_16 = tpu.memref_slice %arg3[%mul3A_2] : memref<2048xi32, #tpu.memory_space<hbm>> -> memref<64xi32, #tpu.memory_space<hbm>>
      tpu.wait_dma2 semaphore(%run_scoped3A : memref<!tpu.dma_semaphore, #tpu.memory_space<semaphore_mem>>) src(%dma_wait3A_16 : memref<64xi32, #tpu.memory_space<hbm>>) dst(%arg7 : memref<64xi32, #tpu.memory_space<vmem>>)
      tpu.yield
    }) : () -> ()
    "tpu.region"() ({
      %run_scoped3A = tpu.sem_alloc : memref<!tpu.dma_semaphore, #tpu.memory_space<semaphore_mem>>
      %dma_start3A_13 = tpu.memref_slice %arg4[%mul3A_2] : memref<2048xi32, #tpu.memory_space<hbm>> -> memref<64xi32, #tpu.memory_space<hbm>>
      %dma_start3A_14 = tpu.memref_slice %arg4[%mul3A_2] : memref<2048xi32, #tpu.memory_space<hbm>> -> memref<64xi32, #tpu.memory_space<hbm>>
      tpu.enqueue_dma source(%dma_start3A_14 : memref<64xi32, #tpu.memory_space<hbm>>) target(%arg8 : memref<64xi32, #tpu.memory_space<vmem>>) target_semaphore(%run_scoped3A : memref<!tpu.dma_semaphore, #tpu.memory_space<semaphore_mem>>)
      %dma_wait3A_15 = tpu.memref_slice %arg4[%mul3A_2] : memref<2048xi32, #tpu.memory_space<hbm>> -> memref<64xi32, #tpu.memory_space<hbm>>
      %dma_wait3A_16 = tpu.memref_slice %arg4[%mul3A_2] : memref<2048xi32, #tpu.memory_space<hbm>> -> memref<64xi32, #tpu.memory_space<hbm>>
      tpu.wait_dma2 semaphore(%run_scoped3A : memref<!tpu.dma_semaphore, #tpu.memory_space<semaphore_mem>>) src(%dma_wait3A_16 : memref<64xi32, #tpu.memory_space<hbm>>) dst(%arg8 : memref<64xi32, #tpu.memory_space<vmem>>)
      tpu.yield
    }) : () -> ()
    %dma_start3A = arith.constant 0 : i32
    %dma_start3A_3 = arith.constant 0 : i32
    %dma_start3A_4 = tpu.memref_slice %arg5[%dma_start3A, %dma_start3A_3] : memref<3336x768xf32, #tpu.memory_space<hbm>> -> memref<3336x768xf32, #tpu.memory_space<hbm>>
    tpu.enqueue_indirect_dma source(%arg6 : memref<64x768xf32, #tpu.memory_space<vmem>>) target(%dma_start3A_4 : memref<3336x768xf32, #tpu.memory_space<hbm>>) offsets(%arg7 : memref<64xi32, #tpu.memory_space<vmem>>) semaphore(%arg9 : memref<!tpu.dma_semaphore, #tpu.memory_space<semaphore_mem>>)
    %dma_wait3A = arith.constant 0 : i32
    %dma_wait3A_5 = arith.constant 0 : i32
    %dma_wait3A_6 = tpu.memref_slice %arg5[%dma_wait3A, %dma_wait3A_5] : memref<3336x768xf32, #tpu.memory_space<hbm>> -> memref<3336x768xf32, #tpu.memory_space<hbm>>
    tpu.wait_indirect_dma semaphore(%arg9 : memref<!tpu.dma_semaphore, #tpu.memory_space<semaphore_mem>>) src(%arg6 : memref<64x768xf32, #tpu.memory_space<vmem>>) dst(%dma_wait3A_6 : memref<3336x768xf32, #tpu.memory_space<hbm>>)
    %dma_start3A_7 = arith.constant 0 : i32
    %dma_start3A_8 = arith.constant 0 : i32
    %dma_start3A_9 = tpu.memref_slice %arg5[%dma_start3A_7, %dma_start3A_8] : memref<3336x768xf32, #tpu.memory_space<hbm>> -> memref<3336x768xf32, #tpu.memory_space<hbm>>
    tpu.enqueue_indirect_dma source(%arg6 : memref<64x768xf32, #tpu.memory_space<vmem>>) target(%dma_start3A_9 : memref<3336x768xf32, #tpu.memory_space<hbm>>) offsets(%arg8 : memref<64xi32, #tpu.memory_space<vmem>>) semaphore(%arg9 : memref<!tpu.dma_semaphore, #tpu.memory_space<semaphore_mem>>)
    %dma_wait3A_10 = arith.constant 0 : i32
    %dma_wait3A_11 = arith.constant 0 : i32
    %dma_wait3A_12 = tpu.memref_slice %arg5[%dma_wait3A_10, %dma_wait3A_11] : memref<3336x768xf32, #tpu.memory_space<hbm>> -> memref<3336x768xf32, #tpu.memory_space<hbm>>
    tpu.wait_indirect_dma semaphore(%arg9 : memref<!tpu.dma_semaphore, #tpu.memory_space<semaphore_mem>>) src(%arg6 : memref<64x768xf32, #tpu.memory_space<vmem>>) dst(%dma_wait3A_12 : memref<3336x768xf32, #tpu.memory_space<hbm>>)
    return
  }
}

#map = affine_map<(d0, d1) -> (0, 0)>
#map1 = affine_map<(d0, d1) -> (0)>
module attributes {stable_mosaic.version = 14 : i64} {
  func.func @combine(%arg0: i32, %arg1: i32, %arg2: memref<3328x768xf32, #tpu.memory_space<hbm>>, %arg3: memref<2048xi32, #tpu.memory_space<hbm>>, %arg4: memref<2048xi32, #tpu.memory_space<hbm>>, %arg5: memref<2048x768xf32, #tpu.memory_space<hbm>>, %arg6: memref<2048x768xf32, #tpu.memory_space<hbm>>, %arg7: memref<64xi32, #tpu.memory_space<vmem>>, %arg8: memref<64x768xf32, #tpu.memory_space<vmem>>, %arg9: memref<!tpu.dma_semaphore, #tpu.memory_space<semaphore_mem>>) attributes {dimension_semantics = [#tpu.dimension_semantics<core_parallel>, #tpu.dimension_semantics<subcore_parallel>], iteration_bounds = array<i64: 2, 16>, scalar_prefetch = 0 : i64, scratch_operands = 3 : i64, tpu.core_type = #tpu.core_type<sc_vector_subcore>, window_params = [{transform_indices = #map}, {transform_indices = #map1}, {transform_indices = #map1}, {transform_indices = #map}, {transform_indices = #map}]} {
    %mul3A = arith.constant 2 : i32
    %mul3A_0 = arith.muli %arg1, %mul3A : i32
    %add3A = arith.addi %mul3A_0, %arg0 : i32
    %mul3A_1 = arith.constant 64 : i32
    %mul3A_2 = arith.muli %add3A, %mul3A_1 : i32
    "tpu.region"() ({
      %run_scoped3A = tpu.sem_alloc : memref<!tpu.dma_semaphore, #tpu.memory_space<semaphore_mem>>
      %dma_start3A_13 = tpu.memref_slice %arg3[%mul3A_2] : memref<2048xi32, #tpu.memory_space<hbm>> -> memref<64xi32, #tpu.memory_space<hbm>>
      %dma_start3A_14 = tpu.memref_slice %arg3[%mul3A_2] : memref<2048xi32, #tpu.memory_space<hbm>> -> memref<64xi32, #tpu.memory_space<hbm>>
      tpu.enqueue_dma source(%dma_start3A_14 : memref<64xi32, #tpu.memory_space<hbm>>) target(%arg7 : memref<64xi32, #tpu.memory_space<vmem>>) target_semaphore(%run_scoped3A : memref<!tpu.dma_semaphore, #tpu.memory_space<semaphore_mem>>)
      %dma_wait3A_15 = tpu.memref_slice %arg3[%mul3A_2] : memref<2048xi32, #tpu.memory_space<hbm>> -> memref<64xi32, #tpu.memory_space<hbm>>
      %dma_wait3A_16 = tpu.memref_slice %arg3[%mul3A_2] : memref<2048xi32, #tpu.memory_space<hbm>> -> memref<64xi32, #tpu.memory_space<hbm>>
      tpu.wait_dma2 semaphore(%run_scoped3A : memref<!tpu.dma_semaphore, #tpu.memory_space<semaphore_mem>>) src(%dma_wait3A_16 : memref<64xi32, #tpu.memory_space<hbm>>) dst(%arg7 : memref<64xi32, #tpu.memory_space<vmem>>)
      tpu.yield
    }) : () -> ()
    %dma_start3A = arith.constant 0 : i32
    %dma_start3A_3 = arith.constant 0 : i32
    %dma_start3A_4 = tpu.memref_slice %arg2[%dma_start3A, %dma_start3A_3] : memref<3328x768xf32, #tpu.memory_space<hbm>> -> memref<3328x768xf32, #tpu.memory_space<hbm>>
    tpu.enqueue_indirect_dma source(%dma_start3A_4 : memref<3328x768xf32, #tpu.memory_space<hbm>>) target(%arg8 : memref<64x768xf32, #tpu.memory_space<vmem>>) offsets(%arg7 : memref<64xi32, #tpu.memory_space<vmem>>) semaphore(%arg9 : memref<!tpu.dma_semaphore, #tpu.memory_space<semaphore_mem>>)
    %dma_wait3A = arith.constant 0 : i32
    %dma_wait3A_5 = arith.constant 0 : i32
    %dma_wait3A_6 = tpu.memref_slice %arg2[%dma_wait3A, %dma_wait3A_5] : memref<3328x768xf32, #tpu.memory_space<hbm>> -> memref<3328x768xf32, #tpu.memory_space<hbm>>
    tpu.wait_indirect_dma semaphore(%arg9 : memref<!tpu.dma_semaphore, #tpu.memory_space<semaphore_mem>>) src(%dma_wait3A_6 : memref<3328x768xf32, #tpu.memory_space<hbm>>) dst(%arg8 : memref<64x768xf32, #tpu.memory_space<vmem>>)
    "tpu.region"() ({
      %run_scoped3A = tpu.sem_alloc : memref<!tpu.dma_semaphore, #tpu.memory_space<semaphore_mem>>
      %dma_start3A_13 = arith.constant 0 : i32
      %dma_start3A_14 = tpu.memref_slice %arg5[%mul3A_2, %dma_start3A_13] : memref<2048x768xf32, #tpu.memory_space<hbm>> -> memref<64x768xf32, #tpu.memory_space<hbm>>
      %dma_start3A_15 = arith.constant 0 : i32
      %dma_start3A_16 = tpu.memref_slice %arg5[%mul3A_2, %dma_start3A_15] : memref<2048x768xf32, #tpu.memory_space<hbm>> -> memref<64x768xf32, #tpu.memory_space<hbm>>
      tpu.enqueue_dma source(%arg8 : memref<64x768xf32, #tpu.memory_space<vmem>>) target(%dma_start3A_16 : memref<64x768xf32, #tpu.memory_space<hbm>>) target_semaphore(%run_scoped3A : memref<!tpu.dma_semaphore, #tpu.memory_space<semaphore_mem>>)
      %dma_wait3A_17 = arith.constant 0 : i32
      %dma_wait3A_18 = tpu.memref_slice %arg5[%mul3A_2, %dma_wait3A_17] : memref<2048x768xf32, #tpu.memory_space<hbm>> -> memref<64x768xf32, #tpu.memory_space<hbm>>
      %dma_wait3A_19 = arith.constant 0 : i32
      %dma_wait3A_20 = tpu.memref_slice %arg5[%mul3A_2, %dma_wait3A_19] : memref<2048x768xf32, #tpu.memory_space<hbm>> -> memref<64x768xf32, #tpu.memory_space<hbm>>
      tpu.wait_dma2 semaphore(%run_scoped3A : memref<!tpu.dma_semaphore, #tpu.memory_space<semaphore_mem>>) src(%arg8 : memref<64x768xf32, #tpu.memory_space<vmem>>) dst(%dma_wait3A_20 : memref<64x768xf32, #tpu.memory_space<hbm>>)
      tpu.yield
    }) : () -> ()
    "tpu.region"() ({
      %run_scoped3A = tpu.sem_alloc : memref<!tpu.dma_semaphore, #tpu.memory_space<semaphore_mem>>
      %dma_start3A_13 = tpu.memref_slice %arg4[%mul3A_2] : memref<2048xi32, #tpu.memory_space<hbm>> -> memref<64xi32, #tpu.memory_space<hbm>>
      %dma_start3A_14 = tpu.memref_slice %arg4[%mul3A_2] : memref<2048xi32, #tpu.memory_space<hbm>> -> memref<64xi32, #tpu.memory_space<hbm>>
      tpu.enqueue_dma source(%dma_start3A_14 : memref<64xi32, #tpu.memory_space<hbm>>) target(%arg7 : memref<64xi32, #tpu.memory_space<vmem>>) target_semaphore(%run_scoped3A : memref<!tpu.dma_semaphore, #tpu.memory_space<semaphore_mem>>)
      %dma_wait3A_15 = tpu.memref_slice %arg4[%mul3A_2] : memref<2048xi32, #tpu.memory_space<hbm>> -> memref<64xi32, #tpu.memory_space<hbm>>
      %dma_wait3A_16 = tpu.memref_slice %arg4[%mul3A_2] : memref<2048xi32, #tpu.memory_space<hbm>> -> memref<64xi32, #tpu.memory_space<hbm>>
      tpu.wait_dma2 semaphore(%run_scoped3A : memref<!tpu.dma_semaphore, #tpu.memory_space<semaphore_mem>>) src(%dma_wait3A_16 : memref<64xi32, #tpu.memory_space<hbm>>) dst(%arg7 : memref<64xi32, #tpu.memory_space<vmem>>)
      tpu.yield
    }) : () -> ()
    %dma_start3A_7 = arith.constant 0 : i32
    %dma_start3A_8 = arith.constant 0 : i32
    %dma_start3A_9 = tpu.memref_slice %arg2[%dma_start3A_7, %dma_start3A_8] : memref<3328x768xf32, #tpu.memory_space<hbm>> -> memref<3328x768xf32, #tpu.memory_space<hbm>>
    tpu.enqueue_indirect_dma source(%dma_start3A_9 : memref<3328x768xf32, #tpu.memory_space<hbm>>) target(%arg8 : memref<64x768xf32, #tpu.memory_space<vmem>>) offsets(%arg7 : memref<64xi32, #tpu.memory_space<vmem>>) semaphore(%arg9 : memref<!tpu.dma_semaphore, #tpu.memory_space<semaphore_mem>>)
    %dma_wait3A_10 = arith.constant 0 : i32
    %dma_wait3A_11 = arith.constant 0 : i32
    %dma_wait3A_12 = tpu.memref_slice %arg2[%dma_wait3A_10, %dma_wait3A_11] : memref<3328x768xf32, #tpu.memory_space<hbm>> -> memref<3328x768xf32, #tpu.memory_space<hbm>>
    tpu.wait_indirect_dma semaphore(%arg9 : memref<!tpu.dma_semaphore, #tpu.memory_space<semaphore_mem>>) src(%dma_wait3A_12 : memref<3328x768xf32, #tpu.memory_space<hbm>>) dst(%arg8 : memref<64x768xf32, #tpu.memory_space<vmem>>)
    "tpu.region"() ({
      %run_scoped3A = tpu.sem_alloc : memref<!tpu.dma_semaphore, #tpu.memory_space<semaphore_mem>>
      %dma_start3A_13 = arith.constant 0 : i32
      %dma_start3A_14 = tpu.memref_slice %arg6[%mul3A_2, %dma_start3A_13] : memref<2048x768xf32, #tpu.memory_space<hbm>> -> memref<64x768xf32, #tpu.memory_space<hbm>>
      %dma_start3A_15 = arith.constant 0 : i32
      %dma_start3A_16 = tpu.memref_slice %arg6[%mul3A_2, %dma_start3A_15] : memref<2048x768xf32, #tpu.memory_space<hbm>> -> memref<64x768xf32, #tpu.memory_space<hbm>>
      tpu.enqueue_dma source(%arg8 : memref<64x768xf32, #tpu.memory_space<vmem>>) target(%dma_start3A_16 : memref<64x768xf32, #tpu.memory_space<hbm>>) target_semaphore(%run_scoped3A : memref<!tpu.dma_semaphore, #tpu.memory_space<semaphore_mem>>)
      %dma_wait3A_17 = arith.constant 0 : i32
      %dma_wait3A_18 = tpu.memref_slice %arg6[%mul3A_2, %dma_wait3A_17] : memref<2048x768xf32, #tpu.memory_space<hbm>> -> memref<64x768xf32, #tpu.memory_space<hbm>>
      %dma_wait3A_19 = arith.constant 0 : i32
      %dma_wait3A_20 = tpu.memref_slice %arg6[%mul3A_2, %dma_wait3A_19] : memref<2048x768xf32, #tpu.memory_space<hbm>> -> memref<64x768xf32, #tpu.memory_space<hbm>>
      tpu.wait_dma2 semaphore(%run_scoped3A : memref<!tpu.dma_semaphore, #tpu.memory_space<semaphore_mem>>) src(%arg8 : memref<64x768xf32, #tpu.memory_space<vmem>>) dst(%dma_wait3A_20 : memref<64x768xf32, #tpu.memory_space<hbm>>)
      tpu.yield
    }) : () -> ()
    return
  }
}

#map = affine_map<(d0, d1) -> (0, 0)>
#map1 = affine_map<(d0, d1) -> (0)>
module attributes {stable_mosaic.version = 14 : i64} {
  func.func @dispatch(%arg0: i32, %arg1: i32, %arg2: memref<2048x768xf32, #tpu.memory_space<hbm>>, %arg3: memref<2048xi32, #tpu.memory_space<hbm>>, %arg4: memref<2048xi32, #tpu.memory_space<hbm>>, %arg5: memref<3336x768xf32, #tpu.memory_space<hbm>>, %arg6: memref<64x768xf32, #tpu.memory_space<vmem>>, %arg7: memref<64xi32, #tpu.memory_space<vmem>>, %arg8: memref<64xi32, #tpu.memory_space<vmem>>, %arg9: memref<!tpu.dma_semaphore, #tpu.memory_space<semaphore_mem>>) attributes {dimension_semantics = [#tpu.dimension_semantics<core_parallel>, #tpu.dimension_semantics<subcore_parallel>], iteration_bounds = array<i64: 2, 16>, scalar_prefetch = 0 : i64, scratch_operands = 4 : i64, tpu.core_type = #tpu.core_type<sc_vector_subcore>, window_params = [{transform_indices = #map}, {transform_indices = #map1}, {transform_indices = #map1}, {transform_indices = #map}]} {
    %mul3A = arith.constant 2 : i32
    %mul3A_0 = arith.muli %arg1, %mul3A : i32
    %add3A = arith.addi %mul3A_0, %arg0 : i32
    %mul3A_1 = arith.constant 64 : i32
    %mul3A_2 = arith.muli %add3A, %mul3A_1 : i32
    "tpu.region"() ({
      %run_scoped3A = tpu.sem_alloc : memref<!tpu.dma_semaphore, #tpu.memory_space<semaphore_mem>>
      %dma_start3A_13 = arith.constant 0 : i32
      %dma_start3A_14 = tpu.memref_slice %arg2[%mul3A_2, %dma_start3A_13] : memref<2048x768xf32, #tpu.memory_space<hbm>> -> memref<64x768xf32, #tpu.memory_space<hbm>>
      %dma_start3A_15 = arith.constant 0 : i32
      %dma_start3A_16 = tpu.memref_slice %arg2[%mul3A_2, %dma_start3A_15] : memref<2048x768xf32, #tpu.memory_space<hbm>> -> memref<64x768xf32, #tpu.memory_space<hbm>>
      tpu.enqueue_dma source(%dma_start3A_16 : memref<64x768xf32, #tpu.memory_space<hbm>>) target(%arg6 : memref<64x768xf32, #tpu.memory_space<vmem>>) target_semaphore(%run_scoped3A : memref<!tpu.dma_semaphore, #tpu.memory_space<semaphore_mem>>)
      %dma_wait3A_17 = arith.constant 0 : i32
      %dma_wait3A_18 = tpu.memref_slice %arg2[%mul3A_2, %dma_wait3A_17] : memref<2048x768xf32, #tpu.memory_space<hbm>> -> memref<64x768xf32, #tpu.memory_space<hbm>>
      %dma_wait3A_19 = arith.constant 0 : i32
      %dma_wait3A_20 = tpu.memref_slice %arg2[%mul3A_2, %dma_wait3A_19] : memref<2048x768xf32, #tpu.memory_space<hbm>> -> memref<64x768xf32, #tpu.memory_space<hbm>>
      tpu.wait_dma2 semaphore(%run_scoped3A : memref<!tpu.dma_semaphore, #tpu.memory_space<semaphore_mem>>) src(%dma_wait3A_20 : memref<64x768xf32, #tpu.memory_space<hbm>>) dst(%arg6 : memref<64x768xf32, #tpu.memory_space<vmem>>)
      tpu.yield
    }) : () -> ()
    "tpu.region"() ({
      %run_scoped3A = tpu.sem_alloc : memref<!tpu.dma_semaphore, #tpu.memory_space<semaphore_mem>>
      %dma_start3A_13 = tpu.memref_slice %arg3[%mul3A_2] : memref<2048xi32, #tpu.memory_space<hbm>> -> memref<64xi32, #tpu.memory_space<hbm>>
      %dma_start3A_14 = tpu.memref_slice %arg3[%mul3A_2] : memref<2048xi32, #tpu.memory_space<hbm>> -> memref<64xi32, #tpu.memory_space<hbm>>
      tpu.enqueue_dma source(%dma_start3A_14 : memref<64xi32, #tpu.memory_space<hbm>>) target(%arg7 : memref<64xi32, #tpu.memory_space<vmem>>) target_semaphore(%run_scoped3A : memref<!tpu.dma_semaphore, #tpu.memory_space<semaphore_mem>>)
      %dma_wait3A_15 = tpu.memref_slice %arg3[%mul3A_2] : memref<2048xi32, #tpu.memory_space<hbm>> -> memref<64xi32, #tpu.memory_space<hbm>>
      %dma_wait3A_16 = tpu.memref_slice %arg3[%mul3A_2] : memref<2048xi32, #tpu.memory_space<hbm>> -> memref<64xi32, #tpu.memory_space<hbm>>
      tpu.wait_dma2 semaphore(%run_scoped3A : memref<!tpu.dma_semaphore, #tpu.memory_space<semaphore_mem>>) src(%dma_wait3A_16 : memref<64xi32, #tpu.memory_space<hbm>>) dst(%arg7 : memref<64xi32, #tpu.memory_space<vmem>>)
      tpu.yield
    }) : () -> ()
    "tpu.region"() ({
      %run_scoped3A = tpu.sem_alloc : memref<!tpu.dma_semaphore, #tpu.memory_space<semaphore_mem>>
      %dma_start3A_13 = tpu.memref_slice %arg4[%mul3A_2] : memref<2048xi32, #tpu.memory_space<hbm>> -> memref<64xi32, #tpu.memory_space<hbm>>
      %dma_start3A_14 = tpu.memref_slice %arg4[%mul3A_2] : memref<2048xi32, #tpu.memory_space<hbm>> -> memref<64xi32, #tpu.memory_space<hbm>>
      tpu.enqueue_dma source(%dma_start3A_14 : memref<64xi32, #tpu.memory_space<hbm>>) target(%arg8 : memref<64xi32, #tpu.memory_space<vmem>>) target_semaphore(%run_scoped3A : memref<!tpu.dma_semaphore, #tpu.memory_space<semaphore_mem>>)
      %dma_wait3A_15 = tpu.memref_slice %arg4[%mul3A_2] : memref<2048xi32, #tpu.memory_space<hbm>> -> memref<64xi32, #tpu.memory_space<hbm>>
      %dma_wait3A_16 = tpu.memref_slice %arg4[%mul3A_2] : memref<2048xi32, #tpu.memory_space<hbm>> -> memref<64xi32, #tpu.memory_space<hbm>>
      tpu.wait_dma2 semaphore(%run_scoped3A : memref<!tpu.dma_semaphore, #tpu.memory_space<semaphore_mem>>) src(%dma_wait3A_16 : memref<64xi32, #tpu.memory_space<hbm>>) dst(%arg8 : memref<64xi32, #tpu.memory_space<vmem>>)
      tpu.yield
    }) : () -> ()
    %dma_start3A = arith.constant 0 : i32
    %dma_start3A_3 = arith.constant 0 : i32
    %dma_start3A_4 = tpu.memref_slice %arg5[%dma_start3A, %dma_start3A_3] : memref<3336x768xf32, #tpu.memory_space<hbm>> -> memref<3336x768xf32, #tpu.memory_space<hbm>>
    tpu.enqueue_indirect_dma source(%arg6 : memref<64x768xf32, #tpu.memory_space<vmem>>) target(%dma_start3A_4 : memref<3336x768xf32, #tpu.memory_space<hbm>>) offsets(%arg7 : memref<64xi32, #tpu.memory_space<vmem>>) semaphore(%arg9 : memref<!tpu.dma_semaphore, #tpu.memory_space<semaphore_mem>>)
    %dma_wait3A = arith.constant 0 : i32
    %dma_wait3A_5 = arith.constant 0 : i32
    %dma_wait3A_6 = tpu.memref_slice %arg5[%dma_wait3A, %dma_wait3A_5] : memref<3336x768xf32, #tpu.memory_space<hbm>> -> memref<3336x768xf32, #tpu.memory_space<hbm>>
    tpu.wait_indirect_dma semaphore(%arg9 : memref<!tpu.dma_semaphore, #tpu.memory_space<semaphore_mem>>) src(%arg6 : memref<64x768xf32, #tpu.memory_space<vmem>>) dst(%dma_wait3A_6 : memref<3336x768xf32, #tpu.memory_space<hbm>>)
    %dma_start3A_7 = arith.constant 0 : i32
    %dma_start3A_8 = arith.constant 0 : i32
    %dma_start3A_9 = tpu.memref_slice %arg5[%dma_start3A_7, %dma_start3A_8] : memref<3336x768xf32, #tpu.memory_space<hbm>> -> memref<3336x768xf32, #tpu.memory_space<hbm>>
    tpu.enqueue_indirect_dma source(%arg6 : memref<64x768xf32, #tpu.memory_space<vmem>>) target(%dma_start3A_9 : memref<3336x768xf32, #tpu.memory_space<hbm>>) offsets(%arg8 : memref<64xi32, #tpu.memory_space<vmem>>) semaphore(%arg9 : memref<!tpu.dma_semaphore, #tpu.memory_space<semaphore_mem>>)
    %dma_wait3A_10 = arith.constant 0 : i32
    %dma_wait3A_11 = arith.constant 0 : i32
    %dma_wait3A_12 = tpu.memref_slice %arg5[%dma_wait3A_10, %dma_wait3A_11] : memref<3336x768xf32, #tpu.memory_space<hbm>> -> memref<3336x768xf32, #tpu.memory_space<hbm>>
    tpu.wait_indirect_dma semaphore(%arg9 : memref<!tpu.dma_semaphore, #tpu.memory_space<semaphore_mem>>) src(%arg6 : memref<64x768xf32, #tpu.memory_space<vmem>>) dst(%dma_wait3A_12 : memref<3336x768xf32, #tpu.memory_space<hbm>>)
    return
  }
}

#map = affine_map<(d0, d1) -> (0, 0)>
#map1 = affine_map<(d0, d1) -> (0)>
module attributes {stable_mosaic.version = 14 : i64} {
  func.func @combine(%arg0: i32, %arg1: i32, %arg2: memref<3328x768xf32, #tpu.memory_space<hbm>>, %arg3: memref<2048xi32, #tpu.memory_space<hbm>>, %arg4: memref<2048xi32, #tpu.memory_space<hbm>>, %arg5: memref<2048x768xf32, #tpu.memory_space<hbm>>, %arg6: memref<2048x768xf32, #tpu.memory_space<hbm>>, %arg7: memref<64xi32, #tpu.memory_space<vmem>>, %arg8: memref<64x768xf32, #tpu.memory_space<vmem>>, %arg9: memref<!tpu.dma_semaphore, #tpu.memory_space<semaphore_mem>>) attributes {dimension_semantics = [#tpu.dimension_semantics<core_parallel>, #tpu.dimension_semantics<subcore_parallel>], iteration_bounds = array<i64: 2, 16>, scalar_prefetch = 0 : i64, scratch_operands = 3 : i64, tpu.core_type = #tpu.core_type<sc_vector_subcore>, window_params = [{transform_indices = #map}, {transform_indices = #map1}, {transform_indices = #map1}, {transform_indices = #map}, {transform_indices = #map}]} {
    %mul3A = arith.constant 2 : i32
    %mul3A_0 = arith.muli %arg1, %mul3A : i32
    %add3A = arith.addi %mul3A_0, %arg0 : i32
    %mul3A_1 = arith.constant 64 : i32
    %mul3A_2 = arith.muli %add3A, %mul3A_1 : i32
    "tpu.region"() ({
      %run_scoped3A = tpu.sem_alloc : memref<!tpu.dma_semaphore, #tpu.memory_space<semaphore_mem>>
      %dma_start3A_13 = tpu.memref_slice %arg3[%mul3A_2] : memref<2048xi32, #tpu.memory_space<hbm>> -> memref<64xi32, #tpu.memory_space<hbm>>
      %dma_start3A_14 = tpu.memref_slice %arg3[%mul3A_2] : memref<2048xi32, #tpu.memory_space<hbm>> -> memref<64xi32, #tpu.memory_space<hbm>>
      tpu.enqueue_dma source(%dma_start3A_14 : memref<64xi32, #tpu.memory_space<hbm>>) target(%arg7 : memref<64xi32, #tpu.memory_space<vmem>>) target_semaphore(%run_scoped3A : memref<!tpu.dma_semaphore, #tpu.memory_space<semaphore_mem>>)
      %dma_wait3A_15 = tpu.memref_slice %arg3[%mul3A_2] : memref<2048xi32, #tpu.memory_space<hbm>> -> memref<64xi32, #tpu.memory_space<hbm>>
      %dma_wait3A_16 = tpu.memref_slice %arg3[%mul3A_2] : memref<2048xi32, #tpu.memory_space<hbm>> -> memref<64xi32, #tpu.memory_space<hbm>>
      tpu.wait_dma2 semaphore(%run_scoped3A : memref<!tpu.dma_semaphore, #tpu.memory_space<semaphore_mem>>) src(%dma_wait3A_16 : memref<64xi32, #tpu.memory_space<hbm>>) dst(%arg7 : memref<64xi32, #tpu.memory_space<vmem>>)
      tpu.yield
    }) : () -> ()
    %dma_start3A = arith.constant 0 : i32
    %dma_start3A_3 = arith.constant 0 : i32
    %dma_start3A_4 = tpu.memref_slice %arg2[%dma_start3A, %dma_start3A_3] : memref<3328x768xf32, #tpu.memory_space<hbm>> -> memref<3328x768xf32, #tpu.memory_space<hbm>>
    tpu.enqueue_indirect_dma source(%dma_start3A_4 : memref<3328x768xf32, #tpu.memory_space<hbm>>) target(%arg8 : memref<64x768xf32, #tpu.memory_space<vmem>>) offsets(%arg7 : memref<64xi32, #tpu.memory_space<vmem>>) semaphore(%arg9 : memref<!tpu.dma_semaphore, #tpu.memory_space<semaphore_mem>>)
    %dma_wait3A = arith.constant 0 : i32
    %dma_wait3A_5 = arith.constant 0 : i32
    %dma_wait3A_6 = tpu.memref_slice %arg2[%dma_wait3A, %dma_wait3A_5] : memref<3328x768xf32, #tpu.memory_space<hbm>> -> memref<3328x768xf32, #tpu.memory_space<hbm>>
    tpu.wait_indirect_dma semaphore(%arg9 : memref<!tpu.dma_semaphore, #tpu.memory_space<semaphore_mem>>) src(%dma_wait3A_6 : memref<3328x768xf32, #tpu.memory_space<hbm>>) dst(%arg8 : memref<64x768xf32, #tpu.memory_space<vmem>>)
    "tpu.region"() ({
      %run_scoped3A = tpu.sem_alloc : memref<!tpu.dma_semaphore, #tpu.memory_space<semaphore_mem>>
      %dma_start3A_13 = arith.constant 0 : i32
      %dma_start3A_14 = tpu.memref_slice %arg5[%mul3A_2, %dma_start3A_13] : memref<2048x768xf32, #tpu.memory_space<hbm>> -> memref<64x768xf32, #tpu.memory_space<hbm>>
      %dma_start3A_15 = arith.constant 0 : i32
      %dma_start3A_16 = tpu.memref_slice %arg5[%mul3A_2, %dma_start3A_15] : memref<2048x768xf32, #tpu.memory_space<hbm>> -> memref<64x768xf32, #tpu.memory_space<hbm>>
      tpu.enqueue_dma source(%arg8 : memref<64x768xf32, #tpu.memory_space<vmem>>) target(%dma_start3A_16 : memref<64x768xf32, #tpu.memory_space<hbm>>) target_semaphore(%run_scoped3A : memref<!tpu.dma_semaphore, #tpu.memory_space<semaphore_mem>>)
      %dma_wait3A_17 = arith.constant 0 : i32
      %dma_wait3A_18 = tpu.memref_slice %arg5[%mul3A_2, %dma_wait3A_17] : memref<2048x768xf32, #tpu.memory_space<hbm>> -> memref<64x768xf32, #tpu.memory_space<hbm>>
      %dma_wait3A_19 = arith.constant 0 : i32
      %dma_wait3A_20 = tpu.memref_slice %arg5[%mul3A_2, %dma_wait3A_19] : memref<2048x768xf32, #tpu.memory_space<hbm>> -> memref<64x768xf32, #tpu.memory_space<hbm>>
      tpu.wait_dma2 semaphore(%run_scoped3A : memref<!tpu.dma_semaphore, #tpu.memory_space<semaphore_mem>>) src(%arg8 : memref<64x768xf32, #tpu.memory_space<vmem>>) dst(%dma_wait3A_20 : memref<64x768xf32, #tpu.memory_space<hbm>>)
      tpu.yield
    }) : () -> ()
    "tpu.region"() ({
      %run_scoped3A = tpu.sem_alloc : memref<!tpu.dma_semaphore, #tpu.memory_space<semaphore_mem>>
      %dma_start3A_13 = tpu.memref_slice %arg4[%mul3A_2] : memref<2048xi32, #tpu.memory_space<hbm>> -> memref<64xi32, #tpu.memory_space<hbm>>
      %dma_start3A_14 = tpu.memref_slice %arg4[%mul3A_2] : memref<2048xi32, #tpu.memory_space<hbm>> -> memref<64xi32, #tpu.memory_space<hbm>>
      tpu.enqueue_dma source(%dma_start3A_14 : memref<64xi32, #tpu.memory_space<hbm>>) target(%arg7 : memref<64xi32, #tpu.memory_space<vmem>>) target_semaphore(%run_scoped3A : memref<!tpu.dma_semaphore, #tpu.memory_space<semaphore_mem>>)
      %dma_wait3A_15 = tpu.memref_slice %arg4[%mul3A_2] : memref<2048xi32, #tpu.memory_space<hbm>> -> memref<64xi32, #tpu.memory_space<hbm>>
      %dma_wait3A_16 = tpu.memref_slice %arg4[%mul3A_2] : memref<2048xi32, #tpu.memory_space<hbm>> -> memref<64xi32, #tpu.memory_space<hbm>>
      tpu.wait_dma2 semaphore(%run_scoped3A : memref<!tpu.dma_semaphore, #tpu.memory_space<semaphore_mem>>) src(%dma_wait3A_16 : memref<64xi32, #tpu.memory_space<hbm>>) dst(%arg7 : memref<64xi32, #tpu.memory_space<vmem>>)
      tpu.yield
    }) : () -> ()
    %dma_start3A_7 = arith.constant 0 : i32
    %dma_start3A_8 = arith.constant 0 : i32
    %dma_start3A_9 = tpu.memref_slice %arg2[%dma_start3A_7, %dma_start3A_8] : memref<3328x768xf32, #tpu.memory_space<hbm>> -> memref<3328x768xf32, #tpu.memory_space<hbm>>
    tpu.enqueue_indirect_dma source(%dma_start3A_9 : memref<3328x768xf32, #tpu.memory_space<hbm>>) target(%arg8 : memref<64x768xf32, #tpu.memory_space<vmem>>) offsets(%arg7 : memref<64xi32, #tpu.memory_space<vmem>>) semaphore(%arg9 : memref<!tpu.dma_semaphore, #tpu.memory_space<semaphore_mem>>)
    %dma_wait3A_10 = arith.constant 0 : i32
    %dma_wait3A_11 = arith.constant 0 : i32
    %dma_wait3A_12 = tpu.memref_slice %arg2[%dma_wait3A_10, %dma_wait3A_11] : memref<3328x768xf32, #tpu.memory_space<hbm>> -> memref<3328x768xf32, #tpu.memory_space<hbm>>
    tpu.wait_indirect_dma semaphore(%arg9 : memref<!tpu.dma_semaphore, #tpu.memory_space<semaphore_mem>>) src(%dma_wait3A_12 : memref<3328x768xf32, #tpu.memory_space<hbm>>) dst(%arg8 : memref<64x768xf32, #tpu.memory_space<vmem>>)
    "tpu.region"() ({
      %run_scoped3A = tpu.sem_alloc : memref<!tpu.dma_semaphore, #tpu.memory_space<semaphore_mem>>
      %dma_start3A_13 = arith.constant 0 : i32
      %dma_start3A_14 = tpu.memref_slice %arg6[%mul3A_2, %dma_start3A_13] : memref<2048x768xf32, #tpu.memory_space<hbm>> -> memref<64x768xf32, #tpu.memory_space<hbm>>
      %dma_start3A_15 = arith.constant 0 : i32
      %dma_start3A_16 = tpu.memref_slice %arg6[%mul3A_2, %dma_start3A_15] : memref<2048x768xf32, #tpu.memory_space<hbm>> -> memref<64x768xf32, #tpu.memory_space<hbm>>
      tpu.enqueue_dma source(%arg8 : memref<64x768xf32, #tpu.memory_space<vmem>>) target(%dma_start3A_16 : memref<64x768xf32, #tpu.memory_space<hbm>>) target_semaphore(%run_scoped3A : memref<!tpu.dma_semaphore, #tpu.memory_space<semaphore_mem>>)
      %dma_wait3A_17 = arith.constant 0 : i32
      %dma_wait3A_18 = tpu.memref_slice %arg6[%mul3A_2, %dma_wait3A_17] : memref<2048x768xf32, #tpu.memory_space<hbm>> -> memref<64x768xf32, #tpu.memory_space<hbm>>
      %dma_wait3A_19 = arith.constant 0 : i32
      %dma_wait3A_20 = tpu.memref_slice %arg6[%mul3A_2, %dma_wait3A_19] : memref<2048x768xf32, #tpu.memory_space<hbm>> -> memref<64x768xf32, #tpu.memory_space<hbm>>
      tpu.wait_dma2 semaphore(%run_scoped3A : memref<!tpu.dma_semaphore, #tpu.memory_space<semaphore_mem>>) src(%arg8 : memref<64x768xf32, #tpu.memory_space<vmem>>) dst(%dma_wait3A_20 : memref<64x768xf32, #tpu.memory_space<hbm>>)
      tpu.yield
    }) : () -> ()
    return
  }
}

module attributes {stable_mosaic.version = 14 : i64} {
  func.func @_embed_body(%arg0: memref<1568x768xf32, #tpu.memory_space<vmem>>, %arg1: memref<768x768xf32, #tpu.memory_space<vmem>>, %arg2: memref<768xf32, #tpu.memory_space<vmem>>, %arg3: memref<1568x768xf32, #tpu.memory_space<vmem>>) attributes {dimension_semantics = [], scalar_prefetch = 0 : i64, scratch_operands = 0 : i64, tpu.core_type = #tpu.core_type<tc>} {
    %get3A = arith.constant 0 : index
    %get3A_0 = arith.constant 0 : index
    %get3A_1 = vector.load %arg0[%get3A, %get3A_0] : memref<1568x768xf32, #tpu.memory_space<vmem>>, vector<1568x768xf32>
    %get3A_2 = arith.constant 0 : index
    %get3A_3 = arith.constant 0 : index
    %get3A_4 = vector.load %arg1[%get3A_2, %get3A_3] : memref<768x768xf32, #tpu.memory_space<vmem>>, vector<768x768xf32>
    %convert_element_type3A = arith.truncf %get3A_1 : vector<1568x768xf32> to vector<1568x768xbf16>
    %convert_element_type3A_5 = arith.truncf %get3A_4 : vector<768x768xf32> to vector<768x768xbf16>
    %dot_general3A = arith.constant dense<0.000000e+00> : vector<1568x768xf32>
    %dot_general3A_6 = tpu.matmul %convert_element_type3A, %convert_element_type3A_5, %dot_general3A {dimension_numbers = #tpu.dot_dimension_numbers<[1], [0], [0], [1], [0, 0, 1, 1], [], []>, transpose_lhs_hint = false} : vector<1568x768xbf16>, vector<768x768xbf16>, vector<1568x768xf32> -> vector<1568x768xf32>
    %get3A_7 = arith.constant 0 : index
    %get3A_8 = vector.load %arg2[%get3A_7] : memref<768xf32, #tpu.memory_space<vmem>>, vector<768xf32>
    %broadcast_in_dim3A = vector.shape_cast %get3A_8 : vector<768xf32> to vector<1x768xf32>
    %add3A = vector.broadcast %broadcast_in_dim3A : vector<1x768xf32> to vector<1568x768xf32>
    %add3A_9 = arith.addf %dot_general3A_6, %add3A : vector<1568x768xf32>
    %swap3A = arith.constant 0 : index
    %swap3A_10 = arith.constant 0 : index
    %swap3A_11 = vector.load %arg3[%swap3A, %swap3A_10] : memref<1568x768xf32, #tpu.memory_space<vmem>>, vector<1568x768xf32>
    tpu.vector_store %arg3[%swap3A, %swap3A_10], %add3A_9 {strides = array<i32>} : memref<1568x768xf32, #tpu.memory_space<vmem>>, vector<1568x768xf32>,
    return
  }
}

module attributes {stable_mosaic.version = 14 : i64} {
  func.func @_qkv_body(%arg0: memref<1576x768xf32, #tpu.memory_space<vmem>>, %arg1: memref<768x768xf32, #tpu.memory_space<vmem>>, %arg2: memref<768xf32, #tpu.memory_space<vmem>>, %arg3: memref<768x768xf32, #tpu.memory_space<vmem>>, %arg4: memref<768xf32, #tpu.memory_space<vmem>>, %arg5: memref<768x768xf32, #tpu.memory_space<vmem>>, %arg6: memref<768xf32, #tpu.memory_space<vmem>>, %arg7: memref<1576x768xf32, #tpu.memory_space<vmem>>, %arg8: memref<1576x768xf32, #tpu.memory_space<vmem>>, %arg9: memref<1576x768xf32, #tpu.memory_space<vmem>>) attributes {dimension_semantics = [], scalar_prefetch = 0 : i64, scratch_operands = 0 : i64, tpu.core_type = #tpu.core_type<tc>} {
    %get3A = arith.constant 0 : index
    %get3A_0 = arith.constant 0 : index
    %get3A_1 = vector.load %arg0[%get3A, %get3A_0] : memref<1576x768xf32, #tpu.memory_space<vmem>>, vector<1576x768xf32>
    %get3A_2 = arith.constant 0 : index
    %get3A_3 = arith.constant 0 : index
    %get3A_4 = vector.load %arg1[%get3A_2, %get3A_3] : memref<768x768xf32, #tpu.memory_space<vmem>>, vector<768x768xf32>
    %convert_element_type3A = arith.truncf %get3A_1 : vector<1576x768xf32> to vector<1576x768xbf16>
    %convert_element_type3A_5 = arith.truncf %get3A_4 : vector<768x768xf32> to vector<768x768xbf16>
    %dot_general3A = arith.constant dense<0.000000e+00> : vector<1576x768xf32>
    %dot_general3A_6 = tpu.matmul %convert_element_type3A, %convert_element_type3A_5, %dot_general3A {dimension_numbers = #tpu.dot_dimension_numbers<[1], [0], [0], [1], [0, 0, 1, 1], [], []>, transpose_lhs_hint = false} : vector<1576x768xbf16>, vector<768x768xbf16>, vector<1576x768xf32> -> vector<1576x768xf32>
    %get3A_7 = arith.constant 0 : index
    %get3A_8 = vector.load %arg2[%get3A_7] : memref<768xf32, #tpu.memory_space<vmem>>, vector<768xf32>
    %broadcast_in_dim3A = vector.shape_cast %get3A_8 : vector<768xf32> to vector<1x768xf32>
    %add3A = vector.broadcast %broadcast_in_dim3A : vector<1x768xf32> to vector<1576x768xf32>
    %add3A_9 = arith.addf %dot_general3A_6, %add3A : vector<1576x768xf32>
    %swap3A = arith.constant 0 : index
    %swap3A_10 = arith.constant 0 : index
    %swap3A_11 = vector.load %arg7[%swap3A, %swap3A_10] : memref<1576x768xf32, #tpu.memory_space<vmem>>, vector<1576x768xf32>
    tpu.vector_store %arg7[%swap3A, %swap3A_10], %add3A_9 {strides = array<i32>} : memref<1576x768xf32, #tpu.memory_space<vmem>>, vector<1576x768xf32>,
    %get3A_12 = arith.constant 0 : index
    %get3A_13 = arith.constant 0 : index
    %get3A_14 = vector.load %arg3[%get3A_12, %get3A_13] : memref<768x768xf32, #tpu.memory_space<vmem>>, vector<768x768xf32>
    %convert_element_type3A_15 = arith.truncf %get3A_1 : vector<1576x768xf32> to vector<1576x768xbf16>
    %convert_element_type3A_16 = arith.truncf %get3A_14 : vector<768x768xf32> to vector<768x768xbf16>
    %dot_general3A_17 = arith.constant dense<0.000000e+00> : vector<1576x768xf32>
    %dot_general3A_18 = tpu.matmul %convert_element_type3A_15, %convert_element_type3A_16, %dot_general3A_17 {dimension_numbers = #tpu.dot_dimension_numbers<[1], [0], [0], [1], [0, 0, 1, 1], [], []>, transpose_lhs_hint = false} : vector<1576x768xbf16>, vector<768x768xbf16>, vector<1576x768xf32> -> vector<1576x768xf32>
    %get3A_19 = arith.constant 0 : index
    %get3A_20 = vector.load %arg4[%get3A_19] : memref<768xf32, #tpu.memory_space<vmem>>, vector<768xf32>
    %broadcast_in_dim3A_21 = vector.shape_cast %get3A_20 : vector<768xf32> to vector<1x768xf32>
    %add3A_22 = vector.broadcast %broadcast_in_dim3A_21 : vector<1x768xf32> to vector<1576x768xf32>
    %add3A_23 = arith.addf %dot_general3A_18, %add3A_22 : vector<1576x768xf32>
    %swap3A_24 = arith.constant 0 : index
    %swap3A_25 = arith.constant 0 : index
    %swap3A_26 = vector.load %arg8[%swap3A_24, %swap3A_25] : memref<1576x768xf32, #tpu.memory_space<vmem>>, vector<1576x768xf32>
    tpu.vector_store %arg8[%swap3A_24, %swap3A_25], %add3A_23 {strides = array<i32>} : memref<1576x768xf32, #tpu.memory_space<vmem>>, vector<1576x768xf32>,
    %get3A_27 = arith.constant 0 : index
    %get3A_28 = arith.constant 0 : index
    %get3A_29 = vector.load %arg5[%get3A_27, %get3A_28] : memref<768x768xf32, #tpu.memory_space<vmem>>, vector<768x768xf32>
    %convert_element_type3A_30 = arith.truncf %get3A_1 : vector<1576x768xf32> to vector<1576x768xbf16>
    %convert_element_type3A_31 = arith.truncf %get3A_29 : vector<768x768xf32> to vector<768x768xbf16>
    %dot_general3A_32 = arith.constant dense<0.000000e+00> : vector<1576x768xf32>
    %dot_general3A_33 = tpu.matmul %convert_element_type3A_30, %convert_element_type3A_31, %dot_general3A_32 {dimension_numbers = #tpu.dot_dimension_numbers<[1], [0], [0], [1], [0, 0, 1, 1], [], []>, transpose_lhs_hint = false} : vector<1576x768xbf16>, vector<768x768xbf16>, vector<1576x768xf32> -> vector<1576x768xf32>
    %get3A_34 = arith.constant 0 : index
    %get3A_35 = vector.load %arg6[%get3A_34] : memref<768xf32, #tpu.memory_space<vmem>>, vector<768xf32>
    %broadcast_in_dim3A_36 = vector.shape_cast %get3A_35 : vector<768xf32> to vector<1x768xf32>
    %add3A_37 = vector.broadcast %broadcast_in_dim3A_36 : vector<1x768xf32> to vector<1576x768xf32>
    %add3A_38 = arith.addf %dot_general3A_33, %add3A_37 : vector<1576x768xf32>
    %swap3A_39 = arith.constant 0 : index
    %swap3A_40 = arith.constant 0 : index
    %swap3A_41 = vector.load %arg9[%swap3A_39, %swap3A_40] : memref<1576x768xf32, #tpu.memory_space<vmem>>, vector<1576x768xf32>
    tpu.vector_store %arg9[%swap3A_39, %swap3A_40], %add3A_38 {strides = array<i32>} : memref<1576x768xf32, #tpu.memory_space<vmem>>, vector<1576x768xf32>,
    return
  }
}

module attributes {stable_mosaic.version = 14 : i64} {
  func.func @_attn_body(%arg0: i32, %arg1: memref<1x256x768xf32, #tpu.memory_space<vmem>>, %arg2: memref<1x256x768xf32, #tpu.memory_space<vmem>>, %arg3: memref<1x256x768xf32, #tpu.memory_space<vmem>>, %arg4: memref<1x256x768xf32, #tpu.memory_space<vmem>>) attributes {dimension_semantics = [#tpu.dimension_semantics<arbitrary>], iteration_bounds = array<i64: 8>, scalar_prefetch = 0 : i64, scratch_operands = 0 : i64, tpu.core_type = #tpu.core_type<tc>, window_params = [{transform_indices = @transform_0, window_bounds = array<i64: 1, 256, 768>}, {transform_indices = @transform_1, window_bounds = array<i64: 1, 256, 768>}, {transform_indices = @transform_2, window_bounds = array<i64: 1, 256, 768>}, {transform_indices = @transform_3, window_bounds = array<i64: 1, 256, 768>}]} {
    %get3A = arith.constant 0 : index
    %get3A_0 = arith.constant 0 : index
    %get3A_1 = arith.constant 0 : index
    %get3A_2 = vector.load %arg1[%get3A, %get3A_0, %get3A_1] : memref<1x256x768xf32, #tpu.memory_space<vmem>>, vector<1x256x768xf32>
    %get3A_3 = vector.shape_cast %get3A_2 : vector<1x256x768xf32> to vector<256x768xf32>
    %get3A_4 = arith.constant 0 : index
    %get3A_5 = arith.constant 0 : index
    %get3A_6 = arith.constant 0 : index
    %get3A_7 = vector.load %arg2[%get3A_4, %get3A_5, %get3A_6] : memref<1x256x768xf32, #tpu.memory_space<vmem>>, vector<1x256x768xf32>
    %get3A_8 = vector.shape_cast %get3A_7 : vector<1x256x768xf32> to vector<256x768xf32>
    %get3A_9 = arith.constant 0 : index
    %get3A_10 = arith.constant 0 : index
    %get3A_11 = arith.constant 0 : index
    %get3A_12 = vector.load %arg3[%get3A_9, %get3A_10, %get3A_11] : memref<1x256x768xf32, #tpu.memory_space<vmem>>, vector<1x256x768xf32>
    %get3A_13 = vector.shape_cast %get3A_12 : vector<1x256x768xf32> to vector<256x768xf32>
    %iota3A = tpu.iota {dimensions = array<i32: 1>} : vector<1x256xi32>
    %lt3A = arith.constant 197 : i32
    %lt3A_14 = vector.broadcast %lt3A : i32 to vector<1x256xi32>
    %lt3A_15 = arith.cmpi slt, %iota3A, %lt3A_14 : vector<1x256xi32>
    %jit3A = arith.constant 0.000000e+00 : f32
    %jit3A_16 = arith.constant -1.000000e+30 : f32
    %broadcast_in_dim3A = vector.broadcast %jit3A : f32 to vector<1x256xf32>
    %broadcast_in_dim3A_17 = vector.broadcast %jit3A_16 : f32 to vector<1x256xf32>
    %select_n3A = arith.select %lt3A_15, %broadcast_in_dim3A, %broadcast_in_dim3A_17 : vector<1x256xi1>, vector<1x256xf32>
    %slice3A = vector.extract_strided_slice %get3A_3 {offsets = [0, 0], sizes = [256, 64], strides = [1, 1]} : vector<256x768xf32> to vector<256x64xf32>
    %slice3A_18 = vector.extract_strided_slice %get3A_8 {offsets = [0, 0], sizes = [256, 64], strides = [1, 1]} : vector<256x768xf32> to vector<256x64xf32>
    %slice3A_19 = vector.extract_strided_slice %get3A_13 {offsets = [0, 0], sizes = [256, 64], strides = [1, 1]} : vector<256x768xf32> to vector<256x64xf32>
    %convert_element_type3A = arith.truncf %slice3A : vector<256x64xf32> to vector<256x64xbf16>
    %convert_element_type3A_20 = arith.truncf %slice3A_18 : vector<256x64xf32> to vector<256x64xbf16>
    %dot_general3A = arith.constant dense<0.000000e+00> : vector<256x256xf32>
    %dot_general3A_21 = tpu.matmul %convert_element_type3A, %convert_element_type3A_20, %dot_general3A {dimension_numbers = #tpu.dot_dimension_numbers<[1], [1], [0], [0], [0, 0, 1, 0], [], []>, transpose_lhs_hint = false} : vector<256x64xbf16>, vector<256x64xbf16>, vector<256x256xf32> -> vector<256x256xf32>
    %mul3A = arith.constant 1.250000e-01 : f32
    %mul3A_22 = vector.broadcast %mul3A : f32 to vector<256x256xf32>
    %mul3A_23 = arith.mulf %dot_general3A_21, %mul3A_22 : vector<256x256xf32>
    %add3A = vector.broadcast %select_n3A : vector<1x256xf32> to vector<256x256xf32>
    %add3A_24 = arith.addf %mul3A_23, %add3A : vector<256x256xf32>
    %reduce_max3A = arith.constant dense<0xFF800000> : vector<256xf32>
    %reduce_max3A_25 = vector.multi_reduction <maximumf>, %add3A_24, %reduce_max3A [1] : vector<256x256xf32> to vector<256xf32>
    %broadcast_in_dim3A_26 = vector.shape_cast %reduce_max3A_25 : vector<256xf32> to vector<256x1xf32>
    %sub3A = vector.broadcast %broadcast_in_dim3A_26 : vector<256x1xf32> to vector<256x256xf32>
    %sub3A_27 = arith.subf %add3A_24, %sub3A : vector<256x256xf32>
    %exp3A = math.exp %sub3A_27 : vector<256x256xf32>
    %slice3A_28 = vector.extract_strided_slice %exp3A {offsets = [0, 0], sizes = [256, 128], strides = [1, 1]} : vector<256x256xf32> to vector<256x128xf32>
    %reduce_sum3A = arith.constant dense<0.000000e+00> : vector<256xf32>
    %reduce_sum3A_29 = vector.multi_reduction <add>, %slice3A_28, %reduce_sum3A [1] : vector<256x128xf32> to vector<256xf32>
    %broadcast_in_dim3A_30 = vector.shape_cast %reduce_sum3A_29 : vector<256xf32> to vector<256x1xf32>
    %slice3A_31 = vector.extract_strided_slice %exp3A {offsets = [0, 128], sizes = [256, 128], strides = [1, 1]} : vector<256x256xf32> to vector<256x128xf32>
    %reduce_sum3A_32 = arith.constant dense<0.000000e+00> : vector<256xf32>
    %reduce_sum3A_33 = vector.multi_reduction <add>, %slice3A_31, %reduce_sum3A_32 [1] : vector<256x128xf32> to vector<256xf32>
    %broadcast_in_dim3A_34 = vector.shape_cast %reduce_sum3A_33 : vector<256xf32> to vector<256x1xf32>
    %add3A_35 = arith.addf %broadcast_in_dim3A_30, %broadcast_in_dim3A_34 : vector<256x1xf32>
    %div3A = vector.broadcast %add3A_35 : vector<256x1xf32> to vector<256x256xf32>
    %div3A_36 = arith.divf %exp3A, %div3A : vector<256x256xf32>
    %convert_element_type3A_37 = arith.truncf %div3A_36 : vector<256x256xf32> to vector<256x256xbf16>
    %convert_element_type3A_38 = arith.truncf %slice3A_19 : vector<256x64xf32> to vector<256x64xbf16>
    %dot_general3A_39 = arith.constant dense<0.000000e+00> : vector<256x64xf32>
    %dot_general3A_40 = tpu.matmul %convert_element_type3A_37, %convert_element_type3A_38, %dot_general3A_39 {dimension_numbers = #tpu.dot_dimension_numbers<[1], [0], [0], [1], [0, 0, 1, 1], [], []>, transpose_lhs_hint = false} : vector<256x256xbf16>, vector<256x64xbf16>, vector<256x64xf32> -> vector<256x64xf32>
    %slice3A_41 = vector.extract_strided_slice %get3A_3 {offsets = [0, 64], sizes = [256, 64], strides = [1, 1]} : vector<256x768xf32> to vector<256x64xf32>
    %slice3A_42 = vector.extract_strided_slice %get3A_8 {offsets = [0, 64], sizes = [256, 64], strides = [1, 1]} : vector<256x768xf32> to vector<256x64xf32>
    %slice3A_43 = vector.extract_strided_slice %get3A_13 {offsets = [0, 64], sizes = [256, 64], strides = [1, 1]} : vector<256x768xf32> to vector<256x64xf32>
    %convert_element_type3A_44 = arith.truncf %slice3A_41 : vector<256x64xf32> to vector<256x64xbf16>
    %convert_element_type3A_45 = arith.truncf %slice3A_42 : vector<256x64xf32> to vector<256x64xbf16>
    %dot_general3A_46 = arith.constant dense<0.000000e+00> : vector<256x256xf32>
    %dot_general3A_47 = tpu.matmul %convert_element_type3A_44, %convert_element_type3A_45, %dot_general3A_46 {dimension_numbers = #tpu.dot_dimension_numbers<[1], [1], [0], [0], [0, 0, 1, 0], [], []>, transpose_lhs_hint = false} : vector<256x64xbf16>, vector<256x64xbf16>, vector<256x256xf32> -> vector<256x256xf32>
    %mul3A_48 = arith.constant 1.250000e-01 : f32
    %mul3A_49 = vector.broadcast %mul3A_48 : f32 to vector<256x256xf32>
    %mul3A_50 = arith.mulf %dot_general3A_47, %mul3A_49 : vector<256x256xf32>
    %add3A_51 = vector.broadcast %select_n3A : vector<1x256xf32> to vector<256x256xf32>
    %add3A_52 = arith.addf %mul3A_50, %add3A_51 : vector<256x256xf32>
    %reduce_max3A_53 = arith.constant dense<0xFF800000> : vector<256xf32>
    %reduce_max3A_54 = vector.multi_reduction <maximumf>, %add3A_52, %reduce_max3A_53 [1] : vector<256x256xf32> to vector<256xf32>
    %broadcast_in_dim3A_55 = vector.shape_cast %reduce_max3A_54 : vector<256xf32> to vector<256x1xf32>
    %sub3A_56 = vector.broadcast %broadcast_in_dim3A_55 : vector<256x1xf32> to vector<256x256xf32>
    %sub3A_57 = arith.subf %add3A_52, %sub3A_56 : vector<256x256xf32>
    %exp3A_58 = math.exp %sub3A_57 : vector<256x256xf32>
    %slice3A_59 = vector.extract_strided_slice %exp3A_58 {offsets = [0, 0], sizes = [256, 128], strides = [1, 1]} : vector<256x256xf32> to vector<256x128xf32>
    %reduce_sum3A_60 = arith.constant dense<0.000000e+00> : vector<256xf32>
    %reduce_sum3A_61 = vector.multi_reduction <add>, %slice3A_59, %reduce_sum3A_60 [1] : vector<256x128xf32> to vector<256xf32>
    %broadcast_in_dim3A_62 = vector.shape_cast %reduce_sum3A_61 : vector<256xf32> to vector<256x1xf32>
    %slice3A_63 = vector.extract_strided_slice %exp3A_58 {offsets = [0, 128], sizes = [256, 128], strides = [1, 1]} : vector<256x256xf32> to vector<256x128xf32>
    %reduce_sum3A_64 = arith.constant dense<0.000000e+00> : vector<256xf32>
    %reduce_sum3A_65 = vector.multi_reduction <add>, %slice3A_63, %reduce_sum3A_64 [1] : vector<256x128xf32> to vector<256xf32>
    %broadcast_in_dim3A_66 = vector.shape_cast %reduce_sum3A_65 : vector<256xf32> to vector<256x1xf32>
    %add3A_67 = arith.addf %broadcast_in_dim3A_62, %broadcast_in_dim3A_66 : vector<256x1xf32>
    %div3A_68 = vector.broadcast %add3A_67 : vector<256x1xf32> to vector<256x256xf32>
    %div3A_69 = arith.divf %exp3A_58, %div3A_68 : vector<256x256xf32>
    %convert_element_type3A_70 = arith.truncf %div3A_69 : vector<256x256xf32> to vector<256x256xbf16>
    %convert_element_type3A_71 = arith.truncf %slice3A_43 : vector<256x64xf32> to vector<256x64xbf16>
    %dot_general3A_72 = arith.constant dense<0.000000e+00> : vector<256x64xf32>
    %dot_general3A_73 = tpu.matmul %convert_element_type3A_70, %convert_element_type3A_71, %dot_general3A_72 {dimension_numbers = #tpu.dot_dimension_numbers<[1], [0], [0], [1], [0, 0, 1, 1], [], []>, transpose_lhs_hint = false} : vector<256x256xbf16>, vector<256x64xbf16>, vector<256x64xf32> -> vector<256x64xf32>
    %slice3A_74 = vector.extract_strided_slice %get3A_3 {offsets = [0, 128], sizes = [256, 64], strides = [1, 1]} : vector<256x768xf32> to vector<256x64xf32>
    %slice3A_75 = vector.extract_strided_slice %get3A_8 {offsets = [0, 128], sizes = [256, 64], strides = [1, 1]} : vector<256x768xf32> to vector<256x64xf32>
    %slice3A_76 = vector.extract_strided_slice %get3A_13 {offsets = [0, 128], sizes = [256, 64], strides = [1, 1]} : vector<256x768xf32> to vector<256x64xf32>
    %convert_element_type3A_77 = arith.truncf %slice3A_74 : vector<256x64xf32> to vector<256x64xbf16>
    %convert_element_type3A_78 = arith.truncf %slice3A_75 : vector<256x64xf32> to vector<256x64xbf16>
    %dot_general3A_79 = arith.constant dense<0.000000e+00> : vector<256x256xf32>
    %dot_general3A_80 = tpu.matmul %convert_element_type3A_77, %convert_element_type3A_78, %dot_general3A_79 {dimension_numbers = #tpu.dot_dimension_numbers<[1], [1], [0], [0], [0, 0, 1, 0], [], []>, transpose_lhs_hint = false} : vector<256x64xbf16>, vector<256x64xbf16>, vector<256x256xf32> -> vector<256x256xf32>
    %mul3A_81 = arith.constant 1.250000e-01 : f32
    %mul3A_82 = vector.broadcast %mul3A_81 : f32 to vector<256x256xf32>
    %mul3A_83 = arith.mulf %dot_general3A_80, %mul3A_82 : vector<256x256xf32>
    %add3A_84 = vector.broadcast %select_n3A : vector<1x256xf32> to vector<256x256xf32>
    %add3A_85 = arith.addf %mul3A_83, %add3A_84 : vector<256x256xf32>
    %reduce_max3A_86 = arith.constant dense<0xFF800000> : vector<256xf32>
    %reduce_max3A_87 = vector.multi_reduction <maximumf>, %add3A_85, %reduce_max3A_86 [1] : vector<256x256xf32> to vector<256xf32>
    %broadcast_in_dim3A_88 = vector.shape_cast %reduce_max3A_87 : vector<256xf32> to vector<256x1xf32>
    %sub3A_89 = vector.broadcast %broadcast_in_dim3A_88 : vector<256x1xf32> to vector<256x256xf32>
    %sub3A_90 = arith.subf %add3A_85, %sub3A_89 : vector<256x256xf32>
    %exp3A_91 = math.exp %sub3A_90 : vector<256x256xf32>
    %slice3A_92 = vector.extract_strided_slice %exp3A_91 {offsets = [0, 0], sizes = [256, 128], strides = [1, 1]} : vector<256x256xf32> to vector<256x128xf32>
    %reduce_sum3A_93 = arith.constant dense<0.000000e+00> : vector<256xf32>
    %reduce_sum3A_94 = vector.multi_reduction <add>, %slice3A_92, %reduce_sum3A_93 [1] : vector<256x128xf32> to vector<256xf32>
    %broadcast_in_dim3A_95 = vector.shape_cast %reduce_sum3A_94 : vector<256xf32> to vector<256x1xf32>
    %slice3A_96 = vector.extract_strided_slice %exp3A_91 {offsets = [0, 128], sizes = [256, 128], strides = [1, 1]} : vector<256x256xf32> to vector<256x128xf32>
    %reduce_sum3A_97 = arith.constant dense<0.000000e+00> : vector<256xf32>
    %reduce_sum3A_98 = vector.multi_reduction <add>, %slice3A_96, %reduce_sum3A_97 [1] : vector<256x128xf32> to vector<256xf32>
    %broadcast_in_dim3A_99 = vector.shape_cast %reduce_sum3A_98 : vector<256xf32> to vector<256x1xf32>
    %add3A_100 = arith.addf %broadcast_in_dim3A_95, %broadcast_in_dim3A_99 : vector<256x1xf32>
    %div3A_101 = vector.broadcast %add3A_100 : vector<256x1xf32> to vector<256x256xf32>
    %div3A_102 = arith.divf %exp3A_91, %div3A_101 : vector<256x256xf32>
    %convert_element_type3A_103 = arith.truncf %div3A_102 : vector<256x256xf32> to vector<256x256xbf16>
    %convert_element_type3A_104 = arith.truncf %slice3A_76 : vector<256x64xf32> to vector<256x64xbf16>
    %dot_general3A_105 = arith.constant dense<0.000000e+00> : vector<256x64xf32>
    %dot_general3A_106 = tpu.matmul %convert_element_type3A_103, %convert_element_type3A_104, %dot_general3A_105 {dimension_numbers = #tpu.dot_dimension_numbers<[1], [0], [0], [1], [0, 0, 1, 1], [], []>, transpose_lhs_hint = false} : vector<256x256xbf16>, vector<256x64xbf16>, vector<256x64xf32> -> vector<256x64xf32>
    %slice3A_107 = vector.extract_strided_slice %get3A_3 {offsets = [0, 192], sizes = [256, 64], strides = [1, 1]} : vector<256x768xf32> to vector<256x64xf32>
    %slice3A_108 = vector.extract_strided_slice %get3A_8 {offsets = [0, 192], sizes = [256, 64], strides = [1, 1]} : vector<256x768xf32> to vector<256x64xf32>
    %slice3A_109 = vector.extract_strided_slice %get3A_13 {offsets = [0, 192], sizes = [256, 64], strides = [1, 1]} : vector<256x768xf32> to vector<256x64xf32>
    %convert_element_type3A_110 = arith.truncf %slice3A_107 : vector<256x64xf32> to vector<256x64xbf16>
    %convert_element_type3A_111 = arith.truncf %slice3A_108 : vector<256x64xf32> to vector<256x64xbf16>
    %dot_general3A_112 = arith.constant dense<0.000000e+00> : vector<256x256xf32>
    %dot_general3A_113 = tpu.matmul %convert_element_type3A_110, %convert_element_type3A_111, %dot_general3A_112 {dimension_numbers = #tpu.dot_dimension_numbers<[1], [1], [0], [0], [0, 0, 1, 0], [], []>, transpose_lhs_hint = false} : vector<256x64xbf16>, vector<256x64xbf16>, vector<256x256xf32> -> vector<256x256xf32>
    %mul3A_114 = arith.constant 1.250000e-01 : f32
    %mul3A_115 = vector.broadcast %mul3A_114 : f32 to vector<256x256xf32>
    %mul3A_116 = arith.mulf %dot_general3A_113, %mul3A_115 : vector<256x256xf32>
    %add3A_117 = vector.broadcast %select_n3A : vector<1x256xf32> to vector<256x256xf32>
    %add3A_118 = arith.addf %mul3A_116, %add3A_117 : vector<256x256xf32>
    %reduce_max3A_119 = arith.constant dense<0xFF800000> : vector<256xf32>
    %reduce_max3A_120 = vector.multi_reduction <maximumf>, %add3A_118, %reduce_max3A_119 [1] : vector<256x256xf32> to vector<256xf32>
    %broadcast_in_dim3A_121 = vector.shape_cast %reduce_max3A_120 : vector<256xf32> to vector<256x1xf32>
    %sub3A_122 = vector.broadcast %broadcast_in_dim3A_121 : vector<256x1xf32> to vector<256x256xf32>
    %sub3A_123 = arith.subf %add3A_118, %sub3A_122 : vector<256x256xf32>
    %exp3A_124 = math.exp %sub3A_123 : vector<256x256xf32>
    %slice3A_125 = vector.extract_strided_slice %exp3A_124 {offsets = [0, 0], sizes = [256, 128], strides = [1, 1]} : vector<256x256xf32> to vector<256x128xf32>
    %reduce_sum3A_126 = arith.constant dense<0.000000e+00> : vector<256xf32>
    %reduce_sum3A_127 = vector.multi_reduction <add>, %slice3A_125, %reduce_sum3A_126 [1] : vector<256x128xf32> to vector<256xf32>
    %broadcast_in_dim3A_128 = vector.shape_cast %reduce_sum3A_127 : vector<256xf32> to vector<256x1xf32>
    %slice3A_129 = vector.extract_strided_slice %exp3A_124 {offsets = [0, 128], sizes = [256, 128], strides = [1, 1]} : vector<256x256xf32> to vector<256x128xf32>
    %reduce_sum3A_130 = arith.constant dense<0.000000e+00> : vector<256xf32>
    %reduce_sum3A_131 = vector.multi_reduction <add>, %slice3A_129, %reduce_sum3A_130 [1] : vector<256x128xf32> to vector<256xf32>
    %broadcast_in_dim3A_132 = vector.shape_cast %reduce_sum3A_131 : vector<256xf32> to vector<256x1xf32>
    %add3A_133 = arith.addf %broadcast_in_dim3A_128, %broadcast_in_dim3A_132 : vector<256x1xf32>
    %div3A_134 = vector.broadcast %add3A_133 : vector<256x1xf32> to vector<256x256xf32>
    %div3A_135 = arith.divf %exp3A_124, %div3A_134 : vector<256x256xf32>
    %convert_element_type3A_136 = arith.truncf %div3A_135 : vector<256x256xf32> to vector<256x256xbf16>
    %convert_element_type3A_137 = arith.truncf %slice3A_109 : vector<256x64xf32> to vector<256x64xbf16>
    %dot_general3A_138 = arith.constant dense<0.000000e+00> : vector<256x64xf32>
    %dot_general3A_139 = tpu.matmul %convert_element_type3A_136, %convert_element_type3A_137, %dot_general3A_138 {dimension_numbers = #tpu.dot_dimension_numbers<[1], [0], [0], [1], [0, 0, 1, 1], [], []>, transpose_lhs_hint = false} : vector<256x256xbf16>, vector<256x64xbf16>, vector<256x64xf32> -> vector<256x64xf32>
    %slice3A_140 = vector.extract_strided_slice %get3A_3 {offsets = [0, 256], sizes = [256, 64], strides = [1, 1]} : vector<256x768xf32> to vector<256x64xf32>
    %slice3A_141 = vector.extract_strided_slice %get3A_8 {offsets = [0, 256], sizes = [256, 64], strides = [1, 1]} : vector<256x768xf32> to vector<256x64xf32>
    %slice3A_142 = vector.extract_strided_slice %get3A_13 {offsets = [0, 256], sizes = [256, 64], strides = [1, 1]} : vector<256x768xf32> to vector<256x64xf32>
    %convert_element_type3A_143 = arith.truncf %slice3A_140 : vector<256x64xf32> to vector<256x64xbf16>
    %convert_element_type3A_144 = arith.truncf %slice3A_141 : vector<256x64xf32> to vector<256x64xbf16>
    %dot_general3A_145 = arith.constant dense<0.000000e+00> : vector<256x256xf32>
    %dot_general3A_146 = tpu.matmul %convert_element_type3A_143, %convert_element_type3A_144, %dot_general3A_145 {dimension_numbers = #tpu.dot_dimension_numbers<[1], [1], [0], [0], [0, 0, 1, 0], [], []>, transpose_lhs_hint = false} : vector<256x64xbf16>, vector<256x64xbf16>, vector<256x256xf32> -> vector<256x256xf32>
    %mul3A_147 = arith.constant 1.250000e-01 : f32
    %mul3A_148 = vector.broadcast %mul3A_147 : f32 to vector<256x256xf32>
    %mul3A_149 = arith.mulf %dot_general3A_146, %mul3A_148 : vector<256x256xf32>
    %add3A_150 = vector.broadcast %select_n3A : vector<1x256xf32> to vector<256x256xf32>
    %add3A_151 = arith.addf %mul3A_149, %add3A_150 : vector<256x256xf32>
    %reduce_max3A_152 = arith.constant dense<0xFF800000> : vector<256xf32>
    %reduce_max3A_153 = vector.multi_reduction <maximumf>, %add3A_151, %reduce_max3A_152 [1] : vector<256x256xf32> to vector<256xf32>
    %broadcast_in_dim3A_154 = vector.shape_cast %reduce_max3A_153 : vector<256xf32> to vector<256x1xf32>
    %sub3A_155 = vector.broadcast %broadcast_in_dim3A_154 : vector<256x1xf32> to vector<256x256xf32>
    %sub3A_156 = arith.subf %add3A_151, %sub3A_155 : vector<256x256xf32>
    %exp3A_157 = math.exp %sub3A_156 : vector<256x256xf32>
    %slice3A_158 = vector.extract_strided_slice %exp3A_157 {offsets = [0, 0], sizes = [256, 128], strides = [1, 1]} : vector<256x256xf32> to vector<256x128xf32>
    %reduce_sum3A_159 = arith.constant dense<0.000000e+00> : vector<256xf32>
    %reduce_sum3A_160 = vector.multi_reduction <add>, %slice3A_158, %reduce_sum3A_159 [1] : vector<256x128xf32> to vector<256xf32>
    %broadcast_in_dim3A_161 = vector.shape_cast %reduce_sum3A_160 : vector<256xf32> to vector<256x1xf32>
    %slice3A_162 = vector.extract_strided_slice %exp3A_157 {offsets = [0, 128], sizes = [256, 128], strides = [1, 1]} : vector<256x256xf32> to vector<256x128xf32>
    %reduce_sum3A_163 = arith.constant dense<0.000000e+00> : vector<256xf32>
    %reduce_sum3A_164 = vector.multi_reduction <add>, %slice3A_162, %reduce_sum3A_163 [1] : vector<256x128xf32> to vector<256xf32>
    %broadcast_in_dim3A_165 = vector.shape_cast %reduce_sum3A_164 : vector<256xf32> to vector<256x1xf32>
    %add3A_166 = arith.addf %broadcast_in_dim3A_161, %broadcast_in_dim3A_165 : vector<256x1xf32>
    %div3A_167 = vector.broadcast %add3A_166 : vector<256x1xf32> to vector<256x256xf32>
    %div3A_168 = arith.divf %exp3A_157, %div3A_167 : vector<256x256xf32>
    %convert_element_type3A_169 = arith.truncf %div3A_168 : vector<256x256xf32> to vector<256x256xbf16>
    %convert_element_type3A_170 = arith.truncf %slice3A_142 : vector<256x64xf32> to vector<256x64xbf16>
    %dot_general3A_171 = arith.constant dense<0.000000e+00> : vector<256x64xf32>
    %dot_general3A_172 = tpu.matmul %convert_element_type3A_169, %convert_element_type3A_170, %dot_general3A_171 {dimension_numbers = #tpu.dot_dimension_numbers<[1], [0], [0], [1], [0, 0, 1, 1], [], []>, transpose_lhs_hint = false} : vector<256x256xbf16>, vector<256x64xbf16>, vector<256x64xf32> -> vector<256x64xf32>
    %slice3A_173 = vector.extract_strided_slice %get3A_3 {offsets = [0, 320], sizes = [256, 64], strides = [1, 1]} : vector<256x768xf32> to vector<256x64xf32>
    %slice3A_174 = vector.extract_strided_slice %get3A_8 {offsets = [0, 320], sizes = [256, 64], strides = [1, 1]} : vector<256x768xf32> to vector<256x64xf32>
    %slice3A_175 = vector.extract_strided_slice %get3A_13 {offsets = [0, 320], sizes = [256, 64], strides = [1, 1]} : vector<256x768xf32> to vector<256x64xf32>
    %convert_element_type3A_176 = arith.truncf %slice3A_173 : vector<256x64xf32> to vector<256x64xbf16>
    %convert_element_type3A_177 = arith.truncf %slice3A_174 : vector<256x64xf32> to vector<256x64xbf16>
    %dot_general3A_178 = arith.constant dense<0.000000e+00> : vector<256x256xf32>
    %dot_general3A_179 = tpu.matmul %convert_element_type3A_176, %convert_element_type3A_177, %dot_general3A_178 {dimension_numbers = #tpu.dot_dimension_numbers<[1], [1], [0], [0], [0, 0, 1, 0], [], []>, transpose_lhs_hint = false} : vector<256x64xbf16>, vector<256x64xbf16>, vector<256x256xf32> -> vector<256x256xf32>
    %mul3A_180 = arith.constant 1.250000e-01 : f32
    %mul3A_181 = vector.broadcast %mul3A_180 : f32 to vector<256x256xf32>
    %mul3A_182 = arith.mulf %dot_general3A_179, %mul3A_181 : vector<256x256xf32>
    %add3A_183 = vector.broadcast %select_n3A : vector<1x256xf32> to vector<256x256xf32>
    %add3A_184 = arith.addf %mul3A_182, %add3A_183 : vector<256x256xf32>
    %reduce_max3A_185 = arith.constant dense<0xFF800000> : vector<256xf32>
    %reduce_max3A_186 = vector.multi_reduction <maximumf>, %add3A_184, %reduce_max3A_185 [1] : vector<256x256xf32> to vector<256xf32>
    %broadcast_in_dim3A_187 = vector.shape_cast %reduce_max3A_186 : vector<256xf32> to vector<256x1xf32>
    %sub3A_188 = vector.broadcast %broadcast_in_dim3A_187 : vector<256x1xf32> to vector<256x256xf32>
    %sub3A_189 = arith.subf %add3A_184, %sub3A_188 : vector<256x256xf32>
    %exp3A_190 = math.exp %sub3A_189 : vector<256x256xf32>
    %slice3A_191 = vector.extract_strided_slice %exp3A_190 {offsets = [0, 0], sizes = [256, 128], strides = [1, 1]} : vector<256x256xf32> to vector<256x128xf32>
    %reduce_sum3A_192 = arith.constant dense<0.000000e+00> : vector<256xf32>
    %reduce_sum3A_193 = vector.multi_reduction <add>, %slice3A_191, %reduce_sum3A_192 [1] : vector<256x128xf32> to vector<256xf32>
    %broadcast_in_dim3A_194 = vector.shape_cast %reduce_sum3A_193 : vector<256xf32> to vector<256x1xf32>
    %slice3A_195 = vector.extract_strided_slice %exp3A_190 {offsets = [0, 128], sizes = [256, 128], strides = [1, 1]} : vector<256x256xf32> to vector<256x128xf32>
    %reduce_sum3A_196 = arith.constant dense<0.000000e+00> : vector<256xf32>
    %reduce_sum3A_197 = vector.multi_reduction <add>, %slice3A_195, %reduce_sum3A_196 [1] : vector<256x128xf32> to vector<256xf32>
    %broadcast_in_dim3A_198 = vector.shape_cast %reduce_sum3A_197 : vector<256xf32> to vector<256x1xf32>
    %add3A_199 = arith.addf %broadcast_in_dim3A_194, %broadcast_in_dim3A_198 : vector<256x1xf32>
    %div3A_200 = vector.broadcast %add3A_199 : vector<256x1xf32> to vector<256x256xf32>
    %div3A_201 = arith.divf %exp3A_190, %div3A_200 : vector<256x256xf32>
    %convert_element_type3A_202 = arith.truncf %div3A_201 : vector<256x256xf32> to vector<256x256xbf16>
    %convert_element_type3A_203 = arith.truncf %slice3A_175 : vector<256x64xf32> to vector<256x64xbf16>
    %dot_general3A_204 = arith.constant dense<0.000000e+00> : vector<256x64xf32>
    %dot_general3A_205 = tpu.matmul %convert_element_type3A_202, %convert_element_type3A_203, %dot_general3A_204 {dimension_numbers = #tpu.dot_dimension_numbers<[1], [0], [0], [1], [0, 0, 1, 1], [], []>, transpose_lhs_hint = false} : vector<256x256xbf16>, vector<256x64xbf16>, vector<256x64xf32> -> vector<256x64xf32>
    %slice3A_206 = vector.extract_strided_slice %get3A_3 {offsets = [0, 384], sizes = [256, 64], strides = [1, 1]} : vector<256x768xf32> to vector<256x64xf32>
    %slice3A_207 = vector.extract_strided_slice %get3A_8 {offsets = [0, 384], sizes = [256, 64], strides = [1, 1]} : vector<256x768xf32> to vector<256x64xf32>
    %slice3A_208 = vector.extract_strided_slice %get3A_13 {offsets = [0, 384], sizes = [256, 64], strides = [1, 1]} : vector<256x768xf32> to vector<256x64xf32>
    %convert_element_type3A_209 = arith.truncf %slice3A_206 : vector<256x64xf32> to vector<256x64xbf16>
    %convert_element_type3A_210 = arith.truncf %slice3A_207 : vector<256x64xf32> to vector<256x64xbf16>
    %dot_general3A_211 = arith.constant dense<0.000000e+00> : vector<256x256xf32>
    %dot_general3A_212 = tpu.matmul %convert_element_type3A_209, %convert_element_type3A_210, %dot_general3A_211 {dimension_numbers = #tpu.dot_dimension_numbers<[1], [1], [0], [0], [0, 0, 1, 0], [], []>, transpose_lhs_hint = false} : vector<256x64xbf16>, vector<256x64xbf16>, vector<256x256xf32> -> vector<256x256xf32>
    %mul3A_213 = arith.constant 1.250000e-01 : f32
    %mul3A_214 = vector.broadcast %mul3A_213 : f32 to vector<256x256xf32>
    %mul3A_215 = arith.mulf %dot_general3A_212, %mul3A_214 : vector<256x256xf32>
    %add3A_216 = vector.broadcast %select_n3A : vector<1x256xf32> to vector<256x256xf32>
    %add3A_217 = arith.addf %mul3A_215, %add3A_216 : vector<256x256xf32>
    %reduce_max3A_218 = arith.constant dense<0xFF800000> : vector<256xf32>
    %reduce_max3A_219 = vector.multi_reduction <maximumf>, %add3A_217, %reduce_max3A_218 [1] : vector<256x256xf32> to vector<256xf32>
    %broadcast_in_dim3A_220 = vector.shape_cast %reduce_max3A_219 : vector<256xf32> to vector<256x1xf32>
    %sub3A_221 = vector.broadcast %broadcast_in_dim3A_220 : vector<256x1xf32> to vector<256x256xf32>
    %sub3A_222 = arith.subf %add3A_217, %sub3A_221 : vector<256x256xf32>
    %exp3A_223 = math.exp %sub3A_222 : vector<256x256xf32>
    %slice3A_224 = vector.extract_strided_slice %exp3A_223 {offsets = [0, 0], sizes = [256, 128], strides = [1, 1]} : vector<256x256xf32> to vector<256x128xf32>
    %reduce_sum3A_225 = arith.constant dense<0.000000e+00> : vector<256xf32>
    %reduce_sum3A_226 = vector.multi_reduction <add>, %slice3A_224, %reduce_sum3A_225 [1] : vector<256x128xf32> to vector<256xf32>
    %broadcast_in_dim3A_227 = vector.shape_cast %reduce_sum3A_226 : vector<256xf32> to vector<256x1xf32>
    %slice3A_228 = vector.extract_strided_slice %exp3A_223 {offsets = [0, 128], sizes = [256, 128], strides = [1, 1]} : vector<256x256xf32> to vector<256x128xf32>
    %reduce_sum3A_229 = arith.constant dense<0.000000e+00> : vector<256xf32>
    %reduce_sum3A_230 = vector.multi_reduction <add>, %slice3A_228, %reduce_sum3A_229 [1] : vector<256x128xf32> to vector<256xf32>
    %broadcast_in_dim3A_231 = vector.shape_cast %reduce_sum3A_230 : vector<256xf32> to vector<256x1xf32>
    %add3A_232 = arith.addf %broadcast_in_dim3A_227, %broadcast_in_dim3A_231 : vector<256x1xf32>
    %div3A_233 = vector.broadcast %add3A_232 : vector<256x1xf32> to vector<256x256xf32>
    %div3A_234 = arith.divf %exp3A_223, %div3A_233 : vector<256x256xf32>
    %convert_element_type3A_235 = arith.truncf %div3A_234 : vector<256x256xf32> to vector<256x256xbf16>
    %convert_element_type3A_236 = arith.truncf %slice3A_208 : vector<256x64xf32> to vector<256x64xbf16>
    %dot_general3A_237 = arith.constant dense<0.000000e+00> : vector<256x64xf32>
    %dot_general3A_238 = tpu.matmul %convert_element_type3A_235, %convert_element_type3A_236, %dot_general3A_237 {dimension_numbers = #tpu.dot_dimension_numbers<[1], [0], [0], [1], [0, 0, 1, 1], [], []>, transpose_lhs_hint = false} : vector<256x256xbf16>, vector<256x64xbf16>, vector<256x64xf32> -> vector<256x64xf32>
    %slice3A_239 = vector.extract_strided_slice %get3A_3 {offsets = [0, 448], sizes = [256, 64], strides = [1, 1]} : vector<256x768xf32> to vector<256x64xf32>
    %slice3A_240 = vector.extract_strided_slice %get3A_8 {offsets = [0, 448], sizes = [256, 64], strides = [1, 1]} : vector<256x768xf32> to vector<256x64xf32>
    %slice3A_241 = vector.extract_strided_slice %get3A_13 {offsets = [0, 448], sizes = [256, 64], strides = [1, 1]} : vector<256x768xf32> to vector<256x64xf32>
    %convert_element_type3A_242 = arith.truncf %slice3A_239 : vector<256x64xf32> to vector<256x64xbf16>
    %convert_element_type3A_243 = arith.truncf %slice3A_240 : vector<256x64xf32> to vector<256x64xbf16>
    %dot_general3A_244 = arith.constant dense<0.000000e+00> : vector<256x256xf32>
    %dot_general3A_245 = tpu.matmul %convert_element_type3A_242, %convert_element_type3A_243, %dot_general3A_244 {dimension_numbers = #tpu.dot_dimension_numbers<[1], [1], [0], [0], [0, 0, 1, 0], [], []>, transpose_lhs_hint = false} : vector<256x64xbf16>, vector<256x64xbf16>, vector<256x256xf32> -> vector<256x256xf32>
    %mul3A_246 = arith.constant 1.250000e-01 : f32
    %mul3A_247 = vector.broadcast %mul3A_246 : f32 to vector<256x256xf32>
    %mul3A_248 = arith.mulf %dot_general3A_245, %mul3A_247 : vector<256x256xf32>
    %add3A_249 = vector.broadcast %select_n3A : vector<1x256xf32> to vector<256x256xf32>
    %add3A_250 = arith.addf %mul3A_248, %add3A_249 : vector<256x256xf32>
    %reduce_max3A_251 = arith.constant dense<0xFF800000> : vector<256xf32>
    %reduce_max3A_252 = vector.multi_reduction <maximumf>, %add3A_250, %reduce_max3A_251 [1] : vector<256x256xf32> to vector<256xf32>
    %broadcast_in_dim3A_253 = vector.shape_cast %reduce_max3A_252 : vector<256xf32> to vector<256x1xf32>
    %sub3A_254 = vector.broadcast %broadcast_in_dim3A_253 : vector<256x1xf32> to vector<256x256xf32>
    %sub3A_255 = arith.subf %add3A_250, %sub3A_254 : vector<256x256xf32>
    %exp3A_256 = math.exp %sub3A_255 : vector<256x256xf32>
    %slice3A_257 = vector.extract_strided_slice %exp3A_256 {offsets = [0, 0], sizes = [256, 128], strides = [1, 1]} : vector<256x256xf32> to vector<256x128xf32>
    %reduce_sum3A_258 = arith.constant dense<0.000000e+00> : vector<256xf32>
    %reduce_sum3A_259 = vector.multi_reduction <add>, %slice3A_257, %reduce_sum3A_258 [1] : vector<256x128xf32> to vector<256xf32>
    %broadcast_in_dim3A_260 = vector.shape_cast %reduce_sum3A_259 : vector<256xf32> to vector<256x1xf32>
    %slice3A_261 = vector.extract_strided_slice %exp3A_256 {offsets = [0, 128], sizes = [256, 128], strides = [1, 1]} : vector<256x256xf32> to vector<256x128xf32>
    %reduce_sum3A_262 = arith.constant dense<0.000000e+00> : vector<256xf32>
    %reduce_sum3A_263 = vector.multi_reduction <add>, %slice3A_261, %reduce_sum3A_262 [1] : vector<256x128xf32> to vector<256xf32>
    %broadcast_in_dim3A_264 = vector.shape_cast %reduce_sum3A_263 : vector<256xf32> to vector<256x1xf32>
    %add3A_265 = arith.addf %broadcast_in_dim3A_260, %broadcast_in_dim3A_264 : vector<256x1xf32>
    %div3A_266 = vector.broadcast %add3A_265 : vector<256x1xf32> to vector<256x256xf32>
    %div3A_267 = arith.divf %exp3A_256, %div3A_266 : vector<256x256xf32>
    %convert_element_type3A_268 = arith.truncf %div3A_267 : vector<256x256xf32> to vector<256x256xbf16>
    %convert_element_type3A_269 = arith.truncf %slice3A_241 : vector<256x64xf32> to vector<256x64xbf16>
    %dot_general3A_270 = arith.constant dense<0.000000e+00> : vector<256x64xf32>
    %dot_general3A_271 = tpu.matmul %convert_element_type3A_268, %convert_element_type3A_269, %dot_general3A_270 {dimension_numbers = #tpu.dot_dimension_numbers<[1], [0], [0], [1], [0, 0, 1, 1], [], []>, transpose_lhs_hint = false} : vector<256x256xbf16>, vector<256x64xbf16>, vector<256x64xf32> -> vector<256x64xf32>
    %slice3A_272 = vector.extract_strided_slice %get3A_3 {offsets = [0, 512], sizes = [256, 64], strides = [1, 1]} : vector<256x768xf32> to vector<256x64xf32>
    %slice3A_273 = vector.extract_strided_slice %get3A_8 {offsets = [0, 512], sizes = [256, 64], strides = [1, 1]} : vector<256x768xf32> to vector<256x64xf32>
    %slice3A_274 = vector.extract_strided_slice %get3A_13 {offsets = [0, 512], sizes = [256, 64], strides = [1, 1]} : vector<256x768xf32> to vector<256x64xf32>
    %convert_element_type3A_275 = arith.truncf %slice3A_272 : vector<256x64xf32> to vector<256x64xbf16>
    %convert_element_type3A_276 = arith.truncf %slice3A_273 : vector<256x64xf32> to vector<256x64xbf16>
    %dot_general3A_277 = arith.constant dense<0.000000e+00> : vector<256x256xf32>
    %dot_general3A_278 = tpu.matmul %convert_element_type3A_275, %convert_element_type3A_276, %dot_general3A_277 {dimension_numbers = #tpu.dot_dimension_numbers<[1], [1], [0], [0], [0, 0, 1, 0], [], []>, transpose_lhs_hint = false} : vector<256x64xbf16>, vector<256x64xbf16>, vector<256x256xf32> -> vector<256x256xf32>
    %mul3A_279 = arith.constant 1.250000e-01 : f32
    %mul3A_280 = vector.broadcast %mul3A_279 : f32 to vector<256x256xf32>
    %mul3A_281 = arith.mulf %dot_general3A_278, %mul3A_280 : vector<256x256xf32>
    %add3A_282 = vector.broadcast %select_n3A : vector<1x256xf32> to vector<256x256xf32>
    %add3A_283 = arith.addf %mul3A_281, %add3A_282 : vector<256x256xf32>
    %reduce_max3A_284 = arith.constant dense<0xFF800000> : vector<256xf32>
    %reduce_max3A_285 = vector.multi_reduction <maximumf>, %add3A_283, %reduce_max3A_284 [1] : vector<256x256xf32> to vector<256xf32>
    %broadcast_in_dim3A_286 = vector.shape_cast %reduce_max3A_285 : vector<256xf32> to vector<256x1xf32>
    %sub3A_287 = vector.broadcast %broadcast_in_dim3A_286 : vector<256x1xf32> to vector<256x256xf32>
    %sub3A_288 = arith.subf %add3A_283, %sub3A_287 : vector<256x256xf32>
    %exp3A_289 = math.exp %sub3A_288 : vector<256x256xf32>
    %slice3A_290 = vector.extract_strided_slice %exp3A_289 {offsets = [0, 0], sizes = [256, 128], strides = [1, 1]} : vector<256x256xf32> to vector<256x128xf32>
    %reduce_sum3A_291 = arith.constant dense<0.000000e+00> : vector<256xf32>
    %reduce_sum3A_292 = vector.multi_reduction <add>, %slice3A_290, %reduce_sum3A_291 [1] : vector<256x128xf32> to vector<256xf32>
    %broadcast_in_dim3A_293 = vector.shape_cast %reduce_sum3A_292 : vector<256xf32> to vector<256x1xf32>
    %slice3A_294 = vector.extract_strided_slice %exp3A_289 {offsets = [0, 128], sizes = [256, 128], strides = [1, 1]} : vector<256x256xf32> to vector<256x128xf32>
    %reduce_sum3A_295 = arith.constant dense<0.000000e+00> : vector<256xf32>
    %reduce_sum3A_296 = vector.multi_reduction <add>, %slice3A_294, %reduce_sum3A_295 [1] : vector<256x128xf32> to vector<256xf32>
    %broadcast_in_dim3A_297 = vector.shape_cast %reduce_sum3A_296 : vector<256xf32> to vector<256x1xf32>
    %add3A_298 = arith.addf %broadcast_in_dim3A_293, %broadcast_in_dim3A_297 : vector<256x1xf32>
    %div3A_299 = vector.broadcast %add3A_298 : vector<256x1xf32> to vector<256x256xf32>
    %div3A_300 = arith.divf %exp3A_289, %div3A_299 : vector<256x256xf32>
    %convert_element_type3A_301 = arith.truncf %div3A_300 : vector<256x256xf32> to vector<256x256xbf16>
    %convert_element_type3A_302 = arith.truncf %slice3A_274 : vector<256x64xf32> to vector<256x64xbf16>
    %dot_general3A_303 = arith.constant dense<0.000000e+00> : vector<256x64xf32>
    %dot_general3A_304 = tpu.matmul %convert_element_type3A_301, %convert_element_type3A_302, %dot_general3A_303 {dimension_numbers = #tpu.dot_dimension_numbers<[1], [0], [0], [1], [0, 0, 1, 1], [], []>, transpose_lhs_hint = false} : vector<256x256xbf16>, vector<256x64xbf16>, vector<256x64xf32> -> vector<256x64xf32>
    %slice3A_305 = vector.extract_strided_slice %get3A_3 {offsets = [0, 576], sizes = [256, 64], strides = [1, 1]} : vector<256x768xf32> to vector<256x64xf32>
    %slice3A_306 = vector.extract_strided_slice %get3A_8 {offsets = [0, 576], sizes = [256, 64], strides = [1, 1]} : vector<256x768xf32> to vector<256x64xf32>
    %slice3A_307 = vector.extract_strided_slice %get3A_13 {offsets = [0, 576], sizes = [256, 64], strides = [1, 1]} : vector<256x768xf32> to vector<256x64xf32>
    %convert_element_type3A_308 = arith.truncf %slice3A_305 : vector<256x64xf32> to vector<256x64xbf16>
    %convert_element_type3A_309 = arith.truncf %slice3A_306 : vector<256x64xf32> to vector<256x64xbf16>
    %dot_general3A_310 = arith.constant dense<0.000000e+00> : vector<256x256xf32>
    %dot_general3A_311 = tpu.matmul %convert_element_type3A_308, %convert_element_type3A_309, %dot_general3A_310 {dimension_numbers = #tpu.dot_dimension_numbers<[1], [1], [0], [0], [0, 0, 1, 0], [], []>, transpose_lhs_hint = false} : vector<256x64xbf16>, vector<256x64xbf16>, vector<256x256xf32> -> vector<256x256xf32>
    %mul3A_312 = arith.constant 1.250000e-01 : f32
    %mul3A_313 = vector.broadcast %mul3A_312 : f32 to vector<256x256xf32>
    %mul3A_314 = arith.mulf %dot_general3A_311, %mul3A_313 : vector<256x256xf32>
    %add3A_315 = vector.broadcast %select_n3A : vector<1x256xf32> to vector<256x256xf32>
    %add3A_316 = arith.addf %mul3A_314, %add3A_315 : vector<256x256xf32>
    %reduce_max3A_317 = arith.constant dense<0xFF800000> : vector<256xf32>
    %reduce_max3A_318 = vector.multi_reduction <maximumf>, %add3A_316, %reduce_max3A_317 [1] : vector<256x256xf32> to vector<256xf32>
    %broadcast_in_dim3A_319 = vector.shape_cast %reduce_max3A_318 : vector<256xf32> to vector<256x1xf32>
    %sub3A_320 = vector.broadcast %broadcast_in_dim3A_319 : vector<256x1xf32> to vector<256x256xf32>
    %sub3A_321 = arith.subf %add3A_316, %sub3A_320 : vector<256x256xf32>
    %exp3A_322 = math.exp %sub3A_321 : vector<256x256xf32>
    %slice3A_323 = vector.extract_strided_slice %exp3A_322 {offsets = [0, 0], sizes = [256, 128], strides = [1, 1]} : vector<256x256xf32> to vector<256x128xf32>
    %reduce_sum3A_324 = arith.constant dense<0.000000e+00> : vector<256xf32>
    %reduce_sum3A_325 = vector.multi_reduction <add>, %slice3A_323, %reduce_sum3A_324 [1] : vector<256x128xf32> to vector<256xf32>
    %broadcast_in_dim3A_326 = vector.shape_cast %reduce_sum3A_325 : vector<256xf32> to vector<256x1xf32>
    %slice3A_327 = vector.extract_strided_slice %exp3A_322 {offsets = [0, 128], sizes = [256, 128], strides = [1, 1]} : vector<256x256xf32> to vector<256x128xf32>
    %reduce_sum3A_328 = arith.constant dense<0.000000e+00> : vector<256xf32>
    %reduce_sum3A_329 = vector.multi_reduction <add>, %slice3A_327, %reduce_sum3A_328 [1] : vector<256x128xf32> to vector<256xf32>
    %broadcast_in_dim3A_330 = vector.shape_cast %reduce_sum3A_329 : vector<256xf32> to vector<256x1xf32>
    %add3A_331 = arith.addf %broadcast_in_dim3A_326, %broadcast_in_dim3A_330 : vector<256x1xf32>
    %div3A_332 = vector.broadcast %add3A_331 : vector<256x1xf32> to vector<256x256xf32>
    %div3A_333 = arith.divf %exp3A_322, %div3A_332 : vector<256x256xf32>
    %convert_element_type3A_334 = arith.truncf %div3A_333 : vector<256x256xf32> to vector<256x256xbf16>
    %convert_element_type3A_335 = arith.truncf %slice3A_307 : vector<256x64xf32> to vector<256x64xbf16>
    %dot_general3A_336 = arith.constant dense<0.000000e+00> : vector<256x64xf32>
    %dot_general3A_337 = tpu.matmul %convert_element_type3A_334, %convert_element_type3A_335, %dot_general3A_336 {dimension_numbers = #tpu.dot_dimension_numbers<[1], [0], [0], [1], [0, 0, 1, 1], [], []>, transpose_lhs_hint = false} : vector<256x256xbf16>, vector<256x64xbf16>, vector<256x64xf32> -> vector<256x64xf32>
    %slice3A_338 = vector.extract_strided_slice %get3A_3 {offsets = [0, 640], sizes = [256, 64], strides = [1, 1]} : vector<256x768xf32> to vector<256x64xf32>
    %slice3A_339 = vector.extract_strided_slice %get3A_8 {offsets = [0, 640], sizes = [256, 64], strides = [1, 1]} : vector<256x768xf32> to vector<256x64xf32>
    %slice3A_340 = vector.extract_strided_slice %get3A_13 {offsets = [0, 640], sizes = [256, 64], strides = [1, 1]} : vector<256x768xf32> to vector<256x64xf32>
    %convert_element_type3A_341 = arith.truncf %slice3A_338 : vector<256x64xf32> to vector<256x64xbf16>
    %convert_element_type3A_342 = arith.truncf %slice3A_339 : vector<256x64xf32> to vector<256x64xbf16>
    %dot_general3A_343 = arith.constant dense<0.000000e+00> : vector<256x256xf32>
    %dot_general3A_344 = tpu.matmul %convert_element_type3A_341, %convert_element_type3A_342, %dot_general3A_343 {dimension_numbers = #tpu.dot_dimension_numbers<[1], [1], [0], [0], [0, 0, 1, 0], [], []>, transpose_lhs_hint = false} : vector<256x64xbf16>, vector<256x64xbf16>, vector<256x256xf32> -> vector<256x256xf32>
    %mul3A_345 = arith.constant 1.250000e-01 : f32
    %mul3A_346 = vector.broadcast %mul3A_345 : f32 to vector<256x256xf32>
    %mul3A_347 = arith.mulf %dot_general3A_344, %mul3A_346 : vector<256x256xf32>
    %add3A_348 = vector.broadcast %select_n3A : vector<1x256xf32> to vector<256x256xf32>
    %add3A_349 = arith.addf %mul3A_347, %add3A_348 : vector<256x256xf32>
    %reduce_max3A_350 = arith.constant dense<0xFF800000> : vector<256xf32>
    %reduce_max3A_351 = vector.multi_reduction <maximumf>, %add3A_349, %reduce_max3A_350 [1] : vector<256x256xf32> to vector<256xf32>
    %broadcast_in_dim3A_352 = vector.shape_cast %reduce_max3A_351 : vector<256xf32> to vector<256x1xf32>
    %sub3A_353 = vector.broadcast %broadcast_in_dim3A_352 : vector<256x1xf32> to vector<256x256xf32>
    %sub3A_354 = arith.subf %add3A_349, %sub3A_353 : vector<256x256xf32>
    %exp3A_355 = math.exp %sub3A_354 : vector<256x256xf32>
    %slice3A_356 = vector.extract_strided_slice %exp3A_355 {offsets = [0, 0], sizes = [256, 128], strides = [1, 1]} : vector<256x256xf32> to vector<256x128xf32>
    %reduce_sum3A_357 = arith.constant dense<0.000000e+00> : vector<256xf32>
    %reduce_sum3A_358 = vector.multi_reduction <add>, %slice3A_356, %reduce_sum3A_357 [1] : vector<256x128xf32> to vector<256xf32>
    %broadcast_in_dim3A_359 = vector.shape_cast %reduce_sum3A_358 : vector<256xf32> to vector<256x1xf32>
    %slice3A_360 = vector.extract_strided_slice %exp3A_355 {offsets = [0, 128], sizes = [256, 128], strides = [1, 1]} : vector<256x256xf32> to vector<256x128xf32>
    %reduce_sum3A_361 = arith.constant dense<0.000000e+00> : vector<256xf32>
    %reduce_sum3A_362 = vector.multi_reduction <add>, %slice3A_360, %reduce_sum3A_361 [1] : vector<256x128xf32> to vector<256xf32>
    %broadcast_in_dim3A_363 = vector.shape_cast %reduce_sum3A_362 : vector<256xf32> to vector<256x1xf32>
    %add3A_364 = arith.addf %broadcast_in_dim3A_359, %broadcast_in_dim3A_363 : vector<256x1xf32>
    %div3A_365 = vector.broadcast %add3A_364 : vector<256x1xf32> to vector<256x256xf32>
    %div3A_366 = arith.divf %exp3A_355, %div3A_365 : vector<256x256xf32>
    %convert_element_type3A_367 = arith.truncf %div3A_366 : vector<256x256xf32> to vector<256x256xbf16>
    %convert_element_type3A_368 = arith.truncf %slice3A_340 : vector<256x64xf32> to vector<256x64xbf16>
    %dot_general3A_369 = arith.constant dense<0.000000e+00> : vector<256x64xf32>
    %dot_general3A_370 = tpu.matmul %convert_element_type3A_367, %convert_element_type3A_368, %dot_general3A_369 {dimension_numbers = #tpu.dot_dimension_numbers<[1], [0], [0], [1], [0, 0, 1, 1], [], []>, transpose_lhs_hint = false} : vector<256x256xbf16>, vector<256x64xbf16>, vector<256x64xf32> -> vector<256x64xf32>
    %slice3A_371 = vector.extract_strided_slice %get3A_3 {offsets = [0, 704], sizes = [256, 64], strides = [1, 1]} : vector<256x768xf32> to vector<256x64xf32>
    %slice3A_372 = vector.extract_strided_slice %get3A_8 {offsets = [0, 704], sizes = [256, 64], strides = [1, 1]} : vector<256x768xf32> to vector<256x64xf32>
    %slice3A_373 = vector.extract_strided_slice %get3A_13 {offsets = [0, 704], sizes = [256, 64], strides = [1, 1]} : vector<256x768xf32> to vector<256x64xf32>
    %convert_element_type3A_374 = arith.truncf %slice3A_371 : vector<256x64xf32> to vector<256x64xbf16>
    %convert_element_type3A_375 = arith.truncf %slice3A_372 : vector<256x64xf32> to vector<256x64xbf16>
    %dot_general3A_376 = arith.constant dense<0.000000e+00> : vector<256x256xf32>
    %dot_general3A_377 = tpu.matmul %convert_element_type3A_374, %convert_element_type3A_375, %dot_general3A_376 {dimension_numbers = #tpu.dot_dimension_numbers<[1], [1], [0], [0], [0, 0, 1, 0], [], []>, transpose_lhs_hint = false} : vector<256x64xbf16>, vector<256x64xbf16>, vector<256x256xf32> -> vector<256x256xf32>
    %mul3A_378 = arith.constant 1.250000e-01 : f32
    %mul3A_379 = vector.broadcast %mul3A_378 : f32 to vector<256x256xf32>
    %mul3A_380 = arith.mulf %dot_general3A_377, %mul3A_379 : vector<256x256xf32>
    %add3A_381 = vector.broadcast %select_n3A : vector<1x256xf32> to vector<256x256xf32>
    %add3A_382 = arith.addf %mul3A_380, %add3A_381 : vector<256x256xf32>
    %reduce_max3A_383 = arith.constant dense<0xFF800000> : vector<256xf32>
    %reduce_max3A_384 = vector.multi_reduction <maximumf>, %add3A_382, %reduce_max3A_383 [1] : vector<256x256xf32> to vector<256xf32>
    %broadcast_in_dim3A_385 = vector.shape_cast %reduce_max3A_384 : vector<256xf32> to vector<256x1xf32>
    %sub3A_386 = vector.broadcast %broadcast_in_dim3A_385 : vector<256x1xf32> to vector<256x256xf32>
    %sub3A_387 = arith.subf %add3A_382, %sub3A_386 : vector<256x256xf32>
    %exp3A_388 = math.exp %sub3A_387 : vector<256x256xf32>
    %slice3A_389 = vector.extract_strided_slice %exp3A_388 {offsets = [0, 0], sizes = [256, 128], strides = [1, 1]} : vector<256x256xf32> to vector<256x128xf32>
    %reduce_sum3A_390 = arith.constant dense<0.000000e+00> : vector<256xf32>
    %reduce_sum3A_391 = vector.multi_reduction <add>, %slice3A_389, %reduce_sum3A_390 [1] : vector<256x128xf32> to vector<256xf32>
    %broadcast_in_dim3A_392 = vector.shape_cast %reduce_sum3A_391 : vector<256xf32> to vector<256x1xf32>
    %slice3A_393 = vector.extract_strided_slice %exp3A_388 {offsets = [0, 128], sizes = [256, 128], strides = [1, 1]} : vector<256x256xf32> to vector<256x128xf32>
    %reduce_sum3A_394 = arith.constant dense<0.000000e+00> : vector<256xf32>
    %reduce_sum3A_395 = vector.multi_reduction <add>, %slice3A_393, %reduce_sum3A_394 [1] : vector<256x128xf32> to vector<256xf32>
    %broadcast_in_dim3A_396 = vector.shape_cast %reduce_sum3A_395 : vector<256xf32> to vector<256x1xf32>
    %add3A_397 = arith.addf %broadcast_in_dim3A_392, %broadcast_in_dim3A_396 : vector<256x1xf32>
    %div3A_398 = vector.broadcast %add3A_397 : vector<256x1xf32> to vector<256x256xf32>
    %div3A_399 = arith.divf %exp3A_388, %div3A_398 : vector<256x256xf32>
    %convert_element_type3A_400 = arith.truncf %div3A_399 : vector<256x256xf32> to vector<256x256xbf16>
    %convert_element_type3A_401 = arith.truncf %slice3A_373 : vector<256x64xf32> to vector<256x64xbf16>
    %dot_general3A_402 = arith.constant dense<0.000000e+00> : vector<256x64xf32>
    %dot_general3A_403 = tpu.matmul %convert_element_type3A_400, %convert_element_type3A_401, %dot_general3A_402 {dimension_numbers = #tpu.dot_dimension_numbers<[1], [0], [0], [1], [0, 0, 1, 1], [], []>, transpose_lhs_hint = false} : vector<256x256xbf16>, vector<256x64xbf16>, vector<256x64xf32> -> vector<256x64xf32>
    %concatenate3A = tpu.concatenate %dot_general3A_40, %dot_general3A_73, %dot_general3A_106, %dot_general3A_139, %dot_general3A_172, %dot_general3A_205, %dot_general3A_238, %dot_general3A_271, %dot_general3A_304, %dot_general3A_337, %dot_general3A_370, %dot_general3A_403 in 1 : vector<256x64xf32>, vector<256x64xf32>, vector<256x64xf32>, vector<256x64xf32>, vector<256x64xf32>, vector<256x64xf32>, vector<256x64xf32>, vector<256x64xf32>, vector<256x64xf32>, vector<256x64xf32>, vector<256x64xf32>, vector<256x64xf32> -> vector<256x768xf32>
    %swap3A = arith.constant 0 : index
    %swap3A_404 = arith.constant 0 : index
    %swap3A_405 = arith.constant 0 : index
    %swap3A_406 = vector.load %arg4[%swap3A, %swap3A_404, %swap3A_405] : memref<1x256x768xf32, #tpu.memory_space<vmem>>, vector<1x256x768xf32>
    %swap3A_407 = vector.shape_cast %swap3A_406 : vector<1x256x768xf32> to vector<256x768xf32>
    %swap3A_408 = vector.shape_cast %concatenate3A : vector<256x768xf32> to vector<1x256x768xf32>
    tpu.vector_store %arg4[%swap3A, %swap3A_404, %swap3A_405], %swap3A_408 {strides = array<i32>} : memref<1x256x768xf32, #tpu.memory_space<vmem>>, vector<1x256x768xf32>,
    return
  }
  func.func @transform_0(%arg0: i32) -> (i32, i32, i32) {
    %c0_i32 = arith.constant 0 : i32
    %c0_i32_0 = arith.constant 0 : i32
    %c0_i32_1 = arith.constant 0 : i32
    return %arg0, %c0_i32, %c0_i32_0 : i32, i32, i32
  }
  func.func @transform_1(%arg0: i32) -> (i32, i32, i32) {
    %c0_i32 = arith.constant 0 : i32
    %c0_i32_0 = arith.constant 0 : i32
    %c0_i32_1 = arith.constant 0 : i32
    return %arg0, %c0_i32, %c0_i32_0 : i32, i32, i32
  }
  func.func @transform_2(%arg0: i32) -> (i32, i32, i32) {
    %c0_i32 = arith.constant 0 : i32
    %c0_i32_0 = arith.constant 0 : i32
    %c0_i32_1 = arith.constant 0 : i32
    return %arg0, %c0_i32, %c0_i32_0 : i32, i32, i32
  }
  func.func @transform_3(%arg0: i32) -> (i32, i32, i32) {
    %c0_i32 = arith.constant 0 : i32
    %c0_i32_0 = arith.constant 0 : i32
    %c0_i32_1 = arith.constant 0 : i32
    return %arg0, %c0_i32, %c0_i32_0 : i32, i32, i32
  }
}

module attributes {stable_mosaic.version = 14 : i64} {
  func.func @_proj_body(%arg0: memref<1576x768xf32, #tpu.memory_space<vmem>>, %arg1: memref<1576x768xf32, #tpu.memory_space<vmem>>, %arg2: memref<768x768xf32, #tpu.memory_space<vmem>>, %arg3: memref<768xf32, #tpu.memory_space<vmem>>, %arg4: memref<1576x768xf32, #tpu.memory_space<vmem>>) attributes {dimension_semantics = [], scalar_prefetch = 0 : i64, scratch_operands = 0 : i64, tpu.core_type = #tpu.core_type<tc>} {
    %get3A = arith.constant 0 : index
    %get3A_0 = arith.constant 0 : index
    %get3A_1 = vector.load %arg0[%get3A, %get3A_0] : memref<1576x768xf32, #tpu.memory_space<vmem>>, vector<1576x768xf32>
    %get3A_2 = arith.constant 0 : index
    %get3A_3 = arith.constant 0 : index
    %get3A_4 = vector.load %arg1[%get3A_2, %get3A_3] : memref<1576x768xf32, #tpu.memory_space<vmem>>, vector<1576x768xf32>
    %get3A_5 = arith.constant 0 : index
    %get3A_6 = arith.constant 0 : index
    %get3A_7 = vector.load %arg2[%get3A_5, %get3A_6] : memref<768x768xf32, #tpu.memory_space<vmem>>, vector<768x768xf32>
    %convert_element_type3A = arith.truncf %get3A_4 : vector<1576x768xf32> to vector<1576x768xbf16>
    %convert_element_type3A_8 = arith.truncf %get3A_7 : vector<768x768xf32> to vector<768x768xbf16>
    %dot_general3A = arith.constant dense<0.000000e+00> : vector<1576x768xf32>
    %dot_general3A_9 = tpu.matmul %convert_element_type3A, %convert_element_type3A_8, %dot_general3A {dimension_numbers = #tpu.dot_dimension_numbers<[1], [0], [0], [1], [0, 0, 1, 1], [], []>, transpose_lhs_hint = false} : vector<1576x768xbf16>, vector<768x768xbf16>, vector<1576x768xf32> -> vector<1576x768xf32>
    %get3A_10 = arith.constant 0 : index
    %get3A_11 = vector.load %arg3[%get3A_10] : memref<768xf32, #tpu.memory_space<vmem>>, vector<768xf32>
    %broadcast_in_dim3A = vector.shape_cast %get3A_11 : vector<768xf32> to vector<1x768xf32>
    %add3A = vector.broadcast %broadcast_in_dim3A : vector<1x768xf32> to vector<1576x768xf32>
    %add3A_12 = arith.addf %dot_general3A_9, %add3A : vector<1576x768xf32>
    %add3A_13 = arith.addf %get3A_1, %add3A_12 : vector<1576x768xf32>
    %swap3A = arith.constant 0 : index
    %swap3A_14 = arith.constant 0 : index
    %swap3A_15 = vector.load %arg4[%swap3A, %swap3A_14] : memref<1576x768xf32, #tpu.memory_space<vmem>>, vector<1576x768xf32>
    tpu.vector_store %arg4[%swap3A, %swap3A_14], %add3A_13 {strides = array<i32>} : memref<1576x768xf32, #tpu.memory_space<vmem>>, vector<1576x768xf32>,
    return
  }
}

module attributes {stable_mosaic.version = 14 : i64} {
  func.func @_gate_body(%arg0: memref<1576x768xf32, #tpu.memory_space<vmem>>, %arg1: memref<768x16xf32, #tpu.memory_space<vmem>>, %arg2: memref<1576x16xf32, #tpu.memory_space<vmem>>) attributes {dimension_semantics = [], scalar_prefetch = 0 : i64, scratch_operands = 0 : i64, tpu.core_type = #tpu.core_type<tc>} {
    %get3A = arith.constant 0 : index
    %get3A_0 = arith.constant 0 : index
    %get3A_1 = vector.load %arg0[%get3A, %get3A_0] : memref<1576x768xf32, #tpu.memory_space<vmem>>, vector<1576x768xf32>
    %get3A_2 = arith.constant 0 : index
    %get3A_3 = arith.constant 0 : index
    %get3A_4 = vector.load %arg1[%get3A_2, %get3A_3] : memref<768x16xf32, #tpu.memory_space<vmem>>, vector<768x16xf32>
    %convert_element_type3A = arith.truncf %get3A_1 : vector<1576x768xf32> to vector<1576x768xbf16>
    %convert_element_type3A_5 = arith.truncf %get3A_4 : vector<768x16xf32> to vector<768x16xbf16>
    %dot_general3A = arith.constant dense<0.000000e+00> : vector<1576x16xf32>
    %dot_general3A_6 = tpu.matmul %convert_element_type3A, %convert_element_type3A_5, %dot_general3A {dimension_numbers = #tpu.dot_dimension_numbers<[1], [0], [0], [1], [0, 0, 1, 1], [], []>, transpose_lhs_hint = false} : vector<1576x768xbf16>, vector<768x16xbf16>, vector<1576x16xf32> -> vector<1576x16xf32>
    %swap3A = arith.constant 0 : index
    %swap3A_7 = arith.constant 0 : index
    %swap3A_8 = vector.load %arg2[%swap3A, %swap3A_7] : memref<1576x16xf32, #tpu.memory_space<vmem>>, vector<1576x16xf32>
    tpu.vector_store %arg2[%swap3A, %swap3A_7], %dot_general3A_6 {strides = array<i32>} : memref<1576x16xf32, #tpu.memory_space<vmem>>, vector<1576x16xf32>,
    return
  }
}

module attributes {stable_mosaic.version = 14 : i64} {
  func.func @_rgb_body(%arg0: memref<2048x16xf32, #tpu.memory_space<vmem>>, %arg1: memref<2048xi32, #tpu.memory_space<vmem>>, %arg2: memref<2048xi32, #tpu.memory_space<vmem>>, %arg3: memref<2048xi32, #tpu.memory_space<vmem>>, %arg4: memref<2048xi32, #tpu.memory_space<vmem>>, %arg5: memref<2048xf32, #tpu.memory_space<vmem>>, %arg6: memref<2048xf32, #tpu.memory_space<vmem>>) attributes {dimension_semantics = [], scalar_prefetch = 0 : i64, scratch_operands = 0 : i64, tpu.core_type = #tpu.core_type<tc>} {
    %get3A = arith.constant 0 : index
    %get3A_0 = arith.constant 0 : index
    %get3A_1 = vector.load %arg0[%get3A, %get3A_0] : memref<2048x16xf32, #tpu.memory_space<vmem>>, vector<2048x16xf32>
    %iota3A = tpu.iota {dimensions = array<i32: 1>} : vector<2048x16xi32>
    %iota3A_2 = tpu.iota {dimensions = array<i32: 0>} : vector<2048x16xi32>
    %lt3A = arith.constant 1576 : i32
    %lt3A_3 = vector.broadcast %lt3A : i32 to vector<2048x16xi32>
    %lt3A_4 = arith.cmpi slt, %iota3A_2, %lt3A_3 : vector<2048x16xi32>
    %reduce_max3A = arith.constant dense<0xFF800000> : vector<2048xf32>
    %reduce_max3A_5 = vector.multi_reduction <maximumf>, %get3A_1, %reduce_max3A [1] : vector<2048x16xf32> to vector<2048xf32>
    %broadcast_in_dim3A = vector.shape_cast %reduce_max3A_5 : vector<2048xf32> to vector<2048x1xf32>
    %sub3A = vector.broadcast %broadcast_in_dim3A : vector<2048x1xf32> to vector<2048x16xf32>
    %sub3A_6 = arith.subf %get3A_1, %sub3A : vector<2048x16xf32>
    %exp3A = math.exp %sub3A_6 : vector<2048x16xf32>
    %reduce_sum3A = arith.constant dense<0.000000e+00> : vector<2048xf32>
    %reduce_sum3A_7 = vector.multi_reduction <add>, %exp3A, %reduce_sum3A [1] : vector<2048x16xf32> to vector<2048xf32>
    %broadcast_in_dim3A_8 = vector.shape_cast %reduce_sum3A_7 : vector<2048xf32> to vector<2048x1xf32>
    %div3A = vector.broadcast %broadcast_in_dim3A_8 : vector<2048x1xf32> to vector<2048x16xf32>
    %div3A_9 = arith.divf %exp3A, %div3A : vector<2048x16xf32>
    %reduce_max3A_10 = arith.constant dense<0xFF800000> : vector<2048xf32>
    %reduce_max3A_11 = vector.multi_reduction <maximumf>, %div3A_9, %reduce_max3A_10 [1] : vector<2048x16xf32> to vector<2048xf32>
    %broadcast_in_dim3A_12 = vector.shape_cast %reduce_max3A_11 : vector<2048xf32> to vector<2048x1xf32>
    %eq3A = vector.broadcast %broadcast_in_dim3A_12 : vector<2048x1xf32> to vector<2048x16xf32>
    %eq3A_13 = arith.cmpf oeq, %div3A_9, %eq3A : vector<2048x16xf32>
    %jit3A = arith.constant 16 : i32
    %broadcast_in_dim3A_14 = vector.broadcast %jit3A : i32 to vector<2048x16xi32>
    %select_n3A = arith.select %eq3A_13, %iota3A, %broadcast_in_dim3A_14 : vector<2048x16xi1>, vector<2048x16xi32>
    %reduce_min3A = arith.constant dense<2147483647> : vector<2048xi32>
    %reduce_min3A_15 = vector.multi_reduction <minsi>, %select_n3A, %reduce_min3A [1] : vector<2048x16xi32> to vector<2048xi32>
    %broadcast_in_dim3A_16 = vector.shape_cast %reduce_min3A_15 : vector<2048xi32> to vector<2048x1xi32>
    %eq3A_17 = vector.broadcast %broadcast_in_dim3A_16 : vector<2048x1xi32> to vector<2048x16xi32>
    %eq3A_18 = arith.cmpi eq, %iota3A, %eq3A_17 : vector<2048x16xi32>
    %and3A = arith.andi %eq3A_18, %lt3A_4 : vector<2048x16xi1>
    %jit3A_19 = arith.constant 1.000000e+00 : f32
    %jit3A_20 = arith.constant 0.000000e+00 : f32
    %broadcast_in_dim3A_21 = vector.broadcast %jit3A_19 : f32 to vector<2048x16xf32>
    %broadcast_in_dim3A_22 = vector.broadcast %jit3A_20 : f32 to vector<2048x16xf32>
    %select_n3A_23 = arith.select %and3A, %broadcast_in_dim3A_21, %broadcast_in_dim3A_22 : vector<2048x16xi1>, vector<2048x16xf32>
    %jit3A_24 = arith.constant 0.000000e+00 : f32
    %broadcast_in_dim3A_25 = vector.broadcast %jit3A_24 : f32 to vector<2048x16xf32>
    %select_n3A_26 = arith.select %eq3A_18, %broadcast_in_dim3A_25, %div3A_9 : vector<2048x16xi1>, vector<2048x16xf32>
    %reduce_max3A_27 = arith.constant dense<0xFF800000> : vector<2048xf32>
    %reduce_max3A_28 = vector.multi_reduction <maximumf>, %select_n3A_26, %reduce_max3A_27 [1] : vector<2048x16xf32> to vector<2048xf32>
    %broadcast_in_dim3A_29 = vector.shape_cast %reduce_max3A_28 : vector<2048xf32> to vector<2048x1xf32>
    %eq3A_30 = vector.broadcast %broadcast_in_dim3A_29 : vector<2048x1xf32> to vector<2048x16xf32>
    %eq3A_31 = arith.cmpf oeq, %select_n3A_26, %eq3A_30 : vector<2048x16xf32>
    %jit3A_32 = arith.constant 16 : i32
    %broadcast_in_dim3A_33 = vector.broadcast %jit3A_32 : i32 to vector<2048x16xi32>
    %select_n3A_34 = arith.select %eq3A_31, %iota3A, %broadcast_in_dim3A_33 : vector<2048x16xi1>, vector<2048x16xi32>
    %reduce_min3A_35 = arith.constant dense<2147483647> : vector<2048xi32>
    %reduce_min3A_36 = vector.multi_reduction <minsi>, %select_n3A_34, %reduce_min3A_35 [1] : vector<2048x16xi32> to vector<2048xi32>
    %broadcast_in_dim3A_37 = vector.shape_cast %reduce_min3A_36 : vector<2048xi32> to vector<2048x1xi32>
    %eq3A_38 = vector.broadcast %broadcast_in_dim3A_37 : vector<2048x1xi32> to vector<2048x16xi32>
    %eq3A_39 = arith.cmpi eq, %iota3A, %eq3A_38 : vector<2048x16xi32>
    %and3A_40 = arith.andi %eq3A_39, %lt3A_4 : vector<2048x16xi1>
    %jit3A_41 = arith.constant 1.000000e+00 : f32
    %jit3A_42 = arith.constant 0.000000e+00 : f32
    %broadcast_in_dim3A_43 = vector.broadcast %jit3A_41 : f32 to vector<2048x16xf32>
    %broadcast_in_dim3A_44 = vector.broadcast %jit3A_42 : f32 to vector<2048x16xf32>
    %select_n3A_45 = arith.select %and3A_40, %broadcast_in_dim3A_43, %broadcast_in_dim3A_44 : vector<2048x16xi1>, vector<2048x16xf32>
    %iota3A_46 = tpu.iota {dimensions = array<i32: 0>} : vector<256x256xi32>
    %iota3A_47 = tpu.iota {dimensions = array<i32: 1>} : vector<256x256xi32>
    %gt3A = arith.cmpi sgt, %iota3A_46, %iota3A_47 : vector<256x256xi32>
    %jit3A_48 = arith.constant 1.000000e+00 : f32
    %jit3A_49 = arith.constant 0.000000e+00 : f32
    %broadcast_in_dim3A_50 = vector.broadcast %jit3A_48 : f32 to vector<256x256xf32>
    %broadcast_in_dim3A_51 = vector.broadcast %jit3A_49 : f32 to vector<256x256xf32>
    %select_n3A_52 = arith.select %gt3A, %broadcast_in_dim3A_50, %broadcast_in_dim3A_51 : vector<256x256xi1>, vector<256x256xf32>
    %broadcast_in_dim3A_53 = arith.constant 0.000000e+00 : f32
    %broadcast_in_dim3A_54 = vector.broadcast %broadcast_in_dim3A_53 : f32 to vector<1x16xf32>
    %slice3A = vector.extract_strided_slice %select_n3A_23 {offsets = [0, 0], sizes = [256, 16], strides = [1, 1]} : vector<2048x16xf32> to vector<256x16xf32>
    %convert_element_type3A = arith.truncf %select_n3A_52 : vector<256x256xf32> to vector<256x256xbf16>
    %convert_element_type3A_55 = arith.truncf %slice3A : vector<256x16xf32> to vector<256x16xbf16>
    %dot_general3A = arith.constant dense<0.000000e+00> : vector<256x16xf32>
    %dot_general3A_56 = tpu.matmul %convert_element_type3A, %convert_element_type3A_55, %dot_general3A {dimension_numbers = #tpu.dot_dimension_numbers<[1], [0], [0], [1], [0, 0, 1, 1], [], []>, transpose_lhs_hint = false} : vector<256x256xbf16>, vector<256x16xbf16>, vector<256x16xf32> -> vector<256x16xf32>
    %add3A = vector.broadcast %broadcast_in_dim3A_54 : vector<1x16xf32> to vector<256x16xf32>
    %add3A_57 = arith.addf %dot_general3A_56, %add3A : vector<256x16xf32>
    %reduce_sum3A_58 = arith.constant dense<0.000000e+00> : vector<16xf32>
    %reduce_sum3A_59 = vector.multi_reduction <add>, %slice3A, %reduce_sum3A_58 [0] : vector<256x16xf32> to vector<16xf32>
    %broadcast_in_dim3A_60 = vector.shape_cast %reduce_sum3A_59 : vector<16xf32> to vector<1x16xf32>
    %add3A_61 = arith.addf %broadcast_in_dim3A_54, %broadcast_in_dim3A_60 : vector<1x16xf32>
    %slice3A_62 = vector.extract_strided_slice %select_n3A_23 {offsets = [256, 0], sizes = [256, 16], strides = [1, 1]} : vector<2048x16xf32> to vector<256x16xf32>
    %convert_element_type3A_63 = arith.truncf %select_n3A_52 : vector<256x256xf32> to vector<256x256xbf16>
    %convert_element_type3A_64 = arith.truncf %slice3A_62 : vector<256x16xf32> to vector<256x16xbf16>
    %dot_general3A_65 = arith.constant dense<0.000000e+00> : vector<256x16xf32>
    %dot_general3A_66 = tpu.matmul %convert_element_type3A_63, %convert_element_type3A_64, %dot_general3A_65 {dimension_numbers = #tpu.dot_dimension_numbers<[1], [0], [0], [1], [0, 0, 1, 1], [], []>, transpose_lhs_hint = false} : vector<256x256xbf16>, vector<256x16xbf16>, vector<256x16xf32> -> vector<256x16xf32>
    %add3A_67 = vector.broadcast %add3A_61 : vector<1x16xf32> to vector<256x16xf32>
    %add3A_68 = arith.addf %dot_general3A_66, %add3A_67 : vector<256x16xf32>
    %reduce_sum3A_69 = arith.constant dense<0.000000e+00> : vector<16xf32>
    %reduce_sum3A_70 = vector.multi_reduction <add>, %slice3A_62, %reduce_sum3A_69 [0] : vector<256x16xf32> to vector<16xf32>
    %broadcast_in_dim3A_71 = vector.shape_cast %reduce_sum3A_70 : vector<16xf32> to vector<1x16xf32>
    %add3A_72 = arith.addf %add3A_61, %broadcast_in_dim3A_71 : vector<1x16xf32>
    %slice3A_73 = vector.extract_strided_slice %select_n3A_23 {offsets = [512, 0], sizes = [256, 16], strides = [1, 1]} : vector<2048x16xf32> to vector<256x16xf32>
    %convert_element_type3A_74 = arith.truncf %select_n3A_52 : vector<256x256xf32> to vector<256x256xbf16>
    %convert_element_type3A_75 = arith.truncf %slice3A_73 : vector<256x16xf32> to vector<256x16xbf16>
    %dot_general3A_76 = arith.constant dense<0.000000e+00> : vector<256x16xf32>
    %dot_general3A_77 = tpu.matmul %convert_element_type3A_74, %convert_element_type3A_75, %dot_general3A_76 {dimension_numbers = #tpu.dot_dimension_numbers<[1], [0], [0], [1], [0, 0, 1, 1], [], []>, transpose_lhs_hint = false} : vector<256x256xbf16>, vector<256x16xbf16>, vector<256x16xf32> -> vector<256x16xf32>
    %add3A_78 = vector.broadcast %add3A_72 : vector<1x16xf32> to vector<256x16xf32>
    %add3A_79 = arith.addf %dot_general3A_77, %add3A_78 : vector<256x16xf32>
    %reduce_sum3A_80 = arith.constant dense<0.000000e+00> : vector<16xf32>
    %reduce_sum3A_81 = vector.multi_reduction <add>, %slice3A_73, %reduce_sum3A_80 [0] : vector<256x16xf32> to vector<16xf32>
    %broadcast_in_dim3A_82 = vector.shape_cast %reduce_sum3A_81 : vector<16xf32> to vector<1x16xf32>
    %add3A_83 = arith.addf %add3A_72, %broadcast_in_dim3A_82 : vector<1x16xf32>
    %slice3A_84 = vector.extract_strided_slice %select_n3A_23 {offsets = [768, 0], sizes = [256, 16], strides = [1, 1]} : vector<2048x16xf32> to vector<256x16xf32>
    %convert_element_type3A_85 = arith.truncf %select_n3A_52 : vector<256x256xf32> to vector<256x256xbf16>
    %convert_element_type3A_86 = arith.truncf %slice3A_84 : vector<256x16xf32> to vector<256x16xbf16>
    %dot_general3A_87 = arith.constant dense<0.000000e+00> : vector<256x16xf32>
    %dot_general3A_88 = tpu.matmul %convert_element_type3A_85, %convert_element_type3A_86, %dot_general3A_87 {dimension_numbers = #tpu.dot_dimension_numbers<[1], [0], [0], [1], [0, 0, 1, 1], [], []>, transpose_lhs_hint = false} : vector<256x256xbf16>, vector<256x16xbf16>, vector<256x16xf32> -> vector<256x16xf32>
    %add3A_89 = vector.broadcast %add3A_83 : vector<1x16xf32> to vector<256x16xf32>
    %add3A_90 = arith.addf %dot_general3A_88, %add3A_89 : vector<256x16xf32>
    %reduce_sum3A_91 = arith.constant dense<0.000000e+00> : vector<16xf32>
    %reduce_sum3A_92 = vector.multi_reduction <add>, %slice3A_84, %reduce_sum3A_91 [0] : vector<256x16xf32> to vector<16xf32>
    %broadcast_in_dim3A_93 = vector.shape_cast %reduce_sum3A_92 : vector<16xf32> to vector<1x16xf32>
    %add3A_94 = arith.addf %add3A_83, %broadcast_in_dim3A_93 : vector<1x16xf32>
    %slice3A_95 = vector.extract_strided_slice %select_n3A_23 {offsets = [1024, 0], sizes = [256, 16], strides = [1, 1]} : vector<2048x16xf32> to vector<256x16xf32>
    %convert_element_type3A_96 = arith.truncf %select_n3A_52 : vector<256x256xf32> to vector<256x256xbf16>
    %convert_element_type3A_97 = arith.truncf %slice3A_95 : vector<256x16xf32> to vector<256x16xbf16>
    %dot_general3A_98 = arith.constant dense<0.000000e+00> : vector<256x16xf32>
    %dot_general3A_99 = tpu.matmul %convert_element_type3A_96, %convert_element_type3A_97, %dot_general3A_98 {dimension_numbers = #tpu.dot_dimension_numbers<[1], [0], [0], [1], [0, 0, 1, 1], [], []>, transpose_lhs_hint = false} : vector<256x256xbf16>, vector<256x16xbf16>, vector<256x16xf32> -> vector<256x16xf32>
    %add3A_100 = vector.broadcast %add3A_94 : vector<1x16xf32> to vector<256x16xf32>
    %add3A_101 = arith.addf %dot_general3A_99, %add3A_100 : vector<256x16xf32>
    %reduce_sum3A_102 = arith.constant dense<0.000000e+00> : vector<16xf32>
    %reduce_sum3A_103 = vector.multi_reduction <add>, %slice3A_95, %reduce_sum3A_102 [0] : vector<256x16xf32> to vector<16xf32>
    %broadcast_in_dim3A_104 = vector.shape_cast %reduce_sum3A_103 : vector<16xf32> to vector<1x16xf32>
    %add3A_105 = arith.addf %add3A_94, %broadcast_in_dim3A_104 : vector<1x16xf32>
    %slice3A_106 = vector.extract_strided_slice %select_n3A_23 {offsets = [1280, 0], sizes = [256, 16], strides = [1, 1]} : vector<2048x16xf32> to vector<256x16xf32>
    %convert_element_type3A_107 = arith.truncf %select_n3A_52 : vector<256x256xf32> to vector<256x256xbf16>
    %convert_element_type3A_108 = arith.truncf %slice3A_106 : vector<256x16xf32> to vector<256x16xbf16>
    %dot_general3A_109 = arith.constant dense<0.000000e+00> : vector<256x16xf32>
    %dot_general3A_110 = tpu.matmul %convert_element_type3A_107, %convert_element_type3A_108, %dot_general3A_109 {dimension_numbers = #tpu.dot_dimension_numbers<[1], [0], [0], [1], [0, 0, 1, 1], [], []>, transpose_lhs_hint = false} : vector<256x256xbf16>, vector<256x16xbf16>, vector<256x16xf32> -> vector<256x16xf32>
    %add3A_111 = vector.broadcast %add3A_105 : vector<1x16xf32> to vector<256x16xf32>
    %add3A_112 = arith.addf %dot_general3A_110, %add3A_111 : vector<256x16xf32>
    %reduce_sum3A_113 = arith.constant dense<0.000000e+00> : vector<16xf32>
    %reduce_sum3A_114 = vector.multi_reduction <add>, %slice3A_106, %reduce_sum3A_113 [0] : vector<256x16xf32> to vector<16xf32>
    %broadcast_in_dim3A_115 = vector.shape_cast %reduce_sum3A_114 : vector<16xf32> to vector<1x16xf32>
    %add3A_116 = arith.addf %add3A_105, %broadcast_in_dim3A_115 : vector<1x16xf32>
    %slice3A_117 = vector.extract_strided_slice %select_n3A_23 {offsets = [1536, 0], sizes = [256, 16], strides = [1, 1]} : vector<2048x16xf32> to vector<256x16xf32>
    %convert_element_type3A_118 = arith.truncf %select_n3A_52 : vector<256x256xf32> to vector<256x256xbf16>
    %convert_element_type3A_119 = arith.truncf %slice3A_117 : vector<256x16xf32> to vector<256x16xbf16>
    %dot_general3A_120 = arith.constant dense<0.000000e+00> : vector<256x16xf32>
    %dot_general3A_121 = tpu.matmul %convert_element_type3A_118, %convert_element_type3A_119, %dot_general3A_120 {dimension_numbers = #tpu.dot_dimension_numbers<[1], [0], [0], [1], [0, 0, 1, 1], [], []>, transpose_lhs_hint = false} : vector<256x256xbf16>, vector<256x16xbf16>, vector<256x16xf32> -> vector<256x16xf32>
    %add3A_122 = vector.broadcast %add3A_116 : vector<1x16xf32> to vector<256x16xf32>
    %add3A_123 = arith.addf %dot_general3A_121, %add3A_122 : vector<256x16xf32>
    %reduce_sum3A_124 = arith.constant dense<0.000000e+00> : vector<16xf32>
    %reduce_sum3A_125 = vector.multi_reduction <add>, %slice3A_117, %reduce_sum3A_124 [0] : vector<256x16xf32> to vector<16xf32>
    %broadcast_in_dim3A_126 = vector.shape_cast %reduce_sum3A_125 : vector<16xf32> to vector<1x16xf32>
    %add3A_127 = arith.addf %add3A_116, %broadcast_in_dim3A_126 : vector<1x16xf32>
    %slice3A_128 = vector.extract_strided_slice %select_n3A_23 {offsets = [1792, 0], sizes = [256, 16], strides = [1, 1]} : vector<2048x16xf32> to vector<256x16xf32>
    %convert_element_type3A_129 = arith.truncf %select_n3A_52 : vector<256x256xf32> to vector<256x256xbf16>
    %convert_element_type3A_130 = arith.truncf %slice3A_128 : vector<256x16xf32> to vector<256x16xbf16>
    %dot_general3A_131 = arith.constant dense<0.000000e+00> : vector<256x16xf32>
    %dot_general3A_132 = tpu.matmul %convert_element_type3A_129, %convert_element_type3A_130, %dot_general3A_131 {dimension_numbers = #tpu.dot_dimension_numbers<[1], [0], [0], [1], [0, 0, 1, 1], [], []>, transpose_lhs_hint = false} : vector<256x256xbf16>, vector<256x16xbf16>, vector<256x16xf32> -> vector<256x16xf32>
    %add3A_133 = vector.broadcast %add3A_127 : vector<1x16xf32> to vector<256x16xf32>
    %add3A_134 = arith.addf %dot_general3A_132, %add3A_133 : vector<256x16xf32>
    %reduce_sum3A_135 = arith.constant dense<0.000000e+00> : vector<16xf32>
    %reduce_sum3A_136 = vector.multi_reduction <add>, %slice3A_128, %reduce_sum3A_135 [0] : vector<256x16xf32> to vector<16xf32>
    %broadcast_in_dim3A_137 = vector.shape_cast %reduce_sum3A_136 : vector<16xf32> to vector<1x16xf32>
    %add3A_138 = arith.addf %add3A_127, %broadcast_in_dim3A_137 : vector<1x16xf32>
    %concatenate3A = tpu.concatenate %add3A_57, %add3A_68, %add3A_79, %add3A_90, %add3A_101, %add3A_112, %add3A_123, %add3A_134 in 0 : vector<256x16xf32>, vector<256x16xf32>, vector<256x16xf32>, vector<256x16xf32>, vector<256x16xf32>, vector<256x16xf32>, vector<256x16xf32>, vector<256x16xf32> -> vector<2048x16xf32>
    %broadcast_in_dim3A_139 = arith.constant 0.000000e+00 : f32
    %broadcast_in_dim3A_140 = vector.broadcast %broadcast_in_dim3A_139 : f32 to vector<1x16xf32>
    %slice3A_141 = vector.extract_strided_slice %select_n3A_45 {offsets = [0, 0], sizes = [256, 16], strides = [1, 1]} : vector<2048x16xf32> to vector<256x16xf32>
    %convert_element_type3A_142 = arith.truncf %select_n3A_52 : vector<256x256xf32> to vector<256x256xbf16>
    %convert_element_type3A_143 = arith.truncf %slice3A_141 : vector<256x16xf32> to vector<256x16xbf16>
    %dot_general3A_144 = arith.constant dense<0.000000e+00> : vector<256x16xf32>
    %dot_general3A_145 = tpu.matmul %convert_element_type3A_142, %convert_element_type3A_143, %dot_general3A_144 {dimension_numbers = #tpu.dot_dimension_numbers<[1], [0], [0], [1], [0, 0, 1, 1], [], []>, transpose_lhs_hint = false} : vector<256x256xbf16>, vector<256x16xbf16>, vector<256x16xf32> -> vector<256x16xf32>
    %add3A_146 = vector.broadcast %broadcast_in_dim3A_140 : vector<1x16xf32> to vector<256x16xf32>
    %add3A_147 = arith.addf %dot_general3A_145, %add3A_146 : vector<256x16xf32>
    %reduce_sum3A_148 = arith.constant dense<0.000000e+00> : vector<16xf32>
    %reduce_sum3A_149 = vector.multi_reduction <add>, %slice3A_141, %reduce_sum3A_148 [0] : vector<256x16xf32> to vector<16xf32>
    %broadcast_in_dim3A_150 = vector.shape_cast %reduce_sum3A_149 : vector<16xf32> to vector<1x16xf32>
    %add3A_151 = arith.addf %broadcast_in_dim3A_140, %broadcast_in_dim3A_150 : vector<1x16xf32>
    %slice3A_152 = vector.extract_strided_slice %select_n3A_45 {offsets = [256, 0], sizes = [256, 16], strides = [1, 1]} : vector<2048x16xf32> to vector<256x16xf32>
    %convert_element_type3A_153 = arith.truncf %select_n3A_52 : vector<256x256xf32> to vector<256x256xbf16>
    %convert_element_type3A_154 = arith.truncf %slice3A_152 : vector<256x16xf32> to vector<256x16xbf16>
    %dot_general3A_155 = arith.constant dense<0.000000e+00> : vector<256x16xf32>
    %dot_general3A_156 = tpu.matmul %convert_element_type3A_153, %convert_element_type3A_154, %dot_general3A_155 {dimension_numbers = #tpu.dot_dimension_numbers<[1], [0], [0], [1], [0, 0, 1, 1], [], []>, transpose_lhs_hint = false} : vector<256x256xbf16>, vector<256x16xbf16>, vector<256x16xf32> -> vector<256x16xf32>
    %add3A_157 = vector.broadcast %add3A_151 : vector<1x16xf32> to vector<256x16xf32>
    %add3A_158 = arith.addf %dot_general3A_156, %add3A_157 : vector<256x16xf32>
    %reduce_sum3A_159 = arith.constant dense<0.000000e+00> : vector<16xf32>
    %reduce_sum3A_160 = vector.multi_reduction <add>, %slice3A_152, %reduce_sum3A_159 [0] : vector<256x16xf32> to vector<16xf32>
    %broadcast_in_dim3A_161 = vector.shape_cast %reduce_sum3A_160 : vector<16xf32> to vector<1x16xf32>
    %add3A_162 = arith.addf %add3A_151, %broadcast_in_dim3A_161 : vector<1x16xf32>
    %slice3A_163 = vector.extract_strided_slice %select_n3A_45 {offsets = [512, 0], sizes = [256, 16], strides = [1, 1]} : vector<2048x16xf32> to vector<256x16xf32>
    %convert_element_type3A_164 = arith.truncf %select_n3A_52 : vector<256x256xf32> to vector<256x256xbf16>
    %convert_element_type3A_165 = arith.truncf %slice3A_163 : vector<256x16xf32> to vector<256x16xbf16>
    %dot_general3A_166 = arith.constant dense<0.000000e+00> : vector<256x16xf32>
    %dot_general3A_167 = tpu.matmul %convert_element_type3A_164, %convert_element_type3A_165, %dot_general3A_166 {dimension_numbers = #tpu.dot_dimension_numbers<[1], [0], [0], [1], [0, 0, 1, 1], [], []>, transpose_lhs_hint = false} : vector<256x256xbf16>, vector<256x16xbf16>, vector<256x16xf32> -> vector<256x16xf32>
    %add3A_168 = vector.broadcast %add3A_162 : vector<1x16xf32> to vector<256x16xf32>
    %add3A_169 = arith.addf %dot_general3A_167, %add3A_168 : vector<256x16xf32>
    %reduce_sum3A_170 = arith.constant dense<0.000000e+00> : vector<16xf32>
    %reduce_sum3A_171 = vector.multi_reduction <add>, %slice3A_163, %reduce_sum3A_170 [0] : vector<256x16xf32> to vector<16xf32>
    %broadcast_in_dim3A_172 = vector.shape_cast %reduce_sum3A_171 : vector<16xf32> to vector<1x16xf32>
    %add3A_173 = arith.addf %add3A_162, %broadcast_in_dim3A_172 : vector<1x16xf32>
    %slice3A_174 = vector.extract_strided_slice %select_n3A_45 {offsets = [768, 0], sizes = [256, 16], strides = [1, 1]} : vector<2048x16xf32> to vector<256x16xf32>
    %convert_element_type3A_175 = arith.truncf %select_n3A_52 : vector<256x256xf32> to vector<256x256xbf16>
    %convert_element_type3A_176 = arith.truncf %slice3A_174 : vector<256x16xf32> to vector<256x16xbf16>
    %dot_general3A_177 = arith.constant dense<0.000000e+00> : vector<256x16xf32>
    %dot_general3A_178 = tpu.matmul %convert_element_type3A_175, %convert_element_type3A_176, %dot_general3A_177 {dimension_numbers = #tpu.dot_dimension_numbers<[1], [0], [0], [1], [0, 0, 1, 1], [], []>, transpose_lhs_hint = false} : vector<256x256xbf16>, vector<256x16xbf16>, vector<256x16xf32> -> vector<256x16xf32>
    %add3A_179 = vector.broadcast %add3A_173 : vector<1x16xf32> to vector<256x16xf32>
    %add3A_180 = arith.addf %dot_general3A_178, %add3A_179 : vector<256x16xf32>
    %reduce_sum3A_181 = arith.constant dense<0.000000e+00> : vector<16xf32>
    %reduce_sum3A_182 = vector.multi_reduction <add>, %slice3A_174, %reduce_sum3A_181 [0] : vector<256x16xf32> to vector<16xf32>
    %broadcast_in_dim3A_183 = vector.shape_cast %reduce_sum3A_182 : vector<16xf32> to vector<1x16xf32>
    %add3A_184 = arith.addf %add3A_173, %broadcast_in_dim3A_183 : vector<1x16xf32>
    %slice3A_185 = vector.extract_strided_slice %select_n3A_45 {offsets = [1024, 0], sizes = [256, 16], strides = [1, 1]} : vector<2048x16xf32> to vector<256x16xf32>
    %convert_element_type3A_186 = arith.truncf %select_n3A_52 : vector<256x256xf32> to vector<256x256xbf16>
    %convert_element_type3A_187 = arith.truncf %slice3A_185 : vector<256x16xf32> to vector<256x16xbf16>
    %dot_general3A_188 = arith.constant dense<0.000000e+00> : vector<256x16xf32>
    %dot_general3A_189 = tpu.matmul %convert_element_type3A_186, %convert_element_type3A_187, %dot_general3A_188 {dimension_numbers = #tpu.dot_dimension_numbers<[1], [0], [0], [1], [0, 0, 1, 1], [], []>, transpose_lhs_hint = false} : vector<256x256xbf16>, vector<256x16xbf16>, vector<256x16xf32> -> vector<256x16xf32>
    %add3A_190 = vector.broadcast %add3A_184 : vector<1x16xf32> to vector<256x16xf32>
    %add3A_191 = arith.addf %dot_general3A_189, %add3A_190 : vector<256x16xf32>
    %reduce_sum3A_192 = arith.constant dense<0.000000e+00> : vector<16xf32>
    %reduce_sum3A_193 = vector.multi_reduction <add>, %slice3A_185, %reduce_sum3A_192 [0] : vector<256x16xf32> to vector<16xf32>
    %broadcast_in_dim3A_194 = vector.shape_cast %reduce_sum3A_193 : vector<16xf32> to vector<1x16xf32>
    %add3A_195 = arith.addf %add3A_184, %broadcast_in_dim3A_194 : vector<1x16xf32>
    %slice3A_196 = vector.extract_strided_slice %select_n3A_45 {offsets = [1280, 0], sizes = [256, 16], strides = [1, 1]} : vector<2048x16xf32> to vector<256x16xf32>
    %convert_element_type3A_197 = arith.truncf %select_n3A_52 : vector<256x256xf32> to vector<256x256xbf16>
    %convert_element_type3A_198 = arith.truncf %slice3A_196 : vector<256x16xf32> to vector<256x16xbf16>
    %dot_general3A_199 = arith.constant dense<0.000000e+00> : vector<256x16xf32>
    %dot_general3A_200 = tpu.matmul %convert_element_type3A_197, %convert_element_type3A_198, %dot_general3A_199 {dimension_numbers = #tpu.dot_dimension_numbers<[1], [0], [0], [1], [0, 0, 1, 1], [], []>, transpose_lhs_hint = false} : vector<256x256xbf16>, vector<256x16xbf16>, vector<256x16xf32> -> vector<256x16xf32>
    %add3A_201 = vector.broadcast %add3A_195 : vector<1x16xf32> to vector<256x16xf32>
    %add3A_202 = arith.addf %dot_general3A_200, %add3A_201 : vector<256x16xf32>
    %reduce_sum3A_203 = arith.constant dense<0.000000e+00> : vector<16xf32>
    %reduce_sum3A_204 = vector.multi_reduction <add>, %slice3A_196, %reduce_sum3A_203 [0] : vector<256x16xf32> to vector<16xf32>
    %broadcast_in_dim3A_205 = vector.shape_cast %reduce_sum3A_204 : vector<16xf32> to vector<1x16xf32>
    %add3A_206 = arith.addf %add3A_195, %broadcast_in_dim3A_205 : vector<1x16xf32>
    %slice3A_207 = vector.extract_strided_slice %select_n3A_45 {offsets = [1536, 0], sizes = [256, 16], strides = [1, 1]} : vector<2048x16xf32> to vector<256x16xf32>
    %convert_element_type3A_208 = arith.truncf %select_n3A_52 : vector<256x256xf32> to vector<256x256xbf16>
    %convert_element_type3A_209 = arith.truncf %slice3A_207 : vector<256x16xf32> to vector<256x16xbf16>
    %dot_general3A_210 = arith.constant dense<0.000000e+00> : vector<256x16xf32>
    %dot_general3A_211 = tpu.matmul %convert_element_type3A_208, %convert_element_type3A_209, %dot_general3A_210 {dimension_numbers = #tpu.dot_dimension_numbers<[1], [0], [0], [1], [0, 0, 1, 1], [], []>, transpose_lhs_hint = false} : vector<256x256xbf16>, vector<256x16xbf16>, vector<256x16xf32> -> vector<256x16xf32>
    %add3A_212 = vector.broadcast %add3A_206 : vector<1x16xf32> to vector<256x16xf32>
    %add3A_213 = arith.addf %dot_general3A_211, %add3A_212 : vector<256x16xf32>
    %reduce_sum3A_214 = arith.constant dense<0.000000e+00> : vector<16xf32>
    %reduce_sum3A_215 = vector.multi_reduction <add>, %slice3A_207, %reduce_sum3A_214 [0] : vector<256x16xf32> to vector<16xf32>
    %broadcast_in_dim3A_216 = vector.shape_cast %reduce_sum3A_215 : vector<16xf32> to vector<1x16xf32>
    %add3A_217 = arith.addf %add3A_206, %broadcast_in_dim3A_216 : vector<1x16xf32>
    %slice3A_218 = vector.extract_strided_slice %select_n3A_45 {offsets = [1792, 0], sizes = [256, 16], strides = [1, 1]} : vector<2048x16xf32> to vector<256x16xf32>
    %convert_element_type3A_219 = arith.truncf %select_n3A_52 : vector<256x256xf32> to vector<256x256xbf16>
    %convert_element_type3A_220 = arith.truncf %slice3A_218 : vector<256x16xf32> to vector<256x16xbf16>
    %dot_general3A_221 = arith.constant dense<0.000000e+00> : vector<256x16xf32>
    %dot_general3A_222 = tpu.matmul %convert_element_type3A_219, %convert_element_type3A_220, %dot_general3A_221 {dimension_numbers = #tpu.dot_dimension_numbers<[1], [0], [0], [1], [0, 0, 1, 1], [], []>, transpose_lhs_hint = false} : vector<256x256xbf16>, vector<256x16xbf16>, vector<256x16xf32> -> vector<256x16xf32>
    %add3A_223 = vector.broadcast %add3A_217 : vector<1x16xf32> to vector<256x16xf32>
    %add3A_224 = arith.addf %dot_general3A_222, %add3A_223 : vector<256x16xf32>
    %concatenate3A_225 = tpu.concatenate %add3A_147, %add3A_158, %add3A_169, %add3A_180, %add3A_191, %add3A_202, %add3A_213, %add3A_224 in 0 : vector<256x16xf32>, vector<256x16xf32>, vector<256x16xf32>, vector<256x16xf32>, vector<256x16xf32>, vector<256x16xf32>, vector<256x16xf32>, vector<256x16xf32> -> vector<2048x16xf32>
    %add3A_226 = vector.broadcast %add3A_138 : vector<1x16xf32> to vector<2048x16xf32>
    %add3A_227 = arith.addf %concatenate3A_225, %add3A_226 : vector<2048x16xf32>
    %lt3A_228 = arith.constant 1.970000e+02 : f32
    %lt3A_229 = vector.broadcast %lt3A_228 : f32 to vector<2048x16xf32>
    %lt3A_230 = arith.cmpf olt, %concatenate3A, %lt3A_229 : vector<2048x16xf32>
    %jit3A_231 = arith.constant 0.000000e+00 : f32
    %broadcast_in_dim3A_232 = vector.broadcast %jit3A_231 : f32 to vector<2048x16xf32>
    %select_n3A_233 = arith.select %lt3A_230, %select_n3A_23, %broadcast_in_dim3A_232 : vector<2048x16xi1>, vector<2048x16xf32>
    %lt3A_234 = arith.constant 1.970000e+02 : f32
    %lt3A_235 = vector.broadcast %lt3A_234 : f32 to vector<2048x16xf32>
    %lt3A_236 = arith.cmpf olt, %add3A_227, %lt3A_235 : vector<2048x16xf32>
    %jit3A_237 = arith.constant 0.000000e+00 : f32
    %broadcast_in_dim3A_238 = vector.broadcast %jit3A_237 : f32 to vector<2048x16xf32>
    %select_n3A_239 = arith.select %lt3A_236, %select_n3A_45, %broadcast_in_dim3A_238 : vector<2048x16xi1>, vector<2048x16xf32>
    %mul3A = arith.mulf %concatenate3A, %select_n3A_233 : vector<2048x16xf32>
    %reduce_sum3A_240 = arith.constant dense<0.000000e+00> : vector<2048xf32>
    %reduce_sum3A_241 = vector.multi_reduction <add>, %mul3A, %reduce_sum3A_240 [1] : vector<2048x16xf32> to vector<2048xf32>
    %convert_element_type3A_242 = arith.fptosi %reduce_sum3A_241 : vector<2048xf32> to vector<2048xi32>
    %mul3A_243 = arith.mulf %add3A_227, %select_n3A_239 : vector<2048x16xf32>
    %reduce_sum3A_244 = arith.constant dense<0.000000e+00> : vector<2048xf32>
    %reduce_sum3A_245 = vector.multi_reduction <add>, %mul3A_243, %reduce_sum3A_244 [1] : vector<2048x16xf32> to vector<2048xf32>
    %convert_element_type3A_246 = arith.fptosi %reduce_sum3A_245 : vector<2048xf32> to vector<2048xi32>
    %mul3A_247 = arith.mulf %div3A_9, %select_n3A_233 : vector<2048x16xf32>
    %reduce_sum3A_248 = arith.constant dense<0.000000e+00> : vector<2048xf32>
    %reduce_sum3A_249 = vector.multi_reduction <add>, %mul3A_247, %reduce_sum3A_248 [1] : vector<2048x16xf32> to vector<2048xf32>
    %mul3A_250 = arith.mulf %div3A_9, %select_n3A_239 : vector<2048x16xf32>
    %reduce_sum3A_251 = arith.constant dense<0.000000e+00> : vector<2048xf32>
    %reduce_sum3A_252 = vector.multi_reduction <add>, %mul3A_250, %reduce_sum3A_251 [1] : vector<2048x16xf32> to vector<2048xf32>
    %add3A_253 = arith.addf %reduce_sum3A_249, %reduce_sum3A_252 : vector<2048xf32>
    %add3A_254 = arith.constant 9.99999971E-10 : f32
    %add3A_255 = vector.broadcast %add3A_254 : f32 to vector<2048xf32>
    %add3A_256 = arith.addf %add3A_253, %add3A_255 : vector<2048xf32>
    %div3A_257 = arith.divf %reduce_sum3A_249, %add3A_256 : vector<2048xf32>
    %swap3A = arith.constant 0 : index
    %swap3A_258 = vector.load %arg5[%swap3A] : memref<2048xf32, #tpu.memory_space<vmem>>, vector<2048xf32>
    tpu.vector_store %arg5[%swap3A], %div3A_257 {strides = array<i32>} : memref<2048xf32, #tpu.memory_space<vmem>>, vector<2048xf32>,
    %div3A_259 = arith.divf %reduce_sum3A_252, %add3A_256 : vector<2048xf32>
    %swap3A_260 = arith.constant 0 : index
    %swap3A_261 = vector.load %arg6[%swap3A_260] : memref<2048xf32, #tpu.memory_space<vmem>>, vector<2048xf32>
    tpu.vector_store %arg6[%swap3A_260], %div3A_259 {strides = array<i32>} : memref<2048xf32, #tpu.memory_space<vmem>>, vector<2048xf32>,
    %reduce_sum3A_262 = arith.constant dense<0.000000e+00> : vector<2048xf32>
    %reduce_sum3A_263 = vector.multi_reduction <add>, %select_n3A_233, %reduce_sum3A_262 [1] : vector<2048x16xf32> to vector<2048xf32>
    %gt3A_264 = arith.constant 0.000000e+00 : f32
    %gt3A_265 = vector.broadcast %gt3A_264 : f32 to vector<2048xf32>
    %gt3A_266 = arith.cmpf ogt, %reduce_sum3A_263, %gt3A_265 : vector<2048xf32>
    %reduce_sum3A_267 = arith.constant dense<0.000000e+00> : vector<2048xf32>
    %reduce_sum3A_268 = vector.multi_reduction <add>, %select_n3A_239, %reduce_sum3A_267 [1] : vector<2048x16xf32> to vector<2048xf32>
    %gt3A_269 = arith.constant 0.000000e+00 : f32
    %gt3A_270 = vector.broadcast %gt3A_269 : f32 to vector<2048xf32>
    %gt3A_271 = arith.cmpf ogt, %reduce_sum3A_268, %gt3A_270 : vector<2048xf32>
    %mul3A_272 = arith.constant 208 : i32
    %mul3A_273 = vector.broadcast %mul3A_272 : i32 to vector<2048xi32>
    %mul3A_274 = arith.muli %reduce_min3A_15, %mul3A_273 : vector<2048xi32>
    %add3A_275 = arith.addi %mul3A_274, %convert_element_type3A_242 : vector<2048xi32>
    %mul3A_276 = arith.constant 208 : i32
    %mul3A_277 = vector.broadcast %mul3A_276 : i32 to vector<2048xi32>
    %mul3A_278 = arith.muli %reduce_min3A_36, %mul3A_277 : vector<2048xi32>
    %add3A_279 = arith.addi %mul3A_278, %convert_element_type3A_246 : vector<2048xi32>
    %jit3A_280 = arith.constant 3328 : i32
    %broadcast_in_dim3A_281 = vector.broadcast %jit3A_280 : i32 to vector<2048xi32>
    %select_n3A_282 = arith.select %gt3A_266, %add3A_275, %broadcast_in_dim3A_281 : vector<2048xi1>, vector<2048xi32>
    %swap3A_283 = arith.constant 0 : index
    %swap3A_284 = vector.load %arg1[%swap3A_283] : memref<2048xi32, #tpu.memory_space<vmem>>, vector<2048xi32>
    tpu.vector_store %arg1[%swap3A_283], %select_n3A_282 {strides = array<i32>} : memref<2048xi32, #tpu.memory_space<vmem>>, vector<2048xi32>,
    %jit3A_285 = arith.constant 3328 : i32
    %broadcast_in_dim3A_286 = vector.broadcast %jit3A_285 : i32 to vector<2048xi32>
    %select_n3A_287 = arith.select %gt3A_271, %add3A_279, %broadcast_in_dim3A_286 : vector<2048xi1>, vector<2048xi32>
    %swap3A_288 = arith.constant 0 : index
    %swap3A_289 = vector.load %arg2[%swap3A_288] : memref<2048xi32, #tpu.memory_space<vmem>>, vector<2048xi32>
    tpu.vector_store %arg2[%swap3A_288], %select_n3A_287 {strides = array<i32>} : memref<2048xi32, #tpu.memory_space<vmem>>, vector<2048xi32>,
    %jit3A_290 = arith.constant 0 : i32
    %broadcast_in_dim3A_291 = vector.broadcast %jit3A_290 : i32 to vector<2048xi32>
    %select_n3A_292 = arith.select %gt3A_266, %add3A_275, %broadcast_in_dim3A_291 : vector<2048xi1>, vector<2048xi32>
    %swap3A_293 = arith.constant 0 : index
    %swap3A_294 = vector.load %arg3[%swap3A_293] : memref<2048xi32, #tpu.memory_space<vmem>>, vector<2048xi32>
    tpu.vector_store %arg3[%swap3A_293], %select_n3A_292 {strides = array<i32>} : memref<2048xi32, #tpu.memory_space<vmem>>, vector<2048xi32>,
    %jit3A_295 = arith.constant 0 : i32
    %broadcast_in_dim3A_296 = vector.broadcast %jit3A_295 : i32 to vector<2048xi32>
    %select_n3A_297 = arith.select %gt3A_271, %add3A_279, %broadcast_in_dim3A_296 : vector<2048xi1>, vector<2048xi32>
    %swap3A_298 = arith.constant 0 : index
    %swap3A_299 = vector.load %arg4[%swap3A_298] : memref<2048xi32, #tpu.memory_space<vmem>>, vector<2048xi32>
    tpu.vector_store %arg4[%swap3A_298], %select_n3A_297 {strides = array<i32>} : memref<2048xi32, #tpu.memory_space<vmem>>, vector<2048xi32>,
    return
  }
}

module attributes {stable_mosaic.version = 14 : i64} {
  func.func @_ffn_body(%arg0: i32, %arg1: memref<1x208x768xf32, #tpu.memory_space<vmem>>, %arg2: memref<1x768x1024xf32, #tpu.memory_space<vmem>>, %arg3: memref<1x1x1024xf32, #tpu.memory_space<vmem>>, %arg4: memref<1x1024x768xf32, #tpu.memory_space<vmem>>, %arg5: memref<1x1x768xf32, #tpu.memory_space<vmem>>, %arg6: memref<1x208x768xf32, #tpu.memory_space<vmem>>) attributes {dimension_semantics = [#tpu.dimension_semantics<arbitrary>], iteration_bounds = array<i64: 16>, scalar_prefetch = 0 : i64, scratch_operands = 0 : i64, tpu.core_type = #tpu.core_type<tc>, window_params = [{transform_indices = @transform_0, window_bounds = array<i64: 1, 208, 768>}, {transform_indices = @transform_1, window_bounds = array<i64: 1, 768, 1024>}, {transform_indices = @transform_2, window_bounds = array<i64: 1, 1, 1024>}, {transform_indices = @transform_3, window_bounds = array<i64: 1, 1024, 768>}, {transform_indices = @transform_4, window_bounds = array<i64: 1, 1, 768>}, {transform_indices = @transform_5, window_bounds = array<i64: 1, 208, 768>}]} {
    %get3A = arith.constant 0 : index
    %get3A_0 = arith.constant 0 : index
    %get3A_1 = arith.constant 0 : index
    %get3A_2 = vector.load %arg1[%get3A, %get3A_0, %get3A_1] : memref<1x208x768xf32, #tpu.memory_space<vmem>>, vector<1x208x768xf32>
    %get3A_3 = vector.shape_cast %get3A_2 : vector<1x208x768xf32> to vector<208x768xf32>
    %get3A_4 = arith.constant 0 : index
    %get3A_5 = arith.constant 0 : index
    %get3A_6 = arith.constant 0 : index
    %get3A_7 = vector.load %arg2[%get3A_4, %get3A_5, %get3A_6] : memref<1x768x1024xf32, #tpu.memory_space<vmem>>, vector<1x768x1024xf32>
    %get3A_8 = vector.shape_cast %get3A_7 : vector<1x768x1024xf32> to vector<768x1024xf32>
    %convert_element_type3A = arith.truncf %get3A_3 : vector<208x768xf32> to vector<208x768xbf16>
    %convert_element_type3A_9 = arith.truncf %get3A_8 : vector<768x1024xf32> to vector<768x1024xbf16>
    %dot_general3A = arith.constant dense<0.000000e+00> : vector<208x1024xf32>
    %dot_general3A_10 = tpu.matmul %convert_element_type3A, %convert_element_type3A_9, %dot_general3A {dimension_numbers = #tpu.dot_dimension_numbers<[1], [0], [0], [1], [0, 0, 1, 1], [], []>, transpose_lhs_hint = false} : vector<208x768xbf16>, vector<768x1024xbf16>, vector<208x1024xf32> -> vector<208x1024xf32>
    %get3A_11 = arith.constant 0 : index
    %get3A_12 = arith.constant 0 : index
    %get3A_13 = arith.constant 0 : index
    %get3A_14 = vector.load %arg3[%get3A_11, %get3A_12, %get3A_13] : memref<1x1x1024xf32, #tpu.memory_space<vmem>>, vector<1x1x1024xf32>
    %get3A_15 = vector.shape_cast %get3A_14 : vector<1x1x1024xf32> to vector<1x1024xf32>
    %add3A = vector.broadcast %get3A_15 : vector<1x1024xf32> to vector<208x1024xf32>
    %add3A_16 = arith.addf %dot_general3A_10, %add3A : vector<208x1024xf32>
    %integer_pow3A = arith.mulf %add3A_16, %add3A_16 : vector<208x1024xf32>
    %integer_pow3A_17 = arith.mulf %add3A_16, %integer_pow3A : vector<208x1024xf32>
    %mul3A = arith.constant 4.471500e-02 : f32
    %mul3A_18 = vector.broadcast %mul3A : f32 to vector<208x1024xf32>
    %mul3A_19 = arith.mulf %mul3A_18, %integer_pow3A_17 : vector<208x1024xf32>
    %add3A_20 = arith.addf %add3A_16, %mul3A_19 : vector<208x1024xf32>
    %mul3A_21 = arith.constant 0.797884583 : f32
    %mul3A_22 = vector.broadcast %mul3A_21 : f32 to vector<208x1024xf32>
    %mul3A_23 = arith.mulf %mul3A_22, %add3A_20 : vector<208x1024xf32>
    %tanh3A = math.tanh %mul3A_23 : vector<208x1024xf32>
    %add3A_24 = arith.constant 1.000000e+00 : f32
    %add3A_25 = vector.broadcast %add3A_24 : f32 to vector<208x1024xf32>
    %add3A_26 = arith.addf %add3A_25, %tanh3A : vector<208x1024xf32>
    %mul3A_27 = arith.constant 5.000000e-01 : f32
    %mul3A_28 = vector.broadcast %mul3A_27 : f32 to vector<208x1024xf32>
    %mul3A_29 = arith.mulf %mul3A_28, %add3A_26 : vector<208x1024xf32>
    %mul3A_30 = arith.mulf %add3A_16, %mul3A_29 : vector<208x1024xf32>
    %get3A_31 = arith.constant 0 : index
    %get3A_32 = arith.constant 0 : index
    %get3A_33 = arith.constant 0 : index
    %get3A_34 = vector.load %arg4[%get3A_31, %get3A_32, %get3A_33] : memref<1x1024x768xf32, #tpu.memory_space<vmem>>, vector<1x1024x768xf32>
    %get3A_35 = vector.shape_cast %get3A_34 : vector<1x1024x768xf32> to vector<1024x768xf32>
    %convert_element_type3A_36 = arith.truncf %mul3A_30 : vector<208x1024xf32> to vector<208x1024xbf16>
    %convert_element_type3A_37 = arith.truncf %get3A_35 : vector<1024x768xf32> to vector<1024x768xbf16>
    %dot_general3A_38 = arith.constant dense<0.000000e+00> : vector<208x768xf32>
    %dot_general3A_39 = tpu.matmul %convert_element_type3A_36, %convert_element_type3A_37, %dot_general3A_38 {dimension_numbers = #tpu.dot_dimension_numbers<[1], [0], [0], [1], [0, 0, 1, 1], [], []>, transpose_lhs_hint = false} : vector<208x1024xbf16>, vector<1024x768xbf16>, vector<208x768xf32> -> vector<208x768xf32>
    %get3A_40 = arith.constant 0 : index
    %get3A_41 = arith.constant 0 : index
    %get3A_42 = arith.constant 0 : index
    %get3A_43 = vector.load %arg5[%get3A_40, %get3A_41, %get3A_42] : memref<1x1x768xf32, #tpu.memory_space<vmem>>, vector<1x1x768xf32>
    %get3A_44 = vector.shape_cast %get3A_43 : vector<1x1x768xf32> to vector<1x768xf32>
    %add3A_45 = vector.broadcast %get3A_44 : vector<1x768xf32> to vector<208x768xf32>
    %add3A_46 = arith.addf %dot_general3A_39, %add3A_45 : vector<208x768xf32>
    %swap3A = arith.constant 0 : index
    %swap3A_47 = arith.constant 0 : index
    %swap3A_48 = arith.constant 0 : index
    %swap3A_49 = vector.load %arg6[%swap3A, %swap3A_47, %swap3A_48] : memref<1x208x768xf32, #tpu.memory_space<vmem>>, vector<1x208x768xf32>
    %swap3A_50 = vector.shape_cast %swap3A_49 : vector<1x208x768xf32> to vector<208x768xf32>
    %swap3A_51 = vector.shape_cast %add3A_46 : vector<208x768xf32> to vector<1x208x768xf32>
    tpu.vector_store %arg6[%swap3A, %swap3A_47, %swap3A_48], %swap3A_51 {strides = array<i32>} : memref<1x208x768xf32, #tpu.memory_space<vmem>>, vector<1x208x768xf32>,
    return
  }
  func.func @transform_0(%arg0: i32) -> (i32, i32, i32) {
    %c0_i32 = arith.constant 0 : i32
    %c0_i32_0 = arith.constant 0 : i32
    %c0_i32_1 = arith.constant 0 : i32
    return %arg0, %c0_i32, %c0_i32_0 : i32, i32, i32
  }
  func.func @transform_1(%arg0: i32) -> (i32, i32, i32) {
    %c0_i32 = arith.constant 0 : i32
    %c0_i32_0 = arith.constant 0 : i32
    %c0_i32_1 = arith.constant 0 : i32
    return %arg0, %c0_i32, %c0_i32_0 : i32, i32, i32
  }
  func.func @transform_2(%arg0: i32) -> (i32, i32, i32) {
    %c0_i32 = arith.constant 0 : i32
    %c0_i32_0 = arith.constant 0 : i32
    %c0_i32_1 = arith.constant 0 : i32
    return %arg0, %c0_i32, %c0_i32_0 : i32, i32, i32
  }
  func.func @transform_3(%arg0: i32) -> (i32, i32, i32) {
    %c0_i32 = arith.constant 0 : i32
    %c0_i32_0 = arith.constant 0 : i32
    %c0_i32_1 = arith.constant 0 : i32
    return %arg0, %c0_i32, %c0_i32_0 : i32, i32, i32
  }
  func.func @transform_4(%arg0: i32) -> (i32, i32, i32) {
    %c0_i32 = arith.constant 0 : i32
    %c0_i32_0 = arith.constant 0 : i32
    %c0_i32_1 = arith.constant 0 : i32
    return %arg0, %c0_i32, %c0_i32_0 : i32, i32, i32
  }
  func.func @transform_5(%arg0: i32) -> (i32, i32, i32) {
    %c0_i32 = arith.constant 0 : i32
    %c0_i32_0 = arith.constant 0 : i32
    %c0_i32_1 = arith.constant 0 : i32
    return %arg0, %c0_i32, %c0_i32_0 : i32, i32, i32
  }
}

module attributes {stable_mosaic.version = 14 : i64} {
  func.func @_epi_body(%arg0: i32, %arg1: memref<256x768xf32, #tpu.memory_space<vmem>>, %arg2: memref<256x768xf32, #tpu.memory_space<vmem>>, %arg3: memref<256x768xf32, #tpu.memory_space<vmem>>, %arg4: memref<256xf32, #tpu.memory_space<vmem>>, %arg5: memref<256xf32, #tpu.memory_space<vmem>>, %arg6: memref<256x768xf32, #tpu.memory_space<vmem>>) attributes {dimension_semantics = [#tpu.dimension_semantics<arbitrary>], iteration_bounds = array<i64: 8>, scalar_prefetch = 0 : i64, scratch_operands = 0 : i64, tpu.core_type = #tpu.core_type<tc>, window_params = [{transform_indices = @transform_0, window_bounds = array<i64: 256, 768>}, {transform_indices = @transform_1, window_bounds = array<i64: 256, 768>}, {transform_indices = @transform_2, window_bounds = array<i64: 256, 768>}, {transform_indices = @transform_3, window_bounds = array<i64: 256>}, {transform_indices = @transform_4, window_bounds = array<i64: 256>}, {transform_indices = @transform_5, window_bounds = array<i64: 256, 768>}]} {
    %get3A = arith.constant 0 : index
    %get3A_0 = vector.load %arg4[%get3A] : memref<256xf32, #tpu.memory_space<vmem>>, vector<256xf32>
    %convert_element_type3A = arith.truncf %get3A_0 : vector<256xf32> to vector<256xbf16>
    %convert_element_type3A_1 = arith.extf %convert_element_type3A : vector<256xbf16> to vector<256xf32>
    %broadcast_in_dim3A = vector.shape_cast %convert_element_type3A_1 : vector<256xf32> to vector<256x1xf32>
    %get3A_2 = arith.constant 0 : index
    %get3A_3 = vector.load %arg5[%get3A_2] : memref<256xf32, #tpu.memory_space<vmem>>, vector<256xf32>
    %convert_element_type3A_4 = arith.truncf %get3A_3 : vector<256xf32> to vector<256xbf16>
    %convert_element_type3A_5 = arith.extf %convert_element_type3A_4 : vector<256xbf16> to vector<256xf32>
    %broadcast_in_dim3A_6 = vector.shape_cast %convert_element_type3A_5 : vector<256xf32> to vector<256x1xf32>
    %get3A_7 = arith.constant 0 : index
    %get3A_8 = arith.constant 0 : index
    %get3A_9 = vector.load %arg2[%get3A_7, %get3A_8] : memref<256x768xf32, #tpu.memory_space<vmem>>, vector<256x768xf32>
    %convert_element_type3A_10 = arith.truncf %get3A_9 : vector<256x768xf32> to vector<256x768xbf16>
    %convert_element_type3A_11 = arith.extf %convert_element_type3A_10 : vector<256x768xbf16> to vector<256x768xf32>
    %get3A_12 = arith.constant 0 : index
    %get3A_13 = arith.constant 0 : index
    %get3A_14 = vector.load %arg3[%get3A_12, %get3A_13] : memref<256x768xf32, #tpu.memory_space<vmem>>, vector<256x768xf32>
    %convert_element_type3A_15 = arith.truncf %get3A_14 : vector<256x768xf32> to vector<256x768xbf16>
    %convert_element_type3A_16 = arith.extf %convert_element_type3A_15 : vector<256x768xbf16> to vector<256x768xf32>
    %gt3A = arith.constant 0.000000e+00 : f32
    %gt3A_17 = vector.broadcast %gt3A : f32 to vector<256x1xf32>
    %gt3A_18 = arith.cmpf ogt, %broadcast_in_dim3A, %gt3A_17 : vector<256x1xf32>
    %mul3A = vector.broadcast %broadcast_in_dim3A : vector<256x1xf32> to vector<256x768xf32>
    %mul3A_19 = arith.mulf %mul3A, %convert_element_type3A_11 : vector<256x768xf32>
    %jit3A = arith.constant 0.000000e+00 : f32
    %broadcast_in_dim3A_20 = vector.shape_cast %gt3A_18 : vector<256x1xi1> to vector<256x1xi1>
    %broadcast_in_dim3A_21 = vector.broadcast %broadcast_in_dim3A_20 : vector<256x1xi1> to vector<256x768xi1>
    %broadcast_in_dim3A_22 = vector.broadcast %jit3A : f32 to vector<256x768xf32>
    %select_n3A = arith.select %broadcast_in_dim3A_21, %mul3A_19, %broadcast_in_dim3A_22 : vector<256x768xi1>, vector<256x768xf32>
    %gt3A_23 = arith.constant 0.000000e+00 : f32
    %gt3A_24 = vector.broadcast %gt3A_23 : f32 to vector<256x1xf32>
    %gt3A_25 = arith.cmpf ogt, %broadcast_in_dim3A_6, %gt3A_24 : vector<256x1xf32>
    %mul3A_26 = vector.broadcast %broadcast_in_dim3A_6 : vector<256x1xf32> to vector<256x768xf32>
    %mul3A_27 = arith.mulf %mul3A_26, %convert_element_type3A_16 : vector<256x768xf32>
    %jit3A_28 = arith.constant 0.000000e+00 : f32
    %broadcast_in_dim3A_29 = vector.shape_cast %gt3A_25 : vector<256x1xi1> to vector<256x1xi1>
    %broadcast_in_dim3A_30 = vector.broadcast %broadcast_in_dim3A_29 : vector<256x1xi1> to vector<256x768xi1>
    %broadcast_in_dim3A_31 = vector.broadcast %jit3A_28 : f32 to vector<256x768xf32>
    %select_n3A_32 = arith.select %broadcast_in_dim3A_30, %mul3A_27, %broadcast_in_dim3A_31 : vector<256x768xi1>, vector<256x768xf32>
    %get3A_33 = arith.constant 0 : index
    %get3A_34 = arith.constant 0 : index
    %get3A_35 = vector.load %arg1[%get3A_33, %get3A_34] : memref<256x768xf32, #tpu.memory_space<vmem>>, vector<256x768xf32>
    %add3A = arith.addf %select_n3A, %select_n3A_32 : vector<256x768xf32>
    %add3A_36 = arith.addf %get3A_35, %add3A : vector<256x768xf32>
    %swap3A = arith.constant 0 : index
    %swap3A_37 = arith.constant 0 : index
    %swap3A_38 = vector.load %arg6[%swap3A, %swap3A_37] : memref<256x768xf32, #tpu.memory_space<vmem>>, vector<256x768xf32>
    tpu.vector_store %arg6[%swap3A, %swap3A_37], %add3A_36 {strides = array<i32>} : memref<256x768xf32, #tpu.memory_space<vmem>>, vector<256x768xf32>,
    return
  }
  func.func @transform_0(%arg0: i32) -> (i32, i32) {
    %c0_i32 = arith.constant 0 : i32
    %c0_i32_0 = arith.constant 0 : i32
    return %arg0, %c0_i32 : i32, i32
  }
  func.func @transform_1(%arg0: i32) -> (i32, i32) {
    %c0_i32 = arith.constant 0 : i32
    %c0_i32_0 = arith.constant 0 : i32
    return %arg0, %c0_i32 : i32, i32
  }
  func.func @transform_2(%arg0: i32) -> (i32, i32) {
    %c0_i32 = arith.constant 0 : i32
    %c0_i32_0 = arith.constant 0 : i32
    return %arg0, %c0_i32 : i32, i32
  }
  func.func @transform_3(%arg0: i32) -> i32 {
    %c0_i32 = arith.constant 0 : i32
    return %arg0 : i32
  }
  func.func @transform_4(%arg0: i32) -> i32 {
    %c0_i32 = arith.constant 0 : i32
    return %arg0 : i32
  }
  func.func @transform_5(%arg0: i32) -> (i32, i32) {
    %c0_i32 = arith.constant 0 : i32
    %c0_i32_0 = arith.constant 0 : i32
    return %arg0, %c0_i32 : i32, i32
  }
}

module attributes {stable_mosaic.version = 14 : i64} {
  func.func @_final_body(%arg0: memref<8x197x768xf32, #tpu.memory_space<vmem>>, %arg1: memref<768x1024xf32, #tpu.memory_space<vmem>>, %arg2: memref<1024xf32, #tpu.memory_space<vmem>>, %arg3: memref<8x1024xf32, #tpu.memory_space<vmem>>) attributes {dimension_semantics = [], scalar_prefetch = 0 : i64, scratch_operands = 0 : i64, tpu.core_type = #tpu.core_type<tc>} {
    %get3A = arith.constant 0 : index
    %get3A_0 = arith.constant 0 : index
    %get3A_1 = arith.constant 0 : index
    %get3A_2 = vector.load %arg0[%get3A, %get3A_0, %get3A_1] : memref<8x197x768xf32, #tpu.memory_space<vmem>>, vector<8x197x768xf32>
    %reduce_sum3A = arith.constant dense<0.000000e+00> : vector<8x768xf32>
    %reduce_sum3A_3 = vector.multi_reduction <add>, %get3A_2, %reduce_sum3A [1] : vector<8x197x768xf32> to vector<8x768xf32>
    %div3A = arith.constant 1.970000e+02 : f32
    %div3A_4 = vector.broadcast %div3A : f32 to vector<8x768xf32>
    %div3A_5 = arith.divf %reduce_sum3A_3, %div3A_4 : vector<8x768xf32>
    %get3A_6 = arith.constant 0 : index
    %get3A_7 = arith.constant 0 : index
    %get3A_8 = vector.load %arg1[%get3A_6, %get3A_7] : memref<768x1024xf32, #tpu.memory_space<vmem>>, vector<768x1024xf32>
    %convert_element_type3A = arith.truncf %div3A_5 : vector<8x768xf32> to vector<8x768xbf16>
    %convert_element_type3A_9 = arith.truncf %get3A_8 : vector<768x1024xf32> to vector<768x1024xbf16>
    %dot_general3A = arith.constant dense<0.000000e+00> : vector<8x1024xf32>
    %dot_general3A_10 = tpu.matmul %convert_element_type3A, %convert_element_type3A_9, %dot_general3A {dimension_numbers = #tpu.dot_dimension_numbers<[1], [0], [0], [1], [0, 0, 1, 1], [], []>, transpose_lhs_hint = false} : vector<8x768xbf16>, vector<768x1024xbf16>, vector<8x1024xf32> -> vector<8x1024xf32>
    %get3A_11 = arith.constant 0 : index
    %get3A_12 = vector.load %arg2[%get3A_11] : memref<1024xf32, #tpu.memory_space<vmem>>, vector<1024xf32>
    %broadcast_in_dim3A = vector.shape_cast %get3A_12 : vector<1024xf32> to vector<1x1024xf32>
    %add3A = vector.broadcast %broadcast_in_dim3A : vector<1x1024xf32> to vector<8x1024xf32>
    %add3A_13 = arith.addf %dot_general3A_10, %add3A : vector<8x1024xf32>
    %swap3A = arith.constant 0 : index
    %swap3A_14 = arith.constant 0 : index
    %swap3A_15 = vector.load %arg3[%swap3A, %swap3A_14] : memref<8x1024xf32, #tpu.memory_space<vmem>>, vector<8x1024xf32>
    tpu.vector_store %arg3[%swap3A, %swap3A_14], %add3A_13 {strides = array<i32>} : memref<8x1024xf32, #tpu.memory_space<vmem>>, vector<8x1024xf32>,
    return
  }
}

</mosaic_0001>

<sc_bundles>
// kernel: kernel.40.cloned.1.call-start
scs
__scs_entry_jumppad:
0x0: {  	(pc) =	sbr.rel $0x88, $3  }
0x1: {  	(tag) =	ssettag $0x0;
	lr =	simm.s32 $0x1  }
0x2: {  	[smem:$0x3F87] =	sst lr;
	_ =	strace $0xD0000000  }
0x3: {  	_ = 	snop  }
0x4: {  	_ = 	snop  }
0x5: {  	_ = 	snop  }
0x6: {  	_ = 	snop  }
0x7: {  	_ = 	snop  }
__scs_overlays_trampoline_lowered:
0x8: {  	[smem:$0x3F96] =	sst s0  }
0x9: {  	[smem:$0x3F97] =	sst s1  }
0xa: {  	[smem:$0x3F98] =	sst s2  }
0xb: {  	[smem:$0x3F99] =	sst s3  }
0xc: {  	[smem:$0x3F9A] =	sst s4  }
0xd: {  	[smem:$0x3F9B] =	sst s5  }
0xe: {  	[smem:$0x3F9C] =	sst s6  }
0xf: {  	[smem:$0x3F9D] =	sst s7  }
0x10: {  	[smem:$0x3F9E] =	sst s8  }
0x11: {  	[smem:$0x3F9F] =	sst s9;
	s0 =	simm.s32 @!p0 $0x0  }
0x12: {  	s1 =	sld [smem:$0x3F85];
	s0 =	simm.s32 @p0 $0x1  }
0x13: {  	[smem:$0x3FA0] =	sst s0;
	s0 =	simm.s32 @!p1 $0x0  }
0x14: {  	s2 =	sld [smem:$0x3F84];
	s0 =	simm.s32 @p1 $0x1  }
0x15: {  	[smem:$0x3FA1] =	sst s0;
	s0 =	simm.s32 @!p2 $0x0  }
0x16: {  	s3 =	sld [smem:$0x3FDB];
	s0 =	simm.s32 @p2 $0x1  }
0x17: {  	s4 =	simm.s32 $0x1BF5;
	[smem:$0x3FA3] =	sst s0  }
0x18: {  	s0 =	sld [smem:$0x3F86];
	_ =	swait.ge [sflag:s4], $0x0  }
0x19: {  	s7 =	sld [smem:$0x3F87]  }
0x1a: {  	s8 =	sadd.s32 $0xFFFFE003, lr  }
0x1b: {  	s9 =	sadd.s32 $0xFFFFFEF7, lr;
	s5 =	simm.s32 $0xFFFFFFFF;
	p2 =	slt.u32 s8, $0xFFFFF086  }
0x1c: {  	p1 =	slt.u32 s9, $0xF7A;
	s5 =	simm.s32 @!p2 $0x0  }
0x1d: {  	s5 =	simm.s32 @p1 $0x1;
	p0 =	seq.s32 s7, s2  }
0x1e: {  	s7 =	smul.u32 @!p0 $0xF7A, s2;
	p2 =	seq.s32 @!p0 s5, $0x0  }
0x1f: {  	s9 =	smul.u32 $0xF7A, s1;
	s8 =	simm.s32 @!p0 $0x1BF5;
	p2 =	por !p2, p0  }
0x20: {  	[sflag:s8] =	ssyncset.s32 @!p0 $0xFFFFF086;
	s6 =	sadd.s32 @!p0 s3, s7;
	s7 =	simm.s32 @!p0 $0x108  }
0x21: {  	s3 =	sadd.s32 s3, s9;
	s6 =	sadd.s32 @!p0 $0x88, s6;
	s7 =	simm.s32 @p2 $0x1082  }
0x22: {  	[simem:s7], [sflag:s8] =	dma.local @!p0 [hbm:s6], $0xF7A  }
0x23: {  	s9 =	sor.u32 $0xD0000000, s2;
	s6 =	simm.s32 $0x108;
	_ =	swait.ge @!p0 [sflag:s8], $0x0  }
0x24: {  	s3 =	sadd.s32 $0x88, s3;
	s6 =	simm.s32 @!p1 $0x1082;
	[sflag:s4] =	ssyncset.s32 $0xFFFFF086  }
0x25: {  	[simem:s6], [sflag:s4] =	dma.local [hbm:s3], $0xF7A  }
0x26: {  	[smem:$0x3F87] =	sst s1;
	(tag) =	ssettag s2;
	_ =	strace s9  }
0x27: {  	s1 =	sld [smem:$0x3F97]  }
0x28: {  	s2 =	sld [smem:$0x3F98]  }
0x29: {  	s4 =	sld [smem:$0x3F9A]  }
0x2a: {  	p0 =	seq.s32 s5, $0x0;
	s5 =	sld [smem:$0x3F9B]  }
0x2b: {  	s6 =	sld [smem:$0x3F9C]  }
0x2c: {  	s7 =	sld [smem:$0x3F9D]  }
0x2d: {  	s3 =	simm.s32 $0x108;
	s8 =	sld [smem:$0x3F9E]  }
0x2e: {  	s3 =	simm.s32 @!p0 $0x1082;
	s9 =	sld [smem:$0x3F9F]  }
0x2f: {  	lr =	sadd.s32 s0, s3;
	s0 =	sld [smem:$0x3F96]  }
0x30: {  	s3 =	sld [smem:$0x3F99]  }
0x31: {  	[smem:$0x3FA2] =	sst s10  }
0x32: {  	s10 =	sld [smem:$0x3FA0];
	_ =	sdelay $0x3  }
0x33: {  	p0 =	seq.s32 s10, $0x1;
	s10 =	sld [smem:$0x3FA2];
	_ =	sdelay $0x3  }
0x34: {  	[smem:$0x3FA2] =	sst s10  }
0x35: {  	s10 =	sld [smem:$0x3FA1];
	_ =	sdelay $0x3  }
0x36: {  	p1 =	seq.s32 s10, $0x1;
	s10 =	sld [smem:$0x3FA2];
	_ =	sdelay $0x3  }
0x37: {  	[smem:$0x3FA2] =	sst s10  }
0x38: {  	s10 =	sld [smem:$0x3FA3]  }
0x39: {  	_ = 	snop;
	(pc) =	sbr.ind lr, $3  }
0x3a: {  	_ = 	snop  }
0x3b: {  	_ = 	snop  }
0x3c: {  	p2 =	seq.s32 s10, $0x1;
	s10 =	sld [smem:$0x3FA2]  }
0x3d: {  	_ =	shalt  }
0x3e: {  	_ =	shalt  }
0x3f: {  	_ =	shalt  }
0x40: {  	_ =	shalt  }
0x41: {  	_ =	shalt  }
0x42: {  	_ =	shalt  }
0x43: {  	_ =	shalt  }
0x44: {  	_ =	shalt  }
0x45: {  	_ =	shalt  }
0x46: {  	_ =	shalt  }
0x47: {  	_ =	shalt  }
0x48: {  	_ =	shalt  }
0x49: {  	_ =	shalt  }
0x4a: {  	_ =	shalt  }
0x4b: {  	_ =	shalt  }
0x4c: {  	_ =	shalt  }
0x4d: {  	_ =	shalt  }
0x4e: {  	_ =	shalt  }
0x4f: {  	_ =	shalt  }
0x50: {  	_ =	shalt  }
0x51: {  	_ =	shalt  }
0x52: {  	_ =	shalt  }
0x53: {  	_ =	shalt  }
0x54: {  	_ =	shalt  }
0x55: {  	_ =	shalt  }
0x56: {  	_ =	shalt  }
0x57: {  	_ =	shalt  }
0x58: {  	_ =	shalt  }
0x59: {  	_ =	shalt  }
0x5a: {  	_ =	shalt  }
0x5b: {  	_ =	shalt  }
0x5c: {  	_ =	shalt  }
0x5d: {  	_ =	shalt  }
0x5e: {  	_ =	shalt  }
0x5f: {  	_ =	shalt  }
0x60: {  	_ =	shalt  }
0x61: {  	_ =	shalt  }
0x62: {  	_ =	shalt  }
0x63: {  	_ =	shalt  }
0x64: {  	_ =	shalt  }
0x65: {  	_ =	shalt  }
0x66: {  	_ =	shalt  }
0x67: {  	_ =	shalt  }
0x68: {  	_ =	shalt  }
0x69: {  	_ =	shalt  }
0x6a: {  	_ =	shalt  }
0x6b: {  	_ =	shalt  }
0x6c: {  	_ =	shalt  }
0x6d: {  	_ =	shalt  }
0x6e: {  	_ =	shalt  }
0x6f: {  	_ =	shalt  }
0x70: {  	_ =	shalt  }
0x71: {  	_ =	shalt  }
0x72: {  	_ =	shalt  }
0x73: {  	_ =	shalt  }
0x74: {  	_ =	shalt  }
0x75: {  	_ =	shalt  }
0x76: {  	_ =	shalt  }
0x77: {  	_ =	shalt  }
0x78: {  	_ =	shalt  }
0x79: {  	_ =	shalt  }
0x7a: {  	_ =	shalt  }
0x7b: {  	_ =	shalt  }
0x7c: {  	_ =	shalt  }
0x7d: {  	_ =	shalt  }
0x7e: {  	_ =	shalt  }
0x7f: {  	_ =	shalt  }
0x80: {  	_ =	shalt  }
0x81: {  	_ =	shalt  }
0x82: {  	_ =	shalt  }
0x83: {  	_ =	shalt  }
0x84: {  	_ =	shalt  }
0x85: {  	_ =	shalt  }
0x86: {  	_ =	shalt  }
0x87: {  	_ =	shalt  }
.Lfunc_end0:
.L_simem_size_0:
called_computation_lowered:
.L_overlay_start_0:
0x88: {  	s2 =	sld [smem:$0x3FD9]  }
0x89: {  	s3 =	sld [smem:$0x3FFE];
	_ =	sdelay $0x1  }
0x8a: {  	s1 =	srdreg.scid  }
0x8b: {  	s0 =	sand.u32 $0x1, s1  }
0x8c: {  	s17 =	sshll.u32 s0, $0xA;
	s2 =	sadd.s32 s3, s2  }
0x8d: {  	s2 =	sadd.s32 s2, s17  }
0x8e: {  	[smem:$0x3FAE] =	sst s2  }
0x8f: {  	_ = 	snop  }
0x90: {  	s2 =	sld [smem:$0x3FD0];
	(tm) =	ssettm $0x1  }
0x91: {  	s18 =	sld [smem:$0x3FFB];
	_ =	sdelay $0x3  }
0x92: {  	_ =	strace s18  }
0x93: {  	s3 =	sld [smem:$0x3FFC];
	_ =	sdelay $0x3  }
0x94: {  	_ =	strace s3  }
0x95: {  	s3 =	sld [smem:$0x3FFD];
	_ =	sdelay $0x3  }
0x96: {  	_ =	strace s3  }
0x97: {  	_ =	strace $0x8FFFFFFF  }
0x98: {  	s19 =	sld [smem:$0x3FDB];
	_ =	sdelay $0x1  }
0x99: {  	s4 =	simm.s32 $_scs_section_size  }
0x9a: {  	s5 =	simm.s32 $_size__tile_overlayer_lowered;
	s6 =	simm.s32 $_tile_overlayer_lowered  }
0x9b: {  	s22 =	simm.s32 $0x1BFF;
	s21 =	sshll.u32 s6, $0x1;
	s3 =	sadd.s32 s4, s19  }
0x9c: {  	s7 =	simm.s32 $0x0;
	s20 =	sshll.u32 s5, $0x1;
	s5 =	sadd.s32 s21, s3  }
0x9d: {  	[timem:s7], [sflag:s22] =	dma.local [hbm:s5], s20  }
0x9e: {  	_ =	swait.ge [sflag:s22], s20  }
0x9f: {  	s4 =	ssub.s32 $0x0, s20;
	[sflag:s22] =	ssyncset.done $0x0  }
0xa0: {  	[sflag:s22] =	ssyncadd.s32 s4;
	_ =	sdelay $0x1  }
0xa1: {  	s23 =	simm.s32 $0x1B8B  }
0xa2: {  	_ =	swait.ge [sflag:s23], $0x1  }
0xa3: {  	[sflag:s23] =	ssyncset.done $0x0  }
0xa4: {  	s25 =	simm.s32 $0x1B8E;
	s24 =	sld [smem:$0x3FFE];
	[sflag:s23] =	ssyncadd.s32 $0xFFFFFFFF  }
0xa5: {  	s26 =	simm.s32 $execute0_lowered;
	[smem:$0x3FD2] =	sst s25  }
0xa6: {  	s5 =	sshll.u32 s26, $0x1;
	_ =	strace $0x80000046;
	[dreg:$0x1] =	wrdreg $0xFFFFFFFF  }
0xa7: {  	s28 =	simm.s32 $_size_execute0_lowered;
	s3 =	sadd.s32 s3, s5;
	[dreg:$0x0] =	wrdreg $0x0  }
0xa8: {  	s5 =	sshll.u32 s28, $0x1;
	[dreg:$0x2] =	wrdreg s3  }
0xa9: {  	[dreg:$0x3] =	wrdreg s5  }
0xaa: {  	[dreg:$0x4] =	wrdreg $0xC0  }
0xab: {  	_ =	task [dreg:s7], $0x5FFFF  }
0xac: {  	[dreg:$0x1] =	wrdreg $0xFFFFFFFF  }
0xad: {  	[dreg:$0x0] =	wrdreg $0x60  }
0xae: {  	[dreg:$0x2] =	wrdreg s24  }
0xaf: {  	[dreg:$0x3] =	wrdreg s2  }
0xb0: {  	[dreg:$0x4] =	wrdreg $0x9  }
0xb1: {  	_ =	task.clear_ibuf [dreg:s7], $0x5FFFF;
	_ =	strace $0x90000046  }
0xb2: {  	s29 =	simm.s32 $0x9;
	_ =	strace $0x80000048  }
0xb3: {  	_ =	swait.ge [sflag:s29], $0x1  }
0xb4: {  	[sflag:s29] =	ssyncadd.s32 $0xFFFFFFFF  }
0xb5: {  	_ =	strace $0x90000048  }
0xb6: {  	_ =	sfence  }
0xb7: {  	s30 =	sld [smem:$0x0];
	_ =	sdelay $0x2  }
0xb8: {  	s31 =	sshll.u32 s1, $0xD;
	s1 =	sshrl.u32 s1, $0x2  }
0xb9: {  	s3 =	sand.u32 $0x4000, s31;
	s1 =	sadd.s32 s1, s30  }
0xba: {  	s0 =	sor.u32 s3, s0;
	s1 =	sshll.u32 s1, $0x11  }
0xbb: {  	s0 =	sor.u32 s1, s0  }
0xbc: {  	s0 =	sadd.s32 $0x8F2B, s0  }
0xbd: {  	[sflag:s0] =	ssyncadd.remote.s32 $0x1  }
0xbe: {  	_ =	sfence.sel $0xFFFF  }
0xbf: {  	[dreg:$0x0] =	wrdreg $0xFFFFFFFF;
	(pc) =	sbr.abs _section_cstart, $3  }
0xc0: {  	[dreg:$0x1] =	wrdreg $0xFFFFFFFF  }
0xc1: {  	_ =	task.clear_ibuf [dreg:s7], $0x2FFFF;
	_ =	strace $0x9FFFFFFF  }
0xc2: {  	(tm) =	ssettm $0x7FFFFFFF  }
0xc3: {  	_ =	shalt  }
tec
execute0_lowered:
.L_overlay_start_1:
0x0: {  	(tag) =	ssettag $0x1  }
0x1: {  	s1 =	srdreg.scid;
	s5 =	rddreg [dreg:$0x0]  }
0x2: {  	s0 =	stileid.u32;
	s4 =	rddreg [dreg:$0x1]  }
0x3: {  	s25 =	simm.s32 $0xC000;
	s26 =	simm.s32 $0xC080;
	s10 =	simm.s32 $0x1800  }
0x4: {  	s11 =	simm.s32 $0x2000;
	s12 =	simm.s32 $0x2800;
	s13 =	simm.s32 $0x3000  }
0x5: {  	s14 =	simm.s32 $0x3800;
	s15 =	simm.s32 $0x4000;
	s16 =	simm.s32 $0x4800  }
0x6: {  	s17 =	simm.s32 $0x5000;
	s18 =	simm.s32 $0x5800;
	s19 =	simm.s32 $0x6000  }
0x7: {  	s20 =	simm.s32 $0x6800;
	s21 =	simm.s32 $0x7000;
	s22 =	simm.s32 $0x7800  }
0x8: {  	s23 =	simm.s32 $0x8000;
	s28 =	simm.s32 $0xA000;
	s29 =	simm.s32 $0xA800  }
0x9: {  	s30 =	simm.s32 $0xB000;
	s31 =	simm.s32 $0xB800;
	s1 =	sand.u32 $0x1, s1  }
0xa: {  	s2 =	sshll.u32 s0, $0x4;
	s3 =	sshll.u32 s1, $0x3;
	s1 =	ssub.s32 $0x2, s1  }
0xb: {  	s6 =	sor.u32 s3, s2;
	s2 =	simm.s32 $0x0;
	s9 =	sshrl.u32 s1, $0x1  }
0xc: {  	s3 =	smul.u32 $0x300, s6;
	[smem:$0x7FF] =	sst s2;
	s8 =	sadd.s32 s6, s5  }
0xd: {  	s4 =	sadd.s32 s4, s6;
	s1 =	ssub.s32 s1, s9;
	s9 =	simm.s32 $0x1000  }
0xe: {  	_ =	strace $0x80000047;
	[dreg:$0x4] =	wrdreg s4;
	s24 =	sadd.s32 $0x31200, s8  }
0xf: {  	s4 =	sadd.s32 $0x31900, s5;
	[dreg:$0x6] =	wrdreg s25;
	s6 =	smax.u32 s1, $0x1  }
0x10: {  	[dreg:$0x7] =	wrdreg s26;
	s25 =	simm.s32 $0x9000;
	s26 =	simm.s32 $0x9800  }
0x11: {  	v2 =	vlaneseq.u32;
	s1 =	simm.s32 $0x1;
	s7 =	sadd.s32 s3, s5;
	s3 =	sadd.s32 $0x31800, s5  }
0x12: {  	vm0 =	vmmov $0xffff;
	v1 =	vshrl.u32 v2, $0x3;
	[dreg:$0x5] =	wrdreg s24;
	s5 =	sadd.s32 $0x31A00, s5;
	s7 =	sadd.s32 $0x1200, s7  }
0x13: {  	v0 =	vand.u32 $0x7, v2;
	v2 =	vor.u32 $0x8, v2;
	v1 =	vmul.u32 $0x8, v1;
	s24 =	simm.s32 $0x8800;
	[dreg:$0x3] =	wrdreg s7;
	s7 =	simm.s32 $0x2  }
.LBB2_1:
0x14: {  	s0 =	rddreg [dreg:$0x3]  }
0x15: {  	[tilespmem:s2], [sflag:$0x2] =	stream.linear.gather [hbm4b:s0+s2], $0xC000, $0x38;
	[tilespmem:$0xC100] =	vst v63  }
0x16: {  	_ =	swait.ge [sflag:s7], $0xC000  }
0x17: {  	s0 =	rddreg [dreg:$0x4];
	[sflag:s7] =	ssyncset.done $0x0  }
0x18: {  	s8 =	rddreg [dreg:$0x6];
	[sflag:s7] =	ssyncadd.s32 $0xFFFF4000  }
0x19: {  	[tilespmem:s8], [sflag:$0x2] =	stream.linear.gather [hbm4b:s0+s2], $0x40, $0x38;
	[tilespmem:$0xC100] =	vst v63  }
0x1a: {  	_ =	swait.ge [sflag:s7], $0x40  }
0x1b: {  	s0 =	rddreg [dreg:$0x5];
	[sflag:s7] =	ssyncset.done $0x0  }
0x1c: {  	s8 =	rddreg [dreg:$0x7];
	[sflag:s7] =	ssyncadd.s32 $0xFFFFFFC0  }
0x1d: {  	[tilespmem:s8], [sflag:$0x2] =	stream.linear.gather [hbm4b:s0+s2], $0x40, $0x38;
	[tilespmem:$0xC100] =	vst v63  }
0x1e: {  	_ =	swait.ge [sflag:s7], $0x40  }
0x1f: {  	[sflag:s7] =	ssyncset.done $0x0  }
0x20: {  	[sflag:s7] =	ssyncadd.s32 $0xFFFFFFC0  }
0x21: {  	v3 =	vld [tilespmem:$0xC000];
	_ =	sdelay $0x4  }
0x22: {  	v4 =	vshrl.u32 v3, $0x3  }
0x23: {  	v4 =	vmul.u32 $0x30, v4  }
0x24: {  	v3 =	vand.u32 $0x7, v3  }
0x25: {  	v3 =	vor.u32 v3, v4  }
0x26: {  	v4 =	vperm.xlane v3, v0;
	_ =	sdelay $0x1  }
0x27: {  	v4 =	vadd.s32 v1, v4;
	_ =	sdelay $0x3  }
0x28: {  	v3 =	vperm.xlane v3, v2  }
0x29: {  	[hbm4b:s3+s2] =	stream.indirect_vreg.scatter [tilespmem:s2], [sflag:$0x1], $0x80, v4, vm0, $0xb8;
	[tilespmem:$0xC100] =	vst v63  }
0x2a: {  	s8 =	simm.s32 $0x800;
	v3 =	vadd.s32 v1, v3  }
0x2b: {  	[hbm4b:s4+s2] =	stream.indirect_vreg.scatter [tilespmem:s8], [sflag:$0x1], $0x80, v4, vm0, $0xb8;
	[tilespmem:$0xC100] =	vst v63  }
0x2c: {  	_ = 	snop  }
0x2d: {  	[hbm4b:s5+s2] =	stream.indirect_vreg.scatter [tilespmem:s9], [sflag:$0x1], $0x80, v4, vm0, $0xb8;
	[tilespmem:$0xC100] =	vst v63  }
0x2e: {  	_ = 	snop  }
0x2f: {  	[hbm4b:s3+s2] =	stream.indirect_vreg.scatter [tilespmem:s10], [sflag:$0x1], $0x80, v3, vm0, $0xb8;
	[tilespmem:$0xC100] =	vst v63  }
0x30: {  	_ = 	snop  }
0x31: {  	[hbm4b:s4+s2] =	stream.indirect_vreg.scatter [tilespmem:s11], [sflag:$0x1], $0x80, v3, vm0, $0xb8;
	[tilespmem:$0xC100] =	vst v63  }
0x32: {  	_ = 	snop  }
0x33: {  	[hbm4b:s5+s2] =	stream.indirect_vreg.scatter [tilespmem:s12], [sflag:$0x1], $0x80, v3, vm0, $0xb8;
	[tilespmem:$0xC100] =	vst v63  }
0x34: {  	v3 =	vld [tilespmem:$0xC010];
	_ =	sdelay $0x4  }
0x35: {  	v57 =	vshrl.u32 v3, $0x3  }
0x36: {  	v4 =	vmul.u32 $0x30, v57  }
0x37: {  	v3 =	vand.u32 $0x7, v3  }
0x38: {  	v3 =	vor.u32 v3, v4  }
0x39: {  	v4 =	vperm.xlane v3, v0;
	_ =	sdelay $0x1  }
0x3a: {  	v4 =	vadd.s32 v1, v4;
	_ =	sdelay $0x3  }
0x3b: {  	v3 =	vperm.xlane v3, v2  }
0x3c: {  	[hbm4b:s3+s2] =	stream.indirect_vreg.scatter [tilespmem:s13], [sflag:$0x1], $0x80, v4, vm0, $0xb8;
	[tilespmem:$0xC100] =	vst v63  }
0x3d: {  	v3 =	vadd.s32 v1, v3  }
0x3e: {  	[hbm4b:s4+s2] =	stream.indirect_vreg.scatter [tilespmem:s14], [sflag:$0x1], $0x80, v4, vm0, $0xb8;
	[tilespmem:$0xC100] =	vst v63  }
0x3f: {  	_ = 	snop  }
0x40: {  	[hbm4b:s5+s2] =	stream.indirect_vreg.scatter [tilespmem:s15], [sflag:$0x1], $0x80, v4, vm0, $0xb8;
	[tilespmem:$0xC100] =	vst v63  }
0x41: {  	_ = 	snop  }
0x42: {  	[hbm4b:s3+s2] =	stream.indirect_vreg.scatter [tilespmem:s16], [sflag:$0x1], $0x80, v3, vm0, $0xb8;
	[tilespmem:$0xC100] =	vst v63  }
0x43: {  	_ = 	snop  }
0x44: {  	[hbm4b:s4+s2] =	stream.indirect_vreg.scatter [tilespmem:s17], [sflag:$0x1], $0x80, v3, vm0, $0xb8;
	[tilespmem:$0xC100] =	vst v63  }
0x45: {  	_ = 	snop  }
0x46: {  	[hbm4b:s5+s2] =	stream.indirect_vreg.scatter [tilespmem:s18], [sflag:$0x1], $0x80, v3, vm0, $0xb8;
	[tilespmem:$0xC100] =	vst v63  }
0x47: {  	v3 =	vld [tilespmem:$0xC020];
	_ =	sdelay $0x4  }
0x48: {  	v58 =	vshrl.u32 v3, $0x3  }
0x49: {  	v4 =	vmul.u32 $0x30, v58  }
0x4a: {  	v3 =	vand.u32 $0x7, v3  }
0x4b: {  	v3 =	vor.u32 v3, v4  }
0x4c: {  	v4 =	vperm.xlane v3, v0;
	_ =	sdelay $0x1  }
0x4d: {  	v4 =	vadd.s32 v1, v4;
	_ =	sdelay $0x3  }
0x4e: {  	v3 =	vperm.xlane v3, v2  }
0x4f: {  	[hbm4b:s3+s2] =	stream.indirect_vreg.scatter [tilespmem:s19], [sflag:$0x1], $0x80, v4, vm0, $0xb8;
	[tilespmem:$0xC100] =	vst v63  }
0x50: {  	v3 =	vadd.s32 v1, v3  }
0x51: {  	[hbm4b:s4+s2] =	stream.indirect_vreg.scatter [tilespmem:s20], [sflag:$0x1], $0x80, v4, vm0, $0xb8;
	[tilespmem:$0xC100] =	vst v63  }
0x52: {  	_ = 	snop  }
0x53: {  	[hbm4b:s5+s2] =	stream.indirect_vreg.scatter [tilespmem:s21], [sflag:$0x1], $0x80, v4, vm0, $0xb8;
	[tilespmem:$0xC100] =	vst v63  }
0x54: {  	_ = 	snop  }
0x55: {  	[hbm4b:s3+s2] =	stream.indirect_vreg.scatter [tilespmem:s22], [sflag:$0x1], $0x80, v3, vm0, $0xb8;
	[tilespmem:$0xC100] =	vst v63  }
0x56: {  	_ = 	snop  }
0x57: {  	[hbm4b:s4+s2] =	stream.indirect_vreg.scatter [tilespmem:s23], [sflag:$0x1], $0x80, v3, vm0, $0xb8;
	[tilespmem:$0xC100] =	vst v63  }
0x58: {  	_ = 	snop  }
0x59: {  	[hbm4b:s5+s2] =	stream.indirect_vreg.scatter [tilespmem:s24], [sflag:$0x1], $0x80, v3, vm0, $0xb8;
	[tilespmem:$0xC100] =	vst v63  }
0x5a: {  	v3 =	vld [tilespmem:$0xC030];
	_ =	sdelay $0x4  }
0x5b: {  	v59 =	vshrl.u32 v3, $0x3  }
0x5c: {  	v4 =	vmul.u32 $0x30, v59  }
0x5d: {  	v3 =	vand.u32 $0x7, v3  }
0x5e: {  	v3 =	vor.u32 v3, v4  }
0x5f: {  	v4 =	vperm.xlane v3, v0;
	_ =	sdelay $0x1  }
0x60: {  	v4 =	vadd.s32 v1, v4;
	_ =	sdelay $0x3  }
0x61: {  	v3 =	vperm.xlane v3, v2  }
0x62: {  	[hbm4b:s3+s2] =	stream.indirect_vreg.scatter [tilespmem:s25], [sflag:$0x1], $0x80, v4, vm0, $0xb8;
	[tilespmem:$0xC100] =	vst v63  }
0x63: {  	v3 =	vadd.s32 v1, v3  }
0x64: {  	[hbm4b:s4+s2] =	stream.indirect_vreg.scatter [tilespmem:s26], [sflag:$0x1], $0x80, v4, vm0, $0xb8;
	[tilespmem:$0xC100] =	vst v63  }
0x65: {  	_ = 	snop  }
0x66: {  	[hbm4b:s5+s2] =	stream.indirect_vreg.scatter [tilespmem:s28], [sflag:$0x1], $0x80, v4, vm0, $0xb8;
	[tilespmem:$0xC100] =	vst v63  }
0x67: {  	_ = 	snop  }
0x68: {  	[hbm4b:s3+s2] =	stream.indirect_vreg.scatter [tilespmem:s29], [sflag:$0x1], $0x80, v3, vm0, $0xb8;
	[tilespmem:$0xC100] =	vst v63  }
0x69: {  	_ = 	snop  }
0x6a: {  	[hbm4b:s4+s2] =	stream.indirect_vreg.scatter [tilespmem:s30], [sflag:$0x1], $0x80, v3, vm0, $0xb8;
	[tilespmem:$0xC100] =	vst v63  }
0x6b: {  	_ = 	snop  }
0x6c: {  	[hbm4b:s5+s2] =	stream.indirect_vreg.scatter [tilespmem:s31], [sflag:$0x1], $0x80, v3, vm0, $0xb8;
	[tilespmem:$0xC100] =	vst v63  }
0x6d: {  	_ =	swait.ge [sflag:s1], $0xC000  }
0x6e: {  	[sflag:s1] =	ssyncset.done $0x0  }
0x6f: {  	[sflag:s1] =	ssyncadd.s32 $0xFFFF4000  }
0x70: {  	v3 =	vld [tilespmem:$0xC080];
	_ =	sdelay $0x4  }
0x71: {  	v60 =	vshrl.u32 v3, $0x3  }
0x72: {  	v4 =	vmul.u32 $0x30, v60  }
0x73: {  	v3 =	vand.u32 $0x7, v3  }
0x74: {  	v3 =	vor.u32 v3, v4  }
0x75: {  	v4 =	vperm.xlane v3, v0;
	_ =	sdelay $0x1  }
0x76: {  	v4 =	vadd.s32 v1, v4;
	_ =	sdelay $0x3  }
0x77: {  	v3 =	vperm.xlane v3, v2  }
0x78: {  	[hbm4b:s3+s2] =	stream.indirect_vreg.scatter [tilespmem:s2], [sflag:$0x1], $0x80, v4, vm0, $0xb8;
	[tilespmem:$0xC100] =	vst v63  }
0x79: {  	v3 =	vadd.s32 v1, v3  }
0x7a: {  	[hbm4b:s4+s2] =	stream.indirect_vreg.scatter [tilespmem:s8], [sflag:$0x1], $0x80, v4, vm0, $0xb8;
	[tilespmem:$0xC100] =	vst v63  }
0x7b: {  	_ = 	snop  }
0x7c: {  	[hbm4b:s5+s2] =	stream.indirect_vreg.scatter [tilespmem:s9], [sflag:$0x1], $0x80, v4, vm0, $0xb8;
	[tilespmem:$0xC100] =	vst v63  }
0x7d: {  	_ = 	snop  }
0x7e: {  	[hbm4b:s3+s2] =	stream.indirect_vreg.scatter [tilespmem:s10], [sflag:$0x1], $0x80, v3, vm0, $0xb8;
	[tilespmem:$0xC100] =	vst v63  }
0x7f: {  	_ = 	snop  }
0x80: {  	[hbm4b:s4+s2] =	stream.indirect_vreg.scatter [tilespmem:s11], [sflag:$0x1], $0x80, v3, vm0, $0xb8;
	[tilespmem:$0xC100] =	vst v63  }
0x81: {  	_ = 	snop  }
0x82: {  	[hbm4b:s5+s2] =	stream.indirect_vreg.scatter [tilespmem:s12], [sflag:$0x1], $0x80, v3, vm0, $0xb8;
	[tilespmem:$0xC100] =	vst v63  }
0x83: {  	v3 =	vld [tilespmem:$0xC090];
	_ =	sdelay $0x4  }
0x84: {  	v61 =	vshrl.u32 v3, $0x3  }
0x85: {  	v4 =	vmul.u32 $0x30, v61  }
0x86: {  	v3 =	vand.u32 $0x7, v3  }
0x87: {  	v3 =	vor.u32 v3, v4  }
0x88: {  	v4 =	vperm.xlane v3, v0;
	_ =	sdelay $0x1  }
0x89: {  	v4 =	vadd.s32 v1, v4;
	_ =	sdelay $0x3  }
0x8a: {  	v3 =	vperm.xlane v3, v2  }
0x8b: {  	[hbm4b:s3+s2] =	stream.indirect_vreg.scatter [tilespmem:s13], [sflag:$0x1], $0x80, v4, vm0, $0xb8;
	[tilespmem:$0xC100] =	vst v63  }
0x8c: {  	v3 =	vadd.s32 v1, v3  }
0x8d: {  	[hbm4b:s4+s2] =	stream.indirect_vreg.scatter [tilespmem:s14], [sflag:$0x1], $0x80, v4, vm0, $0xb8;
	[tilespmem:$0xC100] =	vst v63  }
0x8e: {  	_ = 	snop  }
0x8f: {  	[hbm4b:s5+s2] =	stream.indirect_vreg.scatter [tilespmem:s15], [sflag:$0x1], $0x80, v4, vm0, $0xb8;
	[tilespmem:$0xC100] =	vst v63  }
0x90: {  	_ = 	snop  }
0x91: {  	[hbm4b:s3+s2] =	stream.indirect_vreg.scatter [tilespmem:s16], [sflag:$0x1], $0x80, v3, vm0, $0xb8;
	[tilespmem:$0xC100] =	vst v63  }
0x92: {  	_ = 	snop  }
0x93: {  	[hbm4b:s4+s2] =	stream.indirect_vreg.scatter [tilespmem:s17], [sflag:$0x1], $0x80, v3, vm0, $0xb8;
	[tilespmem:$0xC100] =	vst v63  }
0x94: {  	_ = 	snop  }
0x95: {  	[hbm4b:s5+s2] =	stream.indirect_vreg.scatter [tilespmem:s18], [sflag:$0x1], $0x80, v3, vm0, $0xb8;
	[tilespmem:$0xC100] =	vst v63  }
0x96: {  	v3 =	vld [tilespmem:$0xC0A0];
	_ =	sdelay $0x4  }
0x97: {  	v62 =	vshrl.u32 v3, $0x3  }
0x98: {  	v4 =	vmul.u32 $0x30, v62  }
0x99: {  	v3 =	vand.u32 $0x7, v3  }
0x9a: {  	v3 =	vor.u32 v3, v4  }
0x9b: {  	v4 =	vperm.xlane v3, v0;
	_ =	sdelay $0x1  }
0x9c: {  	v4 =	vadd.s32 v1, v4;
	_ =	sdelay $0x3  }
0x9d: {  	v3 =	vperm.xlane v3, v2  }
0x9e: {  	[hbm4b:s3+s2] =	stream.indirect_vreg.scatter [tilespmem:s19], [sflag:$0x1], $0x80, v4, vm0, $0xb8;
	[tilespmem:$0xC100] =	vst v63  }
0x9f: {  	v3 =	vadd.s32 v1, v3  }
0xa0: {  	[hbm4b:s4+s2] =	stream.indirect_vreg.scatter [tilespmem:s20], [sflag:$0x1], $0x80, v4, vm0, $0xb8;
	[tilespmem:$0xC100] =	vst v63  }
0xa1: {  	_ = 	snop  }
0xa2: {  	[hbm4b:s5+s2] =	stream.indirect_vreg.scatter [tilespmem:s21], [sflag:$0x1], $0x80, v4, vm0, $0xb8;
	[tilespmem:$0xC100] =	vst v63  }
0xa3: {  	_ = 	snop  }
0xa4: {  	[hbm4b:s3+s2] =	stream.indirect_vreg.scatter [tilespmem:s22], [sflag:$0x1], $0x80, v3, vm0, $0xb8;
	[tilespmem:$0xC100] =	vst v63  }
0xa5: {  	_ = 	snop  }
0xa6: {  	[hbm4b:s4+s2] =	stream.indirect_vreg.scatter [tilespmem:s23], [sflag:$0x1], $0x80, v3, vm0, $0xb8;
	[tilespmem:$0xC100] =	vst v63  }
0xa7: {  	_ = 	snop  }
0xa8: {  	[hbm4b:s5+s2] =	stream.indirect_vreg.scatter [tilespmem:s24], [sflag:$0x1], $0x80, v3, vm0, $0xb8;
	[tilespmem:$0xC100] =	vst v63  }
0xa9: {  	v3 =	vld [tilespmem:$0xC0B0];
	_ =	sdelay $0x4  }
0xaa: {  	v63 =	vshrl.u32 v3, $0x3  }
0xab: {  	v4 =	vmul.u32 $0x30, v63  }
0xac: {  	v3 =	vand.u32 $0x7, v3  }
0xad: {  	v3 =	vor.u32 v3, v4  }
0xae: {  	v4 =	vperm.xlane v3, v0;
	_ =	sdelay $0x1  }
0xaf: {  	v4 =	vadd.s32 v1, v4;
	_ =	sdelay $0x3  }
0xb0: {  	v3 =	vperm.xlane v3, v2  }
0xb1: {  	[hbm4b:s3+s2] =	stream.indirect_vreg.scatter [tilespmem:s25], [sflag:$0x1], $0x80, v4, vm0, $0xb8;
	[tilespmem:$0xC100] =	vst v63  }
0xb2: {  	v3 =	vadd.s32 v1, v3  }
0xb3: {  	[hbm4b:s4+s2] =	stream.indirect_vreg.scatter [tilespmem:s26], [sflag:$0x1], $0x80, v4, vm0, $0xb8;
	[tilespmem:$0xC100] =	vst v63  }
0xb4: {  	_ = 	snop  }
0xb5: {  	[hbm4b:s5+s2] =	stream.indirect_vreg.scatter [tilespmem:s28], [sflag:$0x1], $0x80, v4, vm0, $0xb8;
	[tilespmem:$0xC100] =	vst v63  }
0xb6: {  	_ = 	snop  }
0xb7: {  	[hbm4b:s3+s2] =	stream.indirect_vreg.scatter [tilespmem:s29], [sflag:$0x1], $0x80, v3, vm0, $0xb8;
	[tilespmem:$0xC100] =	vst v63  }
0xb8: {  	p0 =	sne.s32 s6, $0x1  }
0xb9: {  	[hbm4b:s4+s2] =	stream.indirect_vreg.scatter [tilespmem:s30], [sflag:$0x1], $0x80, v3, vm0, $0xb8;
	[tilespmem:$0xC100] =	vst v63  }
.Ltmp0:
0xba: {  	_ = 	snop;
	(pc) =	sbr.rel @p0 .LBB2_1-.Ltmp0, $4  }
0xbb: {  	[hbm4b:s5+s2] =	stream.indirect_vreg.scatter [tilespmem:s31], [sflag:$0x1], $0x80, v3, vm0, $0xb8;
	[tilespmem:$0xC100] =	vst v63  }
0xbc: {  	_ =	swait.ge [sflag:s1], $0xC000  }
0xbd: {  	[sflag:s1] =	ssyncset.done $0x0  }
0xbe: {  	s6 =	sadd.s32 $0xFFFFFFFF, s6;
	[sflag:s1] =	ssyncadd.s32 $0xFFFF4000  }
0xbf: {  	_ =	sfence.sel $0x180000  }
0xc0: {  	[bflag:$0x0] =	sbarrier.arrive $0xFFFF  }
0xc1: {  	_ =	strace $0x90000047  }
0xc2: {  	s0 =	stileid.u32;
	[bflag:$0x2] =	sbarrier.arrive $0xFFFF  }
0xc3: {  	p0 =	sne.s32 s0, $0x0;
	s0 =	rddreg [dreg:$0x2]  }
0xc4: {  	s0 =	sadd.s32 @!p0 $0x100000, s0  }
0xc5: {  	[sflag:s0] =	ssyncadd.tile.s32 @!p0 $0x1;
	_ =	shalt  }
.Lfunc_end2:
_tile_overlayer_lowered:
.L_overlay_start_2:
0xc6: {  	(tag) =	ssettag $0x2  }
0xc7: {  	s0 =	rddreg [dreg:$0x0];
	s2 =	stileid.u32  }
0xc8: {  	s1 =	rddreg [dreg:$0x1];
	p0 =	sne.s32 s2, $0x0  }
0xc9: {  	s3 =	rddreg [dreg:$0x2];
	[bflag:$0x3] =	sbarrier.arrive $0xFFFF;
	s2 =	simm.s32 @!p0 $0x1C02  }
0xca: {  	[timem:s3], [sflag:s2] =	dma.local @!p0 [hbm:s0], s1  }
0xcb: {  	s0 =	simm.s32 @!p0 $0x2  }
0xcc: {  	_ =	swait.ge @!p0 [sflag:s0], s1  }
0xcd: {  	s1 =	ssub.s32 @!p0 $0x0, s1;
	[sflag:s0] =	ssyncset.done @!p0 $0x0  }
0xce: {  	[sflag:s0] =	ssyncadd.s32 @!p0 s1  }
0xcf: {  	[bflag:$0x3] =	sbarrier.arrive $0xFFFF  }
0xd0: {  	_ =	shalt  }

// kernel: kernel.43.cloned.1.call-start
scs
__scs_entry_jumppad:
0x0: {  	(pc) =	sbr.rel $0x88, $3  }
0x1: {  	(tag) =	ssettag $0x0;
	lr =	simm.s32 $0x1  }
0x2: {  	[smem:$0x3F87] =	sst lr;
	_ =	strace $0xD0000000  }
0x3: {  	_ = 	snop  }
0x4: {  	_ = 	snop  }
0x5: {  	_ = 	snop  }
0x6: {  	_ = 	snop  }
0x7: {  	_ = 	snop  }
__scs_overlays_trampoline_lowered:
0x8: {  	[smem:$0x3F96] =	sst s0  }
0x9: {  	[smem:$0x3F97] =	sst s1  }
0xa: {  	[smem:$0x3F98] =	sst s2  }
0xb: {  	[smem:$0x3F99] =	sst s3  }
0xc: {  	[smem:$0x3F9A] =	sst s4  }
0xd: {  	[smem:$0x3F9B] =	sst s5  }
0xe: {  	[smem:$0x3F9C] =	sst s6  }
0xf: {  	[smem:$0x3F9D] =	sst s7  }
0x10: {  	[smem:$0x3F9E] =	sst s8  }
0x11: {  	[smem:$0x3F9F] =	sst s9;
	s0 =	simm.s32 @!p0 $0x0  }
0x12: {  	s1 =	sld [smem:$0x3F85];
	s0 =	simm.s32 @p0 $0x1  }
0x13: {  	[smem:$0x3FA0] =	sst s0;
	s0 =	simm.s32 @!p1 $0x0  }
0x14: {  	s2 =	sld [smem:$0x3F84];
	s0 =	simm.s32 @p1 $0x1  }
0x15: {  	[smem:$0x3FA1] =	sst s0;
	s0 =	simm.s32 @!p2 $0x0  }
0x16: {  	s3 =	sld [smem:$0x3FDB];
	s0 =	simm.s32 @p2 $0x1  }
0x17: {  	s4 =	simm.s32 $0x1BF5;
	[smem:$0x3FA3] =	sst s0  }
0x18: {  	s0 =	sld [smem:$0x3F86];
	_ =	swait.ge [sflag:s4], $0x0  }
0x19: {  	s7 =	sld [smem:$0x3F87]  }
0x1a: {  	s8 =	sadd.s32 $0xFFFFE003, lr  }
0x1b: {  	s9 =	sadd.s32 $0xFFFFFEF7, lr;
	s5 =	simm.s32 $0xFFFFFFFF;
	p2 =	slt.u32 s8, $0xFFFFF086  }
0x1c: {  	p1 =	slt.u32 s9, $0xF7A;
	s5 =	simm.s32 @!p2 $0x0  }
0x1d: {  	s5 =	simm.s32 @p1 $0x1;
	p0 =	seq.s32 s7, s2  }
0x1e: {  	s7 =	smul.u32 @!p0 $0xF7A, s2;
	p2 =	seq.s32 @!p0 s5, $0x0  }
0x1f: {  	s9 =	smul.u32 $0xF7A, s1;
	s8 =	simm.s32 @!p0 $0x1BF5;
	p2 =	por !p2, p0  }
0x20: {  	[sflag:s8] =	ssyncset.s32 @!p0 $0xFFFFF086;
	s6 =	sadd.s32 @!p0 s3, s7;
	s7 =	simm.s32 @!p0 $0x108  }
0x21: {  	s3 =	sadd.s32 s3, s9;
	s6 =	sadd.s32 @!p0 $0x88, s6;
	s7 =	simm.s32 @p2 $0x1082  }
0x22: {  	[simem:s7], [sflag:s8] =	dma.local @!p0 [hbm:s6], $0xF7A  }
0x23: {  	s9 =	sor.u32 $0xD0000000, s2;
	s6 =	simm.s32 $0x108;
	_ =	swait.ge @!p0 [sflag:s8], $0x0  }
0x24: {  	s3 =	sadd.s32 $0x88, s3;
	s6 =	simm.s32 @!p1 $0x1082;
	[sflag:s4] =	ssyncset.s32 $0xFFFFF086  }
0x25: {  	[simem:s6], [sflag:s4] =	dma.local [hbm:s3], $0xF7A  }
0x26: {  	[smem:$0x3F87] =	sst s1;
	(tag) =	ssettag s2;
	_ =	strace s9  }
0x27: {  	s1 =	sld [smem:$0x3F97]  }
0x28: {  	s2 =	sld [smem:$0x3F98]  }
0x29: {  	s4 =	sld [smem:$0x3F9A]  }
0x2a: {  	p0 =	seq.s32 s5, $0x0;
	s5 =	sld [smem:$0x3F9B]  }
0x2b: {  	s6 =	sld [smem:$0x3F9C]  }
0x2c: {  	s7 =	sld [smem:$0x3F9D]  }
0x2d: {  	s3 =	simm.s32 $0x108;
	s8 =	sld [smem:$0x3F9E]  }
0x2e: {  	s3 =	simm.s32 @!p0 $0x1082;
	s9 =	sld [smem:$0x3F9F]  }
0x2f: {  	lr =	sadd.s32 s0, s3;
	s0 =	sld [smem:$0x3F96]  }
0x30: {  	s3 =	sld [smem:$0x3F99]  }
0x31: {  	[smem:$0x3FA2] =	sst s10  }
0x32: {  	s10 =	sld [smem:$0x3FA0];
	_ =	sdelay $0x3  }
0x33: {  	p0 =	seq.s32 s10, $0x1;
	s10 =	sld [smem:$0x3FA2];
	_ =	sdelay $0x3  }
0x34: {  	[smem:$0x3FA2] =	sst s10  }
0x35: {  	s10 =	sld [smem:$0x3FA1];
	_ =	sdelay $0x3  }
0x36: {  	p1 =	seq.s32 s10, $0x1;
	s10 =	sld [smem:$0x3FA2];
	_ =	sdelay $0x3  }
0x37: {  	[smem:$0x3FA2] =	sst s10  }
0x38: {  	s10 =	sld [smem:$0x3FA3]  }
0x39: {  	_ = 	snop;
	(pc) =	sbr.ind lr, $3  }
0x3a: {  	_ = 	snop  }
0x3b: {  	_ = 	snop  }
0x3c: {  	p2 =	seq.s32 s10, $0x1;
	s10 =	sld [smem:$0x3FA2]  }
0x3d: {  	_ =	shalt  }
0x3e: {  	_ =	shalt  }
0x3f: {  	_ =	shalt  }
0x40: {  	_ =	shalt  }
0x41: {  	_ =	shalt  }
0x42: {  	_ =	shalt  }
0x43: {  	_ =	shalt  }
0x44: {  	_ =	shalt  }
0x45: {  	_ =	shalt  }
0x46: {  	_ =	shalt  }
0x47: {  	_ =	shalt  }
0x48: {  	_ =	shalt  }
0x49: {  	_ =	shalt  }
0x4a: {  	_ =	shalt  }
0x4b: {  	_ =	shalt  }
0x4c: {  	_ =	shalt  }
0x4d: {  	_ =	shalt  }
0x4e: {  	_ =	shalt  }
0x4f: {  	_ =	shalt  }
0x50: {  	_ =	shalt  }
0x51: {  	_ =	shalt  }
0x52: {  	_ =	shalt  }
0x53: {  	_ =	shalt  }
0x54: {  	_ =	shalt  }
0x55: {  	_ =	shalt  }
0x56: {  	_ =	shalt  }
0x57: {  	_ =	shalt  }
0x58: {  	_ =	shalt  }
0x59: {  	_ =	shalt  }
0x5a: {  	_ =	shalt  }
0x5b: {  	_ =	shalt  }
0x5c: {  	_ =	shalt  }
0x5d: {  	_ =	shalt  }
0x5e: {  	_ =	shalt  }
0x5f: {  	_ =	shalt  }
0x60: {  	_ =	shalt  }
0x61: {  	_ =	shalt  }
0x62: {  	_ =	shalt  }
0x63: {  	_ =	shalt  }
0x64: {  	_ =	shalt  }
0x65: {  	_ =	shalt  }
0x66: {  	_ =	shalt  }
0x67: {  	_ =	shalt  }
0x68: {  	_ =	shalt  }
0x69: {  	_ =	shalt  }
0x6a: {  	_ =	shalt  }
0x6b: {  	_ =	shalt  }
0x6c: {  	_ =	shalt  }
0x6d: {  	_ =	shalt  }
0x6e: {  	_ =	shalt  }
0x6f: {  	_ =	shalt  }
0x70: {  	_ =	shalt  }
0x71: {  	_ =	shalt  }
0x72: {  	_ =	shalt  }
0x73: {  	_ =	shalt  }
0x74: {  	_ =	shalt  }
0x75: {  	_ =	shalt  }
0x76: {  	_ =	shalt  }
0x77: {  	_ =	shalt  }
0x78: {  	_ =	shalt  }
0x79: {  	_ =	shalt  }
0x7a: {  	_ =	shalt  }
0x7b: {  	_ =	shalt  }
0x7c: {  	_ =	shalt  }
0x7d: {  	_ =	shalt  }
0x7e: {  	_ =	shalt  }
0x7f: {  	_ =	shalt  }
0x80: {  	_ =	shalt  }
0x81: {  	_ =	shalt  }
0x82: {  	_ =	shalt  }
0x83: {  	_ =	shalt  }
0x84: {  	_ =	shalt  }
0x85: {  	_ =	shalt  }
0x86: {  	_ =	shalt  }
0x87: {  	_ =	shalt  }
.Lfunc_end0:
.L_simem_size_0:
called_computation.1_lowered:
.L_overlay_start_0:
0x88: {  	s2 =	sld [smem:$0x3FD9]  }
0x89: {  	s3 =	sld [smem:$0x3FFE];
	_ =	sdelay $0x1  }
0x8a: {  	s1 =	srdreg.scid  }
0x8b: {  	s0 =	sand.u32 $0x1, s1  }
0x8c: {  	s16 =	sshll.u32 s0, $0xA;
	s2 =	sadd.s32 s3, s2  }
0x8d: {  	s2 =	sadd.s32 s2, s16  }
0x8e: {  	[smem:$0x3FAE] =	sst s2  }
0x8f: {  	_ = 	snop  }
0x90: {  	(tm) =	ssettm $0x1  }
0x91: {  	s17 =	sld [smem:$0x3FFB];
	_ =	sdelay $0x3  }
0x92: {  	_ =	strace s17  }
0x93: {  	s2 =	sld [smem:$0x3FFC];
	_ =	sdelay $0x3  }
0x94: {  	_ =	strace s2  }
0x95: {  	s2 =	sld [smem:$0x3FFD];
	_ =	sdelay $0x3  }
0x96: {  	_ =	strace s2  }
0x97: {  	_ =	strace $0x8FFFFFFF  }
0x98: {  	s18 =	sld [smem:$0x3FDB];
	_ =	sdelay $0x1  }
0x99: {  	s19 =	simm.s32 $_scs_section_size  }
0x9a: {  	s4 =	simm.s32 $_size__tile_overlayer_lowered;
	s5 =	simm.s32 $_tile_overlayer_lowered  }
0x9b: {  	s22 =	simm.s32 $0x1BFF;
	s21 =	sshll.u32 s5, $0x1;
	s2 =	sadd.s32 s19, s18  }
0x9c: {  	s6 =	simm.s32 $0x0;
	s20 =	sshll.u32 s4, $0x1;
	s4 =	sadd.s32 s21, s2  }
0x9d: {  	[timem:s6], [sflag:s22] =	dma.local [hbm:s4], s20  }
0x9e: {  	_ =	swait.ge [sflag:s22], s20  }
0x9f: {  	s3 =	ssub.s32 $0x0, s20;
	[sflag:s22] =	ssyncset.done $0x0  }
0xa0: {  	[sflag:s22] =	ssyncadd.s32 s3;
	_ =	sdelay $0x1  }
0xa1: {  	s23 =	simm.s32 $0x1B8B  }
0xa2: {  	_ =	swait.ge [sflag:s23], $0x1  }
0xa3: {  	[sflag:s23] =	ssyncset.done $0x0  }
0xa4: {  	s25 =	simm.s32 $0x1B8E;
	s24 =	sld [smem:$0x3FFE];
	[sflag:s23] =	ssyncadd.s32 $0xFFFFFFFF  }
0xa5: {  	s26 =	simm.s32 $execute0_lowered;
	[smem:$0x3FD2] =	sst s25  }
0xa6: {  	s4 =	sshll.u32 s26, $0x1;
	_ =	strace $0x80000049;
	[dreg:$0x1] =	wrdreg $0xFFFFFFFF  }
0xa7: {  	s28 =	simm.s32 $_size_execute0_lowered;
	s2 =	sadd.s32 s2, s4;
	[dreg:$0x0] =	wrdreg $0x0  }
0xa8: {  	s4 =	sshll.u32 s28, $0x1;
	[dreg:$0x2] =	wrdreg s2  }
0xa9: {  	[dreg:$0x3] =	wrdreg s4  }
0xaa: {  	[dreg:$0x4] =	wrdreg $0xC0  }
0xab: {  	_ =	task [dreg:s6], $0x5FFFF  }
0xac: {  	[dreg:$0x1] =	wrdreg $0xFFFFFFFF  }
0xad: {  	[dreg:$0x0] =	wrdreg $0x60  }
0xae: {  	[dreg:$0x2] =	wrdreg s24  }
0xaf: {  	[dreg:$0x3] =	wrdreg $0x9  }
0xb0: {  	_ =	task.clear_ibuf [dreg:s6], $0x4FFFF;
	_ =	strace $0x90000049  }
0xb1: {  	s29 =	simm.s32 $0x9;
	_ =	strace $0x8000004B  }
0xb2: {  	_ =	swait.ge [sflag:s29], $0x1  }
0xb3: {  	[sflag:s29] =	ssyncadd.s32 $0xFFFFFFFF  }
0xb4: {  	_ =	strace $0x9000004B  }
0xb5: {  	_ =	sfence  }
0xb6: {  	s30 =	sld [smem:$0x0];
	_ =	sdelay $0x2  }
0xb7: {  	s31 =	sshll.u32 s1, $0xD;
	s1 =	sshrl.u32 s1, $0x2  }
0xb8: {  	s3 =	sand.u32 $0x4000, s31;
	s1 =	sadd.s32 s1, s30  }
0xb9: {  	s0 =	sor.u32 s3, s0;
	s1 =	sshll.u32 s1, $0x11  }
0xba: {  	s0 =	sor.u32 s1, s0  }
0xbb: {  	s0 =	sadd.s32 $0x8F2B, s0  }
0xbc: {  	[sflag:s0] =	ssyncadd.remote.s32 $0x1  }
0xbd: {  	_ =	sfence.sel $0xFFFF  }
0xbe: {  	[dreg:$0x0] =	wrdreg $0xFFFFFFFF;
	(pc) =	sbr.abs _section_cstart, $3  }
0xbf: {  	[dreg:$0x1] =	wrdreg $0xFFFFFFFF  }
0xc0: {  	_ =	task.clear_ibuf [dreg:s6], $0x2FFFF;
	_ =	strace $0x9FFFFFFF  }
0xc1: {  	(tm) =	ssettm $0x7FFFFFFF  }
tec
execute0_lowered:
.L_overlay_start_1:
0x0: {  	(tag) =	ssettag $0x1  }
0x1: {  	s0 =	srdreg.scid  }
0x2: {  	s2 =	stileid.u32;
	s1 =	rddreg [dreg:$0x0];
	s10 =	simm.s32 $0x880  }
0x3: {  	s11 =	simm.s32 $0x1080;
	s12 =	simm.s32 $0x1880;
	s13 =	simm.s32 $0x2080  }
0x4: {  	s14 =	simm.s32 $0x2880;
	s15 =	simm.s32 $0x3080;
	s16 =	simm.s32 $0x3880  }
0x5: {  	s17 =	simm.s32 $0x4080;
	s18 =	simm.s32 $0x4880;
	s19 =	simm.s32 $0x5080  }
0x6: {  	s20 =	simm.s32 $0x5880;
	s21 =	simm.s32 $0x6080;
	s22 =	simm.s32 $0x6880  }
0x7: {  	s23 =	simm.s32 $0x7080;
	s24 =	simm.s32 $0x7880;
	s28 =	simm.s32 $0x9080  }
0x8: {  	s29 =	simm.s32 $0x9880;
	s30 =	simm.s32 $0xA080;
	s31 =	simm.s32 $0xA880  }
0x9: {  	s0 =	sand.u32 $0x1, s0;
	s3 =	sshll.u32 s2, $0x4;
	s2 =	simm.s32 $0x0  }
0xa: {  	s4 =	sshll.u32 s0, $0x3;
	[smem:$0x7FF] =	sst s2;
	s0 =	ssub.s32 $0x2, s0  }
0xb: {  	s3 =	sor.u32 s4, s3;
	_ =	strace $0x8000004A;
	s7 =	sshrl.u32 s0, $0x1  }
0xc: {  	s4 =	smul.u32 $0x300, s3;
	s5 =	sadd.s32 s3, s1;
	s3 =	sadd.s32 $0x31800, s1  }
0xd: {  	s0 =	ssub.s32 s0, s7;
	s7 =	simm.s32 $0x2;
	s6 =	sadd.s32 $0x31400, s5  }
0xe: {  	s5 =	sadd.s32 $0x31600, s5;
	s4 =	sadd.s32 s4, s1;
	[dreg:$0x2] =	wrdreg s6  }
0xf: {  	[dreg:$0x4] =	wrdreg s5;
	s5 =	sadd.s32 $0x31A00, s1;
	s6 =	smax.u32 s0, $0x1  }
0x10: {  	v2 =	vlaneseq.u32;
	s0 =	simm.s32 $0x1;
	s25 =	sadd.s32 $0x1200, s4;
	s26 =	sadd.s32 $0x7F800, s4  }
0x11: {  	vm0 =	vmmov $0xffff;
	v1 =	vshrl.u32 v2, $0x3;
	s4 =	sadd.s32 $0x31900, s1;
	s1 =	simm.s32 $0x80;
	[dreg:$0x3] =	wrdreg s25  }
0x12: {  	v0 =	vand.u32 $0x7, v2;
	v2 =	vor.u32 $0x8, v2;
	v1 =	vmul.u32 $0x8, v1;
	[dreg:$0x5] =	wrdreg s26;
	s25 =	simm.s32 $0x8080;
	s26 =	simm.s32 $0x8880  }
.LBB2_1:
0x13: {  	s9 =	rddreg [dreg:$0x2]  }
0x14: {  	[tilespmem:s2], [sflag:$0x2] =	stream.linear.gather [hbm4b:s9+s2], $0x40, $0x38;
	[tilespmem:$0xC080] =	vst v63  }
0x15: {  	_ =	swait.ge [sflag:s7], $0x40  }
0x16: {  	[sflag:s7] =	ssyncset.done $0x0  }
0x17: {  	[sflag:s7] =	ssyncadd.s32 $0xFFFFFFC0  }
0x18: {  	v3 =	vld [tilespmem:$0x0];
	_ =	sdelay $0x4  }
0x19: {  	v4 =	vshrl.u32 v3, $0x3  }
0x1a: {  	v4 =	vmul.u32 $0x30, v4  }
0x1b: {  	v3 =	vand.u32 $0x7, v3  }
0x1c: {  	v3 =	vor.u32 v3, v4  }
0x1d: {  	v4 =	vperm.xlane v3, v0;
	_ =	sdelay $0x1  }
0x1e: {  	v4 =	vadd.s32 v1, v4;
	_ =	sdelay $0x3  }
0x1f: {  	v3 =	vperm.xlane v3, v2  }
0x20: {  	[tilespmem:s1], [sflag:$0x1] =	stream.indirect_vreg.gather [hbm4b:s3+s2], $0x80, v4, vm0, $0xb8;
	[tilespmem:$0xC080] =	vst v63  }
0x21: {  	v3 =	vadd.s32 v1, v3  }
0x22: {  	[tilespmem:s10], [sflag:$0x1] =	stream.indirect_vreg.gather [hbm4b:s4+s2], $0x80, v4, vm0, $0xb8;
	[tilespmem:$0xC080] =	vst v63  }
0x23: {  	_ = 	snop  }
0x24: {  	[tilespmem:s11], [sflag:$0x1] =	stream.indirect_vreg.gather [hbm4b:s5+s2], $0x80, v4, vm0, $0xb8;
	[tilespmem:$0xC080] =	vst v63  }
0x25: {  	_ = 	snop  }
0x26: {  	[tilespmem:s12], [sflag:$0x1] =	stream.indirect_vreg.gather [hbm4b:s3+s2], $0x80, v3, vm0, $0xb8;
	[tilespmem:$0xC080] =	vst v63  }
0x27: {  	_ = 	snop  }
0x28: {  	[tilespmem:s13], [sflag:$0x1] =	stream.indirect_vreg.gather [hbm4b:s4+s2], $0x80, v3, vm0, $0xb8;
	[tilespmem:$0xC080] =	vst v63  }
0x29: {  	_ = 	snop  }
0x2a: {  	[tilespmem:s14], [sflag:$0x1] =	stream.indirect_vreg.gather [hbm4b:s5+s2], $0x80, v3, vm0, $0xb8;
	[tilespmem:$0xC080] =	vst v63  }
0x2b: {  	v3 =	vld [tilespmem:$0x10];
	_ =	sdelay $0x4  }
0x2c: {  	v57 =	vshrl.u32 v3, $0x3  }
0x2d: {  	v4 =	vmul.u32 $0x30, v57  }
0x2e: {  	v3 =	vand.u32 $0x7, v3  }
0x2f: {  	v3 =	vor.u32 v3, v4  }
0x30: {  	v4 =	vperm.xlane v3, v0;
	_ =	sdelay $0x1  }
0x31: {  	v4 =	vadd.s32 v1, v4;
	_ =	sdelay $0x3  }
0x32: {  	v3 =	vperm.xlane v3, v2  }
0x33: {  	[tilespmem:s15], [sflag:$0x1] =	stream.indirect_vreg.gather [hbm4b:s3+s2], $0x80, v4, vm0, $0xb8;
	[tilespmem:$0xC080] =	vst v63  }
0x34: {  	v3 =	vadd.s32 v1, v3  }
0x35: {  	[tilespmem:s16], [sflag:$0x1] =	stream.indirect_vreg.gather [hbm4b:s4+s2], $0x80, v4, vm0, $0xb8;
	[tilespmem:$0xC080] =	vst v63  }
0x36: {  	_ = 	snop  }
0x37: {  	[tilespmem:s17], [sflag:$0x1] =	stream.indirect_vreg.gather [hbm4b:s5+s2], $0x80, v4, vm0, $0xb8;
	[tilespmem:$0xC080] =	vst v63  }
0x38: {  	_ = 	snop  }
0x39: {  	[tilespmem:s18], [sflag:$0x1] =	stream.indirect_vreg.gather [hbm4b:s3+s2], $0x80, v3, vm0, $0xb8;
	[tilespmem:$0xC080] =	vst v63  }
0x3a: {  	_ = 	snop  }
0x3b: {  	[tilespmem:s19], [sflag:$0x1] =	stream.indirect_vreg.gather [hbm4b:s4+s2], $0x80, v3, vm0, $0xb8;
	[tilespmem:$0xC080] =	vst v63  }
0x3c: {  	_ = 	snop  }
0x3d: {  	[tilespmem:s20], [sflag:$0x1] =	stream.indirect_vreg.gather [hbm4b:s5+s2], $0x80, v3, vm0, $0xb8;
	[tilespmem:$0xC080] =	vst v63  }
0x3e: {  	v3 =	vld [tilespmem:$0x20];
	_ =	sdelay $0x4  }
0x3f: {  	v58 =	vshrl.u32 v3, $0x3  }
0x40: {  	v4 =	vmul.u32 $0x30, v58  }
0x41: {  	v3 =	vand.u32 $0x7, v3  }
0x42: {  	v3 =	vor.u32 v3, v4  }
0x43: {  	v4 =	vperm.xlane v3, v0;
	_ =	sdelay $0x1  }
0x44: {  	v4 =	vadd.s32 v1, v4;
	_ =	sdelay $0x3  }
0x45: {  	v3 =	vperm.xlane v3, v2  }
0x46: {  	[tilespmem:s21], [sflag:$0x1] =	stream.indirect_vreg.gather [hbm4b:s3+s2], $0x80, v4, vm0, $0xb8;
	[tilespmem:$0xC080] =	vst v63  }
0x47: {  	v3 =	vadd.s32 v1, v3  }
0x48: {  	[tilespmem:s22], [sflag:$0x1] =	stream.indirect_vreg.gather [hbm4b:s4+s2], $0x80, v4, vm0, $0xb8;
	[tilespmem:$0xC080] =	vst v63  }
0x49: {  	_ = 	snop  }
0x4a: {  	[tilespmem:s23], [sflag:$0x1] =	stream.indirect_vreg.gather [hbm4b:s5+s2], $0x80, v4, vm0, $0xb8;
	[tilespmem:$0xC080] =	vst v63  }
0x4b: {  	_ = 	snop  }
0x4c: {  	[tilespmem:s24], [sflag:$0x1] =	stream.indirect_vreg.gather [hbm4b:s3+s2], $0x80, v3, vm0, $0xb8;
	[tilespmem:$0xC080] =	vst v63  }
0x4d: {  	_ = 	snop  }
0x4e: {  	[tilespmem:s25], [sflag:$0x1] =	stream.indirect_vreg.gather [hbm4b:s4+s2], $0x80, v3, vm0, $0xb8;
	[tilespmem:$0xC080] =	vst v63  }
0x4f: {  	_ = 	snop  }
0x50: {  	[tilespmem:s26], [sflag:$0x1] =	stream.indirect_vreg.gather [hbm4b:s5+s2], $0x80, v3, vm0, $0xb8;
	[tilespmem:$0xC080] =	vst v63  }
0x51: {  	v3 =	vld [tilespmem:$0x30];
	_ =	sdelay $0x4  }
0x52: {  	v59 =	vshrl.u32 v3, $0x3  }
0x53: {  	v4 =	vmul.u32 $0x30, v59  }
0x54: {  	v3 =	vand.u32 $0x7, v3  }
0x55: {  	v3 =	vor.u32 v3, v4  }
0x56: {  	v4 =	vperm.xlane v3, v0;
	_ =	sdelay $0x1  }
0x57: {  	v4 =	vadd.s32 v1, v4;
	_ =	sdelay $0x3  }
0x58: {  	v3 =	vperm.xlane v3, v2  }
0x59: {  	[tilespmem:s28], [sflag:$0x1] =	stream.indirect_vreg.gather [hbm4b:s3+s2], $0x80, v4, vm0, $0xb8;
	[tilespmem:$0xC080] =	vst v63  }
0x5a: {  	v3 =	vadd.s32 v1, v3  }
0x5b: {  	[tilespmem:s29], [sflag:$0x1] =	stream.indirect_vreg.gather [hbm4b:s4+s2], $0x80, v4, vm0, $0xb8;
	[tilespmem:$0xC080] =	vst v63  }
0x5c: {  	_ = 	snop  }
0x5d: {  	[tilespmem:s30], [sflag:$0x1] =	stream.indirect_vreg.gather [hbm4b:s5+s2], $0x80, v4, vm0, $0xb8;
	[tilespmem:$0xC080] =	vst v63  }
0x5e: {  	_ = 	snop  }
0x5f: {  	[tilespmem:s31], [sflag:$0x1] =	stream.indirect_vreg.gather [hbm4b:s3+s2], $0x80, v3, vm0, $0xb8;
	[tilespmem:$0xC080] =	vst v63  }
0x60: {  	s8 =	simm.s32 $0xB080  }
0x61: {  	[tilespmem:s8], [sflag:$0x1] =	stream.indirect_vreg.gather [hbm4b:s4+s2], $0x80, v3, vm0, $0xb8;
	[tilespmem:$0xC080] =	vst v63  }
0x62: {  	s8 =	simm.s32 $0xB880  }
0x63: {  	[tilespmem:s8], [sflag:$0x1] =	stream.indirect_vreg.gather [hbm4b:s5+s2], $0x80, v3, vm0, $0xb8;
	[tilespmem:$0xC080] =	vst v63  }
0x64: {  	_ =	swait.ge [sflag:s0], $0xC000  }
0x65: {  	[sflag:s0] =	ssyncset.done $0x0  }
0x66: {  	s9 =	rddreg [dreg:$0x3];
	[sflag:s0] =	ssyncadd.s32 $0xFFFF4000  }
0x67: {  	[hbm4b:s9+s2] =	stream.linear.scatter [tilespmem:s1], [sflag:$0x2], $0xC000, $0x38;
	[tilespmem:$0xC080] =	vst v63  }
0x68: {  	_ =	swait.ge [sflag:s7], $0xC000  }
0x69: {  	[sflag:s7] =	ssyncset.done $0x0  }
0x6a: {  	s9 =	rddreg [dreg:$0x4];
	[sflag:s7] =	ssyncadd.s32 $0xFFFF4000  }
0x6b: {  	[tilespmem:s2], [sflag:$0x2] =	stream.linear.gather [hbm4b:s9+s2], $0x40, $0x38;
	[tilespmem:$0xC080] =	vst v63  }
0x6c: {  	_ =	swait.ge [sflag:s7], $0x40  }
0x6d: {  	[sflag:s7] =	ssyncset.done $0x0  }
0x6e: {  	[sflag:s7] =	ssyncadd.s32 $0xFFFFFFC0  }
0x6f: {  	v3 =	vld [tilespmem:$0x0];
	_ =	sdelay $0x4  }
0x70: {  	v60 =	vshrl.u32 v3, $0x3  }
0x71: {  	v4 =	vmul.u32 $0x30, v60  }
0x72: {  	v3 =	vand.u32 $0x7, v3  }
0x73: {  	v3 =	vor.u32 v3, v4  }
0x74: {  	v4 =	vperm.xlane v3, v0;
	_ =	sdelay $0x1  }
0x75: {  	v4 =	vadd.s32 v1, v4;
	_ =	sdelay $0x3  }
0x76: {  	v3 =	vperm.xlane v3, v2  }
0x77: {  	[tilespmem:s1], [sflag:$0x1] =	stream.indirect_vreg.gather [hbm4b:s3+s2], $0x80, v4, vm0, $0xb8;
	[tilespmem:$0xC080] =	vst v63  }
0x78: {  	v3 =	vadd.s32 v1, v3  }
0x79: {  	[tilespmem:s10], [sflag:$0x1] =	stream.indirect_vreg.gather [hbm4b:s4+s2], $0x80, v4, vm0, $0xb8;
	[tilespmem:$0xC080] =	vst v63  }
0x7a: {  	_ = 	snop  }
0x7b: {  	[tilespmem:s11], [sflag:$0x1] =	stream.indirect_vreg.gather [hbm4b:s5+s2], $0x80, v4, vm0, $0xb8;
	[tilespmem:$0xC080] =	vst v63  }
0x7c: {  	_ = 	snop  }
0x7d: {  	[tilespmem:s12], [sflag:$0x1] =	stream.indirect_vreg.gather [hbm4b:s3+s2], $0x80, v3, vm0, $0xb8;
	[tilespmem:$0xC080] =	vst v63  }
0x7e: {  	_ = 	snop  }
0x7f: {  	[tilespmem:s13], [sflag:$0x1] =	stream.indirect_vreg.gather [hbm4b:s4+s2], $0x80, v3, vm0, $0xb8;
	[tilespmem:$0xC080] =	vst v63  }
0x80: {  	_ = 	snop  }
0x81: {  	[tilespmem:s14], [sflag:$0x1] =	stream.indirect_vreg.gather [hbm4b:s5+s2], $0x80, v3, vm0, $0xb8;
	[tilespmem:$0xC080] =	vst v63  }
0x82: {  	v3 =	vld [tilespmem:$0x10];
	_ =	sdelay $0x4  }
0x83: {  	v61 =	vshrl.u32 v3, $0x3  }
0x84: {  	v4 =	vmul.u32 $0x30, v61  }
0x85: {  	v3 =	vand.u32 $0x7, v3  }
0x86: {  	v3 =	vor.u32 v3, v4  }
0x87: {  	v4 =	vperm.xlane v3, v0;
	_ =	sdelay $0x1  }
0x88: {  	v4 =	vadd.s32 v1, v4;
	_ =	sdelay $0x3  }
0x89: {  	v3 =	vperm.xlane v3, v2  }
0x8a: {  	[tilespmem:s15], [sflag:$0x1] =	stream.indirect_vreg.gather [hbm4b:s3+s2], $0x80, v4, vm0, $0xb8;
	[tilespmem:$0xC080] =	vst v63  }
0x8b: {  	v3 =	vadd.s32 v1, v3  }
0x8c: {  	[tilespmem:s16], [sflag:$0x1] =	stream.indirect_vreg.gather [hbm4b:s4+s2], $0x80, v4, vm0, $0xb8;
	[tilespmem:$0xC080] =	vst v63  }
0x8d: {  	_ = 	snop  }
0x8e: {  	[tilespmem:s17], [sflag:$0x1] =	stream.indirect_vreg.gather [hbm4b:s5+s2], $0x80, v4, vm0, $0xb8;
	[tilespmem:$0xC080] =	vst v63  }
0x8f: {  	_ = 	snop  }
0x90: {  	[tilespmem:s18], [sflag:$0x1] =	stream.indirect_vreg.gather [hbm4b:s3+s2], $0x80, v3, vm0, $0xb8;
	[tilespmem:$0xC080] =	vst v63  }
0x91: {  	_ = 	snop  }
0x92: {  	[tilespmem:s19], [sflag:$0x1] =	stream.indirect_vreg.gather [hbm4b:s4+s2], $0x80, v3, vm0, $0xb8;
	[tilespmem:$0xC080] =	vst v63  }
0x93: {  	_ = 	snop  }
0x94: {  	[tilespmem:s20], [sflag:$0x1] =	stream.indirect_vreg.gather [hbm4b:s5+s2], $0x80, v3, vm0, $0xb8;
	[tilespmem:$0xC080] =	vst v63  }
0x95: {  	v3 =	vld [tilespmem:$0x20];
	_ =	sdelay $0x4  }
0x96: {  	v62 =	vshrl.u32 v3, $0x3  }
0x97: {  	v4 =	vmul.u32 $0x30, v62  }
0x98: {  	v3 =	vand.u32 $0x7, v3  }
0x99: {  	v3 =	vor.u32 v3, v4  }
0x9a: {  	v4 =	vperm.xlane v3, v0;
	_ =	sdelay $0x1  }
0x9b: {  	v4 =	vadd.s32 v1, v4;
	_ =	sdelay $0x3  }
0x9c: {  	v3 =	vperm.xlane v3, v2  }
0x9d: {  	[tilespmem:s21], [sflag:$0x1] =	stream.indirect_vreg.gather [hbm4b:s3+s2], $0x80, v4, vm0, $0xb8;
	[tilespmem:$0xC080] =	vst v63  }
0x9e: {  	v3 =	vadd.s32 v1, v3  }
0x9f: {  	[tilespmem:s22], [sflag:$0x1] =	stream.indirect_vreg.gather [hbm4b:s4+s2], $0x80, v4, vm0, $0xb8;
	[tilespmem:$0xC080] =	vst v63  }
0xa0: {  	_ = 	snop  }
0xa1: {  	[tilespmem:s23], [sflag:$0x1] =	stream.indirect_vreg.gather [hbm4b:s5+s2], $0x80, v4, vm0, $0xb8;
	[tilespmem:$0xC080] =	vst v63  }
0xa2: {  	_ = 	snop  }
0xa3: {  	[tilespmem:s24], [sflag:$0x1] =	stream.indirect_vreg.gather [hbm4b:s3+s2], $0x80, v3, vm0, $0xb8;
	[tilespmem:$0xC080] =	vst v63  }
0xa4: {  	_ = 	snop  }
0xa5: {  	[tilespmem:s25], [sflag:$0x1] =	stream.indirect_vreg.gather [hbm4b:s4+s2], $0x80, v3, vm0, $0xb8;
	[tilespmem:$0xC080] =	vst v63  }
0xa6: {  	_ = 	snop  }
0xa7: {  	[tilespmem:s26], [sflag:$0x1] =	stream.indirect_vreg.gather [hbm4b:s5+s2], $0x80, v3, vm0, $0xb8;
	[tilespmem:$0xC080] =	vst v63  }
0xa8: {  	v3 =	vld [tilespmem:$0x30];
	_ =	sdelay $0x4  }
0xa9: {  	v63 =	vshrl.u32 v3, $0x3  }
0xaa: {  	v4 =	vmul.u32 $0x30, v63  }
0xab: {  	v3 =	vand.u32 $0x7, v3  }
0xac: {  	v3 =	vor.u32 v3, v4  }
0xad: {  	v4 =	vperm.xlane v3, v0;
	_ =	sdelay $0x1  }
0xae: {  	v4 =	vadd.s32 v1, v4;
	_ =	sdelay $0x3  }
0xaf: {  	v3 =	vperm.xlane v3, v2  }
0xb0: {  	[tilespmem:s28], [sflag:$0x1] =	stream.indirect_vreg.gather [hbm4b:s3+s2], $0x80, v4, vm0, $0xb8;
	[tilespmem:$0xC080] =	vst v63  }
0xb1: {  	v3 =	vadd.s32 v1, v3  }
0xb2: {  	[tilespmem:s29], [sflag:$0x1] =	stream.indirect_vreg.gather [hbm4b:s4+s2], $0x80, v4, vm0, $0xb8;
	[tilespmem:$0xC080] =	vst v63  }
0xb3: {  	_ = 	snop  }
0xb4: {  	[tilespmem:s30], [sflag:$0x1] =	stream.indirect_vreg.gather [hbm4b:s5+s2], $0x80, v4, vm0, $0xb8;
	[tilespmem:$0xC080] =	vst v63  }
0xb5: {  	_ = 	snop  }
0xb6: {  	[tilespmem:s31], [sflag:$0x1] =	stream.indirect_vreg.gather [hbm4b:s3+s2], $0x80, v3, vm0, $0xb8;
	[tilespmem:$0xC080] =	vst v63  }
0xb7: {  	s9 =	simm.s32 $0xB080  }
0xb8: {  	[tilespmem:s9], [sflag:$0x1] =	stream.indirect_vreg.gather [hbm4b:s4+s2], $0x80, v3, vm0, $0xb8;
	[tilespmem:$0xC080] =	vst v63  }
0xb9: {  	_ = 	snop  }
0xba: {  	[tilespmem:s8], [sflag:$0x1] =	stream.indirect_vreg.gather [hbm4b:s5+s2], $0x80, v3, vm0, $0xb8;
	[tilespmem:$0xC080] =	vst v63  }
0xbb: {  	_ =	swait.ge [sflag:s0], $0xC000  }
0xbc: {  	p0 =	sne.s32 s6, $0x1;
	[sflag:s0] =	ssyncset.done $0x0  }
.Ltmp0:
0xbd: {  	s8 =	rddreg [dreg:$0x5];
	[sflag:s0] =	ssyncadd.s32 $0xFFFF4000;
	(pc) =	sbr.rel @p0 .LBB2_1-.Ltmp0, $4  }
0xbe: {  	[hbm4b:s8+s2] =	stream.linear.scatter [tilespmem:s1], [sflag:$0x2], $0xC000, $0x38;
	[tilespmem:$0xC080] =	vst v63  }
0xbf: {  	_ =	swait.ge [sflag:s7], $0xC000  }
0xc0: {  	[sflag:s7] =	ssyncset.done $0x0  }
0xc1: {  	s6 =	sadd.s32 $0xFFFFFFFF, s6;
	[sflag:s7] =	ssyncadd.s32 $0xFFFF4000  }
0xc2: {  	_ =	sfence.sel $0x180000  }
0xc3: {  	[bflag:$0x0] =	sbarrier.arrive $0xFFFF  }
0xc4: {  	_ =	strace $0x9000004A  }
0xc5: {  	s0 =	stileid.u32;
	[bflag:$0x2] =	sbarrier.arrive $0xFFFF  }
0xc6: {  	p0 =	sne.s32 s0, $0x0;
	s0 =	rddreg [dreg:$0x1]  }
0xc7: {  	s0 =	sadd.s32 @!p0 $0x100000, s0  }
0xc8: {  	[sflag:s0] =	ssyncadd.tile.s32 @!p0 $0x1;
	_ =	shalt  }
.Lfunc_end2:
_tile_overlayer_lowered:
.L_overlay_start_2:
0xc9: {  	(tag) =	ssettag $0x2  }
0xca: {  	s0 =	rddreg [dreg:$0x0];
	s2 =	stileid.u32  }
0xcb: {  	s1 =	rddreg [dreg:$0x1];
	p0 =	sne.s32 s2, $0x0  }
0xcc: {  	s3 =	rddreg [dreg:$0x2];
	[bflag:$0x3] =	sbarrier.arrive $0xFFFF;
	s2 =	simm.s32 @!p0 $0x1C02  }
0xcd: {  	[timem:s3], [sflag:s2] =	dma.local @!p0 [hbm:s0], s1  }
0xce: {  	s0 =	simm.s32 @!p0 $0x2  }
0xcf: {  	_ =	swait.ge @!p0 [sflag:s0], s1  }
0xd0: {  	s1 =	ssub.s32 @!p0 $0x0, s1;
	[sflag:s0] =	ssyncset.done @!p0 $0x0  }
0xd1: {  	[sflag:s0] =	ssyncadd.s32 @!p0 s1  }
0xd2: {  	[bflag:$0x3] =	sbarrier.arrive $0xFFFF  }
0xd3: {  	_ =	shalt  }

// kernel: kernel.46.cloned.1.call-start
scs
__scs_entry_jumppad:
0x0: {  	(pc) =	sbr.rel $0x88, $3  }
0x1: {  	(tag) =	ssettag $0x0;
	lr =	simm.s32 $0x1  }
0x2: {  	[smem:$0x3F87] =	sst lr;
	_ =	strace $0xD0000000  }
0x3: {  	_ = 	snop  }
0x4: {  	_ = 	snop  }
0x5: {  	_ = 	snop  }
0x6: {  	_ = 	snop  }
0x7: {  	_ = 	snop  }
__scs_overlays_trampoline_lowered:
0x8: {  	[smem:$0x3F96] =	sst s0  }
0x9: {  	[smem:$0x3F97] =	sst s1  }
0xa: {  	[smem:$0x3F98] =	sst s2  }
0xb: {  	[smem:$0x3F99] =	sst s3  }
0xc: {  	[smem:$0x3F9A] =	sst s4  }
0xd: {  	[smem:$0x3F9B] =	sst s5  }
0xe: {  	[smem:$0x3F9C] =	sst s6  }
0xf: {  	[smem:$0x3F9D] =	sst s7  }
0x10: {  	[smem:$0x3F9E] =	sst s8  }
0x11: {  	[smem:$0x3F9F] =	sst s9;
	s0 =	simm.s32 @!p0 $0x0  }
0x12: {  	s1 =	sld [smem:$0x3F85];
	s0 =	simm.s32 @p0 $0x1  }
0x13: {  	[smem:$0x3FA0] =	sst s0;
	s0 =	simm.s32 @!p1 $0x0  }
0x14: {  	s2 =	sld [smem:$0x3F84];
	s0 =	simm.s32 @p1 $0x1  }
0x15: {  	[smem:$0x3FA1] =	sst s0;
	s0 =	simm.s32 @!p2 $0x0  }
0x16: {  	s3 =	sld [smem:$0x3FDB];
	s0 =	simm.s32 @p2 $0x1  }
0x17: {  	s4 =	simm.s32 $0x1BF5;
	[smem:$0x3FA3] =	sst s0  }
0x18: {  	s0 =	sld [smem:$0x3F86];
	_ =	swait.ge [sflag:s4], $0x0  }
0x19: {  	s7 =	sld [smem:$0x3F87]  }
0x1a: {  	s8 =	sadd.s32 $0xFFFFE003, lr  }
0x1b: {  	s9 =	sadd.s32 $0xFFFFFEF7, lr;
	s5 =	simm.s32 $0xFFFFFFFF;
	p2 =	slt.u32 s8, $0xFFFFF086  }
0x1c: {  	p1 =	slt.u32 s9, $0xF7A;
	s5 =	simm.s32 @!p2 $0x0  }
0x1d: {  	s5 =	simm.s32 @p1 $0x1;
	p0 =	seq.s32 s7, s2  }
0x1e: {  	s7 =	smul.u32 @!p0 $0xF7A, s2;
	p2 =	seq.s32 @!p0 s5, $0x0  }
0x1f: {  	s9 =	smul.u32 $0xF7A, s1;
	s8 =	simm.s32 @!p0 $0x1BF5;
	p2 =	por !p2, p0  }
0x20: {  	[sflag:s8] =	ssyncset.s32 @!p0 $0xFFFFF086;
	s6 =	sadd.s32 @!p0 s3, s7;
	s7 =	simm.s32 @!p0 $0x108  }
0x21: {  	s3 =	sadd.s32 s3, s9;
	s6 =	sadd.s32 @!p0 $0x88, s6;
	s7 =	simm.s32 @p2 $0x1082  }
0x22: {  	[simem:s7], [sflag:s8] =	dma.local @!p0 [hbm:s6], $0xF7A  }
0x23: {  	s9 =	sor.u32 $0xD0000000, s2;
	s6 =	simm.s32 $0x108;
	_ =	swait.ge @!p0 [sflag:s8], $0x0  }
0x24: {  	s3 =	sadd.s32 $0x88, s3;
	s6 =	simm.s32 @!p1 $0x1082;
	[sflag:s4] =	ssyncset.s32 $0xFFFFF086  }
0x25: {  	[simem:s6], [sflag:s4] =	dma.local [hbm:s3], $0xF7A  }
0x26: {  	[smem:$0x3F87] =	sst s1;
	(tag) =	ssettag s2;
	_ =	strace s9  }
0x27: {  	s1 =	sld [smem:$0x3F97]  }
0x28: {  	s2 =	sld [smem:$0x3F98]  }
0x29: {  	s4 =	sld [smem:$0x3F9A]  }
0x2a: {  	p0 =	seq.s32 s5, $0x0;
	s5 =	sld [smem:$0x3F9B]  }
0x2b: {  	s6 =	sld [smem:$0x3F9C]  }
0x2c: {  	s7 =	sld [smem:$0x3F9D]  }
0x2d: {  	s3 =	simm.s32 $0x108;
	s8 =	sld [smem:$0x3F9E]  }
0x2e: {  	s3 =	simm.s32 @!p0 $0x1082;
	s9 =	sld [smem:$0x3F9F]  }
0x2f: {  	lr =	sadd.s32 s0, s3;
	s0 =	sld [smem:$0x3F96]  }
0x30: {  	s3 =	sld [smem:$0x3F99]  }
0x31: {  	[smem:$0x3FA2] =	sst s10  }
0x32: {  	s10 =	sld [smem:$0x3FA0];
	_ =	sdelay $0x3  }
0x33: {  	p0 =	seq.s32 s10, $0x1;
	s10 =	sld [smem:$0x3FA2];
	_ =	sdelay $0x3  }
0x34: {  	[smem:$0x3FA2] =	sst s10  }
0x35: {  	s10 =	sld [smem:$0x3FA1];
	_ =	sdelay $0x3  }
0x36: {  	p1 =	seq.s32 s10, $0x1;
	s10 =	sld [smem:$0x3FA2];
	_ =	sdelay $0x3  }
0x37: {  	[smem:$0x3FA2] =	sst s10  }
0x38: {  	s10 =	sld [smem:$0x3FA3]  }
0x39: {  	_ = 	snop;
	(pc) =	sbr.ind lr, $3  }
0x3a: {  	_ = 	snop  }
0x3b: {  	_ = 	snop  }
0x3c: {  	p2 =	seq.s32 s10, $0x1;
	s10 =	sld [smem:$0x3FA2]  }
0x3d: {  	_ =	shalt  }
0x3e: {  	_ =	shalt  }
0x3f: {  	_ =	shalt  }
0x40: {  	_ =	shalt  }
0x41: {  	_ =	shalt  }
0x42: {  	_ =	shalt  }
0x43: {  	_ =	shalt  }
0x44: {  	_ =	shalt  }
0x45: {  	_ =	shalt  }
0x46: {  	_ =	shalt  }
0x47: {  	_ =	shalt  }
0x48: {  	_ =	shalt  }
0x49: {  	_ =	shalt  }
0x4a: {  	_ =	shalt  }
0x4b: {  	_ =	shalt  }
0x4c: {  	_ =	shalt  }
0x4d: {  	_ =	shalt  }
0x4e: {  	_ =	shalt  }
0x4f: {  	_ =	shalt  }
0x50: {  	_ =	shalt  }
0x51: {  	_ =	shalt  }
0x52: {  	_ =	shalt  }
0x53: {  	_ =	shalt  }
0x54: {  	_ =	shalt  }
0x55: {  	_ =	shalt  }
0x56: {  	_ =	shalt  }
0x57: {  	_ =	shalt  }
0x58: {  	_ =	shalt  }
0x59: {  	_ =	shalt  }
0x5a: {  	_ =	shalt  }
0x5b: {  	_ =	shalt  }
0x5c: {  	_ =	shalt  }
0x5d: {  	_ =	shalt  }
0x5e: {  	_ =	shalt  }
0x5f: {  	_ =	shalt  }
0x60: {  	_ =	shalt  }
0x61: {  	_ =	shalt  }
0x62: {  	_ =	shalt  }
0x63: {  	_ =	shalt  }
0x64: {  	_ =	shalt  }
0x65: {  	_ =	shalt  }
0x66: {  	_ =	shalt  }
0x67: {  	_ =	shalt  }
0x68: {  	_ =	shalt  }
0x69: {  	_ =	shalt  }
0x6a: {  	_ =	shalt  }
0x6b: {  	_ =	shalt  }
0x6c: {  	_ =	shalt  }
0x6d: {  	_ =	shalt  }
0x6e: {  	_ =	shalt  }
0x6f: {  	_ =	shalt  }
0x70: {  	_ =	shalt  }
0x71: {  	_ =	shalt  }
0x72: {  	_ =	shalt  }
0x73: {  	_ =	shalt  }
0x74: {  	_ =	shalt  }
0x75: {  	_ =	shalt  }
0x76: {  	_ =	shalt  }
0x77: {  	_ =	shalt  }
0x78: {  	_ =	shalt  }
0x79: {  	_ =	shalt  }
0x7a: {  	_ =	shalt  }
0x7b: {  	_ =	shalt  }
0x7c: {  	_ =	shalt  }
0x7d: {  	_ =	shalt  }
0x7e: {  	_ =	shalt  }
0x7f: {  	_ =	shalt  }
0x80: {  	_ =	shalt  }
0x81: {  	_ =	shalt  }
0x82: {  	_ =	shalt  }
0x83: {  	_ =	shalt  }
0x84: {  	_ =	shalt  }
0x85: {  	_ =	shalt  }
0x86: {  	_ =	shalt  }
0x87: {  	_ =	shalt  }
.Lfunc_end0:
.L_simem_size_0:
called_computation.2_lowered:
.L_overlay_start_0:
0x88: {  	s2 =	sld [smem:$0x3FD9]  }
0x89: {  	s3 =	sld [smem:$0x3FFE];
	_ =	sdelay $0x1  }
0x8a: {  	s1 =	srdreg.scid  }
0x8b: {  	s0 =	sand.u32 $0x1, s1  }
0x8c: {  	s17 =	sshll.u32 s0, $0xA;
	s2 =	sadd.s32 s3, s2  }
0x8d: {  	s2 =	sadd.s32 s2, s17  }
0x8e: {  	[smem:$0x3FAE] =	sst s2  }
0x8f: {  	_ = 	snop  }
0x90: {  	s2 =	sld [smem:$0x3FD0];
	(tm) =	ssettm $0x1  }
0x91: {  	s18 =	sld [smem:$0x3FFB];
	_ =	sdelay $0x3  }
0x92: {  	_ =	strace s18  }
0x93: {  	s3 =	sld [smem:$0x3FFC];
	_ =	sdelay $0x3  }
0x94: {  	_ =	strace s3  }
0x95: {  	s3 =	sld [smem:$0x3FFD];
	_ =	sdelay $0x3  }
0x96: {  	_ =	strace s3  }
0x97: {  	_ =	strace $0x8FFFFFFF  }
0x98: {  	s19 =	sld [smem:$0x3FDB];
	_ =	sdelay $0x1  }
0x99: {  	s4 =	simm.s32 $_scs_section_size  }
0x9a: {  	s5 =	simm.s32 $_size__tile_overlayer_lowered;
	s6 =	simm.s32 $_tile_overlayer_lowered  }
0x9b: {  	s22 =	simm.s32 $0x1BFF;
	s21 =	sshll.u32 s6, $0x1;
	s3 =	sadd.s32 s4, s19  }
0x9c: {  	s7 =	simm.s32 $0x0;
	s20 =	sshll.u32 s5, $0x1;
	s5 =	sadd.s32 s21, s3  }
0x9d: {  	[timem:s7], [sflag:s22] =	dma.local [hbm:s5], s20  }
0x9e: {  	_ =	swait.ge [sflag:s22], s20  }
0x9f: {  	s4 =	ssub.s32 $0x0, s20;
	[sflag:s22] =	ssyncset.done $0x0  }
0xa0: {  	[sflag:s22] =	ssyncadd.s32 s4;
	_ =	sdelay $0x1  }
0xa1: {  	s23 =	simm.s32 $0x1B8B  }
0xa2: {  	_ =	swait.ge [sflag:s23], $0x1  }
0xa3: {  	[sflag:s23] =	ssyncset.done $0x0  }
0xa4: {  	s25 =	simm.s32 $0x1B8E;
	s24 =	sld [smem:$0x3FFE];
	[sflag:s23] =	ssyncadd.s32 $0xFFFFFFFF  }
0xa5: {  	s26 =	simm.s32 $execute0_lowered;
	[smem:$0x3FD2] =	sst s25  }
0xa6: {  	s5 =	sshll.u32 s26, $0x1;
	_ =	strace $0x8000004C;
	[dreg:$0x1] =	wrdreg $0xFFFFFFFF  }
0xa7: {  	s28 =	simm.s32 $_size_execute0_lowered;
	s3 =	sadd.s32 s3, s5;
	[dreg:$0x0] =	wrdreg $0x0  }
0xa8: {  	s5 =	sshll.u32 s28, $0x1;
	[dreg:$0x2] =	wrdreg s3  }
0xa9: {  	[dreg:$0x3] =	wrdreg s5  }
0xaa: {  	[dreg:$0x4] =	wrdreg $0xC0  }
0xab: {  	_ =	task [dreg:s7], $0x5FFFF  }
0xac: {  	[dreg:$0x1] =	wrdreg $0xFFFFFFFF  }
0xad: {  	[dreg:$0x0] =	wrdreg $0x60  }
0xae: {  	[dreg:$0x2] =	wrdreg s24  }
0xaf: {  	[dreg:$0x3] =	wrdreg s2  }
0xb0: {  	[dreg:$0x4] =	wrdreg $0x9  }
0xb1: {  	_ =	task.clear_ibuf [dreg:s7], $0x5FFFF;
	_ =	strace $0x9000004C  }
0xb2: {  	s29 =	simm.s32 $0x9;
	_ =	strace $0x8000004E  }
0xb3: {  	_ =	swait.ge [sflag:s29], $0x1  }
0xb4: {  	[sflag:s29] =	ssyncadd.s32 $0xFFFFFFFF  }
0xb5: {  	_ =	strace $0x9000004E  }
0xb6: {  	_ =	sfence  }
0xb7: {  	s30 =	sld [smem:$0x0];
	_ =	sdelay $0x2  }
0xb8: {  	s31 =	sshll.u32 s1, $0xD;
	s1 =	sshrl.u32 s1, $0x2  }
0xb9: {  	s3 =	sand.u32 $0x4000, s31;
	s1 =	sadd.s32 s1, s30  }
0xba: {  	s0 =	sor.u32 s3, s0;
	s1 =	sshll.u32 s1, $0x11  }
0xbb: {  	s0 =	sor.u32 s1, s0  }
0xbc: {  	s0 =	sadd.s32 $0x8F2B, s0  }
0xbd: {  	[sflag:s0] =	ssyncadd.remote.s32 $0x1  }
0xbe: {  	_ =	sfence.sel $0xFFFF  }
0xbf: {  	[dreg:$0x0] =	wrdreg $0xFFFFFFFF;
	(pc) =	sbr.abs _section_cstart, $3  }
0xc0: {  	[dreg:$0x1] =	wrdreg $0xFFFFFFFF  }
0xc1: {  	_ =	task.clear_ibuf [dreg:s7], $0x2FFFF;
	_ =	strace $0x9FFFFFFF  }
0xc2: {  	(tm) =	ssettm $0x7FFFFFFF  }
0xc3: {  	_ =	shalt  }
tec
execute0_lowered:
.L_overlay_start_1:
0x0: {  	(tag) =	ssettag $0x1  }
0x1: {  	s1 =	srdreg.scid;
	s5 =	rddreg [dreg:$0x0]  }
0x2: {  	s0 =	stileid.u32;
	s4 =	rddreg [dreg:$0x1]  }
0x3: {  	s25 =	simm.s32 $0xC000;
	s26 =	simm.s32 $0xC080;
	s10 =	simm.s32 $0x1800  }
0x4: {  	s11 =	simm.s32 $0x2000;
	s12 =	simm.s32 $0x2800;
	s13 =	simm.s32 $0x3000  }
0x5: {  	s14 =	simm.s32 $0x3800;
	s15 =	simm.s32 $0x4000;
	s16 =	simm.s32 $0x4800  }
0x6: {  	s17 =	simm.s32 $0x5000;
	s18 =	simm.s32 $0x5800;
	s19 =	simm.s32 $0x6000  }
0x7: {  	s20 =	simm.s32 $0x6800;
	s21 =	simm.s32 $0x7000;
	s22 =	simm.s32 $0x7800  }
0x8: {  	s23 =	simm.s32 $0x8000;
	s28 =	simm.s32 $0xA000;
	s29 =	simm.s32 $0xA800  }
0x9: {  	s30 =	simm.s32 $0xB000;
	s31 =	simm.s32 $0xB800;
	s1 =	sand.u32 $0x1, s1  }
0xa: {  	s2 =	sshll.u32 s0, $0x4;
	s3 =	sshll.u32 s1, $0x3;
	s1 =	ssub.s32 $0x2, s1  }
0xb: {  	s6 =	sor.u32 s3, s2;
	s2 =	simm.s32 $0x0;
	s9 =	sshrl.u32 s1, $0x1  }
0xc: {  	s3 =	smul.u32 $0x300, s6;
	[smem:$0x7FF] =	sst s2;
	s8 =	sadd.s32 s6, s5  }
0xd: {  	s4 =	sadd.s32 s4, s6;
	s1 =	ssub.s32 s1, s9;
	s9 =	simm.s32 $0x1000  }
0xe: {  	_ =	strace $0x8000004D;
	[dreg:$0x4] =	wrdreg s4;
	s24 =	sadd.s32 $0x31200, s8  }
0xf: {  	s4 =	sadd.s32 $0x31900, s5;
	[dreg:$0x6] =	wrdreg s25;
	s6 =	smax.u32 s1, $0x1  }
0x10: {  	[dreg:$0x7] =	wrdreg s26;
	s25 =	simm.s32 $0x9000;
	s26 =	simm.s32 $0x9800  }
0x11: {  	v2 =	vlaneseq.u32;
	s1 =	simm.s32 $0x1;
	s7 =	sadd.s32 s3, s5;
	s3 =	sadd.s32 $0x31800, s5  }
0x12: {  	vm0 =	vmmov $0xffff;
	v1 =	vshrl.u32 v2, $0x3;
	[dreg:$0x5] =	wrdreg s24;
	s5 =	sadd.s32 $0x31A00, s5;
	s7 =	sadd.s32 $0x1200, s7  }
0x13: {  	v0 =	vand.u32 $0x7, v2;
	v2 =	vor.u32 $0x8, v2;
	v1 =	vmul.u32 $0x8, v1;
	s24 =	simm.s32 $0x8800;
	[dreg:$0x3] =	wrdreg s7;
	s7 =	simm.s32 $0x2  }
.LBB2_1:
0x14: {  	s0 =	rddreg [dreg:$0x3]  }
0x15: {  	[tilespmem:s2], [sflag:$0x2] =	stream.linear.gather [hbm4b:s0+s2], $0xC000, $0x38;
	[tilespmem:$0xC100] =	vst v63  }
0x16: {  	_ =	swait.ge [sflag:s7], $0xC000  }
0x17: {  	s0 =	rddreg [dreg:$0x4];
	[sflag:s7] =	ssyncset.done $0x0  }
0x18: {  	s8 =	rddreg [dreg:$0x6];
	[sflag:s7] =	ssyncadd.s32 $0xFFFF4000  }
0x19: {  	[tilespmem:s8], [sflag:$0x2] =	stream.linear.gather [hbm4b:s0+s2], $0x40, $0x38;
	[tilespmem:$0xC100] =	vst v63  }
0x1a: {  	_ =	swait.ge [sflag:s7], $0x40  }
0x1b: {  	s0 =	rddreg [dreg:$0x5];
	[sflag:s7] =	ssyncset.done $0x0  }
0x1c: {  	s8 =	rddreg [dreg:$0x7];
	[sflag:s7] =	ssyncadd.s32 $0xFFFFFFC0  }
0x1d: {  	[tilespmem:s8], [sflag:$0x2] =	stream.linear.gather [hbm4b:s0+s2], $0x40, $0x38;
	[tilespmem:$0xC100] =	vst v63  }
0x1e: {  	_ =	swait.ge [sflag:s7], $0x40  }
0x1f: {  	[sflag:s7] =	ssyncset.done $0x0  }
0x20: {  	[sflag:s7] =	ssyncadd.s32 $0xFFFFFFC0  }
0x21: {  	v3 =	vld [tilespmem:$0xC000];
	_ =	sdelay $0x4  }
0x22: {  	v4 =	vshrl.u32 v3, $0x3  }
0x23: {  	v4 =	vmul.u32 $0x30, v4  }
0x24: {  	v3 =	vand.u32 $0x7, v3  }
0x25: {  	v3 =	vor.u32 v3, v4  }
0x26: {  	v4 =	vperm.xlane v3, v0;
	_ =	sdelay $0x1  }
0x27: {  	v4 =	vadd.s32 v1, v4;
	_ =	sdelay $0x3  }
0x28: {  	v3 =	vperm.xlane v3, v2  }
0x29: {  	[hbm4b:s3+s2] =	stream.indirect_vreg.scatter [tilespmem:s2], [sflag:$0x1], $0x80, v4, vm0, $0xb8;
	[tilespmem:$0xC100] =	vst v63  }
0x2a: {  	s8 =	simm.s32 $0x800;
	v3 =	vadd.s32 v1, v3  }
0x2b: {  	[hbm4b:s4+s2] =	stream.indirect_vreg.scatter [tilespmem:s8], [sflag:$0x1], $0x80, v4, vm0, $0xb8;
	[tilespmem:$0xC100] =	vst v63  }
0x2c: {  	_ = 	snop  }
0x2d: {  	[hbm4b:s5+s2] =	stream.indirect_vreg.scatter [tilespmem:s9], [sflag:$0x1], $0x80, v4, vm0, $0xb8;
	[tilespmem:$0xC100] =	vst v63  }
0x2e: {  	_ = 	snop  }
0x2f: {  	[hbm4b:s3+s2] =	stream.indirect_vreg.scatter [tilespmem:s10], [sflag:$0x1], $0x80, v3, vm0, $0xb8;
	[tilespmem:$0xC100] =	vst v63  }
0x30: {  	_ = 	snop  }
0x31: {  	[hbm4b:s4+s2] =	stream.indirect_vreg.scatter [tilespmem:s11], [sflag:$0x1], $0x80, v3, vm0, $0xb8;
	[tilespmem:$0xC100] =	vst v63  }
0x32: {  	_ = 	snop  }
0x33: {  	[hbm4b:s5+s2] =	stream.indirect_vreg.scatter [tilespmem:s12], [sflag:$0x1], $0x80, v3, vm0, $0xb8;
	[tilespmem:$0xC100] =	vst v63  }
0x34: {  	v3 =	vld [tilespmem:$0xC010];
	_ =	sdelay $0x4  }
0x35: {  	v57 =	vshrl.u32 v3, $0x3  }
0x36: {  	v4 =	vmul.u32 $0x30, v57  }
0x37: {  	v3 =	vand.u32 $0x7, v3  }
0x38: {  	v3 =	vor.u32 v3, v4  }
0x39: {  	v4 =	vperm.xlane v3, v0;
	_ =	sdelay $0x1  }
0x3a: {  	v4 =	vadd.s32 v1, v4;
	_ =	sdelay $0x3  }
0x3b: {  	v3 =	vperm.xlane v3, v2  }
0x3c: {  	[hbm4b:s3+s2] =	stream.indirect_vreg.scatter [tilespmem:s13], [sflag:$0x1], $0x80, v4, vm0, $0xb8;
	[tilespmem:$0xC100] =	vst v63  }
0x3d: {  	v3 =	vadd.s32 v1, v3  }
0x3e: {  	[hbm4b:s4+s2] =	stream.indirect_vreg.scatter [tilespmem:s14], [sflag:$0x1], $0x80, v4, vm0, $0xb8;
	[tilespmem:$0xC100] =	vst v63  }
0x3f: {  	_ = 	snop  }
0x40: {  	[hbm4b:s5+s2] =	stream.indirect_vreg.scatter [tilespmem:s15], [sflag:$0x1], $0x80, v4, vm0, $0xb8;
	[tilespmem:$0xC100] =	vst v63  }
0x41: {  	_ = 	snop  }
0x42: {  	[hbm4b:s3+s2] =	stream.indirect_vreg.scatter [tilespmem:s16], [sflag:$0x1], $0x80, v3, vm0, $0xb8;
	[tilespmem:$0xC100] =	vst v63  }
0x43: {  	_ = 	snop  }
0x44: {  	[hbm4b:s4+s2] =	stream.indirect_vreg.scatter [tilespmem:s17], [sflag:$0x1], $0x80, v3, vm0, $0xb8;
	[tilespmem:$0xC100] =	vst v63  }
0x45: {  	_ = 	snop  }
0x46: {  	[hbm4b:s5+s2] =	stream.indirect_vreg.scatter [tilespmem:s18], [sflag:$0x1], $0x80, v3, vm0, $0xb8;
	[tilespmem:$0xC100] =	vst v63  }
0x47: {  	v3 =	vld [tilespmem:$0xC020];
	_ =	sdelay $0x4  }
0x48: {  	v58 =	vshrl.u32 v3, $0x3  }
0x49: {  	v4 =	vmul.u32 $0x30, v58  }
0x4a: {  	v3 =	vand.u32 $0x7, v3  }
0x4b: {  	v3 =	vor.u32 v3, v4  }
0x4c: {  	v4 =	vperm.xlane v3, v0;
	_ =	sdelay $0x1  }
0x4d: {  	v4 =	vadd.s32 v1, v4;
	_ =	sdelay $0x3  }
0x4e: {  	v3 =	vperm.xlane v3, v2  }
0x4f: {  	[hbm4b:s3+s2] =	stream.indirect_vreg.scatter [tilespmem:s19], [sflag:$0x1], $0x80, v4, vm0, $0xb8;
	[tilespmem:$0xC100] =	vst v63  }
0x50: {  	v3 =	vadd.s32 v1, v3  }
0x51: {  	[hbm4b:s4+s2] =	stream.indirect_vreg.scatter [tilespmem:s20], [sflag:$0x1], $0x80, v4, vm0, $0xb8;
	[tilespmem:$0xC100] =	vst v63  }
0x52: {  	_ = 	snop  }
0x53: {  	[hbm4b:s5+s2] =	stream.indirect_vreg.scatter [tilespmem:s21], [sflag:$0x1], $0x80, v4, vm0, $0xb8;
	[tilespmem:$0xC100] =	vst v63  }
0x54: {  	_ = 	snop  }
0x55: {  	[hbm4b:s3+s2] =	stream.indirect_vreg.scatter [tilespmem:s22], [sflag:$0x1], $0x80, v3, vm0, $0xb8;
	[tilespmem:$0xC100] =	vst v63  }
0x56: {  	_ = 	snop  }
0x57: {  	[hbm4b:s4+s2] =	stream.indirect_vreg.scatter [tilespmem:s23], [sflag:$0x1], $0x80, v3, vm0, $0xb8;
	[tilespmem:$0xC100] =	vst v63  }
0x58: {  	_ = 	snop  }
0x59: {  	[hbm4b:s5+s2] =	stream.indirect_vreg.scatter [tilespmem:s24], [sflag:$0x1], $0x80, v3, vm0, $0xb8;
	[tilespmem:$0xC100] =	vst v63  }
0x5a: {  	v3 =	vld [tilespmem:$0xC030];
	_ =	sdelay $0x4  }
0x5b: {  	v59 =	vshrl.u32 v3, $0x3  }
0x5c: {  	v4 =	vmul.u32 $0x30, v59  }
0x5d: {  	v3 =	vand.u32 $0x7, v3  }
0x5e: {  	v3 =	vor.u32 v3, v4  }
0x5f: {  	v4 =	vperm.xlane v3, v0;
	_ =	sdelay $0x1  }
0x60: {  	v4 =	vadd.s32 v1, v4;
	_ =	sdelay $0x3  }
0x61: {  	v3 =	vperm.xlane v3, v2  }
0x62: {  	[hbm4b:s3+s2] =	stream.indirect_vreg.scatter [tilespmem:s25], [sflag:$0x1], $0x80, v4, vm0, $0xb8;
	[tilespmem:$0xC100] =	vst v63  }
0x63: {  	v3 =	vadd.s32 v1, v3  }
0x64: {  	[hbm4b:s4+s2] =	stream.indirect_vreg.scatter [tilespmem:s26], [sflag:$0x1], $0x80, v4, vm0, $0xb8;
	[tilespmem:$0xC100] =	vst v63  }
0x65: {  	_ = 	snop  }
0x66: {  	[hbm4b:s5+s2] =	stream.indirect_vreg.scatter [tilespmem:s28], [sflag:$0x1], $0x80, v4, vm0, $0xb8;
	[tilespmem:$0xC100] =	vst v63  }
0x67: {  	_ = 	snop  }
0x68: {  	[hbm4b:s3+s2] =	stream.indirect_vreg.scatter [tilespmem:s29], [sflag:$0x1], $0x80, v3, vm0, $0xb8;
	[tilespmem:$0xC100] =	vst v63  }
0x69: {  	_ = 	snop  }
0x6a: {  	[hbm4b:s4+s2] =	stream.indirect_vreg.scatter [tilespmem:s30], [sflag:$0x1], $0x80, v3, vm0, $0xb8;
	[tilespmem:$0xC100] =	vst v63  }
0x6b: {  	_ = 	snop  }
0x6c: {  	[hbm4b:s5+s2] =	stream.indirect_vreg.scatter [tilespmem:s31], [sflag:$0x1], $0x80, v3, vm0, $0xb8;
	[tilespmem:$0xC100] =	vst v63  }
0x6d: {  	_ =	swait.ge [sflag:s1], $0xC000  }
0x6e: {  	[sflag:s1] =	ssyncset.done $0x0  }
0x6f: {  	[sflag:s1] =	ssyncadd.s32 $0xFFFF4000  }
0x70: {  	v3 =	vld [tilespmem:$0xC080];
	_ =	sdelay $0x4  }
0x71: {  	v60 =	vshrl.u32 v3, $0x3  }
0x72: {  	v4 =	vmul.u32 $0x30, v60  }
0x73: {  	v3 =	vand.u32 $0x7, v3  }
0x74: {  	v3 =	vor.u32 v3, v4  }
0x75: {  	v4 =	vperm.xlane v3, v0;
	_ =	sdelay $0x1  }
0x76: {  	v4 =	vadd.s32 v1, v4;
	_ =	sdelay $0x3  }
0x77: {  	v3 =	vperm.xlane v3, v2  }
0x78: {  	[hbm4b:s3+s2] =	stream.indirect_vreg.scatter [tilespmem:s2], [sflag:$0x1], $0x80, v4, vm0, $0xb8;
	[tilespmem:$0xC100] =	vst v63  }
0x79: {  	v3 =	vadd.s32 v1, v3  }
0x7a: {  	[hbm4b:s4+s2] =	stream.indirect_vreg.scatter [tilespmem:s8], [sflag:$0x1], $0x80, v4, vm0, $0xb8;
	[tilespmem:$0xC100] =	vst v63  }
0x7b: {  	_ = 	snop  }
0x7c: {  	[hbm4b:s5+s2] =	stream.indirect_vreg.scatter [tilespmem:s9], [sflag:$0x1], $0x80, v4, vm0, $0xb8;
	[tilespmem:$0xC100] =	vst v63  }
0x7d: {  	_ = 	snop  }
0x7e: {  	[hbm4b:s3+s2] =	stream.indirect_vreg.scatter [tilespmem:s10], [sflag:$0x1], $0x80, v3, vm0, $0xb8;
	[tilespmem:$0xC100] =	vst v63  }
0x7f: {  	_ = 	snop  }
0x80: {  	[hbm4b:s4+s2] =	stream.indirect_vreg.scatter [tilespmem:s11], [sflag:$0x1], $0x80, v3, vm0, $0xb8;
	[tilespmem:$0xC100] =	vst v63  }
0x81: {  	_ = 	snop  }
0x82: {  	[hbm4b:s5+s2] =	stream.indirect_vreg.scatter [tilespmem:s12], [sflag:$0x1], $0x80, v3, vm0, $0xb8;
	[tilespmem:$0xC100] =	vst v63  }
0x83: {  	v3 =	vld [tilespmem:$0xC090];
	_ =	sdelay $0x4  }
0x84: {  	v61 =	vshrl.u32 v3, $0x3  }
0x85: {  	v4 =	vmul.u32 $0x30, v61  }
0x86: {  	v3 =	vand.u32 $0x7, v3  }
0x87: {  	v3 =	vor.u32 v3, v4  }
0x88: {  	v4 =	vperm.xlane v3, v0;
	_ =	sdelay $0x1  }
0x89: {  	v4 =	vadd.s32 v1, v4;
	_ =	sdelay $0x3  }
0x8a: {  	v3 =	vperm.xlane v3, v2  }
0x8b: {  	[hbm4b:s3+s2] =	stream.indirect_vreg.scatter [tilespmem:s13], [sflag:$0x1], $0x80, v4, vm0, $0xb8;
	[tilespmem:$0xC100] =	vst v63  }
0x8c: {  	v3 =	vadd.s32 v1, v3  }
0x8d: {  	[hbm4b:s4+s2] =	stream.indirect_vreg.scatter [tilespmem:s14], [sflag:$0x1], $0x80, v4, vm0, $0xb8;
	[tilespmem:$0xC100] =	vst v63  }
0x8e: {  	_ = 	snop  }
0x8f: {  	[hbm4b:s5+s2] =	stream.indirect_vreg.scatter [tilespmem:s15], [sflag:$0x1], $0x80, v4, vm0, $0xb8;
	[tilespmem:$0xC100] =	vst v63  }
0x90: {  	_ = 	snop  }
0x91: {  	[hbm4b:s3+s2] =	stream.indirect_vreg.scatter [tilespmem:s16], [sflag:$0x1], $0x80, v3, vm0, $0xb8;
	[tilespmem:$0xC100] =	vst v63  }
0x92: {  	_ = 	snop  }
0x93: {  	[hbm4b:s4+s2] =	stream.indirect_vreg.scatter [tilespmem:s17], [sflag:$0x1], $0x80, v3, vm0, $0xb8;
	[tilespmem:$0xC100] =	vst v63  }
0x94: {  	_ = 	snop  }
0x95: {  	[hbm4b:s5+s2] =	stream.indirect_vreg.scatter [tilespmem:s18], [sflag:$0x1], $0x80, v3, vm0, $0xb8;
	[tilespmem:$0xC100] =	vst v63  }
0x96: {  	v3 =	vld [tilespmem:$0xC0A0];
	_ =	sdelay $0x4  }
0x97: {  	v62 =	vshrl.u32 v3, $0x3  }
0x98: {  	v4 =	vmul.u32 $0x30, v62  }
0x99: {  	v3 =	vand.u32 $0x7, v3  }
0x9a: {  	v3 =	vor.u32 v3, v4  }
0x9b: {  	v4 =	vperm.xlane v3, v0;
	_ =	sdelay $0x1  }
0x9c: {  	v4 =	vadd.s32 v1, v4;
	_ =	sdelay $0x3  }
0x9d: {  	v3 =	vperm.xlane v3, v2  }
0x9e: {  	[hbm4b:s3+s2] =	stream.indirect_vreg.scatter [tilespmem:s19], [sflag:$0x1], $0x80, v4, vm0, $0xb8;
	[tilespmem:$0xC100] =	vst v63  }
0x9f: {  	v3 =	vadd.s32 v1, v3  }
0xa0: {  	[hbm4b:s4+s2] =	stream.indirect_vreg.scatter [tilespmem:s20], [sflag:$0x1], $0x80, v4, vm0, $0xb8;
	[tilespmem:$0xC100] =	vst v63  }
0xa1: {  	_ = 	snop  }
0xa2: {  	[hbm4b:s5+s2] =	stream.indirect_vreg.scatter [tilespmem:s21], [sflag:$0x1], $0x80, v4, vm0, $0xb8;
	[tilespmem:$0xC100] =	vst v63  }
0xa3: {  	_ = 	snop  }
0xa4: {  	[hbm4b:s3+s2] =	stream.indirect_vreg.scatter [tilespmem:s22], [sflag:$0x1], $0x80, v3, vm0, $0xb8;
	[tilespmem:$0xC100] =	vst v63  }
0xa5: {  	_ = 	snop  }
0xa6: {  	[hbm4b:s4+s2] =	stream.indirect_vreg.scatter [tilespmem:s23], [sflag:$0x1], $0x80, v3, vm0, $0xb8;
	[tilespmem:$0xC100] =	vst v63  }
0xa7: {  	_ = 	snop  }
0xa8: {  	[hbm4b:s5+s2] =	stream.indirect_vreg.scatter [tilespmem:s24], [sflag:$0x1], $0x80, v3, vm0, $0xb8;
	[tilespmem:$0xC100] =	vst v63  }
0xa9: {  	v3 =	vld [tilespmem:$0xC0B0];
	_ =	sdelay $0x4  }
0xaa: {  	v63 =	vshrl.u32 v3, $0x3  }
0xab: {  	v4 =	vmul.u32 $0x30, v63  }
0xac: {  	v3 =	vand.u32 $0x7, v3  }
0xad: {  	v3 =	vor.u32 v3, v4  }
0xae: {  	v4 =	vperm.xlane v3, v0;
	_ =	sdelay $0x1  }
0xaf: {  	v4 =	vadd.s32 v1, v4;
	_ =	sdelay $0x3  }
0xb0: {  	v3 =	vperm.xlane v3, v2  }
0xb1: {  	[hbm4b:s3+s2] =	stream.indirect_vreg.scatter [tilespmem:s25], [sflag:$0x1], $0x80, v4, vm0, $0xb8;
	[tilespmem:$0xC100] =	vst v63  }
0xb2: {  	v3 =	vadd.s32 v1, v3  }
0xb3: {  	[hbm4b:s4+s2] =	stream.indirect_vreg.scatter [tilespmem:s26], [sflag:$0x1], $0x80, v4, vm0, $0xb8;
	[tilespmem:$0xC100] =	vst v63  }
0xb4: {  	_ = 	snop  }
0xb5: {  	[hbm4b:s5+s2] =	stream.indirect_vreg.scatter [tilespmem:s28], [sflag:$0x1], $0x80, v4, vm0, $0xb8;
	[tilespmem:$0xC100] =	vst v63  }
0xb6: {  	_ = 	snop  }
0xb7: {  	[hbm4b:s3+s2] =	stream.indirect_vreg.scatter [tilespmem:s29], [sflag:$0x1], $0x80, v3, vm0, $0xb8;
	[tilespmem:$0xC100] =	vst v63  }
0xb8: {  	p0 =	sne.s32 s6, $0x1  }
0xb9: {  	[hbm4b:s4+s2] =	stream.indirect_vreg.scatter [tilespmem:s30], [sflag:$0x1], $0x80, v3, vm0, $0xb8;
	[tilespmem:$0xC100] =	vst v63  }
.Ltmp0:
0xba: {  	_ = 	snop;
	(pc) =	sbr.rel @p0 .LBB2_1-.Ltmp0, $4  }
0xbb: {  	[hbm4b:s5+s2] =	stream.indirect_vreg.scatter [tilespmem:s31], [sflag:$0x1], $0x80, v3, vm0, $0xb8;
	[tilespmem:$0xC100] =	vst v63  }
0xbc: {  	_ =	swait.ge [sflag:s1], $0xC000  }
0xbd: {  	[sflag:s1] =	ssyncset.done $0x0  }
0xbe: {  	s6 =	sadd.s32 $0xFFFFFFFF, s6;
	[sflag:s1] =	ssyncadd.s32 $0xFFFF4000  }
0xbf: {  	_ =	sfence.sel $0x180000  }
0xc0: {  	[bflag:$0x0] =	sbarrier.arrive $0xFFFF  }
0xc1: {  	_ =	strace $0x9000004D  }
0xc2: {  	s0 =	stileid.u32;
	[bflag:$0x2] =	sbarrier.arrive $0xFFFF  }
0xc3: {  	p0 =	sne.s32 s0, $0x0;
	s0 =	rddreg [dreg:$0x2]  }
0xc4: {  	s0 =	sadd.s32 @!p0 $0x100000, s0  }
0xc5: {  	[sflag:s0] =	ssyncadd.tile.s32 @!p0 $0x1;
	_ =	shalt  }
.Lfunc_end2:
_tile_overlayer_lowered:
.L_overlay_start_2:
0xc6: {  	(tag) =	ssettag $0x2  }
0xc7: {  	s0 =	rddreg [dreg:$0x0];
	s2 =	stileid.u32  }
0xc8: {  	s1 =	rddreg [dreg:$0x1];
	p0 =	sne.s32 s2, $0x0  }
0xc9: {  	s3 =	rddreg [dreg:$0x2];
	[bflag:$0x3] =	sbarrier.arrive $0xFFFF;
	s2 =	simm.s32 @!p0 $0x1C02  }
0xca: {  	[timem:s3], [sflag:s2] =	dma.local @!p0 [hbm:s0], s1  }
0xcb: {  	s0 =	simm.s32 @!p0 $0x2  }
0xcc: {  	_ =	swait.ge @!p0 [sflag:s0], s1  }
0xcd: {  	s1 =	ssub.s32 @!p0 $0x0, s1;
	[sflag:s0] =	ssyncset.done @!p0 $0x0  }
0xce: {  	[sflag:s0] =	ssyncadd.s32 @!p0 s1  }
0xcf: {  	[bflag:$0x3] =	sbarrier.arrive $0xFFFF  }
0xd0: {  	_ =	shalt  }

// kernel: kernel.49.cloned.1.call-start
scs
__scs_entry_jumppad:
0x0: {  	(pc) =	sbr.rel $0x88, $3  }
0x1: {  	(tag) =	ssettag $0x0;
	lr =	simm.s32 $0x1  }
0x2: {  	[smem:$0x3F87] =	sst lr;
	_ =	strace $0xD0000000  }
0x3: {  	_ = 	snop  }
0x4: {  	_ = 	snop  }
0x5: {  	_ = 	snop  }
0x6: {  	_ = 	snop  }
0x7: {  	_ = 	snop  }
__scs_overlays_trampoline_lowered:
0x8: {  	[smem:$0x3F96] =	sst s0  }
0x9: {  	[smem:$0x3F97] =	sst s1  }
0xa: {  	[smem:$0x3F98] =	sst s2  }
0xb: {  	[smem:$0x3F99] =	sst s3  }
0xc: {  	[smem:$0x3F9A] =	sst s4  }
0xd: {  	[smem:$0x3F9B] =	sst s5  }
0xe: {  	[smem:$0x3F9C] =	sst s6  }
0xf: {  	[smem:$0x3F9D] =	sst s7  }
0x10: {  	[smem:$0x3F9E] =	sst s8  }
0x11: {  	[smem:$0x3F9F] =	sst s9;
	s0 =	simm.s32 @!p0 $0x0  }
0x12: {  	s1 =	sld [smem:$0x3F85];
	s0 =	simm.s32 @p0 $0x1  }
0x13: {  	[smem:$0x3FA0] =	sst s0;
	s0 =	simm.s32 @!p1 $0x0  }
0x14: {  	s2 =	sld [smem:$0x3F84];
	s0 =	simm.s32 @p1 $0x1  }
0x15: {  	[smem:$0x3FA1] =	sst s0;
	s0 =	simm.s32 @!p2 $0x0  }
0x16: {  	s3 =	sld [smem:$0x3FDB];
	s0 =	simm.s32 @p2 $0x1  }
0x17: {  	s4 =	simm.s32 $0x1BF5;
	[smem:$0x3FA3] =	sst s0  }
0x18: {  	s0 =	sld [smem:$0x3F86];
	_ =	swait.ge [sflag:s4], $0x0  }
0x19: {  	s7 =	sld [smem:$0x3F87]  }
0x1a: {  	s8 =	sadd.s32 $0xFFFFE003, lr  }
0x1b: {  	s9 =	sadd.s32 $0xFFFFFEF7, lr;
	s5 =	simm.s32 $0xFFFFFFFF;
	p2 =	slt.u32 s8, $0xFFFFF086  }
0x1c: {  	p1 =	slt.u32 s9, $0xF7A;
	s5 =	simm.s32 @!p2 $0x0  }
0x1d: {  	s5 =	simm.s32 @p1 $0x1;
	p0 =	seq.s32 s7, s2  }
0x1e: {  	s7 =	smul.u32 @!p0 $0xF7A, s2;
	p2 =	seq.s32 @!p0 s5, $0x0  }
0x1f: {  	s9 =	smul.u32 $0xF7A, s1;
	s8 =	simm.s32 @!p0 $0x1BF5;
	p2 =	por !p2, p0  }
0x20: {  	[sflag:s8] =	ssyncset.s32 @!p0 $0xFFFFF086;
	s6 =	sadd.s32 @!p0 s3, s7;
	s7 =	simm.s32 @!p0 $0x108  }
0x21: {  	s3 =	sadd.s32 s3, s9;
	s6 =	sadd.s32 @!p0 $0x88, s6;
	s7 =	simm.s32 @p2 $0x1082  }
0x22: {  	[simem:s7], [sflag:s8] =	dma.local @!p0 [hbm:s6], $0xF7A  }
0x23: {  	s9 =	sor.u32 $0xD0000000, s2;
	s6 =	simm.s32 $0x108;
	_ =	swait.ge @!p0 [sflag:s8], $0x0  }
0x24: {  	s3 =	sadd.s32 $0x88, s3;
	s6 =	simm.s32 @!p1 $0x1082;
	[sflag:s4] =	ssyncset.s32 $0xFFFFF086  }
0x25: {  	[simem:s6], [sflag:s4] =	dma.local [hbm:s3], $0xF7A  }
0x26: {  	[smem:$0x3F87] =	sst s1;
	(tag) =	ssettag s2;
	_ =	strace s9  }
0x27: {  	s1 =	sld [smem:$0x3F97]  }
0x28: {  	s2 =	sld [smem:$0x3F98]  }
0x29: {  	s4 =	sld [smem:$0x3F9A]  }
0x2a: {  	p0 =	seq.s32 s5, $0x0;
	s5 =	sld [smem:$0x3F9B]  }
0x2b: {  	s6 =	sld [smem:$0x3F9C]  }
0x2c: {  	s7 =	sld [smem:$0x3F9D]  }
0x2d: {  	s3 =	simm.s32 $0x108;
	s8 =	sld [smem:$0x3F9E]  }
0x2e: {  	s3 =	simm.s32 @!p0 $0x1082;
	s9 =	sld [smem:$0x3F9F]  }
0x2f: {  	lr =	sadd.s32 s0, s3;
	s0 =	sld [smem:$0x3F96]  }
0x30: {  	s3 =	sld [smem:$0x3F99]  }
0x31: {  	[smem:$0x3FA2] =	sst s10  }
0x32: {  	s10 =	sld [smem:$0x3FA0];
	_ =	sdelay $0x3  }
0x33: {  	p0 =	seq.s32 s10, $0x1;
	s10 =	sld [smem:$0x3FA2];
	_ =	sdelay $0x3  }
0x34: {  	[smem:$0x3FA2] =	sst s10  }
0x35: {  	s10 =	sld [smem:$0x3FA1];
	_ =	sdelay $0x3  }
0x36: {  	p1 =	seq.s32 s10, $0x1;
	s10 =	sld [smem:$0x3FA2];
	_ =	sdelay $0x3  }
0x37: {  	[smem:$0x3FA2] =	sst s10  }
0x38: {  	s10 =	sld [smem:$0x3FA3]  }
0x39: {  	_ = 	snop;
	(pc) =	sbr.ind lr, $3  }
0x3a: {  	_ = 	snop  }
0x3b: {  	_ = 	snop  }
0x3c: {  	p2 =	seq.s32 s10, $0x1;
	s10 =	sld [smem:$0x3FA2]  }
0x3d: {  	_ =	shalt  }
0x3e: {  	_ =	shalt  }
0x3f: {  	_ =	shalt  }
0x40: {  	_ =	shalt  }
0x41: {  	_ =	shalt  }
0x42: {  	_ =	shalt  }
0x43: {  	_ =	shalt  }
0x44: {  	_ =	shalt  }
0x45: {  	_ =	shalt  }
0x46: {  	_ =	shalt  }
0x47: {  	_ =	shalt  }
0x48: {  	_ =	shalt  }
0x49: {  	_ =	shalt  }
0x4a: {  	_ =	shalt  }
0x4b: {  	_ =	shalt  }
0x4c: {  	_ =	shalt  }
0x4d: {  	_ =	shalt  }
0x4e: {  	_ =	shalt  }
0x4f: {  	_ =	shalt  }
0x50: {  	_ =	shalt  }
0x51: {  	_ =	shalt  }
0x52: {  	_ =	shalt  }
0x53: {  	_ =	shalt  }
0x54: {  	_ =	shalt  }
0x55: {  	_ =	shalt  }
0x56: {  	_ =	shalt  }
0x57: {  	_ =	shalt  }
0x58: {  	_ =	shalt  }
0x59: {  	_ =	shalt  }
0x5a: {  	_ =	shalt  }
0x5b: {  	_ =	shalt  }
0x5c: {  	_ =	shalt  }
0x5d: {  	_ =	shalt  }
0x5e: {  	_ =	shalt  }
0x5f: {  	_ =	shalt  }
0x60: {  	_ =	shalt  }
0x61: {  	_ =	shalt  }
0x62: {  	_ =	shalt  }
0x63: {  	_ =	shalt  }
0x64: {  	_ =	shalt  }
0x65: {  	_ =	shalt  }
0x66: {  	_ =	shalt  }
0x67: {  	_ =	shalt  }
0x68: {  	_ =	shalt  }
0x69: {  	_ =	shalt  }
0x6a: {  	_ =	shalt  }
0x6b: {  	_ =	shalt  }
0x6c: {  	_ =	shalt  }
0x6d: {  	_ =	shalt  }
0x6e: {  	_ =	shalt  }
0x6f: {  	_ =	shalt  }
0x70: {  	_ =	shalt  }
0x71: {  	_ =	shalt  }
0x72: {  	_ =	shalt  }
0x73: {  	_ =	shalt  }
0x74: {  	_ =	shalt  }
0x75: {  	_ =	shalt  }
0x76: {  	_ =	shalt  }
0x77: {  	_ =	shalt  }
0x78: {  	_ =	shalt  }
0x79: {  	_ =	shalt  }
0x7a: {  	_ =	shalt  }
0x7b: {  	_ =	shalt  }
0x7c: {  	_ =	shalt  }
0x7d: {  	_ =	shalt  }
0x7e: {  	_ =	shalt  }
0x7f: {  	_ =	shalt  }
0x80: {  	_ =	shalt  }
0x81: {  	_ =	shalt  }
0x82: {  	_ =	shalt  }
0x83: {  	_ =	shalt  }
0x84: {  	_ =	shalt  }
0x85: {  	_ =	shalt  }
0x86: {  	_ =	shalt  }
0x87: {  	_ =	shalt  }
.Lfunc_end0:
.L_simem_size_0:
called_computation.3_lowered:
.L_overlay_start_0:
0x88: {  	s2 =	sld [smem:$0x3FD9]  }
0x89: {  	s3 =	sld [smem:$0x3FFE];
	_ =	sdelay $0x1  }
0x8a: {  	s1 =	srdreg.scid  }
0x8b: {  	s0 =	sand.u32 $0x1, s1  }
0x8c: {  	s16 =	sshll.u32 s0, $0xA;
	s2 =	sadd.s32 s3, s2  }
0x8d: {  	s2 =	sadd.s32 s2, s16  }
0x8e: {  	[smem:$0x3FAE] =	sst s2  }
0x8f: {  	_ = 	snop  }
0x90: {  	(tm) =	ssettm $0x1  }
0x91: {  	s17 =	sld [smem:$0x3FFB];
	_ =	sdelay $0x3  }
0x92: {  	_ =	strace s17  }
0x93: {  	s2 =	sld [smem:$0x3FFC];
	_ =	sdelay $0x3  }
0x94: {  	_ =	strace s2  }
0x95: {  	s2 =	sld [smem:$0x3FFD];
	_ =	sdelay $0x3  }
0x96: {  	_ =	strace s2  }
0x97: {  	_ =	strace $0x8FFFFFFF  }
0x98: {  	s18 =	sld [smem:$0x3FDB];
	_ =	sdelay $0x1  }
0x99: {  	s19 =	simm.s32 $_scs_section_size  }
0x9a: {  	s4 =	simm.s32 $_size__tile_overlayer_lowered;
	s5 =	simm.s32 $_tile_overlayer_lowered  }
0x9b: {  	s22 =	simm.s32 $0x1BFF;
	s21 =	sshll.u32 s5, $0x1;
	s2 =	sadd.s32 s19, s18  }
0x9c: {  	s6 =	simm.s32 $0x0;
	s20 =	sshll.u32 s4, $0x1;
	s4 =	sadd.s32 s21, s2  }
0x9d: {  	[timem:s6], [sflag:s22] =	dma.local [hbm:s4], s20  }
0x9e: {  	_ =	swait.ge [sflag:s22], s20  }
0x9f: {  	s3 =	ssub.s32 $0x0, s20;
	[sflag:s22] =	ssyncset.done $0x0  }
0xa0: {  	[sflag:s22] =	ssyncadd.s32 s3;
	_ =	sdelay $0x1  }
0xa1: {  	s23 =	simm.s32 $0x1B8B  }
0xa2: {  	_ =	swait.ge [sflag:s23], $0x1  }
0xa3: {  	[sflag:s23] =	ssyncset.done $0x0  }
0xa4: {  	s25 =	simm.s32 $0x1B8E;
	s24 =	sld [smem:$0x3FFE];
	[sflag:s23] =	ssyncadd.s32 $0xFFFFFFFF  }
0xa5: {  	s26 =	simm.s32 $execute0_lowered;
	[smem:$0x3FD2] =	sst s25  }
0xa6: {  	s4 =	sshll.u32 s26, $0x1;
	_ =	strace $0x8000004F;
	[dreg:$0x1] =	wrdreg $0xFFFFFFFF  }
0xa7: {  	s28 =	simm.s32 $_size_execute0_lowered;
	s2 =	sadd.s32 s2, s4;
	[dreg:$0x0] =	wrdreg $0x0  }
0xa8: {  	s4 =	sshll.u32 s28, $0x1;
	[dreg:$0x2] =	wrdreg s2  }
0xa9: {  	[dreg:$0x3] =	wrdreg s4  }
0xaa: {  	[dreg:$0x4] =	wrdreg $0xC0  }
0xab: {  	_ =	task [dreg:s6], $0x5FFFF  }
0xac: {  	[dreg:$0x1] =	wrdreg $0xFFFFFFFF  }
0xad: {  	[dreg:$0x0] =	wrdreg $0x60  }
0xae: {  	[dreg:$0x2] =	wrdreg s24  }
0xaf: {  	[dreg:$0x3] =	wrdreg $0x9  }
0xb0: {  	_ =	task.clear_ibuf [dreg:s6], $0x4FFFF;
	_ =	strace $0x9000004F  }
0xb1: {  	s29 =	simm.s32 $0x9;
	_ =	strace $0x80000051  }
0xb2: {  	_ =	swait.ge [sflag:s29], $0x1  }
0xb3: {  	[sflag:s29] =	ssyncadd.s32 $0xFFFFFFFF  }
0xb4: {  	_ =	strace $0x90000051  }
0xb5: {  	_ =	sfence  }
0xb6: {  	s30 =	sld [smem:$0x0];
	_ =	sdelay $0x2  }
0xb7: {  	s31 =	sshll.u32 s1, $0xD;
	s1 =	sshrl.u32 s1, $0x2  }
0xb8: {  	s3 =	sand.u32 $0x4000, s31;
	s1 =	sadd.s32 s1, s30  }
0xb9: {  	s0 =	sor.u32 s3, s0;
	s1 =	sshll.u32 s1, $0x11  }
0xba: {  	s0 =	sor.u32 s1, s0  }
0xbb: {  	s0 =	sadd.s32 $0x8F2B, s0  }
0xbc: {  	[sflag:s0] =	ssyncadd.remote.s32 $0x1  }
0xbd: {  	_ =	sfence.sel $0xFFFF  }
0xbe: {  	[dreg:$0x0] =	wrdreg $0xFFFFFFFF;
	(pc) =	sbr.abs _section_cstart, $3  }
0xbf: {  	[dreg:$0x1] =	wrdreg $0xFFFFFFFF  }
0xc0: {  	_ =	task.clear_ibuf [dreg:s6], $0x2FFFF;
	_ =	strace $0x9FFFFFFF  }
0xc1: {  	(tm) =	ssettm $0x7FFFFFFF  }
tec
execute0_lowered:
.L_overlay_start_1:
0x0: {  	(tag) =	ssettag $0x1  }
0x1: {  	s0 =	srdreg.scid  }
0x2: {  	s2 =	stileid.u32;
	s1 =	rddreg [dreg:$0x0];
	s10 =	simm.s32 $0x880  }
0x3: {  	s11 =	simm.s32 $0x1080;
	s12 =	simm.s32 $0x1880;
	s13 =	simm.s32 $0x2080  }
0x4: {  	s14 =	simm.s32 $0x2880;
	s15 =	simm.s32 $0x3080;
	s16 =	simm.s32 $0x3880  }
0x5: {  	s17 =	simm.s32 $0x4080;
	s18 =	simm.s32 $0x4880;
	s19 =	simm.s32 $0x5080  }
0x6: {  	s20 =	simm.s32 $0x5880;
	s21 =	simm.s32 $0x6080;
	s22 =	simm.s32 $0x6880  }
0x7: {  	s23 =	simm.s32 $0x7080;
	s24 =	simm.s32 $0x7880;
	s28 =	simm.s32 $0x9080  }
0x8: {  	s29 =	simm.s32 $0x9880;
	s30 =	simm.s32 $0xA080;
	s31 =	simm.s32 $0xA880  }
0x9: {  	s0 =	sand.u32 $0x1, s0;
	s3 =	sshll.u32 s2, $0x4;
	s2 =	simm.s32 $0x0  }
0xa: {  	s4 =	sshll.u32 s0, $0x3;
	[smem:$0x7FF] =	sst s2;
	s0 =	ssub.s32 $0x2, s0  }
0xb: {  	s3 =	sor.u32 s4, s3;
	_ =	strace $0x80000050;
	s7 =	sshrl.u32 s0, $0x1  }
0xc: {  	s4 =	smul.u32 $0x300, s3;
	s5 =	sadd.s32 s3, s1;
	s3 =	sadd.s32 $0x31800, s1  }
0xd: {  	s0 =	ssub.s32 s0, s7;
	s7 =	simm.s32 $0x2;
	s6 =	sadd.s32 $0x31400, s5  }
0xe: {  	s5 =	sadd.s32 $0x31600, s5;
	s4 =	sadd.s32 s4, s1;
	[dreg:$0x2] =	wrdreg s6  }
0xf: {  	[dreg:$0x4] =	wrdreg s5;
	s5 =	sadd.s32 $0x31A00, s1;
	s6 =	smax.u32 s0, $0x1  }
0x10: {  	v2 =	vlaneseq.u32;
	s0 =	simm.s32 $0x1;
	s25 =	sadd.s32 $0x1200, s4;
	s26 =	sadd.s32 $0x7F800, s4  }
0x11: {  	vm0 =	vmmov $0xffff;
	v1 =	vshrl.u32 v2, $0x3;
	s4 =	sadd.s32 $0x31900, s1;
	s1 =	simm.s32 $0x80;
	[dreg:$0x3] =	wrdreg s25  }
0x12: {  	v0 =	vand.u32 $0x7, v2;
	v2 =	vor.u32 $0x8, v2;
	v1 =	vmul.u32 $0x8, v1;
	[dreg:$0x5] =	wrdreg s26;
	s25 =	simm.s32 $0x8080;
	s26 =	simm.s32 $0x8880  }
.LBB2_1:
0x13: {  	s9 =	rddreg [dreg:$0x2]  }
0x14: {  	[tilespmem:s2], [sflag:$0x2] =	stream.linear.gather [hbm4b:s9+s2], $0x40, $0x38;
	[tilespmem:$0xC080] =	vst v63  }
0x15: {  	_ =	swait.ge [sflag:s7], $0x40  }
0x16: {  	[sflag:s7] =	ssyncset.done $0x0  }
0x17: {  	[sflag:s7] =	ssyncadd.s32 $0xFFFFFFC0  }
0x18: {  	v3 =	vld [tilespmem:$0x0];
	_ =	sdelay $0x4  }
0x19: {  	v4 =	vshrl.u32 v3, $0x3  }
0x1a: {  	v4 =	vmul.u32 $0x30, v4  }
0x1b: {  	v3 =	vand.u32 $0x7, v3  }
0x1c: {  	v3 =	vor.u32 v3, v4  }
0x1d: {  	v4 =	vperm.xlane v3, v0;
	_ =	sdelay $0x1  }
0x1e: {  	v4 =	vadd.s32 v1, v4;
	_ =	sdelay $0x3  }
0x1f: {  	v3 =	vperm.xlane v3, v2  }
0x20: {  	[tilespmem:s1], [sflag:$0x1] =	stream.indirect_vreg.gather [hbm4b:s3+s2], $0x80, v4, vm0, $0xb8;
	[tilespmem:$0xC080] =	vst v63  }
0x21: {  	v3 =	vadd.s32 v1, v3  }
0x22: {  	[tilespmem:s10], [sflag:$0x1] =	stream.indirect_vreg.gather [hbm4b:s4+s2], $0x80, v4, vm0, $0xb8;
	[tilespmem:$0xC080] =	vst v63  }
0x23: {  	_ = 	snop  }
0x24: {  	[tilespmem:s11], [sflag:$0x1] =	stream.indirect_vreg.gather [hbm4b:s5+s2], $0x80, v4, vm0, $0xb8;
	[tilespmem:$0xC080] =	vst v63  }
0x25: {  	_ = 	snop  }
0x26: {  	[tilespmem:s12], [sflag:$0x1] =	stream.indirect_vreg.gather [hbm4b:s3+s2], $0x80, v3, vm0, $0xb8;
	[tilespmem:$0xC080] =	vst v63  }
0x27: {  	_ = 	snop  }
0x28: {  	[tilespmem:s13], [sflag:$0x1] =	stream.indirect_vreg.gather [hbm4b:s4+s2], $0x80, v3, vm0, $0xb8;
	[tilespmem:$0xC080] =	vst v63  }
0x29: {  	_ = 	snop  }
0x2a: {  	[tilespmem:s14], [sflag:$0x1] =	stream.indirect_vreg.gather [hbm4b:s5+s2], $0x80, v3, vm0, $0xb8;
	[tilespmem:$0xC080] =	vst v63  }
0x2b: {  	v3 =	vld [tilespmem:$0x10];
	_ =	sdelay $0x4  }
0x2c: {  	v57 =	vshrl.u32 v3, $0x3  }
0x2d: {  	v4 =	vmul.u32 $0x30, v57  }
0x2e: {  	v3 =	vand.u32 $0x7, v3  }
0x2f: {  	v3 =	vor.u32 v3, v4  }
0x30: {  	v4 =	vperm.xlane v3, v0;
	_ =	sdelay $0x1  }
0x31: {  	v4 =	vadd.s32 v1, v4;
	_ =	sdelay $0x3  }
0x32: {  	v3 =	vperm.xlane v3, v2  }
0x33: {  	[tilespmem:s15], [sflag:$0x1] =	stream.indirect_vreg.gather [hbm4b:s3+s2], $0x80, v4, vm0, $0xb8;
	[tilespmem:$0xC080] =	vst v63  }
0x34: {  	v3 =	vadd.s32 v1, v3  }
0x35: {  	[tilespmem:s16], [sflag:$0x1] =	stream.indirect_vreg.gather [hbm4b:s4+s2], $0x80, v4, vm0, $0xb8;
	[tilespmem:$0xC080] =	vst v63  }
0x36: {  	_ = 	snop  }
0x37: {  	[tilespmem:s17], [sflag:$0x1] =	stream.indirect_vreg.gather [hbm4b:s5+s2], $0x80, v4, vm0, $0xb8;
	[tilespmem:$0xC080] =	vst v63  }
0x38: {  	_ = 	snop  }
0x39: {  	[tilespmem:s18], [sflag:$0x1] =	stream.indirect_vreg.gather [hbm4b:s3+s2], $0x80, v3, vm0, $0xb8;
	[tilespmem:$0xC080] =	vst v63  }
0x3a: {  	_ = 	snop  }
0x3b: {  	[tilespmem:s19], [sflag:$0x1] =	stream.indirect_vreg.gather [hbm4b:s4+s2], $0x80, v3, vm0, $0xb8;
	[tilespmem:$0xC080] =	vst v63  }
0x3c: {  	_ = 	snop  }
0x3d: {  	[tilespmem:s20], [sflag:$0x1] =	stream.indirect_vreg.gather [hbm4b:s5+s2], $0x80, v3, vm0, $0xb8;
	[tilespmem:$0xC080] =	vst v63  }
0x3e: {  	v3 =	vld [tilespmem:$0x20];
	_ =	sdelay $0x4  }
0x3f: {  	v58 =	vshrl.u32 v3, $0x3  }
0x40: {  	v4 =	vmul.u32 $0x30, v58  }
0x41: {  	v3 =	vand.u32 $0x7, v3  }
0x42: {  	v3 =	vor.u32 v3, v4  }
0x43: {  	v4 =	vperm.xlane v3, v0;
	_ =	sdelay $0x1  }
0x44: {  	v4 =	vadd.s32 v1, v4;
	_ =	sdelay $0x3  }
0x45: {  	v3 =	vperm.xlane v3, v2  }
0x46: {  	[tilespmem:s21], [sflag:$0x1] =	stream.indirect_vreg.gather [hbm4b:s3+s2], $0x80, v4, vm0, $0xb8;
	[tilespmem:$0xC080] =	vst v63  }
0x47: {  	v3 =	vadd.s32 v1, v3  }
0x48: {  	[tilespmem:s22], [sflag:$0x1] =	stream.indirect_vreg.gather [hbm4b:s4+s2], $0x80, v4, vm0, $0xb8;
	[tilespmem:$0xC080] =	vst v63  }
0x49: {  	_ = 	snop  }
0x4a: {  	[tilespmem:s23], [sflag:$0x1] =	stream.indirect_vreg.gather [hbm4b:s5+s2], $0x80, v4, vm0, $0xb8;
	[tilespmem:$0xC080] =	vst v63  }
0x4b: {  	_ = 	snop  }
0x4c: {  	[tilespmem:s24], [sflag:$0x1] =	stream.indirect_vreg.gather [hbm4b:s3+s2], $0x80, v3, vm0, $0xb8;
	[tilespmem:$0xC080] =	vst v63  }
0x4d: {  	_ = 	snop  }
0x4e: {  	[tilespmem:s25], [sflag:$0x1] =	stream.indirect_vreg.gather [hbm4b:s4+s2], $0x80, v3, vm0, $0xb8;
	[tilespmem:$0xC080] =	vst v63  }
0x4f: {  	_ = 	snop  }
0x50: {  	[tilespmem:s26], [sflag:$0x1] =	stream.indirect_vreg.gather [hbm4b:s5+s2], $0x80, v3, vm0, $0xb8;
	[tilespmem:$0xC080] =	vst v63  }
0x51: {  	v3 =	vld [tilespmem:$0x30];
	_ =	sdelay $0x4  }
0x52: {  	v59 =	vshrl.u32 v3, $0x3  }
0x53: {  	v4 =	vmul.u32 $0x30, v59  }
0x54: {  	v3 =	vand.u32 $0x7, v3  }
0x55: {  	v3 =	vor.u32 v3, v4  }
0x56: {  	v4 =	vperm.xlane v3, v0;
	_ =	sdelay $0x1  }
0x57: {  	v4 =	vadd.s32 v1, v4;
	_ =	sdelay $0x3  }
0x58: {  	v3 =	vperm.xlane v3, v2  }
0x59: {  	[tilespmem:s28], [sflag:$0x1] =	stream.indirect_vreg.gather [hbm4b:s3+s2], $0x80, v4, vm0, $0xb8;
	[tilespmem:$0xC080] =	vst v63  }
0x5a: {  	v3 =	vadd.s32 v1, v3  }
0x5b: {  	[tilespmem:s29], [sflag:$0x1] =	stream.indirect_vreg.gather [hbm4b:s4+s2], $0x80, v4, vm0, $0xb8;
	[tilespmem:$0xC080] =	vst v63  }
0x5c: {  	_ = 	snop  }
0x5d: {  	[tilespmem:s30], [sflag:$0x1] =	stream.indirect_vreg.gather [hbm4b:s5+s2], $0x80, v4, vm0, $0xb8;
	[tilespmem:$0xC080] =	vst v63  }
0x5e: {  	_ = 	snop  }
0x5f: {  	[tilespmem:s31], [sflag:$0x1] =	stream.indirect_vreg.gather [hbm4b:s3+s2], $0x80, v3, vm0, $0xb8;
	[tilespmem:$0xC080] =	vst v63  }
0x60: {  	s8 =	simm.s32 $0xB080  }
0x61: {  	[tilespmem:s8], [sflag:$0x1] =	stream.indirect_vreg.gather [hbm4b:s4+s2], $0x80, v3, vm0, $0xb8;
	[tilespmem:$0xC080] =	vst v63  }
0x62: {  	s8 =	simm.s32 $0xB880  }
0x63: {  	[tilespmem:s8], [sflag:$0x1] =	stream.indirect_vreg.gather [hbm4b:s5+s2], $0x80, v3, vm0, $0xb8;
	[tilespmem:$0xC080] =	vst v63  }
0x64: {  	_ =	swait.ge [sflag:s0], $0xC000  }
0x65: {  	[sflag:s0] =	ssyncset.done $0x0  }
0x66: {  	s9 =	rddreg [dreg:$0x3];
	[sflag:s0] =	ssyncadd.s32 $0xFFFF4000  }
0x67: {  	[hbm4b:s9+s2] =	stream.linear.scatter [tilespmem:s1], [sflag:$0x2], $0xC000, $0x38;
	[tilespmem:$0xC080] =	vst v63  }
0x68: {  	_ =	swait.ge [sflag:s7], $0xC000  }
0x69: {  	[sflag:s7] =	ssyncset.done $0x0  }
0x6a: {  	s9 =	rddreg [dreg:$0x4];
	[sflag:s7] =	ssyncadd.s32 $0xFFFF4000  }
0x6b: {  	[tilespmem:s2], [sflag:$0x2] =	stream.linear.gather [hbm4b:s9+s2], $0x40, $0x38;
	[tilespmem:$0xC080] =	vst v63  }
0x6c: {  	_ =	swait.ge [sflag:s7], $0x40  }
0x6d: {  	[sflag:s7] =	ssyncset.done $0x0  }
0x6e: {  	[sflag:s7] =	ssyncadd.s32 $0xFFFFFFC0  }
0x6f: {  	v3 =	vld [tilespmem:$0x0];
	_ =	sdelay $0x4  }
0x70: {  	v60 =	vshrl.u32 v3, $0x3  }
0x71: {  	v4 =	vmul.u32 $0x30, v60  }
0x72: {  	v3 =	vand.u32 $0x7, v3  }
0x73: {  	v3 =	vor.u32 v3, v4  }
0x74: {  	v4 =	vperm.xlane v3, v0;
	_ =	sdelay $0x1  }
0x75: {  	v4 =	vadd.s32 v1, v4;
	_ =	sdelay $0x3  }
0x76: {  	v3 =	vperm.xlane v3, v2  }
0x77: {  	[tilespmem:s1], [sflag:$0x1] =	stream.indirect_vreg.gather [hbm4b:s3+s2], $0x80, v4, vm0, $0xb8;
	[tilespmem:$0xC080] =	vst v63  }
0x78: {  	v3 =	vadd.s32 v1, v3  }
0x79: {  	[tilespmem:s10], [sflag:$0x1] =	stream.indirect_vreg.gather [hbm4b:s4+s2], $0x80, v4, vm0, $0xb8;
	[tilespmem:$0xC080] =	vst v63  }
0x7a: {  	_ = 	snop  }
0x7b: {  	[tilespmem:s11], [sflag:$0x1] =	stream.indirect_vreg.gather [hbm4b:s5+s2], $0x80, v4, vm0, $0xb8;
	[tilespmem:$0xC080] =	vst v63  }
0x7c: {  	_ = 	snop  }
0x7d: {  	[tilespmem:s12], [sflag:$0x1] =	stream.indirect_vreg.gather [hbm4b:s3+s2], $0x80, v3, vm0, $0xb8;
	[tilespmem:$0xC080] =	vst v63  }
0x7e: {  	_ = 	snop  }
0x7f: {  	[tilespmem:s13], [sflag:$0x1] =	stream.indirect_vreg.gather [hbm4b:s4+s2], $0x80, v3, vm0, $0xb8;
	[tilespmem:$0xC080] =	vst v63  }
0x80: {  	_ = 	snop  }
0x81: {  	[tilespmem:s14], [sflag:$0x1] =	stream.indirect_vreg.gather [hbm4b:s5+s2], $0x80, v3, vm0, $0xb8;
	[tilespmem:$0xC080] =	vst v63  }
0x82: {  	v3 =	vld [tilespmem:$0x10];
	_ =	sdelay $0x4  }
0x83: {  	v61 =	vshrl.u32 v3, $0x3  }
0x84: {  	v4 =	vmul.u32 $0x30, v61  }
0x85: {  	v3 =	vand.u32 $0x7, v3  }
0x86: {  	v3 =	vor.u32 v3, v4  }
0x87: {  	v4 =	vperm.xlane v3, v0;
	_ =	sdelay $0x1  }
0x88: {  	v4 =	vadd.s32 v1, v4;
	_ =	sdelay $0x3  }
0x89: {  	v3 =	vperm.xlane v3, v2  }
0x8a: {  	[tilespmem:s15], [sflag:$0x1] =	stream.indirect_vreg.gather [hbm4b:s3+s2], $0x80, v4, vm0, $0xb8;
	[tilespmem:$0xC080] =	vst v63  }
0x8b: {  	v3 =	vadd.s32 v1, v3  }
0x8c: {  	[tilespmem:s16], [sflag:$0x1] =	stream.indirect_vreg.gather [hbm4b:s4+s2], $0x80, v4, vm0, $0xb8;
	[tilespmem:$0xC080] =	vst v63  }
0x8d: {  	_ = 	snop  }
0x8e: {  	[tilespmem:s17], [sflag:$0x1] =	stream.indirect_vreg.gather [hbm4b:s5+s2], $0x80, v4, vm0, $0xb8;
	[tilespmem:$0xC080] =	vst v63  }
0x8f: {  	_ = 	snop  }
0x90: {  	[tilespmem:s18], [sflag:$0x1] =	stream.indirect_vreg.gather [hbm4b:s3+s2], $0x80, v3, vm0, $0xb8;
	[tilespmem:$0xC080] =	vst v63  }
0x91: {  	_ = 	snop  }
0x92: {  	[tilespmem:s19], [sflag:$0x1] =	stream.indirect_vreg.gather [hbm4b:s4+s2], $0x80, v3, vm0, $0xb8;
	[tilespmem:$0xC080] =	vst v63  }
0x93: {  	_ = 	snop  }
0x94: {  	[tilespmem:s20], [sflag:$0x1] =	stream.indirect_vreg.gather [hbm4b:s5+s2], $0x80, v3, vm0, $0xb8;
	[tilespmem:$0xC080] =	vst v63  }
0x95: {  	v3 =	vld [tilespmem:$0x20];
	_ =	sdelay $0x4  }
0x96: {  	v62 =	vshrl.u32 v3, $0x3  }
0x97: {  	v4 =	vmul.u32 $0x30, v62  }
0x98: {  	v3 =	vand.u32 $0x7, v3  }
0x99: {  	v3 =	vor.u32 v3, v4  }
0x9a: {  	v4 =	vperm.xlane v3, v0;
	_ =	sdelay $0x1  }
0x9b: {  	v4 =	vadd.s32 v1, v4;
	_ =	sdelay $0x3  }
0x9c: {  	v3 =	vperm.xlane v3, v2  }
0x9d: {  	[tilespmem:s21], [sflag:$0x1] =	stream.indirect_vreg.gather [hbm4b:s3+s2], $0x80, v4, vm0, $0xb8;
	[tilespmem:$0xC080] =	vst v63  }
0x9e: {  	v3 =	vadd.s32 v1, v3  }
0x9f: {  	[tilespmem:s22], [sflag:$0x1] =	stream.indirect_vreg.gather [hbm4b:s4+s2], $0x80, v4, vm0, $0xb8;
	[tilespmem:$0xC080] =	vst v63  }
0xa0: {  	_ = 	snop  }
0xa1: {  	[tilespmem:s23], [sflag:$0x1] =	stream.indirect_vreg.gather [hbm4b:s5+s2], $0x80, v4, vm0, $0xb8;
	[tilespmem:$0xC080] =	vst v63  }
0xa2: {  	_ = 	snop  }
0xa3: {  	[tilespmem:s24], [sflag:$0x1] =	stream.indirect_vreg.gather [hbm4b:s3+s2], $0x80, v3, vm0, $0xb8;
	[tilespmem:$0xC080] =	vst v63  }
0xa4: {  	_ = 	snop  }
0xa5: {  	[tilespmem:s25], [sflag:$0x1] =	stream.indirect_vreg.gather [hbm4b:s4+s2], $0x80, v3, vm0, $0xb8;
	[tilespmem:$0xC080] =	vst v63  }
0xa6: {  	_ = 	snop  }
0xa7: {  	[tilespmem:s26], [sflag:$0x1] =	stream.indirect_vreg.gather [hbm4b:s5+s2], $0x80, v3, vm0, $0xb8;
	[tilespmem:$0xC080] =	vst v63  }
0xa8: {  	v3 =	vld [tilespmem:$0x30];
	_ =	sdelay $0x4  }
0xa9: {  	v63 =	vshrl.u32 v3, $0x3  }
0xaa: {  	v4 =	vmul.u32 $0x30, v63  }
0xab: {  	v3 =	vand.u32 $0x7, v3  }
0xac: {  	v3 =	vor.u32 v3, v4  }
0xad: {  	v4 =	vperm.xlane v3, v0;
	_ =	sdelay $0x1  }
0xae: {  	v4 =	vadd.s32 v1, v4;
	_ =	sdelay $0x3  }
0xaf: {  	v3 =	vperm.xlane v3, v2  }
0xb0: {  	[tilespmem:s28], [sflag:$0x1] =	stream.indirect_vreg.gather [hbm4b:s3+s2], $0x80, v4, vm0, $0xb8;
	[tilespmem:$0xC080] =	vst v63  }
0xb1: {  	v3 =	vadd.s32 v1, v3  }
0xb2: {  	[tilespmem:s29], [sflag:$0x1] =	stream.indirect_vreg.gather [hbm4b:s4+s2], $0x80, v4, vm0, $0xb8;
	[tilespmem:$0xC080] =	vst v63  }
0xb3: {  	_ = 	snop  }
0xb4: {  	[tilespmem:s30], [sflag:$0x1] =	stream.indirect_vreg.gather [hbm4b:s5+s2], $0x80, v4, vm0, $0xb8;
	[tilespmem:$0xC080] =	vst v63  }
0xb5: {  	_ = 	snop  }
0xb6: {  	[tilespmem:s31], [sflag:$0x1] =	stream.indirect_vreg.gather [hbm4b:s3+s2], $0x80, v3, vm0, $0xb8;
	[tilespmem:$0xC080] =	vst v63  }
0xb7: {  	s9 =	simm.s32 $0xB080  }
0xb8: {  	[tilespmem:s9], [sflag:$0x1] =	stream.indirect_vreg.gather [hbm4b:s4+s2], $0x80, v3, vm0, $0xb8;
	[tilespmem:$0xC080] =	vst v63  }
0xb9: {  	_ = 	snop  }
0xba: {  	[tilespmem:s8], [sflag:$0x1] =	stream.indirect_vreg.gather [hbm4b:s5+s2], $0x80, v3, vm0, $0xb8;
	[tilespmem:$0xC080] =	vst v63  }
0xbb: {  	_ =	swait.ge [sflag:s0], $0xC000  }
0xbc: {  	p0 =	sne.s32 s6, $0x1;
	[sflag:s0] =	ssyncset.done $0x0  }
.Ltmp0:
0xbd: {  	s8 =	rddreg [dreg:$0x5];
	[sflag:s0] =	ssyncadd.s32 $0xFFFF4000;
	(pc) =	sbr.rel @p0 .LBB2_1-.Ltmp0, $4  }
0xbe: {  	[hbm4b:s8+s2] =	stream.linear.scatter [tilespmem:s1], [sflag:$0x2], $0xC000, $0x38;
	[tilespmem:$0xC080] =	vst v63  }
0xbf: {  	_ =	swait.ge [sflag:s7], $0xC000  }
0xc0: {  	[sflag:s7] =	ssyncset.done $0x0  }
0xc1: {  	s6 =	sadd.s32 $0xFFFFFFFF, s6;
	[sflag:s7] =	ssyncadd.s32 $0xFFFF4000  }
0xc2: {  	_ =	sfence.sel $0x180000  }
0xc3: {  	[bflag:$0x0] =	sbarrier.arrive $0xFFFF  }
0xc4: {  	_ =	strace $0x90000050  }
0xc5: {  	s0 =	stileid.u32;
	[bflag:$0x2] =	sbarrier.arrive $0xFFFF  }
0xc6: {  	p0 =	sne.s32 s0, $0x0;
	s0 =	rddreg [dreg:$0x1]  }
0xc7: {  	s0 =	sadd.s32 @!p0 $0x100000, s0  }
0xc8: {  	[sflag:s0] =	ssyncadd.tile.s32 @!p0 $0x1;
	_ =	shalt  }
.Lfunc_end2:
_tile_overlayer_lowered:
.L_overlay_start_2:
0xc9: {  	(tag) =	ssettag $0x2  }
0xca: {  	s0 =	rddreg [dreg:$0x0];
	s2 =	stileid.u32  }
0xcb: {  	s1 =	rddreg [dreg:$0x1];
	p0 =	sne.s32 s2, $0x0  }
0xcc: {  	s3 =	rddreg [dreg:$0x2];
	[bflag:$0x3] =	sbarrier.arrive $0xFFFF;
	s2 =	simm.s32 @!p0 $0x1C02  }
0xcd: {  	[timem:s3], [sflag:s2] =	dma.local @!p0 [hbm:s0], s1  }
0xce: {  	s0 =	simm.s32 @!p0 $0x2  }
0xcf: {  	_ =	swait.ge @!p0 [sflag:s0], s1  }
0xd0: {  	s1 =	ssub.s32 @!p0 $0x0, s1;
	[sflag:s0] =	ssyncset.done @!p0 $0x0  }
0xd1: {  	[sflag:s0] =	ssyncadd.s32 @!p0 s1  }
0xd2: {  	[bflag:$0x3] =	sbarrier.arrive $0xFFFF  }
0xd3: {  	_ =	shalt  }

// kernel: kernel.52.cloned.1.call-start
scs
__scs_entry_jumppad:
0x0: {  	(pc) =	sbr.rel $0x88, $3  }
0x1: {  	(tag) =	ssettag $0x0;
	lr =	simm.s32 $0x1  }
0x2: {  	[smem:$0x3F87] =	sst lr;
	_ =	strace $0xD0000000  }
0x3: {  	_ = 	snop  }
0x4: {  	_ = 	snop  }
0x5: {  	_ = 	snop  }
0x6: {  	_ = 	snop  }
0x7: {  	_ = 	snop  }
__scs_overlays_trampoline_lowered:
0x8: {  	[smem:$0x3F96] =	sst s0  }
0x9: {  	[smem:$0x3F97] =	sst s1  }
0xa: {  	[smem:$0x3F98] =	sst s2  }
0xb: {  	[smem:$0x3F99] =	sst s3  }
0xc: {  	[smem:$0x3F9A] =	sst s4  }
0xd: {  	[smem:$0x3F9B] =	sst s5  }
0xe: {  	[smem:$0x3F9C] =	sst s6  }
0xf: {  	[smem:$0x3F9D] =	sst s7  }
0x10: {  	[smem:$0x3F9E] =	sst s8  }
0x11: {  	[smem:$0x3F9F] =	sst s9;
	s0 =	simm.s32 @!p0 $0x0  }
0x12: {  	s1 =	sld [smem:$0x3F85];
	s0 =	simm.s32 @p0 $0x1  }
0x13: {  	[smem:$0x3FA0] =	sst s0;
	s0 =	simm.s32 @!p1 $0x0  }
0x14: {  	s2 =	sld [smem:$0x3F84];
	s0 =	simm.s32 @p1 $0x1  }
0x15: {  	[smem:$0x3FA1] =	sst s0;
	s0 =	simm.s32 @!p2 $0x0  }
0x16: {  	s3 =	sld [smem:$0x3FDB];
	s0 =	simm.s32 @p2 $0x1  }
0x17: {  	s4 =	simm.s32 $0x1BF5;
	[smem:$0x3FA3] =	sst s0  }
0x18: {  	s0 =	sld [smem:$0x3F86];
	_ =	swait.ge [sflag:s4], $0x0  }
0x19: {  	s7 =	sld [smem:$0x3F87]  }
0x1a: {  	s8 =	sadd.s32 $0xFFFFE003, lr  }
0x1b: {  	s9 =	sadd.s32 $0xFFFFFEF7, lr;
	s5 =	simm.s32 $0xFFFFFFFF;
	p2 =	slt.u32 s8, $0xFFFFF086  }
0x1c: {  	p1 =	slt.u32 s9, $0xF7A;
	s5 =	simm.s32 @!p2 $0x0  }
0x1d: {  	s5 =	simm.s32 @p1 $0x1;
	p0 =	seq.s32 s7, s2  }
0x1e: {  	s7 =	smul.u32 @!p0 $0xF7A, s2;
	p2 =	seq.s32 @!p0 s5, $0x0  }
0x1f: {  	s9 =	smul.u32 $0xF7A, s1;
	s8 =	simm.s32 @!p0 $0x1BF5;
	p2 =	por !p2, p0  }
0x20: {  	[sflag:s8] =	ssyncset.s32 @!p0 $0xFFFFF086;
	s6 =	sadd.s32 @!p0 s3, s7;
	s7 =	simm.s32 @!p0 $0x108  }
0x21: {  	s3 =	sadd.s32 s3, s9;
	s6 =	sadd.s32 @!p0 $0x88, s6;
	s7 =	simm.s32 @p2 $0x1082  }
0x22: {  	[simem:s7], [sflag:s8] =	dma.local @!p0 [hbm:s6], $0xF7A  }
0x23: {  	s9 =	sor.u32 $0xD0000000, s2;
	s6 =	simm.s32 $0x108;
	_ =	swait.ge @!p0 [sflag:s8], $0x0  }
0x24: {  	s3 =	sadd.s32 $0x88, s3;
	s6 =	simm.s32 @!p1 $0x1082;
	[sflag:s4] =	ssyncset.s32 $0xFFFFF086  }
0x25: {  	[simem:s6], [sflag:s4] =	dma.local [hbm:s3], $0xF7A  }
0x26: {  	[smem:$0x3F87] =	sst s1;
	(tag) =	ssettag s2;
	_ =	strace s9  }
0x27: {  	s1 =	sld [smem:$0x3F97]  }
0x28: {  	s2 =	sld [smem:$0x3F98]  }
0x29: {  	s4 =	sld [smem:$0x3F9A]  }
0x2a: {  	p0 =	seq.s32 s5, $0x0;
	s5 =	sld [smem:$0x3F9B]  }
0x2b: {  	s6 =	sld [smem:$0x3F9C]  }
0x2c: {  	s7 =	sld [smem:$0x3F9D]  }
0x2d: {  	s3 =	simm.s32 $0x108;
	s8 =	sld [smem:$0x3F9E]  }
0x2e: {  	s3 =	simm.s32 @!p0 $0x1082;
	s9 =	sld [smem:$0x3F9F]  }
0x2f: {  	lr =	sadd.s32 s0, s3;
	s0 =	sld [smem:$0x3F96]  }
0x30: {  	s3 =	sld [smem:$0x3F99]  }
0x31: {  	[smem:$0x3FA2] =	sst s10  }
0x32: {  	s10 =	sld [smem:$0x3FA0];
	_ =	sdelay $0x3  }
0x33: {  	p0 =	seq.s32 s10, $0x1;
	s10 =	sld [smem:$0x3FA2];
	_ =	sdelay $0x3  }
0x34: {  	[smem:$0x3FA2] =	sst s10  }
0x35: {  	s10 =	sld [smem:$0x3FA1];
	_ =	sdelay $0x3  }
0x36: {  	p1 =	seq.s32 s10, $0x1;
	s10 =	sld [smem:$0x3FA2];
	_ =	sdelay $0x3  }
0x37: {  	[smem:$0x3FA2] =	sst s10  }
0x38: {  	s10 =	sld [smem:$0x3FA3]  }
0x39: {  	_ = 	snop;
	(pc) =	sbr.ind lr, $3  }
0x3a: {  	_ = 	snop  }
0x3b: {  	_ = 	snop  }
0x3c: {  	p2 =	seq.s32 s10, $0x1;
	s10 =	sld [smem:$0x3FA2]  }
0x3d: {  	_ =	shalt  }
0x3e: {  	_ =	shalt  }
0x3f: {  	_ =	shalt  }
0x40: {  	_ =	shalt  }
0x41: {  	_ =	shalt  }
0x42: {  	_ =	shalt  }
0x43: {  	_ =	shalt  }
0x44: {  	_ =	shalt  }
0x45: {  	_ =	shalt  }
0x46: {  	_ =	shalt  }
0x47: {  	_ =	shalt  }
0x48: {  	_ =	shalt  }
0x49: {  	_ =	shalt  }
0x4a: {  	_ =	shalt  }
0x4b: {  	_ =	shalt  }
0x4c: {  	_ =	shalt  }
0x4d: {  	_ =	shalt  }
0x4e: {  	_ =	shalt  }
0x4f: {  	_ =	shalt  }
0x50: {  	_ =	shalt  }
0x51: {  	_ =	shalt  }
0x52: {  	_ =	shalt  }
0x53: {  	_ =	shalt  }
0x54: {  	_ =	shalt  }
0x55: {  	_ =	shalt  }
0x56: {  	_ =	shalt  }
0x57: {  	_ =	shalt  }
0x58: {  	_ =	shalt  }
0x59: {  	_ =	shalt  }
0x5a: {  	_ =	shalt  }
0x5b: {  	_ =	shalt  }
0x5c: {  	_ =	shalt  }
0x5d: {  	_ =	shalt  }
0x5e: {  	_ =	shalt  }
0x5f: {  	_ =	shalt  }
0x60: {  	_ =	shalt  }
0x61: {  	_ =	shalt  }
0x62: {  	_ =	shalt  }
0x63: {  	_ =	shalt  }
0x64: {  	_ =	shalt  }
0x65: {  	_ =	shalt  }
0x66: {  	_ =	shalt  }
0x67: {  	_ =	shalt  }
0x68: {  	_ =	shalt  }
0x69: {  	_ =	shalt  }
0x6a: {  	_ =	shalt  }
0x6b: {  	_ =	shalt  }
0x6c: {  	_ =	shalt  }
0x6d: {  	_ =	shalt  }
0x6e: {  	_ =	shalt  }
0x6f: {  	_ =	shalt  }
0x70: {  	_ =	shalt  }
0x71: {  	_ =	shalt  }
0x72: {  	_ =	shalt  }
0x73: {  	_ =	shalt  }
0x74: {  	_ =	shalt  }
0x75: {  	_ =	shalt  }
0x76: {  	_ =	shalt  }
0x77: {  	_ =	shalt  }
0x78: {  	_ =	shalt  }
0x79: {  	_ =	shalt  }
0x7a: {  	_ =	shalt  }
0x7b: {  	_ =	shalt  }
0x7c: {  	_ =	shalt  }
0x7d: {  	_ =	shalt  }
0x7e: {  	_ =	shalt  }
0x7f: {  	_ =	shalt  }
0x80: {  	_ =	shalt  }
0x81: {  	_ =	shalt  }
0x82: {  	_ =	shalt  }
0x83: {  	_ =	shalt  }
0x84: {  	_ =	shalt  }
0x85: {  	_ =	shalt  }
0x86: {  	_ =	shalt  }
0x87: {  	_ =	shalt  }
.Lfunc_end0:
.L_simem_size_0:
called_computation.4_lowered:
.L_overlay_start_0:
0x88: {  	s2 =	sld [smem:$0x3FD9]  }
0x89: {  	s3 =	sld [smem:$0x3FFE];
	_ =	sdelay $0x1  }
0x8a: {  	s1 =	srdreg.scid  }
0x8b: {  	s0 =	sand.u32 $0x1, s1  }
0x8c: {  	s17 =	sshll.u32 s0, $0xA;
	s2 =	sadd.s32 s3, s2  }
0x8d: {  	s2 =	sadd.s32 s2, s17  }
0x8e: {  	[smem:$0x3FAE] =	sst s2  }
0x8f: {  	_ = 	snop  }
0x90: {  	s2 =	sld [smem:$0x3FD0];
	(tm) =	ssettm $0x1  }
0x91: {  	s18 =	sld [smem:$0x3FFB];
	_ =	sdelay $0x3  }
0x92: {  	_ =	strace s18  }
0x93: {  	s3 =	sld [smem:$0x3FFC];
	_ =	sdelay $0x3  }
0x94: {  	_ =	strace s3  }
0x95: {  	s3 =	sld [smem:$0x3FFD];
	_ =	sdelay $0x3  }
0x96: {  	_ =	strace s3  }
0x97: {  	_ =	strace $0x8FFFFFFF  }
0x98: {  	s19 =	sld [smem:$0x3FDB];
	_ =	sdelay $0x1  }
0x99: {  	s4 =	simm.s32 $_scs_section_size  }
0x9a: {  	s5 =	simm.s32 $_size__tile_overlayer_lowered;
	s6 =	simm.s32 $_tile_overlayer_lowered  }
0x9b: {  	s22 =	simm.s32 $0x1BFF;
	s21 =	sshll.u32 s6, $0x1;
	s3 =	sadd.s32 s4, s19  }
0x9c: {  	s7 =	simm.s32 $0x0;
	s20 =	sshll.u32 s5, $0x1;
	s5 =	sadd.s32 s21, s3  }
0x9d: {  	[timem:s7], [sflag:s22] =	dma.local [hbm:s5], s20  }
0x9e: {  	_ =	swait.ge [sflag:s22], s20  }
0x9f: {  	s4 =	ssub.s32 $0x0, s20;
	[sflag:s22] =	ssyncset.done $0x0  }
0xa0: {  	[sflag:s22] =	ssyncadd.s32 s4;
	_ =	sdelay $0x1  }
0xa1: {  	s23 =	simm.s32 $0x1B8B  }
0xa2: {  	_ =	swait.ge [sflag:s23], $0x1  }
0xa3: {  	[sflag:s23] =	ssyncset.done $0x0  }
0xa4: {  	s25 =	simm.s32 $0x1B8E;
	s24 =	sld [smem:$0x3FFE];
	[sflag:s23] =	ssyncadd.s32 $0xFFFFFFFF  }
0xa5: {  	s26 =	simm.s32 $execute0_lowered;
	[smem:$0x3FD2] =	sst s25  }
0xa6: {  	s5 =	sshll.u32 s26, $0x1;
	_ =	strace $0x80000052;
	[dreg:$0x1] =	wrdreg $0xFFFFFFFF  }
0xa7: {  	s28 =	simm.s32 $_size_execute0_lowered;
	s3 =	sadd.s32 s3, s5;
	[dreg:$0x0] =	wrdreg $0x0  }
0xa8: {  	s5 =	sshll.u32 s28, $0x1;
	[dreg:$0x2] =	wrdreg s3  }
0xa9: {  	[dreg:$0x3] =	wrdreg s5  }
0xaa: {  	[dreg:$0x4] =	wrdreg $0xC0  }
0xab: {  	_ =	task [dreg:s7], $0x5FFFF  }
0xac: {  	[dreg:$0x1] =	wrdreg $0xFFFFFFFF  }
0xad: {  	[dreg:$0x0] =	wrdreg $0x60  }
0xae: {  	[dreg:$0x2] =	wrdreg s24  }
0xaf: {  	[dreg:$0x3] =	wrdreg s2  }
0xb0: {  	[dreg:$0x4] =	wrdreg $0x9  }
0xb1: {  	_ =	task.clear_ibuf [dreg:s7], $0x5FFFF;
	_ =	strace $0x90000052  }
0xb2: {  	s29 =	simm.s32 $0x9;
	_ =	strace $0x80000054  }
0xb3: {  	_ =	swait.ge [sflag:s29], $0x1  }
0xb4: {  	[sflag:s29] =	ssyncadd.s32 $0xFFFFFFFF  }
0xb5: {  	_ =	strace $0x90000054  }
0xb6: {  	_ =	sfence  }
0xb7: {  	s30 =	sld [smem:$0x0];
	_ =	sdelay $0x2  }
0xb8: {  	s31 =	sshll.u32 s1, $0xD;
	s1 =	sshrl.u32 s1, $0x2  }
0xb9: {  	s3 =	sand.u32 $0x4000, s31;
	s1 =	sadd.s32 s1, s30  }
0xba: {  	s0 =	sor.u32 s3, s0;
	s1 =	sshll.u32 s1, $0x11  }
0xbb: {  	s0 =	sor.u32 s1, s0  }
0xbc: {  	s0 =	sadd.s32 $0x8F2B, s0  }
0xbd: {  	[sflag:s0] =	ssyncadd.remote.s32 $0x1  }
0xbe: {  	_ =	sfence.sel $0xFFFF  }
0xbf: {  	[dreg:$0x0] =	wrdreg $0xFFFFFFFF;
	(pc) =	sbr.abs _section_cstart, $3  }
0xc0: {  	[dreg:$0x1] =	wrdreg $0xFFFFFFFF  }
0xc1: {  	_ =	task.clear_ibuf [dreg:s7], $0x2FFFF;
	_ =	strace $0x9FFFFFFF  }
0xc2: {  	(tm) =	ssettm $0x7FFFFFFF  }
0xc3: {  	_ =	shalt  }
tec
execute0_lowered:
.L_overlay_start_1:
0x0: {  	(tag) =	ssettag $0x1  }
0x1: {  	s1 =	srdreg.scid;
	s5 =	rddreg [dreg:$0x0]  }
0x2: {  	s0 =	stileid.u32;
	s4 =	rddreg [dreg:$0x1]  }
0x3: {  	s25 =	simm.s32 $0xC000;
	s26 =	simm.s32 $0xC080;
	s10 =	simm.s32 $0x1800  }
0x4: {  	s11 =	simm.s32 $0x2000;
	s12 =	simm.s32 $0x2800;
	s13 =	simm.s32 $0x3000  }
0x5: {  	s14 =	simm.s32 $0x3800;
	s15 =	simm.s32 $0x4000;
	s16 =	simm.s32 $0x4800  }
0x6: {  	s17 =	simm.s32 $0x5000;
	s18 =	simm.s32 $0x5800;
	s19 =	simm.s32 $0x6000  }
0x7: {  	s20 =	simm.s32 $0x6800;
	s21 =	simm.s32 $0x7000;
	s22 =	simm.s32 $0x7800  }
0x8: {  	s23 =	simm.s32 $0x8000;
	s28 =	simm.s32 $0xA000;
	s29 =	simm.s32 $0xA800  }
0x9: {  	s30 =	simm.s32 $0xB000;
	s31 =	simm.s32 $0xB800;
	s1 =	sand.u32 $0x1, s1  }
0xa: {  	s2 =	sshll.u32 s0, $0x4;
	s3 =	sshll.u32 s1, $0x3;
	s1 =	ssub.s32 $0x2, s1  }
0xb: {  	s6 =	sor.u32 s3, s2;
	s2 =	simm.s32 $0x0;
	s9 =	sshrl.u32 s1, $0x1  }
0xc: {  	s3 =	smul.u32 $0x300, s6;
	[smem:$0x7FF] =	sst s2;
	s8 =	sadd.s32 s6, s5  }
0xd: {  	s4 =	sadd.s32 s4, s6;
	s1 =	ssub.s32 s1, s9;
	s9 =	simm.s32 $0x1000  }
0xe: {  	_ =	strace $0x80000053;
	[dreg:$0x4] =	wrdreg s4;
	s24 =	sadd.s32 $0x200, s8  }
0xf: {  	s4 =	sadd.s32 $0x31500, s5;
	[dreg:$0x6] =	wrdreg s25;
	s6 =	smax.u32 s1, $0x1  }
0x10: {  	[dreg:$0x7] =	wrdreg s26;
	s25 =	simm.s32 $0x9000;
	s26 =	simm.s32 $0x9800  }
0x11: {  	v2 =	vlaneseq.u32;
	s1 =	simm.s32 $0x1;
	s7 =	sadd.s32 s3, s5;
	s3 =	sadd.s32 $0x31400, s5  }
0x12: {  	vm0 =	vmmov $0xffff;
	v1 =	vshrl.u32 v2, $0x3;
	[dreg:$0x5] =	wrdreg s24;
	s5 =	sadd.s32 $0x31600, s5;
	s7 =	sadd.s32 $0x1200, s7  }
0x13: {  	v0 =	vand.u32 $0x7, v2;
	v2 =	vor.u32 $0x8, v2;
	v1 =	vmul.u32 $0x8, v1;
	s24 =	simm.s32 $0x8800;
	[dreg:$0x3] =	wrdreg s7;
	s7 =	simm.s32 $0x2  }
.LBB2_1:
0x14: {  	s0 =	rddreg [dreg:$0x3]  }
0x15: {  	[tilespmem:s2], [sflag:$0x2] =	stream.linear.gather [hbm4b:s0+s2], $0xC000, $0x38;
	[tilespmem:$0xC100] =	vst v63  }
0x16: {  	_ =	swait.ge [sflag:s7], $0xC000  }
0x17: {  	s0 =	rddreg [dreg:$0x4];
	[sflag:s7] =	ssyncset.done $0x0  }
0x18: {  	s8 =	rddreg [dreg:$0x6];
	[sflag:s7] =	ssyncadd.s32 $0xFFFF4000  }
0x19: {  	[tilespmem:s8], [sflag:$0x2] =	stream.linear.gather [hbm4b:s0+s2], $0x40, $0x38;
	[tilespmem:$0xC100] =	vst v63  }
0x1a: {  	_ =	swait.ge [sflag:s7], $0x40  }
0x1b: {  	s0 =	rddreg [dreg:$0x5];
	[sflag:s7] =	ssyncset.done $0x0  }
0x1c: {  	s8 =	rddreg [dreg:$0x7];
	[sflag:s7] =	ssyncadd.s32 $0xFFFFFFC0  }
0x1d: {  	[tilespmem:s8], [sflag:$0x2] =	stream.linear.gather [hbm4b:s0+s2], $0x40, $0x38;
	[tilespmem:$0xC100] =	vst v63  }
0x1e: {  	_ =	swait.ge [sflag:s7], $0x40  }
0x1f: {  	[sflag:s7] =	ssyncset.done $0x0  }
0x20: {  	[sflag:s7] =	ssyncadd.s32 $0xFFFFFFC0  }
0x21: {  	v3 =	vld [tilespmem:$0xC000];
	_ =	sdelay $0x4  }
0x22: {  	v4 =	vshrl.u32 v3, $0x3  }
0x23: {  	v4 =	vmul.u32 $0x30, v4  }
0x24: {  	v3 =	vand.u32 $0x7, v3  }
0x25: {  	v3 =	vor.u32 v3, v4  }
0x26: {  	v4 =	vperm.xlane v3, v0;
	_ =	sdelay $0x1  }
0x27: {  	v4 =	vadd.s32 v1, v4;
	_ =	sdelay $0x3  }
0x28: {  	v3 =	vperm.xlane v3, v2  }
0x29: {  	[hbm4b:s3+s2] =	stream.indirect_vreg.scatter [tilespmem:s2], [sflag:$0x1], $0x80, v4, vm0, $0xb8;
	[tilespmem:$0xC100] =	vst v63  }
0x2a: {  	s8 =	simm.s32 $0x800;
	v3 =	vadd.s32 v1, v3  }
0x2b: {  	[hbm4b:s4+s2] =	stream.indirect_vreg.scatter [tilespmem:s8], [sflag:$0x1], $0x80, v4, vm0, $0xb8;
	[tilespmem:$0xC100] =	vst v63  }
0x2c: {  	_ = 	snop  }
0x2d: {  	[hbm4b:s5+s2] =	stream.indirect_vreg.scatter [tilespmem:s9], [sflag:$0x1], $0x80, v4, vm0, $0xb8;
	[tilespmem:$0xC100] =	vst v63  }
0x2e: {  	_ = 	snop  }
0x2f: {  	[hbm4b:s3+s2] =	stream.indirect_vreg.scatter [tilespmem:s10], [sflag:$0x1], $0x80, v3, vm0, $0xb8;
	[tilespmem:$0xC100] =	vst v63  }
0x30: {  	_ = 	snop  }
0x31: {  	[hbm4b:s4+s2] =	stream.indirect_vreg.scatter [tilespmem:s11], [sflag:$0x1], $0x80, v3, vm0, $0xb8;
	[tilespmem:$0xC100] =	vst v63  }
0x32: {  	_ = 	snop  }
0x33: {  	[hbm4b:s5+s2] =	stream.indirect_vreg.scatter [tilespmem:s12], [sflag:$0x1], $0x80, v3, vm0, $0xb8;
	[tilespmem:$0xC100] =	vst v63  }
0x34: {  	v3 =	vld [tilespmem:$0xC010];
	_ =	sdelay $0x4  }
0x35: {  	v57 =	vshrl.u32 v3, $0x3  }
0x36: {  	v4 =	vmul.u32 $0x30, v57  }
0x37: {  	v3 =	vand.u32 $0x7, v3  }
0x38: {  	v3 =	vor.u32 v3, v4  }
0x39: {  	v4 =	vperm.xlane v3, v0;
	_ =	sdelay $0x1  }
0x3a: {  	v4 =	vadd.s32 v1, v4;
	_ =	sdelay $0x3  }
0x3b: {  	v3 =	vperm.xlane v3, v2  }
0x3c: {  	[hbm4b:s3+s2] =	stream.indirect_vreg.scatter [tilespmem:s13], [sflag:$0x1], $0x80, v4, vm0, $0xb8;
	[tilespmem:$0xC100] =	vst v63  }
0x3d: {  	v3 =	vadd.s32 v1, v3  }
0x3e: {  	[hbm4b:s4+s2] =	stream.indirect_vreg.scatter [tilespmem:s14], [sflag:$0x1], $0x80, v4, vm0, $0xb8;
	[tilespmem:$0xC100] =	vst v63  }
0x3f: {  	_ = 	snop  }
0x40: {  	[hbm4b:s5+s2] =	stream.indirect_vreg.scatter [tilespmem:s15], [sflag:$0x1], $0x80, v4, vm0, $0xb8;
	[tilespmem:$0xC100] =	vst v63  }
0x41: {  	_ = 	snop  }
0x42: {  	[hbm4b:s3+s2] =	stream.indirect_vreg.scatter [tilespmem:s16], [sflag:$0x1], $0x80, v3, vm0, $0xb8;
	[tilespmem:$0xC100] =	vst v63  }
0x43: {  	_ = 	snop  }
0x44: {  	[hbm4b:s4+s2] =	stream.indirect_vreg.scatter [tilespmem:s17], [sflag:$0x1], $0x80, v3, vm0, $0xb8;
	[tilespmem:$0xC100] =	vst v63  }
0x45: {  	_ = 	snop  }
0x46: {  	[hbm4b:s5+s2] =	stream.indirect_vreg.scatter [tilespmem:s18], [sflag:$0x1], $0x80, v3, vm0, $0xb8;
	[tilespmem:$0xC100] =	vst v63  }
0x47: {  	v3 =	vld [tilespmem:$0xC020];
	_ =	sdelay $0x4  }
0x48: {  	v58 =	vshrl.u32 v3, $0x3  }
0x49: {  	v4 =	vmul.u32 $0x30, v58  }
0x4a: {  	v3 =	vand.u32 $0x7, v3  }
0x4b: {  	v3 =	vor.u32 v3, v4  }
0x4c: {  	v4 =	vperm.xlane v3, v0;
	_ =	sdelay $0x1  }
0x4d: {  	v4 =	vadd.s32 v1, v4;
	_ =	sdelay $0x3  }
0x4e: {  	v3 =	vperm.xlane v3, v2  }
0x4f: {  	[hbm4b:s3+s2] =	stream.indirect_vreg.scatter [tilespmem:s19], [sflag:$0x1], $0x80, v4, vm0, $0xb8;
	[tilespmem:$0xC100] =	vst v63  }
0x50: {  	v3 =	vadd.s32 v1, v3  }
0x51: {  	[hbm4b:s4+s2] =	stream.indirect_vreg.scatter [tilespmem:s20], [sflag:$0x1], $0x80, v4, vm0, $0xb8;
	[tilespmem:$0xC100] =	vst v63  }
0x52: {  	_ = 	snop  }
0x53: {  	[hbm4b:s5+s2] =	stream.indirect_vreg.scatter [tilespmem:s21], [sflag:$0x1], $0x80, v4, vm0, $0xb8;
	[tilespmem:$0xC100] =	vst v63  }
0x54: {  	_ = 	snop  }
0x55: {  	[hbm4b:s3+s2] =	stream.indirect_vreg.scatter [tilespmem:s22], [sflag:$0x1], $0x80, v3, vm0, $0xb8;
	[tilespmem:$0xC100] =	vst v63  }
0x56: {  	_ = 	snop  }
0x57: {  	[hbm4b:s4+s2] =	stream.indirect_vreg.scatter [tilespmem:s23], [sflag:$0x1], $0x80, v3, vm0, $0xb8;
	[tilespmem:$0xC100] =	vst v63  }
0x58: {  	_ = 	snop  }
0x59: {  	[hbm4b:s5+s2] =	stream.indirect_vreg.scatter [tilespmem:s24], [sflag:$0x1], $0x80, v3, vm0, $0xb8;
	[tilespmem:$0xC100] =	vst v63  }
0x5a: {  	v3 =	vld [tilespmem:$0xC030];
	_ =	sdelay $0x4  }
0x5b: {  	v59 =	vshrl.u32 v3, $0x3  }
0x5c: {  	v4 =	vmul.u32 $0x30, v59  }
0x5d: {  	v3 =	vand.u32 $0x7, v3  }
0x5e: {  	v3 =	vor.u32 v3, v4  }
0x5f: {  	v4 =	vperm.xlane v3, v0;
	_ =	sdelay $0x1  }
0x60: {  	v4 =	vadd.s32 v1, v4;
	_ =	sdelay $0x3  }
0x61: {  	v3 =	vperm.xlane v3, v2  }
0x62: {  	[hbm4b:s3+s2] =	stream.indirect_vreg.scatter [tilespmem:s25], [sflag:$0x1], $0x80, v4, vm0, $0xb8;
	[tilespmem:$0xC100] =	vst v63  }
0x63: {  	v3 =	vadd.s32 v1, v3  }
0x64: {  	[hbm4b:s4+s2] =	stream.indirect_vreg.scatter [tilespmem:s26], [sflag:$0x1], $0x80, v4, vm0, $0xb8;
	[tilespmem:$0xC100] =	vst v63  }
0x65: {  	_ = 	snop  }
0x66: {  	[hbm4b:s5+s2] =	stream.indirect_vreg.scatter [tilespmem:s28], [sflag:$0x1], $0x80, v4, vm0, $0xb8;
	[tilespmem:$0xC100] =	vst v63  }
0x67: {  	_ = 	snop  }
0x68: {  	[hbm4b:s3+s2] =	stream.indirect_vreg.scatter [tilespmem:s29], [sflag:$0x1], $0x80, v3, vm0, $0xb8;
	[tilespmem:$0xC100] =	vst v63  }
0x69: {  	_ = 	snop  }
0x6a: {  	[hbm4b:s4+s2] =	stream.indirect_vreg.scatter [tilespmem:s30], [sflag:$0x1], $0x80, v3, vm0, $0xb8;
	[tilespmem:$0xC100] =	vst v63  }
0x6b: {  	_ = 	snop  }
0x6c: {  	[hbm4b:s5+s2] =	stream.indirect_vreg.scatter [tilespmem:s31], [sflag:$0x1], $0x80, v3, vm0, $0xb8;
	[tilespmem:$0xC100] =	vst v63  }
0x6d: {  	_ =	swait.ge [sflag:s1], $0xC000  }
0x6e: {  	[sflag:s1] =	ssyncset.done $0x0  }
0x6f: {  	[sflag:s1] =	ssyncadd.s32 $0xFFFF4000  }
0x70: {  	v3 =	vld [tilespmem:$0xC080];
	_ =	sdelay $0x4  }
0x71: {  	v60 =	vshrl.u32 v3, $0x3  }
0x72: {  	v4 =	vmul.u32 $0x30, v60  }
0x73: {  	v3 =	vand.u32 $0x7, v3  }
0x74: {  	v3 =	vor.u32 v3, v4  }
0x75: {  	v4 =	vperm.xlane v3, v0;
	_ =	sdelay $0x1  }
0x76: {  	v4 =	vadd.s32 v1, v4;
	_ =	sdelay $0x3  }
0x77: {  	v3 =	vperm.xlane v3, v2  }
0x78: {  	[hbm4b:s3+s2] =	stream.indirect_vreg.scatter [tilespmem:s2], [sflag:$0x1], $0x80, v4, vm0, $0xb8;
	[tilespmem:$0xC100] =	vst v63  }
0x79: {  	v3 =	vadd.s32 v1, v3  }
0x7a: {  	[hbm4b:s4+s2] =	stream.indirect_vreg.scatter [tilespmem:s8], [sflag:$0x1], $0x80, v4, vm0, $0xb8;
	[tilespmem:$0xC100] =	vst v63  }
0x7b: {  	_ = 	snop  }
0x7c: {  	[hbm4b:s5+s2] =	stream.indirect_vreg.scatter [tilespmem:s9], [sflag:$0x1], $0x80, v4, vm0, $0xb8;
	[tilespmem:$0xC100] =	vst v63  }
0x7d: {  	_ = 	snop  }
0x7e: {  	[hbm4b:s3+s2] =	stream.indirect_vreg.scatter [tilespmem:s10], [sflag:$0x1], $0x80, v3, vm0, $0xb8;
	[tilespmem:$0xC100] =	vst v63  }
0x7f: {  	_ = 	snop  }
0x80: {  	[hbm4b:s4+s2] =	stream.indirect_vreg.scatter [tilespmem:s11], [sflag:$0x1], $0x80, v3, vm0, $0xb8;
	[tilespmem:$0xC100] =	vst v63  }
0x81: {  	_ = 	snop  }
0x82: {  	[hbm4b:s5+s2] =	stream.indirect_vreg.scatter [tilespmem:s12], [sflag:$0x1], $0x80, v3, vm0, $0xb8;
	[tilespmem:$0xC100] =	vst v63  }
0x83: {  	v3 =	vld [tilespmem:$0xC090];
	_ =	sdelay $0x4  }
0x84: {  	v61 =	vshrl.u32 v3, $0x3  }
0x85: {  	v4 =	vmul.u32 $0x30, v61  }
0x86: {  	v3 =	vand.u32 $0x7, v3  }
0x87: {  	v3 =	vor.u32 v3, v4  }
0x88: {  	v4 =	vperm.xlane v3, v0;
	_ =	sdelay $0x1  }
0x89: {  	v4 =	vadd.s32 v1, v4;
	_ =	sdelay $0x3  }
0x8a: {  	v3 =	vperm.xlane v3, v2  }
0x8b: {  	[hbm4b:s3+s2] =	stream.indirect_vreg.scatter [tilespmem:s13], [sflag:$0x1], $0x80, v4, vm0, $0xb8;
	[tilespmem:$0xC100] =	vst v63  }
0x8c: {  	v3 =	vadd.s32 v1, v3  }
0x8d: {  	[hbm4b:s4+s2] =	stream.indirect_vreg.scatter [tilespmem:s14], [sflag:$0x1], $0x80, v4, vm0, $0xb8;
	[tilespmem:$0xC100] =	vst v63  }
0x8e: {  	_ = 	snop  }
0x8f: {  	[hbm4b:s5+s2] =	stream.indirect_vreg.scatter [tilespmem:s15], [sflag:$0x1], $0x80, v4, vm0, $0xb8;
	[tilespmem:$0xC100] =	vst v63  }
0x90: {  	_ = 	snop  }
0x91: {  	[hbm4b:s3+s2] =	stream.indirect_vreg.scatter [tilespmem:s16], [sflag:$0x1], $0x80, v3, vm0, $0xb8;
	[tilespmem:$0xC100] =	vst v63  }
0x92: {  	_ = 	snop  }
0x93: {  	[hbm4b:s4+s2] =	stream.indirect_vreg.scatter [tilespmem:s17], [sflag:$0x1], $0x80, v3, vm0, $0xb8;
	[tilespmem:$0xC100] =	vst v63  }
0x94: {  	_ = 	snop  }
0x95: {  	[hbm4b:s5+s2] =	stream.indirect_vreg.scatter [tilespmem:s18], [sflag:$0x1], $0x80, v3, vm0, $0xb8;
	[tilespmem:$0xC100] =	vst v63  }
0x96: {  	v3 =	vld [tilespmem:$0xC0A0];
	_ =	sdelay $0x4  }
0x97: {  	v62 =	vshrl.u32 v3, $0x3  }
0x98: {  	v4 =	vmul.u32 $0x30, v62  }
0x99: {  	v3 =	vand.u32 $0x7, v3  }
0x9a: {  	v3 =	vor.u32 v3, v4  }
0x9b: {  	v4 =	vperm.xlane v3, v0;
	_ =	sdelay $0x1  }
0x9c: {  	v4 =	vadd.s32 v1, v4;
	_ =	sdelay $0x3  }
0x9d: {  	v3 =	vperm.xlane v3, v2  }
0x9e: {  	[hbm4b:s3+s2] =	stream.indirect_vreg.scatter [tilespmem:s19], [sflag:$0x1], $0x80, v4, vm0, $0xb8;
	[tilespmem:$0xC100] =	vst v63  }
0x9f: {  	v3 =	vadd.s32 v1, v3  }
0xa0: {  	[hbm4b:s4+s2] =	stream.indirect_vreg.scatter [tilespmem:s20], [sflag:$0x1], $0x80, v4, vm0, $0xb8;
	[tilespmem:$0xC100] =	vst v63  }
0xa1: {  	_ = 	snop  }
0xa2: {  	[hbm4b:s5+s2] =	stream.indirect_vreg.scatter [tilespmem:s21], [sflag:$0x1], $0x80, v4, vm0, $0xb8;
	[tilespmem:$0xC100] =	vst v63  }
0xa3: {  	_ = 	snop  }
0xa4: {  	[hbm4b:s3+s2] =	stream.indirect_vreg.scatter [tilespmem:s22], [sflag:$0x1], $0x80, v3, vm0, $0xb8;
	[tilespmem:$0xC100] =	vst v63  }
0xa5: {  	_ = 	snop  }
0xa6: {  	[hbm4b:s4+s2] =	stream.indirect_vreg.scatter [tilespmem:s23], [sflag:$0x1], $0x80, v3, vm0, $0xb8;
	[tilespmem:$0xC100] =	vst v63  }
0xa7: {  	_ = 	snop  }
0xa8: {  	[hbm4b:s5+s2] =	stream.indirect_vreg.scatter [tilespmem:s24], [sflag:$0x1], $0x80, v3, vm0, $0xb8;
	[tilespmem:$0xC100] =	vst v63  }
0xa9: {  	v3 =	vld [tilespmem:$0xC0B0];
	_ =	sdelay $0x4  }
0xaa: {  	v63 =	vshrl.u32 v3, $0x3  }
0xab: {  	v4 =	vmul.u32 $0x30, v63  }
0xac: {  	v3 =	vand.u32 $0x7, v3  }
0xad: {  	v3 =	vor.u32 v3, v4  }
0xae: {  	v4 =	vperm.xlane v3, v0;
	_ =	sdelay $0x1  }
0xaf: {  	v4 =	vadd.s32 v1, v4;
	_ =	sdelay $0x3  }
0xb0: {  	v3 =	vperm.xlane v3, v2  }
0xb1: {  	[hbm4b:s3+s2] =	stream.indirect_vreg.scatter [tilespmem:s25], [sflag:$0x1], $0x80, v4, vm0, $0xb8;
	[tilespmem:$0xC100] =	vst v63  }
0xb2: {  	v3 =	vadd.s32 v1, v3  }
0xb3: {  	[hbm4b:s4+s2] =	stream.indirect_vreg.scatter [tilespmem:s26], [sflag:$0x1], $0x80, v4, vm0, $0xb8;
	[tilespmem:$0xC100] =	vst v63  }
0xb4: {  	_ = 	snop  }
0xb5: {  	[hbm4b:s5+s2] =	stream.indirect_vreg.scatter [tilespmem:s28], [sflag:$0x1], $0x80, v4, vm0, $0xb8;
	[tilespmem:$0xC100] =	vst v63  }
0xb6: {  	_ = 	snop  }
0xb7: {  	[hbm4b:s3+s2] =	stream.indirect_vreg.scatter [tilespmem:s29], [sflag:$0x1], $0x80, v3, vm0, $0xb8;
	[tilespmem:$0xC100] =	vst v63  }
0xb8: {  	p0 =	sne.s32 s6, $0x1  }
0xb9: {  	[hbm4b:s4+s2] =	stream.indirect_vreg.scatter [tilespmem:s30], [sflag:$0x1], $0x80, v3, vm0, $0xb8;
	[tilespmem:$0xC100] =	vst v63  }
.Ltmp0:
0xba: {  	_ = 	snop;
	(pc) =	sbr.rel @p0 .LBB2_1-.Ltmp0, $4  }
0xbb: {  	[hbm4b:s5+s2] =	stream.indirect_vreg.scatter [tilespmem:s31], [sflag:$0x1], $0x80, v3, vm0, $0xb8;
	[tilespmem:$0xC100] =	vst v63  }
0xbc: {  	_ =	swait.ge [sflag:s1], $0xC000  }
0xbd: {  	[sflag:s1] =	ssyncset.done $0x0  }
0xbe: {  	s6 =	sadd.s32 $0xFFFFFFFF, s6;
	[sflag:s1] =	ssyncadd.s32 $0xFFFF4000  }
0xbf: {  	_ =	sfence.sel $0x180000  }
0xc0: {  	[bflag:$0x0] =	sbarrier.arrive $0xFFFF  }
0xc1: {  	_ =	strace $0x90000053  }
0xc2: {  	s0 =	stileid.u32;
	[bflag:$0x2] =	sbarrier.arrive $0xFFFF  }
0xc3: {  	p0 =	sne.s32 s0, $0x0;
	s0 =	rddreg [dreg:$0x2]  }
0xc4: {  	s0 =	sadd.s32 @!p0 $0x100000, s0  }
0xc5: {  	[sflag:s0] =	ssyncadd.tile.s32 @!p0 $0x1;
	_ =	shalt  }
.Lfunc_end2:
_tile_overlayer_lowered:
.L_overlay_start_2:
0xc6: {  	(tag) =	ssettag $0x2  }
0xc7: {  	s0 =	rddreg [dreg:$0x0];
	s2 =	stileid.u32  }
0xc8: {  	s1 =	rddreg [dreg:$0x1];
	p0 =	sne.s32 s2, $0x0  }
0xc9: {  	s3 =	rddreg [dreg:$0x2];
	[bflag:$0x3] =	sbarrier.arrive $0xFFFF;
	s2 =	simm.s32 @!p0 $0x1C02  }
0xca: {  	[timem:s3], [sflag:s2] =	dma.local @!p0 [hbm:s0], s1  }
0xcb: {  	s0 =	simm.s32 @!p0 $0x2  }
0xcc: {  	_ =	swait.ge @!p0 [sflag:s0], s1  }
0xcd: {  	s1 =	ssub.s32 @!p0 $0x0, s1;
	[sflag:s0] =	ssyncset.done @!p0 $0x0  }
0xce: {  	[sflag:s0] =	ssyncadd.s32 @!p0 s1  }
0xcf: {  	[bflag:$0x3] =	sbarrier.arrive $0xFFFF  }
0xd0: {  	_ =	shalt  }

// kernel: kernel.55.cloned.1.call-start
scs
__scs_entry_jumppad:
0x0: {  	(pc) =	sbr.rel $0x88, $3  }
0x1: {  	(tag) =	ssettag $0x0;
	lr =	simm.s32 $0x1  }
0x2: {  	[smem:$0x3F87] =	sst lr;
	_ =	strace $0xD0000000  }
0x3: {  	_ = 	snop  }
0x4: {  	_ = 	snop  }
0x5: {  	_ = 	snop  }
0x6: {  	_ = 	snop  }
0x7: {  	_ = 	snop  }
__scs_overlays_trampoline_lowered:
0x8: {  	[smem:$0x3F96] =	sst s0  }
0x9: {  	[smem:$0x3F97] =	sst s1  }
0xa: {  	[smem:$0x3F98] =	sst s2  }
0xb: {  	[smem:$0x3F99] =	sst s3  }
0xc: {  	[smem:$0x3F9A] =	sst s4  }
0xd: {  	[smem:$0x3F9B] =	sst s5  }
0xe: {  	[smem:$0x3F9C] =	sst s6  }
0xf: {  	[smem:$0x3F9D] =	sst s7  }
0x10: {  	[smem:$0x3F9E] =	sst s8  }
0x11: {  	[smem:$0x3F9F] =	sst s9;
	s0 =	simm.s32 @!p0 $0x0  }
0x12: {  	s1 =	sld [smem:$0x3F85];
	s0 =	simm.s32 @p0 $0x1  }
0x13: {  	[smem:$0x3FA0] =	sst s0;
	s0 =	simm.s32 @!p1 $0x0  }
0x14: {  	s2 =	sld [smem:$0x3F84];
	s0 =	simm.s32 @p1 $0x1  }
0x15: {  	[smem:$0x3FA1] =	sst s0;
	s0 =	simm.s32 @!p2 $0x0  }
0x16: {  	s3 =	sld [smem:$0x3FDB];
	s0 =	simm.s32 @p2 $0x1  }
0x17: {  	s4 =	simm.s32 $0x1BF5;
	[smem:$0x3FA3] =	sst s0  }
0x18: {  	s0 =	sld [smem:$0x3F86];
	_ =	swait.ge [sflag:s4], $0x0  }
0x19: {  	s7 =	sld [smem:$0x3F87]  }
0x1a: {  	s8 =	sadd.s32 $0xFFFFE003, lr  }
0x1b: {  	s9 =	sadd.s32 $0xFFFFFEF7, lr;
	s5 =	simm.s32 $0xFFFFFFFF;
	p2 =	slt.u32 s8, $0xFFFFF086  }
0x1c: {  	p1 =	slt.u32 s9, $0xF7A;
	s5 =	simm.s32 @!p2 $0x0  }
0x1d: {  	s5 =	simm.s32 @p1 $0x1;
	p0 =	seq.s32 s7, s2  }
0x1e: {  	s7 =	smul.u32 @!p0 $0xF7A, s2;
	p2 =	seq.s32 @!p0 s5, $0x0  }
0x1f: {  	s9 =	smul.u32 $0xF7A, s1;
	s8 =	simm.s32 @!p0 $0x1BF5;
	p2 =	por !p2, p0  }
0x20: {  	[sflag:s8] =	ssyncset.s32 @!p0 $0xFFFFF086;
	s6 =	sadd.s32 @!p0 s3, s7;
	s7 =	simm.s32 @!p0 $0x108  }
0x21: {  	s3 =	sadd.s32 s3, s9;
	s6 =	sadd.s32 @!p0 $0x88, s6;
	s7 =	simm.s32 @p2 $0x1082  }
0x22: {  	[simem:s7], [sflag:s8] =	dma.local @!p0 [hbm:s6], $0xF7A  }
0x23: {  	s9 =	sor.u32 $0xD0000000, s2;
	s6 =	simm.s32 $0x108;
	_ =	swait.ge @!p0 [sflag:s8], $0x0  }
0x24: {  	s3 =	sadd.s32 $0x88, s3;
	s6 =	simm.s32 @!p1 $0x1082;
	[sflag:s4] =	ssyncset.s32 $0xFFFFF086  }
0x25: {  	[simem:s6], [sflag:s4] =	dma.local [hbm:s3], $0xF7A  }
0x26: {  	[smem:$0x3F87] =	sst s1;
	(tag) =	ssettag s2;
	_ =	strace s9  }
0x27: {  	s1 =	sld [smem:$0x3F97]  }
0x28: {  	s2 =	sld [smem:$0x3F98]  }
0x29: {  	s4 =	sld [smem:$0x3F9A]  }
0x2a: {  	p0 =	seq.s32 s5, $0x0;
	s5 =	sld [smem:$0x3F9B]  }
0x2b: {  	s6 =	sld [smem:$0x3F9C]  }
0x2c: {  	s7 =	sld [smem:$0x3F9D]  }
0x2d: {  	s3 =	simm.s32 $0x108;
	s8 =	sld [smem:$0x3F9E]  }
0x2e: {  	s3 =	simm.s32 @!p0 $0x1082;
	s9 =	sld [smem:$0x3F9F]  }
0x2f: {  	lr =	sadd.s32 s0, s3;
	s0 =	sld [smem:$0x3F96]  }
0x30: {  	s3 =	sld [smem:$0x3F99]  }
0x31: {  	[smem:$0x3FA2] =	sst s10  }
0x32: {  	s10 =	sld [smem:$0x3FA0];
	_ =	sdelay $0x3  }
0x33: {  	p0 =	seq.s32 s10, $0x1;
	s10 =	sld [smem:$0x3FA2];
	_ =	sdelay $0x3  }
0x34: {  	[smem:$0x3FA2] =	sst s10  }
0x35: {  	s10 =	sld [smem:$0x3FA1];
	_ =	sdelay $0x3  }
0x36: {  	p1 =	seq.s32 s10, $0x1;
	s10 =	sld [smem:$0x3FA2];
	_ =	sdelay $0x3  }
0x37: {  	[smem:$0x3FA2] =	sst s10  }
0x38: {  	s10 =	sld [smem:$0x3FA3]  }
0x39: {  	_ = 	snop;
	(pc) =	sbr.ind lr, $3  }
0x3a: {  	_ = 	snop  }
0x3b: {  	_ = 	snop  }
0x3c: {  	p2 =	seq.s32 s10, $0x1;
	s10 =	sld [smem:$0x3FA2]  }
0x3d: {  	_ =	shalt  }
0x3e: {  	_ =	shalt  }
0x3f: {  	_ =	shalt  }
0x40: {  	_ =	shalt  }
0x41: {  	_ =	shalt  }
0x42: {  	_ =	shalt  }
0x43: {  	_ =	shalt  }
0x44: {  	_ =	shalt  }
0x45: {  	_ =	shalt  }
0x46: {  	_ =	shalt  }
0x47: {  	_ =	shalt  }
0x48: {  	_ =	shalt  }
0x49: {  	_ =	shalt  }
0x4a: {  	_ =	shalt  }
0x4b: {  	_ =	shalt  }
0x4c: {  	_ =	shalt  }
0x4d: {  	_ =	shalt  }
0x4e: {  	_ =	shalt  }
0x4f: {  	_ =	shalt  }
0x50: {  	_ =	shalt  }
0x51: {  	_ =	shalt  }
0x52: {  	_ =	shalt  }
0x53: {  	_ =	shalt  }
0x54: {  	_ =	shalt  }
0x55: {  	_ =	shalt  }
0x56: {  	_ =	shalt  }
0x57: {  	_ =	shalt  }
0x58: {  	_ =	shalt  }
0x59: {  	_ =	shalt  }
0x5a: {  	_ =	shalt  }
0x5b: {  	_ =	shalt  }
0x5c: {  	_ =	shalt  }
0x5d: {  	_ =	shalt  }
0x5e: {  	_ =	shalt  }
0x5f: {  	_ =	shalt  }
0x60: {  	_ =	shalt  }
0x61: {  	_ =	shalt  }
0x62: {  	_ =	shalt  }
0x63: {  	_ =	shalt  }
0x64: {  	_ =	shalt  }
0x65: {  	_ =	shalt  }
0x66: {  	_ =	shalt  }
0x67: {  	_ =	shalt  }
0x68: {  	_ =	shalt  }
0x69: {  	_ =	shalt  }
0x6a: {  	_ =	shalt  }
0x6b: {  	_ =	shalt  }
0x6c: {  	_ =	shalt  }
0x6d: {  	_ =	shalt  }
0x6e: {  	_ =	shalt  }
0x6f: {  	_ =	shalt  }
0x70: {  	_ =	shalt  }
0x71: {  	_ =	shalt  }
0x72: {  	_ =	shalt  }
0x73: {  	_ =	shalt  }
0x74: {  	_ =	shalt  }
0x75: {  	_ =	shalt  }
0x76: {  	_ =	shalt  }
0x77: {  	_ =	shalt  }
0x78: {  	_ =	shalt  }
0x79: {  	_ =	shalt  }
0x7a: {  	_ =	shalt  }
0x7b: {  	_ =	shalt  }
0x7c: {  	_ =	shalt  }
0x7d: {  	_ =	shalt  }
0x7e: {  	_ =	shalt  }
0x7f: {  	_ =	shalt  }
0x80: {  	_ =	shalt  }
0x81: {  	_ =	shalt  }
0x82: {  	_ =	shalt  }
0x83: {  	_ =	shalt  }
0x84: {  	_ =	shalt  }
0x85: {  	_ =	shalt  }
0x86: {  	_ =	shalt  }
0x87: {  	_ =	shalt  }
.Lfunc_end0:
.L_simem_size_0:
called_computation.5_lowered:
.L_overlay_start_0:
0x88: {  	s2 =	sld [smem:$0x3FD9]  }
0x89: {  	s3 =	sld [smem:$0x3FFE];
	_ =	sdelay $0x1  }
0x8a: {  	s1 =	srdreg.scid  }
0x8b: {  	s0 =	sand.u32 $0x1, s1  }
0x8c: {  	s16 =	sshll.u32 s0, $0xA;
	s2 =	sadd.s32 s3, s2  }
0x8d: {  	s2 =	sadd.s32 s2, s16  }
0x8e: {  	[smem:$0x3FAE] =	sst s2  }
0x8f: {  	_ = 	snop  }
0x90: {  	(tm) =	ssettm $0x1  }
0x91: {  	s17 =	sld [smem:$0x3FFB];
	_ =	sdelay $0x3  }
0x92: {  	_ =	strace s17  }
0x93: {  	s2 =	sld [smem:$0x3FFC];
	_ =	sdelay $0x3  }
0x94: {  	_ =	strace s2  }
0x95: {  	s2 =	sld [smem:$0x3FFD];
	_ =	sdelay $0x3  }
0x96: {  	_ =	strace s2  }
0x97: {  	_ =	strace $0x8FFFFFFF  }
0x98: {  	s18 =	sld [smem:$0x3FDB];
	_ =	sdelay $0x1  }
0x99: {  	s19 =	simm.s32 $_scs_section_size  }
0x9a: {  	s4 =	simm.s32 $_size__tile_overlayer_lowered;
	s5 =	simm.s32 $_tile_overlayer_lowered  }
0x9b: {  	s22 =	simm.s32 $0x1BFF;
	s21 =	sshll.u32 s5, $0x1;
	s2 =	sadd.s32 s19, s18  }
0x9c: {  	s6 =	simm.s32 $0x0;
	s20 =	sshll.u32 s4, $0x1;
	s4 =	sadd.s32 s21, s2  }
0x9d: {  	[timem:s6], [sflag:s22] =	dma.local [hbm:s4], s20  }
0x9e: {  	_ =	swait.ge [sflag:s22], s20  }
0x9f: {  	s3 =	ssub.s32 $0x0, s20;
	[sflag:s22] =	ssyncset.done $0x0  }
0xa0: {  	[sflag:s22] =	ssyncadd.s32 s3;
	_ =	sdelay $0x1  }
0xa1: {  	s23 =	simm.s32 $0x1B8B  }
0xa2: {  	_ =	swait.ge [sflag:s23], $0x1  }
0xa3: {  	[sflag:s23] =	ssyncset.done $0x0  }
0xa4: {  	s25 =	simm.s32 $0x1B8E;
	s24 =	sld [smem:$0x3FFE];
	[sflag:s23] =	ssyncadd.s32 $0xFFFFFFFF  }
0xa5: {  	s26 =	simm.s32 $execute0_lowered;
	[smem:$0x3FD2] =	sst s25  }
0xa6: {  	s4 =	sshll.u32 s26, $0x1;
	_ =	strace $0x80000055;
	[dreg:$0x1] =	wrdreg $0xFFFFFFFF  }
0xa7: {  	s28 =	simm.s32 $_size_execute0_lowered;
	s2 =	sadd.s32 s2, s4;
	[dreg:$0x0] =	wrdreg $0x0  }
0xa8: {  	s4 =	sshll.u32 s28, $0x1;
	[dreg:$0x2] =	wrdreg s2  }
0xa9: {  	[dreg:$0x3] =	wrdreg s4  }
0xaa: {  	[dreg:$0x4] =	wrdreg $0xC0  }
0xab: {  	_ =	task [dreg:s6], $0x5FFFF  }
0xac: {  	[dreg:$0x1] =	wrdreg $0xFFFFFFFF  }
0xad: {  	[dreg:$0x0] =	wrdreg $0x60  }
0xae: {  	[dreg:$0x2] =	wrdreg s24  }
0xaf: {  	[dreg:$0x3] =	wrdreg $0x9  }
0xb0: {  	_ =	task.clear_ibuf [dreg:s6], $0x4FFFF;
	_ =	strace $0x90000055  }
0xb1: {  	s29 =	simm.s32 $0x9;
	_ =	strace $0x80000057  }
0xb2: {  	_ =	swait.ge [sflag:s29], $0x1  }
0xb3: {  	[sflag:s29] =	ssyncadd.s32 $0xFFFFFFFF  }
0xb4: {  	_ =	strace $0x90000057  }
0xb5: {  	_ =	sfence  }
0xb6: {  	s30 =	sld [smem:$0x0];
	_ =	sdelay $0x2  }
0xb7: {  	s31 =	sshll.u32 s1, $0xD;
	s1 =	sshrl.u32 s1, $0x2  }
0xb8: {  	s3 =	sand.u32 $0x4000, s31;
	s1 =	sadd.s32 s1, s30  }
0xb9: {  	s0 =	sor.u32 s3, s0;
	s1 =	sshll.u32 s1, $0x11  }
0xba: {  	s0 =	sor.u32 s1, s0  }
0xbb: {  	s0 =	sadd.s32 $0x8F2B, s0  }
0xbc: {  	[sflag:s0] =	ssyncadd.remote.s32 $0x1  }
0xbd: {  	_ =	sfence.sel $0xFFFF  }
0xbe: {  	[dreg:$0x0] =	wrdreg $0xFFFFFFFF;
	(pc) =	sbr.abs _section_cstart, $3  }
0xbf: {  	[dreg:$0x1] =	wrdreg $0xFFFFFFFF  }
0xc0: {  	_ =	task.clear_ibuf [dreg:s6], $0x2FFFF;
	_ =	strace $0x9FFFFFFF  }
0xc1: {  	(tm) =	ssettm $0x7FFFFFFF  }
tec
execute0_lowered:
.L_overlay_start_1:
0x0: {  	(tag) =	ssettag $0x1  }
0x1: {  	s0 =	srdreg.scid  }
0x2: {  	s2 =	stileid.u32;
	s1 =	rddreg [dreg:$0x0];
	s10 =	simm.s32 $0x880  }
0x3: {  	s11 =	simm.s32 $0x1080;
	s12 =	simm.s32 $0x1880;
	s13 =	simm.s32 $0x2080  }
0x4: {  	s14 =	simm.s32 $0x2880;
	s15 =	simm.s32 $0x3080;
	s16 =	simm.s32 $0x3880  }
0x5: {  	s17 =	simm.s32 $0x4080;
	s18 =	simm.s32 $0x4880;
	s19 =	simm.s32 $0x5080  }
0x6: {  	s20 =	simm.s32 $0x5880;
	s21 =	simm.s32 $0x6080;
	s22 =	simm.s32 $0x6880  }
0x7: {  	s23 =	simm.s32 $0x7080;
	s24 =	simm.s32 $0x7880;
	s28 =	simm.s32 $0x9080  }
0x8: {  	s29 =	simm.s32 $0x9880;
	s30 =	simm.s32 $0xA080;
	s31 =	simm.s32 $0xA880  }
0x9: {  	s0 =	sand.u32 $0x1, s0;
	s3 =	sshll.u32 s2, $0x4;
	s2 =	simm.s32 $0x0  }
0xa: {  	s4 =	sshll.u32 s0, $0x3;
	[smem:$0x7FF] =	sst s2;
	s0 =	ssub.s32 $0x2, s0  }
0xb: {  	s3 =	sor.u32 s4, s3;
	_ =	strace $0x80000056;
	s7 =	sshrl.u32 s0, $0x1  }
0xc: {  	s4 =	smul.u32 $0x300, s3;
	s5 =	sadd.s32 s3, s1;
	s3 =	sadd.s32 $0x31400, s1  }
0xd: {  	s0 =	ssub.s32 s0, s7;
	s7 =	simm.s32 $0x2;
	s6 =	sadd.s32 $0xA00, s5  }
0xe: {  	s5 =	sadd.s32 $0x31200, s5;
	s4 =	sadd.s32 s4, s1;
	[dreg:$0x2] =	wrdreg s6  }
0xf: {  	[dreg:$0x4] =	wrdreg s5;
	s5 =	sadd.s32 $0x31600, s1;
	s6 =	smax.u32 s0, $0x1  }
0x10: {  	v2 =	vlaneseq.u32;
	s0 =	simm.s32 $0x1;
	s25 =	sadd.s32 $0x1200, s4;
	s26 =	sadd.s32 $0x7F400, s4  }
0x11: {  	vm0 =	vmmov $0xffff;
	v1 =	vshrl.u32 v2, $0x3;
	s4 =	sadd.s32 $0x31500, s1;
	s1 =	simm.s32 $0x80;
	[dreg:$0x3] =	wrdreg s25  }
0x12: {  	v0 =	vand.u32 $0x7, v2;
	v2 =	vor.u32 $0x8, v2;
	v1 =	vmul.u32 $0x8, v1;
	[dreg:$0x5] =	wrdreg s26;
	s25 =	simm.s32 $0x8080;
	s26 =	simm.s32 $0x8880  }
.LBB2_1:
0x13: {  	s9 =	rddreg [dreg:$0x2]  }
0x14: {  	[tilespmem:s2], [sflag:$0x2] =	stream.linear.gather [hbm4b:s9+s2], $0x40, $0x38;
	[tilespmem:$0xC080] =	vst v63  }
0x15: {  	_ =	swait.ge [sflag:s7], $0x40  }
0x16: {  	[sflag:s7] =	ssyncset.done $0x0  }
0x17: {  	[sflag:s7] =	ssyncadd.s32 $0xFFFFFFC0  }
0x18: {  	v3 =	vld [tilespmem:$0x0];
	_ =	sdelay $0x4  }
0x19: {  	v4 =	vshrl.u32 v3, $0x3  }
0x1a: {  	v4 =	vmul.u32 $0x30, v4  }
0x1b: {  	v3 =	vand.u32 $0x7, v3  }
0x1c: {  	v3 =	vor.u32 v3, v4  }
0x1d: {  	v4 =	vperm.xlane v3, v0;
	_ =	sdelay $0x1  }
0x1e: {  	v4 =	vadd.s32 v1, v4;
	_ =	sdelay $0x3  }
0x1f: {  	v3 =	vperm.xlane v3, v2  }
0x20: {  	[tilespmem:s1], [sflag:$0x1] =	stream.indirect_vreg.gather [hbm4b:s3+s2], $0x80, v4, vm0, $0xb8;
	[tilespmem:$0xC080] =	vst v63  }
0x21: {  	v3 =	vadd.s32 v1, v3  }
0x22: {  	[tilespmem:s10], [sflag:$0x1] =	stream.indirect_vreg.gather [hbm4b:s4+s2], $0x80, v4, vm0, $0xb8;
	[tilespmem:$0xC080] =	vst v63  }
0x23: {  	_ = 	snop  }
0x24: {  	[tilespmem:s11], [sflag:$0x1] =	stream.indirect_vreg.gather [hbm4b:s5+s2], $0x80, v4, vm0, $0xb8;
	[tilespmem:$0xC080] =	vst v63  }
0x25: {  	_ = 	snop  }
0x26: {  	[tilespmem:s12], [sflag:$0x1] =	stream.indirect_vreg.gather [hbm4b:s3+s2], $0x80, v3, vm0, $0xb8;
	[tilespmem:$0xC080] =	vst v63  }
0x27: {  	_ = 	snop  }
0x28: {  	[tilespmem:s13], [sflag:$0x1] =	stream.indirect_vreg.gather [hbm4b:s4+s2], $0x80, v3, vm0, $0xb8;
	[tilespmem:$0xC080] =	vst v63  }
0x29: {  	_ = 	snop  }
0x2a: {  	[tilespmem:s14], [sflag:$0x1] =	stream.indirect_vreg.gather [hbm4b:s5+s2], $0x80, v3, vm0, $0xb8;
	[tilespmem:$0xC080] =	vst v63  }
0x2b: {  	v3 =	vld [tilespmem:$0x10];
	_ =	sdelay $0x4  }
0x2c: {  	v57 =	vshrl.u32 v3, $0x3  }
0x2d: {  	v4 =	vmul.u32 $0x30, v57  }
0x2e: {  	v3 =	vand.u32 $0x7, v3  }
0x2f: {  	v3 =	vor.u32 v3, v4  }
0x30: {  	v4 =	vperm.xlane v3, v0;
	_ =	sdelay $0x1  }
0x31: {  	v4 =	vadd.s32 v1, v4;
	_ =	sdelay $0x3  }
0x32: {  	v3 =	vperm.xlane v3, v2  }
0x33: {  	[tilespmem:s15], [sflag:$0x1] =	stream.indirect_vreg.gather [hbm4b:s3+s2], $0x80, v4, vm0, $0xb8;
	[tilespmem:$0xC080] =	vst v63  }
0x34: {  	v3 =	vadd.s32 v1, v3  }
0x35: {  	[tilespmem:s16], [sflag:$0x1] =	stream.indirect_vreg.gather [hbm4b:s4+s2], $0x80, v4, vm0, $0xb8;
	[tilespmem:$0xC080] =	vst v63  }
0x36: {  	_ = 	snop  }
0x37: {  	[tilespmem:s17], [sflag:$0x1] =	stream.indirect_vreg.gather [hbm4b:s5+s2], $0x80, v4, vm0, $0xb8;
	[tilespmem:$0xC080] =	vst v63  }
0x38: {  	_ = 	snop  }
0x39: {  	[tilespmem:s18], [sflag:$0x1] =	stream.indirect_vreg.gather [hbm4b:s3+s2], $0x80, v3, vm0, $0xb8;
	[tilespmem:$0xC080] =	vst v63  }
0x3a: {  	_ = 	snop  }
0x3b: {  	[tilespmem:s19], [sflag:$0x1] =	stream.indirect_vreg.gather [hbm4b:s4+s2], $0x80, v3, vm0, $0xb8;
	[tilespmem:$0xC080] =	vst v63  }
0x3c: {  	_ = 	snop  }
0x3d: {  	[tilespmem:s20], [sflag:$0x1] =	stream.indirect_vreg.gather [hbm4b:s5+s2], $0x80, v3, vm0, $0xb8;
	[tilespmem:$0xC080] =	vst v63  }
0x3e: {  	v3 =	vld [tilespmem:$0x20];
	_ =	sdelay $0x4  }
0x3f: {  	v58 =	vshrl.u32 v3, $0x3  }
0x40: {  	v4 =	vmul.u32 $0x30, v58  }
0x41: {  	v3 =	vand.u32 $0x7, v3  }
0x42: {  	v3 =	vor.u32 v3, v4  }
0x43: {  	v4 =	vperm.xlane v3, v0;
	_ =	sdelay $0x1  }
0x44: {  	v4 =	vadd.s32 v1, v4;
	_ =	sdelay $0x3  }
0x45: {  	v3 =	vperm.xlane v3, v2  }
0x46: {  	[tilespmem:s21], [sflag:$0x1] =	stream.indirect_vreg.gather [hbm4b:s3+s2], $0x80, v4, vm0, $0xb8;
	[tilespmem:$0xC080] =	vst v63  }
0x47: {  	v3 =	vadd.s32 v1, v3  }
0x48: {  	[tilespmem:s22], [sflag:$0x1] =	stream.indirect_vreg.gather [hbm4b:s4+s2], $0x80, v4, vm0, $0xb8;
	[tilespmem:$0xC080] =	vst v63  }
0x49: {  	_ = 	snop  }
0x4a: {  	[tilespmem:s23], [sflag:$0x1] =	stream.indirect_vreg.gather [hbm4b:s5+s2], $0x80, v4, vm0, $0xb8;
	[tilespmem:$0xC080] =	vst v63  }
0x4b: {  	_ = 	snop  }
0x4c: {  	[tilespmem:s24], [sflag:$0x1] =	stream.indirect_vreg.gather [hbm4b:s3+s2], $0x80, v3, vm0, $0xb8;
	[tilespmem:$0xC080] =	vst v63  }
0x4d: {  	_ = 	snop  }
0x4e: {  	[tilespmem:s25], [sflag:$0x1] =	stream.indirect_vreg.gather [hbm4b:s4+s2], $0x80, v3, vm0, $0xb8;
	[tilespmem:$0xC080] =	vst v63  }
0x4f: {  	_ = 	snop  }
0x50: {  	[tilespmem:s26], [sflag:$0x1] =	stream.indirect_vreg.gather [hbm4b:s5+s2], $0x80, v3, vm0, $0xb8;
	[tilespmem:$0xC080] =	vst v63  }
0x51: {  	v3 =	vld [tilespmem:$0x30];
	_ =	sdelay $0x4  }
0x52: {  	v59 =	vshrl.u32 v3, $0x3  }
0x53: {  	v4 =	vmul.u32 $0x30, v59  }
0x54: {  	v3 =	vand.u32 $0x7, v3  }
0x55: {  	v3 =	vor.u32 v3, v4  }
0x56: {  	v4 =	vperm.xlane v3, v0;
	_ =	sdelay $0x1  }
0x57: {  	v4 =	vadd.s32 v1, v4;
	_ =	sdelay $0x3  }
0x58: {  	v3 =	vperm.xlane v3, v2  }
0x59: {  	[tilespmem:s28], [sflag:$0x1] =	stream.indirect_vreg.gather [hbm4b:s3+s2], $0x80, v4, vm0, $0xb8;
	[tilespmem:$0xC080] =	vst v63  }
0x5a: {  	v3 =	vadd.s32 v1, v3  }
0x5b: {  	[tilespmem:s29], [sflag:$0x1] =	stream.indirect_vreg.gather [hbm4b:s4+s2], $0x80, v4, vm0, $0xb8;
	[tilespmem:$0xC080] =	vst v63  }
0x5c: {  	_ = 	snop  }
0x5d: {  	[tilespmem:s30], [sflag:$0x1] =	stream.indirect_vreg.gather [hbm4b:s5+s2], $0x80, v4, vm0, $0xb8;
	[tilespmem:$0xC080] =	vst v63  }
0x5e: {  	_ = 	snop  }
0x5f: {  	[tilespmem:s31], [sflag:$0x1] =	stream.indirect_vreg.gather [hbm4b:s3+s2], $0x80, v3, vm0, $0xb8;
	[tilespmem:$0xC080] =	vst v63  }
0x60: {  	s8 =	simm.s32 $0xB080  }
0x61: {  	[tilespmem:s8], [sflag:$0x1] =	stream.indirect_vreg.gather [hbm4b:s4+s2], $0x80, v3, vm0, $0xb8;
	[tilespmem:$0xC080] =	vst v63  }
0x62: {  	s8 =	simm.s32 $0xB880  }
0x63: {  	[tilespmem:s8], [sflag:$0x1] =	stream.indirect_vreg.gather [hbm4b:s5+s2], $0x80, v3, vm0, $0xb8;
	[tilespmem:$0xC080] =	vst v63  }
0x64: {  	_ =	swait.ge [sflag:s0], $0xC000  }
0x65: {  	[sflag:s0] =	ssyncset.done $0x0  }
0x66: {  	s9 =	rddreg [dreg:$0x3];
	[sflag:s0] =	ssyncadd.s32 $0xFFFF4000  }
0x67: {  	[hbm4b:s9+s2] =	stream.linear.scatter [tilespmem:s1], [sflag:$0x2], $0xC000, $0x38;
	[tilespmem:$0xC080] =	vst v63  }
0x68: {  	_ =	swait.ge [sflag:s7], $0xC000  }
0x69: {  	[sflag:s7] =	ssyncset.done $0x0  }
0x6a: {  	s9 =	rddreg [dreg:$0x4];
	[sflag:s7] =	ssyncadd.s32 $0xFFFF4000  }
0x6b: {  	[tilespmem:s2], [sflag:$0x2] =	stream.linear.gather [hbm4b:s9+s2], $0x40, $0x38;
	[tilespmem:$0xC080] =	vst v63  }
0x6c: {  	_ =	swait.ge [sflag:s7], $0x40  }
0x6d: {  	[sflag:s7] =	ssyncset.done $0x0  }
0x6e: {  	[sflag:s7] =	ssyncadd.s32 $0xFFFFFFC0  }
0x6f: {  	v3 =	vld [tilespmem:$0x0];
	_ =	sdelay $0x4  }
0x70: {  	v60 =	vshrl.u32 v3, $0x3  }
0x71: {  	v4 =	vmul.u32 $0x30, v60  }
0x72: {  	v3 =	vand.u32 $0x7, v3  }
0x73: {  	v3 =	vor.u32 v3, v4  }
0x74: {  	v4 =	vperm.xlane v3, v0;
	_ =	sdelay $0x1  }
0x75: {  	v4 =	vadd.s32 v1, v4;
	_ =	sdelay $0x3  }
0x76: {  	v3 =	vperm.xlane v3, v2  }
0x77: {  	[tilespmem:s1], [sflag:$0x1] =	stream.indirect_vreg.gather [hbm4b:s3+s2], $0x80, v4, vm0, $0xb8;
	[tilespmem:$0xC080] =	vst v63  }
0x78: {  	v3 =	vadd.s32 v1, v3  }
0x79: {  	[tilespmem:s10], [sflag:$0x1] =	stream.indirect_vreg.gather [hbm4b:s4+s2], $0x80, v4, vm0, $0xb8;
	[tilespmem:$0xC080] =	vst v63  }
0x7a: {  	_ = 	snop  }
0x7b: {  	[tilespmem:s11], [sflag:$0x1] =	stream.indirect_vreg.gather [hbm4b:s5+s2], $0x80, v4, vm0, $0xb8;
	[tilespmem:$0xC080] =	vst v63  }
0x7c: {  	_ = 	snop  }
0x7d: {  	[tilespmem:s12], [sflag:$0x1] =	stream.indirect_vreg.gather [hbm4b:s3+s2], $0x80, v3, vm0, $0xb8;
	[tilespmem:$0xC080] =	vst v63  }
0x7e: {  	_ = 	snop  }
0x7f: {  	[tilespmem:s13], [sflag:$0x1] =	stream.indirect_vreg.gather [hbm4b:s4+s2], $0x80, v3, vm0, $0xb8;
	[tilespmem:$0xC080] =	vst v63  }
0x80: {  	_ = 	snop  }
0x81: {  	[tilespmem:s14], [sflag:$0x1] =	stream.indirect_vreg.gather [hbm4b:s5+s2], $0x80, v3, vm0, $0xb8;
	[tilespmem:$0xC080] =	vst v63  }
0x82: {  	v3 =	vld [tilespmem:$0x10];
	_ =	sdelay $0x4  }
0x83: {  	v61 =	vshrl.u32 v3, $0x3  }
0x84: {  	v4 =	vmul.u32 $0x30, v61  }
0x85: {  	v3 =	vand.u32 $0x7, v3  }
0x86: {  	v3 =	vor.u32 v3, v4  }
0x87: {  	v4 =	vperm.xlane v3, v0;
	_ =	sdelay $0x1  }
0x88: {  	v4 =	vadd.s32 v1, v4;
	_ =	sdelay $0x3  }
0x89: {  	v3 =	vperm.xlane v3, v2  }
0x8a: {  	[tilespmem:s15], [sflag:$0x1] =	stream.indirect_vreg.gather [hbm4b:s3+s2], $0x80, v4, vm0, $0xb8;
	[tilespmem:$0xC080] =	vst v63  }
0x8b: {  	v3 =	vadd.s32 v1, v3  }
0x8c: {  	[tilespmem:s16], [sflag:$0x1] =	stream.indirect_vreg.gather [hbm4b:s4+s2], $0x80, v4, vm0, $0xb8;
	[tilespmem:$0xC080] =	vst v63  }
0x8d: {  	_ = 	snop  }
0x8e: {  	[tilespmem:s17], [sflag:$0x1] =	stream.indirect_vreg.gather [hbm4b:s5+s2], $0x80, v4, vm0, $0xb8;
	[tilespmem:$0xC080] =	vst v63  }
0x8f: {  	_ = 	snop  }
0x90: {  	[tilespmem:s18], [sflag:$0x1] =	stream.indirect_vreg.gather [hbm4b:s3+s2], $0x80, v3, vm0, $0xb8;
	[tilespmem:$0xC080] =	vst v63  }
0x91: {  	_ = 	snop  }
0x92: {  	[tilespmem:s19], [sflag:$0x1] =	stream.indirect_vreg.gather [hbm4b:s4+s2], $0x80, v3, vm0, $0xb8;
	[tilespmem:$0xC080] =	vst v63  }
0x93: {  	_ = 	snop  }
0x94: {  	[tilespmem:s20], [sflag:$0x1] =	stream.indirect_vreg.gather [hbm4b:s5+s2], $0x80, v3, vm0, $0xb8;
	[tilespmem:$0xC080] =	vst v63  }
0x95: {  	v3 =	vld [tilespmem:$0x20];
	_ =	sdelay $0x4  }
0x96: {  	v62 =	vshrl.u32 v3, $0x3  }
0x97: {  	v4 =	vmul.u32 $0x30, v62  }
0x98: {  	v3 =	vand.u32 $0x7, v3  }
0x99: {  	v3 =	vor.u32 v3, v4  }
0x9a: {  	v4 =	vperm.xlane v3, v0;
	_ =	sdelay $0x1  }
0x9b: {  	v4 =	vadd.s32 v1, v4;
	_ =	sdelay $0x3  }
0x9c: {  	v3 =	vperm.xlane v3, v2  }
0x9d: {  	[tilespmem:s21], [sflag:$0x1] =	stream.indirect_vreg.gather [hbm4b:s3+s2], $0x80, v4, vm0, $0xb8;
	[tilespmem:$0xC080] =	vst v63  }
0x9e: {  	v3 =	vadd.s32 v1, v3  }
0x9f: {  	[tilespmem:s22], [sflag:$0x1] =	stream.indirect_vreg.gather [hbm4b:s4+s2], $0x80, v4, vm0, $0xb8;
	[tilespmem:$0xC080] =	vst v63  }
0xa0: {  	_ = 	snop  }
0xa1: {  	[tilespmem:s23], [sflag:$0x1] =	stream.indirect_vreg.gather [hbm4b:s5+s2], $0x80, v4, vm0, $0xb8;
	[tilespmem:$0xC080] =	vst v63  }
0xa2: {  	_ = 	snop  }
0xa3: {  	[tilespmem:s24], [sflag:$0x1] =	stream.indirect_vreg.gather [hbm4b:s3+s2], $0x80, v3, vm0, $0xb8;
	[tilespmem:$0xC080] =	vst v63  }
0xa4: {  	_ = 	snop  }
0xa5: {  	[tilespmem:s25], [sflag:$0x1] =	stream.indirect_vreg.gather [hbm4b:s4+s2], $0x80, v3, vm0, $0xb8;
	[tilespmem:$0xC080] =	vst v63  }
0xa6: {  	_ = 	snop  }
0xa7: {  	[tilespmem:s26], [sflag:$0x1] =	stream.indirect_vreg.gather [hbm4b:s5+s2], $0x80, v3, vm0, $0xb8;
	[tilespmem:$0xC080] =	vst v63  }
0xa8: {  	v3 =	vld [tilespmem:$0x30];
	_ =	sdelay $0x4  }
0xa9: {  	v63 =	vshrl.u32 v3, $0x3  }
0xaa: {  	v4 =	vmul.u32 $0x30, v63  }
0xab: {  	v3 =	vand.u32 $0x7, v3  }
0xac: {  	v3 =	vor.u32 v3, v4  }
0xad: {  	v4 =	vperm.xlane v3, v0;
	_ =	sdelay $0x1  }
0xae: {  	v4 =	vadd.s32 v1, v4;
	_ =	sdelay $0x3  }
0xaf: {  	v3 =	vperm.xlane v3, v2  }
0xb0: {  	[tilespmem:s28], [sflag:$0x1] =	stream.indirect_vreg.gather [hbm4b:s3+s2], $0x80, v4, vm0, $0xb8;
	[tilespmem:$0xC080] =	vst v63  }
0xb1: {  	v3 =	vadd.s32 v1, v3  }
0xb2: {  	[tilespmem:s29], [sflag:$0x1] =	stream.indirect_vreg.gather [hbm4b:s4+s2], $0x80, v4, vm0, $0xb8;
	[tilespmem:$0xC080] =	vst v63  }
0xb3: {  	_ = 	snop  }
0xb4: {  	[tilespmem:s30], [sflag:$0x1] =	stream.indirect_vreg.gather [hbm4b:s5+s2], $0x80, v4, vm0, $0xb8;
	[tilespmem:$0xC080] =	vst v63  }
0xb5: {  	_ = 	snop  }
0xb6: {  	[tilespmem:s31], [sflag:$0x1] =	stream.indirect_vreg.gather [hbm4b:s3+s2], $0x80, v3, vm0, $0xb8;
	[tilespmem:$0xC080] =	vst v63  }
0xb7: {  	s9 =	simm.s32 $0xB080  }
0xb8: {  	[tilespmem:s9], [sflag:$0x1] =	stream.indirect_vreg.gather [hbm4b:s4+s2], $0x80, v3, vm0, $0xb8;
	[tilespmem:$0xC080] =	vst v63  }
0xb9: {  	_ = 	snop  }
0xba: {  	[tilespmem:s8], [sflag:$0x1] =	stream.indirect_vreg.gather [hbm4b:s5+s2], $0x80, v3, vm0, $0xb8;
	[tilespmem:$0xC080] =	vst v63  }
0xbb: {  	_ =	swait.ge [sflag:s0], $0xC000  }
0xbc: {  	p0 =	sne.s32 s6, $0x1;
	[sflag:s0] =	ssyncset.done $0x0  }
.Ltmp0:
0xbd: {  	s8 =	rddreg [dreg:$0x5];
	[sflag:s0] =	ssyncadd.s32 $0xFFFF4000;
	(pc) =	sbr.rel @p0 .LBB2_1-.Ltmp0, $4  }
0xbe: {  	[hbm4b:s8+s2] =	stream.linear.scatter [tilespmem:s1], [sflag:$0x2], $0xC000, $0x38;
	[tilespmem:$0xC080] =	vst v63  }
0xbf: {  	_ =	swait.ge [sflag:s7], $0xC000  }
0xc0: {  	[sflag:s7] =	ssyncset.done $0x0  }
0xc1: {  	s6 =	sadd.s32 $0xFFFFFFFF, s6;
	[sflag:s7] =	ssyncadd.s32 $0xFFFF4000  }
0xc2: {  	_ =	sfence.sel $0x180000  }
0xc3: {  	[bflag:$0x0] =	sbarrier.arrive $0xFFFF  }
0xc4: {  	_ =	strace $0x90000056  }
0xc5: {  	s0 =	stileid.u32;
	[bflag:$0x2] =	sbarrier.arrive $0xFFFF  }
0xc6: {  	p0 =	sne.s32 s0, $0x0;
	s0 =	rddreg [dreg:$0x1]  }
0xc7: {  	s0 =	sadd.s32 @!p0 $0x100000, s0  }
0xc8: {  	[sflag:s0] =	ssyncadd.tile.s32 @!p0 $0x1;
	_ =	shalt  }
.Lfunc_end2:
_tile_overlayer_lowered:
.L_overlay_start_2:
0xc9: {  	(tag) =	ssettag $0x2  }
0xca: {  	s0 =	rddreg [dreg:$0x0];
	s2 =	stileid.u32  }
0xcb: {  	s1 =	rddreg [dreg:$0x1];
	p0 =	sne.s32 s2, $0x0  }
0xcc: {  	s3 =	rddreg [dreg:$0x2];
	[bflag:$0x3] =	sbarrier.arrive $0xFFFF;
	s2 =	simm.s32 @!p0 $0x1C02  }
0xcd: {  	[timem:s3], [sflag:s2] =	dma.local @!p0 [hbm:s0], s1  }
0xce: {  	s0 =	simm.s32 @!p0 $0x2  }
0xcf: {  	_ =	swait.ge @!p0 [sflag:s0], s1  }
0xd0: {  	s1 =	ssub.s32 @!p0 $0x0, s1;
	[sflag:s0] =	ssyncset.done @!p0 $0x0  }
0xd1: {  	[sflag:s0] =	ssyncadd.s32 @!p0 s1  }
0xd2: {  	[bflag:$0x3] =	sbarrier.arrive $0xFFFF  }
0xd3: {  	_ =	shalt  }

// kernel: kernel.58.cloned.1.call-start
scs
__scs_entry_jumppad:
0x0: {  	(pc) =	sbr.rel $0x88, $3  }
0x1: {  	(tag) =	ssettag $0x0;
	lr =	simm.s32 $0x1  }
0x2: {  	[smem:$0x3F87] =	sst lr;
	_ =	strace $0xD0000000  }
0x3: {  	_ = 	snop  }
0x4: {  	_ = 	snop  }
0x5: {  	_ = 	snop  }
0x6: {  	_ = 	snop  }
0x7: {  	_ = 	snop  }
__scs_overlays_trampoline_lowered:
0x8: {  	[smem:$0x3F96] =	sst s0  }
0x9: {  	[smem:$0x3F97] =	sst s1  }
0xa: {  	[smem:$0x3F98] =	sst s2  }
0xb: {  	[smem:$0x3F99] =	sst s3  }
0xc: {  	[smem:$0x3F9A] =	sst s4  }
0xd: {  	[smem:$0x3F9B] =	sst s5  }
0xe: {  	[smem:$0x3F9C] =	sst s6  }
0xf: {  	[smem:$0x3F9D] =	sst s7  }
0x10: {  	[smem:$0x3F9E] =	sst s8  }
0x11: {  	[smem:$0x3F9F] =	sst s9;
	s0 =	simm.s32 @!p0 $0x0  }
0x12: {  	s1 =	sld [smem:$0x3F85];
	s0 =	simm.s32 @p0 $0x1  }
0x13: {  	[smem:$0x3FA0] =	sst s0;
	s0 =	simm.s32 @!p1 $0x0  }
0x14: {  	s2 =	sld [smem:$0x3F84];
	s0 =	simm.s32 @p1 $0x1  }
0x15: {  	[smem:$0x3FA1] =	sst s0;
	s0 =	simm.s32 @!p2 $0x0  }
0x16: {  	s3 =	sld [smem:$0x3FDB];
	s0 =	simm.s32 @p2 $0x1  }
0x17: {  	s4 =	simm.s32 $0x1BF5;
	[smem:$0x3FA3] =	sst s0  }
0x18: {  	s0 =	sld [smem:$0x3F86];
	_ =	swait.ge [sflag:s4], $0x0  }
0x19: {  	s7 =	sld [smem:$0x3F87]  }
0x1a: {  	s8 =	sadd.s32 $0xFFFFE003, lr  }
0x1b: {  	s9 =	sadd.s32 $0xFFFFFEF7, lr;
	s5 =	simm.s32 $0xFFFFFFFF;
	p2 =	slt.u32 s8, $0xFFFFF086  }
0x1c: {  	p1 =	slt.u32 s9, $0xF7A;
	s5 =	simm.s32 @!p2 $0x0  }
0x1d: {  	s5 =	simm.s32 @p1 $0x1;
	p0 =	seq.s32 s7, s2  }
0x1e: {  	s7 =	smul.u32 @!p0 $0xF7A, s2;
	p2 =	seq.s32 @!p0 s5, $0x0  }
0x1f: {  	s9 =	smul.u32 $0xF7A, s1;
	s8 =	simm.s32 @!p0 $0x1BF5;
	p2 =	por !p2, p0  }
0x20: {  	[sflag:s8] =	ssyncset.s32 @!p0 $0xFFFFF086;
	s6 =	sadd.s32 @!p0 s3, s7;
	s7 =	simm.s32 @!p0 $0x108  }
0x21: {  	s3 =	sadd.s32 s3, s9;
	s6 =	sadd.s32 @!p0 $0x88, s6;
	s7 =	simm.s32 @p2 $0x1082  }
0x22: {  	[simem:s7], [sflag:s8] =	dma.local @!p0 [hbm:s6], $0xF7A  }
0x23: {  	s9 =	sor.u32 $0xD0000000, s2;
	s6 =	simm.s32 $0x108;
	_ =	swait.ge @!p0 [sflag:s8], $0x0  }
0x24: {  	s3 =	sadd.s32 $0x88, s3;
	s6 =	simm.s32 @!p1 $0x1082;
	[sflag:s4] =	ssyncset.s32 $0xFFFFF086  }
0x25: {  	[simem:s6], [sflag:s4] =	dma.local [hbm:s3], $0xF7A  }
0x26: {  	[smem:$0x3F87] =	sst s1;
	(tag) =	ssettag s2;
	_ =	strace s9  }
0x27: {  	s1 =	sld [smem:$0x3F97]  }
0x28: {  	s2 =	sld [smem:$0x3F98]  }
0x29: {  	s4 =	sld [smem:$0x3F9A]  }
0x2a: {  	p0 =	seq.s32 s5, $0x0;
	s5 =	sld [smem:$0x3F9B]  }
0x2b: {  	s6 =	sld [smem:$0x3F9C]  }
0x2c: {  	s7 =	sld [smem:$0x3F9D]  }
0x2d: {  	s3 =	simm.s32 $0x108;
	s8 =	sld [smem:$0x3F9E]  }
0x2e: {  	s3 =	simm.s32 @!p0 $0x1082;
	s9 =	sld [smem:$0x3F9F]  }
0x2f: {  	lr =	sadd.s32 s0, s3;
	s0 =	sld [smem:$0x3F96]  }
0x30: {  	s3 =	sld [smem:$0x3F99]  }
0x31: {  	[smem:$0x3FA2] =	sst s10  }
0x32: {  	s10 =	sld [smem:$0x3FA0];
	_ =	sdelay $0x3  }
0x33: {  	p0 =	seq.s32 s10, $0x1;
	s10 =	sld [smem:$0x3FA2];
	_ =	sdelay $0x3  }
0x34: {  	[smem:$0x3FA2] =	sst s10  }
0x35: {  	s10 =	sld [smem:$0x3FA1];
	_ =	sdelay $0x3  }
0x36: {  	p1 =	seq.s32 s10, $0x1;
	s10 =	sld [smem:$0x3FA2];
	_ =	sdelay $0x3  }
0x37: {  	[smem:$0x3FA2] =	sst s10  }
0x38: {  	s10 =	sld [smem:$0x3FA3]  }
0x39: {  	_ = 	snop;
	(pc) =	sbr.ind lr, $3  }
0x3a: {  	_ = 	snop  }
0x3b: {  	_ = 	snop  }
0x3c: {  	p2 =	seq.s32 s10, $0x1;
	s10 =	sld [smem:$0x3FA2]  }
0x3d: {  	_ =	shalt  }
0x3e: {  	_ =	shalt  }
0x3f: {  	_ =	shalt  }
0x40: {  	_ =	shalt  }
0x41: {  	_ =	shalt  }
0x42: {  	_ =	shalt  }
0x43: {  	_ =	shalt  }
0x44: {  	_ =	shalt  }
0x45: {  	_ =	shalt  }
0x46: {  	_ =	shalt  }
0x47: {  	_ =	shalt  }
0x48: {  	_ =	shalt  }
0x49: {  	_ =	shalt  }
0x4a: {  	_ =	shalt  }
0x4b: {  	_ =	shalt  }
0x4c: {  	_ =	shalt  }
0x4d: {  	_ =	shalt  }
0x4e: {  	_ =	shalt  }
0x4f: {  	_ =	shalt  }
0x50: {  	_ =	shalt  }
0x51: {  	_ =	shalt  }
0x52: {  	_ =	shalt  }
0x53: {  	_ =	shalt  }
0x54: {  	_ =	shalt  }
0x55: {  	_ =	shalt  }
0x56: {  	_ =	shalt  }
0x57: {  	_ =	shalt  }
0x58: {  	_ =	shalt  }
0x59: {  	_ =	shalt  }
0x5a: {  	_ =	shalt  }
0x5b: {  	_ =	shalt  }
0x5c: {  	_ =	shalt  }
0x5d: {  	_ =	shalt  }
0x5e: {  	_ =	shalt  }
0x5f: {  	_ =	shalt  }
0x60: {  	_ =	shalt  }
0x61: {  	_ =	shalt  }
0x62: {  	_ =	shalt  }
0x63: {  	_ =	shalt  }
0x64: {  	_ =	shalt  }
0x65: {  	_ =	shalt  }
0x66: {  	_ =	shalt  }
0x67: {  	_ =	shalt  }
0x68: {  	_ =	shalt  }
0x69: {  	_ =	shalt  }
0x6a: {  	_ =	shalt  }
0x6b: {  	_ =	shalt  }
0x6c: {  	_ =	shalt  }
0x6d: {  	_ =	shalt  }
0x6e: {  	_ =	shalt  }
0x6f: {  	_ =	shalt  }
0x70: {  	_ =	shalt  }
0x71: {  	_ =	shalt  }
0x72: {  	_ =	shalt  }
0x73: {  	_ =	shalt  }
0x74: {  	_ =	shalt  }
0x75: {  	_ =	shalt  }
0x76: {  	_ =	shalt  }
0x77: {  	_ =	shalt  }
0x78: {  	_ =	shalt  }
0x79: {  	_ =	shalt  }
0x7a: {  	_ =	shalt  }
0x7b: {  	_ =	shalt  }
0x7c: {  	_ =	shalt  }
0x7d: {  	_ =	shalt  }
0x7e: {  	_ =	shalt  }
0x7f: {  	_ =	shalt  }
0x80: {  	_ =	shalt  }
0x81: {  	_ =	shalt  }
0x82: {  	_ =	shalt  }
0x83: {  	_ =	shalt  }
0x84: {  	_ =	shalt  }
0x85: {  	_ =	shalt  }
0x86: {  	_ =	shalt  }
0x87: {  	_ =	shalt  }
.Lfunc_end0:
.L_simem_size_0:
called_computation.6_lowered:
.L_overlay_start_0:
0x88: {  	s2 =	sld [smem:$0x3FD9]  }
0x89: {  	s3 =	sld [smem:$0x3FFE];
	_ =	sdelay $0x1  }
0x8a: {  	s1 =	srdreg.scid  }
0x8b: {  	s0 =	sand.u32 $0x1, s1  }
0x8c: {  	s17 =	sshll.u32 s0, $0xA;
	s2 =	sadd.s32 s3, s2  }
0x8d: {  	s2 =	sadd.s32 s2, s17  }
0x8e: {  	[smem:$0x3FAE] =	sst s2  }
0x8f: {  	_ = 	snop  }
0x90: {  	s2 =	sld [smem:$0x3FD0];
	(tm) =	ssettm $0x1  }
0x91: {  	s18 =	sld [smem:$0x3FFB];
	_ =	sdelay $0x3  }
0x92: {  	_ =	strace s18  }
0x93: {  	s3 =	sld [smem:$0x3FFC];
	_ =	sdelay $0x3  }
0x94: {  	_ =	strace s3  }
0x95: {  	s3 =	sld [smem:$0x3FFD];
	_ =	sdelay $0x3  }
0x96: {  	_ =	strace s3  }
0x97: {  	_ =	strace $0x8FFFFFFF  }
0x98: {  	s19 =	sld [smem:$0x3FDB];
	_ =	sdelay $0x1  }
0x99: {  	s4 =	simm.s32 $_scs_section_size  }
0x9a: {  	s5 =	simm.s32 $_size__tile_overlayer_lowered;
	s6 =	simm.s32 $_tile_overlayer_lowered  }
0x9b: {  	s22 =	simm.s32 $0x1BFF;
	s21 =	sshll.u32 s6, $0x1;
	s3 =	sadd.s32 s4, s19  }
0x9c: {  	s7 =	simm.s32 $0x0;
	s20 =	sshll.u32 s5, $0x1;
	s5 =	sadd.s32 s21, s3  }
0x9d: {  	[timem:s7], [sflag:s22] =	dma.local [hbm:s5], s20  }
0x9e: {  	_ =	swait.ge [sflag:s22], s20  }
0x9f: {  	s4 =	ssub.s32 $0x0, s20;
	[sflag:s22] =	ssyncset.done $0x0  }
0xa0: {  	[sflag:s22] =	ssyncadd.s32 s4;
	_ =	sdelay $0x1  }
0xa1: {  	s23 =	simm.s32 $0x1B8B  }
0xa2: {  	_ =	swait.ge [sflag:s23], $0x1  }
0xa3: {  	[sflag:s23] =	ssyncset.done $0x0  }
0xa4: {  	s25 =	simm.s32 $0x1B8E;
	s24 =	sld [smem:$0x3FFE];
	[sflag:s23] =	ssyncadd.s32 $0xFFFFFFFF  }
0xa5: {  	s26 =	simm.s32 $execute0_lowered;
	[smem:$0x3FD2] =	sst s25  }
0xa6: {  	s5 =	sshll.u32 s26, $0x1;
	_ =	strace $0x80000058;
	[dreg:$0x1] =	wrdreg $0xFFFFFFFF  }
0xa7: {  	s28 =	simm.s32 $_size_execute0_lowered;
	s3 =	sadd.s32 s3, s5;
	[dreg:$0x0] =	wrdreg $0x0  }
0xa8: {  	s5 =	sshll.u32 s28, $0x1;
	[dreg:$0x2] =	wrdreg s3  }
0xa9: {  	[dreg:$0x3] =	wrdreg s5  }
0xaa: {  	[dreg:$0x4] =	wrdreg $0xC0  }
0xab: {  	_ =	task [dreg:s7], $0x5FFFF  }
0xac: {  	[dreg:$0x1] =	wrdreg $0xFFFFFFFF  }
0xad: {  	[dreg:$0x0] =	wrdreg $0x60  }
0xae: {  	[dreg:$0x2] =	wrdreg s24  }
0xaf: {  	[dreg:$0x3] =	wrdreg s2  }
0xb0: {  	[dreg:$0x4] =	wrdreg $0x9  }
0xb1: {  	_ =	task.clear_ibuf [dreg:s7], $0x5FFFF;
	_ =	strace $0x90000058  }
0xb2: {  	s29 =	simm.s32 $0x9;
	_ =	strace $0x8000005A  }
0xb3: {  	_ =	swait.ge [sflag:s29], $0x1  }
0xb4: {  	[sflag:s29] =	ssyncadd.s32 $0xFFFFFFFF  }
0xb5: {  	_ =	strace $0x9000005A  }
0xb6: {  	_ =	sfence  }
0xb7: {  	s30 =	sld [smem:$0x0];
	_ =	sdelay $0x2  }
0xb8: {  	s31 =	sshll.u32 s1, $0xD;
	s1 =	sshrl.u32 s1, $0x2  }
0xb9: {  	s3 =	sand.u32 $0x4000, s31;
	s1 =	sadd.s32 s1, s30  }
0xba: {  	s0 =	sor.u32 s3, s0;
	s1 =	sshll.u32 s1, $0x11  }
0xbb: {  	s0 =	sor.u32 s1, s0  }
0xbc: {  	s0 =	sadd.s32 $0x8F2B, s0  }
0xbd: {  	[sflag:s0] =	ssyncadd.remote.s32 $0x1  }
0xbe: {  	_ =	sfence.sel $0xFFFF  }
0xbf: {  	[dreg:$0x0] =	wrdreg $0xFFFFFFFF;
	(pc) =	sbr.abs _section_cstart, $3  }
0xc0: {  	[dreg:$0x1] =	wrdreg $0xFFFFFFFF  }
0xc1: {  	_ =	task.clear_ibuf [dreg:s7], $0x2FFFF;
	_ =	strace $0x9FFFFFFF  }
0xc2: {  	(tm) =	ssettm $0x7FFFFFFF  }
0xc3: {  	_ =	shalt  }
tec
execute0_lowered:
.L_overlay_start_1:
0x0: {  	(tag) =	ssettag $0x1  }
0x1: {  	s1 =	srdreg.scid;
	s5 =	rddreg [dreg:$0x0]  }
0x2: {  	s0 =	stileid.u32;
	s4 =	rddreg [dreg:$0x1]  }
0x3: {  	s25 =	simm.s32 $0xC000;
	s26 =	simm.s32 $0xC080;
	s10 =	simm.s32 $0x1800  }
0x4: {  	s11 =	simm.s32 $0x2000;
	s12 =	simm.s32 $0x2800;
	s13 =	simm.s32 $0x3000  }
0x5: {  	s14 =	simm.s32 $0x3800;
	s15 =	simm.s32 $0x4000;
	s16 =	simm.s32 $0x4800  }
0x6: {  	s17 =	simm.s32 $0x5000;
	s18 =	simm.s32 $0x5800;
	s19 =	simm.s32 $0x6000  }
0x7: {  	s20 =	simm.s32 $0x6800;
	s21 =	simm.s32 $0x7000;
	s22 =	simm.s32 $0x7800  }
0x8: {  	s23 =	simm.s32 $0x8000;
	s28 =	simm.s32 $0xA000;
	s29 =	simm.s32 $0xA800  }
0x9: {  	s30 =	simm.s32 $0xB000;
	s31 =	simm.s32 $0xB800;
	s1 =	sand.u32 $0x1, s1  }
0xa: {  	s2 =	sshll.u32 s0, $0x4;
	s3 =	sshll.u32 s1, $0x3;
	s1 =	ssub.s32 $0x2, s1  }
0xb: {  	s6 =	sor.u32 s3, s2;
	s2 =	simm.s32 $0x0;
	s9 =	sshrl.u32 s1, $0x1  }
0xc: {  	s3 =	smul.u32 $0x300, s6;
	[smem:$0x7FF] =	sst s2;
	s8 =	sadd.s32 s6, s5  }
0xd: {  	s4 =	sadd.s32 s4, s6;
	s1 =	ssub.s32 s1, s9;
	s9 =	simm.s32 $0x1000  }
0xe: {  	_ =	strace $0x80000059;
	[dreg:$0x4] =	wrdreg s4;
	s24 =	sadd.s32 $0x30200, s8  }
0xf: {  	s4 =	sadd.s32 $0x30900, s5;
	[dreg:$0x6] =	wrdreg s25;
	s6 =	smax.u32 s1, $0x1  }
0x10: {  	[dreg:$0x7] =	wrdreg s26;
	s25 =	simm.s32 $0x9000;
	s26 =	simm.s32 $0x9800  }
0x11: {  	v2 =	vlaneseq.u32;
	s1 =	simm.s32 $0x1;
	s7 =	sadd.s32 s3, s5;
	s3 =	sadd.s32 $0x30800, s5  }
0x12: {  	vm0 =	vmmov $0xffff;
	v1 =	vshrl.u32 v2, $0x3;
	[dreg:$0x5] =	wrdreg s24;
	s5 =	sadd.s32 $0x30A00, s5;
	s7 =	sadd.s32 $0x200, s7  }
0x13: {  	v0 =	vand.u32 $0x7, v2;
	v2 =	vor.u32 $0x8, v2;
	v1 =	vmul.u32 $0x8, v1;
	s24 =	simm.s32 $0x8800;
	[dreg:$0x3] =	wrdreg s7;
	s7 =	simm.s32 $0x2  }
.LBB2_1:
0x14: {  	s0 =	rddreg [dreg:$0x3]  }
0x15: {  	[tilespmem:s2], [sflag:$0x2] =	stream.linear.gather [hbm4b:s0+s2], $0xC000, $0x38;
	[tilespmem:$0xC100] =	vst v63  }
0x16: {  	_ =	swait.ge [sflag:s7], $0xC000  }
0x17: {  	s0 =	rddreg [dreg:$0x4];
	[sflag:s7] =	ssyncset.done $0x0  }
0x18: {  	s8 =	rddreg [dreg:$0x6];
	[sflag:s7] =	ssyncadd.s32 $0xFFFF4000  }
0x19: {  	[tilespmem:s8], [sflag:$0x2] =	stream.linear.gather [hbm4b:s0+s2], $0x40, $0x38;
	[tilespmem:$0xC100] =	vst v63  }
0x1a: {  	_ =	swait.ge [sflag:s7], $0x40  }
0x1b: {  	s0 =	rddreg [dreg:$0x5];
	[sflag:s7] =	ssyncset.done $0x0  }
0x1c: {  	s8 =	rddreg [dreg:$0x7];
	[sflag:s7] =	ssyncadd.s32 $0xFFFFFFC0  }
0x1d: {  	[tilespmem:s8], [sflag:$0x2] =	stream.linear.gather [hbm4b:s0+s2], $0x40, $0x38;
	[tilespmem:$0xC100] =	vst v63  }
0x1e: {  	_ =	swait.ge [sflag:s7], $0x40  }
0x1f: {  	[sflag:s7] =	ssyncset.done $0x0  }
0x20: {  	[sflag:s7] =	ssyncadd.s32 $0xFFFFFFC0  }
0x21: {  	v3 =	vld [tilespmem:$0xC000];
	_ =	sdelay $0x4  }
0x22: {  	v4 =	vshrl.u32 v3, $0x3  }
0x23: {  	v4 =	vmul.u32 $0x30, v4  }
0x24: {  	v3 =	vand.u32 $0x7, v3  }
0x25: {  	v3 =	vor.u32 v3, v4  }
0x26: {  	v4 =	vperm.xlane v3, v0;
	_ =	sdelay $0x1  }
0x27: {  	v4 =	vadd.s32 v1, v4;
	_ =	sdelay $0x3  }
0x28: {  	v3 =	vperm.xlane v3, v2  }
0x29: {  	[hbm4b:s3+s2] =	stream.indirect_vreg.scatter [tilespmem:s2], [sflag:$0x1], $0x80, v4, vm0, $0xb8;
	[tilespmem:$0xC100] =	vst v63  }
0x2a: {  	s8 =	simm.s32 $0x800;
	v3 =	vadd.s32 v1, v3  }
0x2b: {  	[hbm4b:s4+s2] =	stream.indirect_vreg.scatter [tilespmem:s8], [sflag:$0x1], $0x80, v4, vm0, $0xb8;
	[tilespmem:$0xC100] =	vst v63  }
0x2c: {  	_ = 	snop  }
0x2d: {  	[hbm4b:s5+s2] =	stream.indirect_vreg.scatter [tilespmem:s9], [sflag:$0x1], $0x80, v4, vm0, $0xb8;
	[tilespmem:$0xC100] =	vst v63  }
0x2e: {  	_ = 	snop  }
0x2f: {  	[hbm4b:s3+s2] =	stream.indirect_vreg.scatter [tilespmem:s10], [sflag:$0x1], $0x80, v3, vm0, $0xb8;
	[tilespmem:$0xC100] =	vst v63  }
0x30: {  	_ = 	snop  }
0x31: {  	[hbm4b:s4+s2] =	stream.indirect_vreg.scatter [tilespmem:s11], [sflag:$0x1], $0x80, v3, vm0, $0xb8;
	[tilespmem:$0xC100] =	vst v63  }
0x32: {  	_ = 	snop  }
0x33: {  	[hbm4b:s5+s2] =	stream.indirect_vreg.scatter [tilespmem:s12], [sflag:$0x1], $0x80, v3, vm0, $0xb8;
	[tilespmem:$0xC100] =	vst v63  }
0x34: {  	v3 =	vld [tilespmem:$0xC010];
	_ =	sdelay $0x4  }
0x35: {  	v57 =	vshrl.u32 v3, $0x3  }
0x36: {  	v4 =	vmul.u32 $0x30, v57  }
0x37: {  	v3 =	vand.u32 $0x7, v3  }
0x38: {  	v3 =	vor.u32 v3, v4  }
0x39: {  	v4 =	vperm.xlane v3, v0;
	_ =	sdelay $0x1  }
0x3a: {  	v4 =	vadd.s32 v1, v4;
	_ =	sdelay $0x3  }
0x3b: {  	v3 =	vperm.xlane v3, v2  }
0x3c: {  	[hbm4b:s3+s2] =	stream.indirect_vreg.scatter [tilespmem:s13], [sflag:$0x1], $0x80, v4, vm0, $0xb8;
	[tilespmem:$0xC100] =	vst v63  }
0x3d: {  	v3 =	vadd.s32 v1, v3  }
0x3e: {  	[hbm4b:s4+s2] =	stream.indirect_vreg.scatter [tilespmem:s14], [sflag:$0x1], $0x80, v4, vm0, $0xb8;
	[tilespmem:$0xC100] =	vst v63  }
0x3f: {  	_ = 	snop  }
0x40: {  	[hbm4b:s5+s2] =	stream.indirect_vreg.scatter [tilespmem:s15], [sflag:$0x1], $0x80, v4, vm0, $0xb8;
	[tilespmem:$0xC100] =	vst v63  }
0x41: {  	_ = 	snop  }
0x42: {  	[hbm4b:s3+s2] =	stream.indirect_vreg.scatter [tilespmem:s16], [sflag:$0x1], $0x80, v3, vm0, $0xb8;
	[tilespmem:$0xC100] =	vst v63  }
0x43: {  	_ = 	snop  }
0x44: {  	[hbm4b:s4+s2] =	stream.indirect_vreg.scatter [tilespmem:s17], [sflag:$0x1], $0x80, v3, vm0, $0xb8;
	[tilespmem:$0xC100] =	vst v63  }
0x45: {  	_ = 	snop  }
0x46: {  	[hbm4b:s5+s2] =	stream.indirect_vreg.scatter [tilespmem:s18], [sflag:$0x1], $0x80, v3, vm0, $0xb8;
	[tilespmem:$0xC100] =	vst v63  }
0x47: {  	v3 =	vld [tilespmem:$0xC020];
	_ =	sdelay $0x4  }
0x48: {  	v58 =	vshrl.u32 v3, $0x3  }
0x49: {  	v4 =	vmul.u32 $0x30, v58  }
0x4a: {  	v3 =	vand.u32 $0x7, v3  }
0x4b: {  	v3 =	vor.u32 v3, v4  }
0x4c: {  	v4 =	vperm.xlane v3, v0;
	_ =	sdelay $0x1  }
0x4d: {  	v4 =	vadd.s32 v1, v4;
	_ =	sdelay $0x3  }
0x4e: {  	v3 =	vperm.xlane v3, v2  }
0x4f: {  	[hbm4b:s3+s2] =	stream.indirect_vreg.scatter [tilespmem:s19], [sflag:$0x1], $0x80, v4, vm0, $0xb8;
	[tilespmem:$0xC100] =	vst v63  }
0x50: {  	v3 =	vadd.s32 v1, v3  }
0x51: {  	[hbm4b:s4+s2] =	stream.indirect_vreg.scatter [tilespmem:s20], [sflag:$0x1], $0x80, v4, vm0, $0xb8;
	[tilespmem:$0xC100] =	vst v63  }
0x52: {  	_ = 	snop  }
0x53: {  	[hbm4b:s5+s2] =	stream.indirect_vreg.scatter [tilespmem:s21], [sflag:$0x1], $0x80, v4, vm0, $0xb8;
	[tilespmem:$0xC100] =	vst v63  }
0x54: {  	_ = 	snop  }
0x55: {  	[hbm4b:s3+s2] =	stream.indirect_vreg.scatter [tilespmem:s22], [sflag:$0x1], $0x80, v3, vm0, $0xb8;
	[tilespmem:$0xC100] =	vst v63  }
0x56: {  	_ = 	snop  }
0x57: {  	[hbm4b:s4+s2] =	stream.indirect_vreg.scatter [tilespmem:s23], [sflag:$0x1], $0x80, v3, vm0, $0xb8;
	[tilespmem:$0xC100] =	vst v63  }
0x58: {  	_ = 	snop  }
0x59: {  	[hbm4b:s5+s2] =	stream.indirect_vreg.scatter [tilespmem:s24], [sflag:$0x1], $0x80, v3, vm0, $0xb8;
	[tilespmem:$0xC100] =	vst v63  }
0x5a: {  	v3 =	vld [tilespmem:$0xC030];
	_ =	sdelay $0x4  }
0x5b: {  	v59 =	vshrl.u32 v3, $0x3  }
0x5c: {  	v4 =	vmul.u32 $0x30, v59  }
0x5d: {  	v3 =	vand.u32 $0x7, v3  }
0x5e: {  	v3 =	vor.u32 v3, v4  }
0x5f: {  	v4 =	vperm.xlane v3, v0;
	_ =	sdelay $0x1  }
0x60: {  	v4 =	vadd.s32 v1, v4;
	_ =	sdelay $0x3  }
0x61: {  	v3 =	vperm.xlane v3, v2  }
0x62: {  	[hbm4b:s3+s2] =	stream.indirect_vreg.scatter [tilespmem:s25], [sflag:$0x1], $0x80, v4, vm0, $0xb8;
	[tilespmem:$0xC100] =	vst v63  }
0x63: {  	v3 =	vadd.s32 v1, v3  }
0x64: {  	[hbm4b:s4+s2] =	stream.indirect_vreg.scatter [tilespmem:s26], [sflag:$0x1], $0x80, v4, vm0, $0xb8;
	[tilespmem:$0xC100] =	vst v63  }
0x65: {  	_ = 	snop  }
0x66: {  	[hbm4b:s5+s2] =	stream.indirect_vreg.scatter [tilespmem:s28], [sflag:$0x1], $0x80, v4, vm0, $0xb8;
	[tilespmem:$0xC100] =	vst v63  }
0x67: {  	_ = 	snop  }
0x68: {  	[hbm4b:s3+s2] =	stream.indirect_vreg.scatter [tilespmem:s29], [sflag:$0x1], $0x80, v3, vm0, $0xb8;
	[tilespmem:$0xC100] =	vst v63  }
0x69: {  	_ = 	snop  }
0x6a: {  	[hbm4b:s4+s2] =	stream.indirect_vreg.scatter [tilespmem:s30], [sflag:$0x1], $0x80, v3, vm0, $0xb8;
	[tilespmem:$0xC100] =	vst v63  }
0x6b: {  	_ = 	snop  }
0x6c: {  	[hbm4b:s5+s2] =	stream.indirect_vreg.scatter [tilespmem:s31], [sflag:$0x1], $0x80, v3, vm0, $0xb8;
	[tilespmem:$0xC100] =	vst v63  }
0x6d: {  	_ =	swait.ge [sflag:s1], $0xC000  }
0x6e: {  	[sflag:s1] =	ssyncset.done $0x0  }
0x6f: {  	[sflag:s1] =	ssyncadd.s32 $0xFFFF4000  }
0x70: {  	v3 =	vld [tilespmem:$0xC080];
	_ =	sdelay $0x4  }
0x71: {  	v60 =	vshrl.u32 v3, $0x3  }
0x72: {  	v4 =	vmul.u32 $0x30, v60  }
0x73: {  	v3 =	vand.u32 $0x7, v3  }
0x74: {  	v3 =	vor.u32 v3, v4  }
0x75: {  	v4 =	vperm.xlane v3, v0;
	_ =	sdelay $0x1  }
0x76: {  	v4 =	vadd.s32 v1, v4;
	_ =	sdelay $0x3  }
0x77: {  	v3 =	vperm.xlane v3, v2  }
0x78: {  	[hbm4b:s3+s2] =	stream.indirect_vreg.scatter [tilespmem:s2], [sflag:$0x1], $0x80, v4, vm0, $0xb8;
	[tilespmem:$0xC100] =	vst v63  }
0x79: {  	v3 =	vadd.s32 v1, v3  }
0x7a: {  	[hbm4b:s4+s2] =	stream.indirect_vreg.scatter [tilespmem:s8], [sflag:$0x1], $0x80, v4, vm0, $0xb8;
	[tilespmem:$0xC100] =	vst v63  }
0x7b: {  	_ = 	snop  }
0x7c: {  	[hbm4b:s5+s2] =	stream.indirect_vreg.scatter [tilespmem:s9], [sflag:$0x1], $0x80, v4, vm0, $0xb8;
	[tilespmem:$0xC100] =	vst v63  }
0x7d: {  	_ = 	snop  }
0x7e: {  	[hbm4b:s3+s2] =	stream.indirect_vreg.scatter [tilespmem:s10], [sflag:$0x1], $0x80, v3, vm0, $0xb8;
	[tilespmem:$0xC100] =	vst v63  }
0x7f: {  	_ = 	snop  }
0x80: {  	[hbm4b:s4+s2] =	stream.indirect_vreg.scatter [tilespmem:s11], [sflag:$0x1], $0x80, v3, vm0, $0xb8;
	[tilespmem:$0xC100] =	vst v63  }
0x81: {  	_ = 	snop  }
0x82: {  	[hbm4b:s5+s2] =	stream.indirect_vreg.scatter [tilespmem:s12], [sflag:$0x1], $0x80, v3, vm0, $0xb8;
	[tilespmem:$0xC100] =	vst v63  }
0x83: {  	v3 =	vld [tilespmem:$0xC090];
	_ =	sdelay $0x4  }
0x84: {  	v61 =	vshrl.u32 v3, $0x3  }
0x85: {  	v4 =	vmul.u32 $0x30, v61  }
0x86: {  	v3 =	vand.u32 $0x7, v3  }
0x87: {  	v3 =	vor.u32 v3, v4  }
0x88: {  	v4 =	vperm.xlane v3, v0;
	_ =	sdelay $0x1  }
0x89: {  	v4 =	vadd.s32 v1, v4;
	_ =	sdelay $0x3  }
0x8a: {  	v3 =	vperm.xlane v3, v2  }
0x8b: {  	[hbm4b:s3+s2] =	stream.indirect_vreg.scatter [tilespmem:s13], [sflag:$0x1], $0x80, v4, vm0, $0xb8;
	[tilespmem:$0xC100] =	vst v63  }
0x8c: {  	v3 =	vadd.s32 v1, v3  }
0x8d: {  	[hbm4b:s4+s2] =	stream.indirect_vreg.scatter [tilespmem:s14], [sflag:$0x1], $0x80, v4, vm0, $0xb8;
	[tilespmem:$0xC100] =	vst v63  }
0x8e: {  	_ = 	snop  }
0x8f: {  	[hbm4b:s5+s2] =	stream.indirect_vreg.scatter [tilespmem:s15], [sflag:$0x1], $0x80, v4, vm0, $0xb8;
	[tilespmem:$0xC100] =	vst v63  }
0x90: {  	_ = 	snop  }
0x91: {  	[hbm4b:s3+s2] =	stream.indirect_vreg.scatter [tilespmem:s16], [sflag:$0x1], $0x80, v3, vm0, $0xb8;
	[tilespmem:$0xC100] =	vst v63  }
0x92: {  	_ = 	snop  }
0x93: {  	[hbm4b:s4+s2] =	stream.indirect_vreg.scatter [tilespmem:s17], [sflag:$0x1], $0x80, v3, vm0, $0xb8;
	[tilespmem:$0xC100] =	vst v63  }
0x94: {  	_ = 	snop  }
0x95: {  	[hbm4b:s5+s2] =	stream.indirect_vreg.scatter [tilespmem:s18], [sflag:$0x1], $0x80, v3, vm0, $0xb8;
	[tilespmem:$0xC100] =	vst v63  }
0x96: {  	v3 =	vld [tilespmem:$0xC0A0];
	_ =	sdelay $0x4  }
0x97: {  	v62 =	vshrl.u32 v3, $0x3  }
0x98: {  	v4 =	vmul.u32 $0x30, v62  }
0x99: {  	v3 =	vand.u32 $0x7, v3  }
0x9a: {  	v3 =	vor.u32 v3, v4  }
0x9b: {  	v4 =	vperm.xlane v3, v0;
	_ =	sdelay $0x1  }
0x9c: {  	v4 =	vadd.s32 v1, v4;
	_ =	sdelay $0x3  }
0x9d: {  	v3 =	vperm.xlane v3, v2  }
0x9e: {  	[hbm4b:s3+s2] =	stream.indirect_vreg.scatter [tilespmem:s19], [sflag:$0x1], $0x80, v4, vm0, $0xb8;
	[tilespmem:$0xC100] =	vst v63  }
0x9f: {  	v3 =	vadd.s32 v1, v3  }
0xa0: {  	[hbm4b:s4+s2] =	stream.indirect_vreg.scatter [tilespmem:s20], [sflag:$0x1], $0x80, v4, vm0, $0xb8;
	[tilespmem:$0xC100] =	vst v63  }
0xa1: {  	_ = 	snop  }
0xa2: {  	[hbm4b:s5+s2] =	stream.indirect_vreg.scatter [tilespmem:s21], [sflag:$0x1], $0x80, v4, vm0, $0xb8;
	[tilespmem:$0xC100] =	vst v63  }
0xa3: {  	_ = 	snop  }
0xa4: {  	[hbm4b:s3+s2] =	stream.indirect_vreg.scatter [tilespmem:s22], [sflag:$0x1], $0x80, v3, vm0, $0xb8;
	[tilespmem:$0xC100] =	vst v63  }
0xa5: {  	_ = 	snop  }
0xa6: {  	[hbm4b:s4+s2] =	stream.indirect_vreg.scatter [tilespmem:s23], [sflag:$0x1], $0x80, v3, vm0, $0xb8;
	[tilespmem:$0xC100] =	vst v63  }
0xa7: {  	_ = 	snop  }
0xa8: {  	[hbm4b:s5+s2] =	stream.indirect_vreg.scatter [tilespmem:s24], [sflag:$0x1], $0x80, v3, vm0, $0xb8;
	[tilespmem:$0xC100] =	vst v63  }
0xa9: {  	v3 =	vld [tilespmem:$0xC0B0];
	_ =	sdelay $0x4  }
0xaa: {  	v63 =	vshrl.u32 v3, $0x3  }
0xab: {  	v4 =	vmul.u32 $0x30, v63  }
0xac: {  	v3 =	vand.u32 $0x7, v3  }
0xad: {  	v3 =	vor.u32 v3, v4  }
0xae: {  	v4 =	vperm.xlane v3, v0;
	_ =	sdelay $0x1  }
0xaf: {  	v4 =	vadd.s32 v1, v4;
	_ =	sdelay $0x3  }
0xb0: {  	v3 =	vperm.xlane v3, v2  }
0xb1: {  	[hbm4b:s3+s2] =	stream.indirect_vreg.scatter [tilespmem:s25], [sflag:$0x1], $0x80, v4, vm0, $0xb8;
	[tilespmem:$0xC100] =	vst v63  }
0xb2: {  	v3 =	vadd.s32 v1, v3  }
0xb3: {  	[hbm4b:s4+s2] =	stream.indirect_vreg.scatter [tilespmem:s26], [sflag:$0x1], $0x80, v4, vm0, $0xb8;
	[tilespmem:$0xC100] =	vst v63  }
0xb4: {  	_ = 	snop  }
0xb5: {  	[hbm4b:s5+s2] =	stream.indirect_vreg.scatter [tilespmem:s28], [sflag:$0x1], $0x80, v4, vm0, $0xb8;
	[tilespmem:$0xC100] =	vst v63  }
0xb6: {  	_ = 	snop  }
0xb7: {  	[hbm4b:s3+s2] =	stream.indirect_vreg.scatter [tilespmem:s29], [sflag:$0x1], $0x80, v3, vm0, $0xb8;
	[tilespmem:$0xC100] =	vst v63  }
0xb8: {  	p0 =	sne.s32 s6, $0x1  }
0xb9: {  	[hbm4b:s4+s2] =	stream.indirect_vreg.scatter [tilespmem:s30], [sflag:$0x1], $0x80, v3, vm0, $0xb8;
	[tilespmem:$0xC100] =	vst v63  }
.Ltmp0:
0xba: {  	_ = 	snop;
	(pc) =	sbr.rel @p0 .LBB2_1-.Ltmp0, $4  }
0xbb: {  	[hbm4b:s5+s2] =	stream.indirect_vreg.scatter [tilespmem:s31], [sflag:$0x1], $0x80, v3, vm0, $0xb8;
	[tilespmem:$0xC100] =	vst v63  }
0xbc: {  	_ =	swait.ge [sflag:s1], $0xC000  }
0xbd: {  	[sflag:s1] =	ssyncset.done $0x0  }
0xbe: {  	s6 =	sadd.s32 $0xFFFFFFFF, s6;
	[sflag:s1] =	ssyncadd.s32 $0xFFFF4000  }
0xbf: {  	_ =	sfence.sel $0x180000  }
0xc0: {  	[bflag:$0x0] =	sbarrier.arrive $0xFFFF  }
0xc1: {  	_ =	strace $0x90000059  }
0xc2: {  	s0 =	stileid.u32;
	[bflag:$0x2] =	sbarrier.arrive $0xFFFF  }
0xc3: {  	p0 =	sne.s32 s0, $0x0;
	s0 =	rddreg [dreg:$0x2]  }
0xc4: {  	s0 =	sadd.s32 @!p0 $0x100000, s0  }
0xc5: {  	[sflag:s0] =	ssyncadd.tile.s32 @!p0 $0x1;
	_ =	shalt  }
.Lfunc_end2:
_tile_overlayer_lowered:
.L_overlay_start_2:
0xc6: {  	(tag) =	ssettag $0x2  }
0xc7: {  	s0 =	rddreg [dreg:$0x0];
	s2 =	stileid.u32  }
0xc8: {  	s1 =	rddreg [dreg:$0x1];
	p0 =	sne.s32 s2, $0x0  }
0xc9: {  	s3 =	rddreg [dreg:$0x2];
	[bflag:$0x3] =	sbarrier.arrive $0xFFFF;
	s2 =	simm.s32 @!p0 $0x1C02  }
0xca: {  	[timem:s3], [sflag:s2] =	dma.local @!p0 [hbm:s0], s1  }
0xcb: {  	s0 =	simm.s32 @!p0 $0x2  }
0xcc: {  	_ =	swait.ge @!p0 [sflag:s0], s1  }
0xcd: {  	s1 =	ssub.s32 @!p0 $0x0, s1;
	[sflag:s0] =	ssyncset.done @!p0 $0x0  }
0xce: {  	[sflag:s0] =	ssyncadd.s32 @!p0 s1  }
0xcf: {  	[bflag:$0x3] =	sbarrier.arrive $0xFFFF  }
0xd0: {  	_ =	shalt  }

// kernel: kernel.61.cloned.1.call-start
scs
__scs_entry_jumppad:
0x0: {  	(pc) =	sbr.rel $0x88, $3  }
0x1: {  	(tag) =	ssettag $0x0;
	lr =	simm.s32 $0x1  }
0x2: {  	[smem:$0x3F87] =	sst lr;
	_ =	strace $0xD0000000  }
0x3: {  	_ = 	snop  }
0x4: {  	_ = 	snop  }
0x5: {  	_ = 	snop  }
0x6: {  	_ = 	snop  }
0x7: {  	_ = 	snop  }
__scs_overlays_trampoline_lowered:
0x8: {  	[smem:$0x3F96] =	sst s0  }
0x9: {  	[smem:$0x3F97] =	sst s1  }
0xa: {  	[smem:$0x3F98] =	sst s2  }
0xb: {  	[smem:$0x3F99] =	sst s3  }
0xc: {  	[smem:$0x3F9A] =	sst s4  }
0xd: {  	[smem:$0x3F9B] =	sst s5  }
0xe: {  	[smem:$0x3F9C] =	sst s6  }
0xf: {  	[smem:$0x3F9D] =	sst s7  }
0x10: {  	[smem:$0x3F9E] =	sst s8  }
0x11: {  	[smem:$0x3F9F] =	sst s9;
	s0 =	simm.s32 @!p0 $0x0  }
0x12: {  	s1 =	sld [smem:$0x3F85];
	s0 =	simm.s32 @p0 $0x1  }
0x13: {  	[smem:$0x3FA0] =	sst s0;
	s0 =	simm.s32 @!p1 $0x0  }
0x14: {  	s2 =	sld [smem:$0x3F84];
	s0 =	simm.s32 @p1 $0x1  }
0x15: {  	[smem:$0x3FA1] =	sst s0;
	s0 =	simm.s32 @!p2 $0x0  }
0x16: {  	s3 =	sld [smem:$0x3FDB];
	s0 =	simm.s32 @p2 $0x1  }
0x17: {  	s4 =	simm.s32 $0x1BF5;
	[smem:$0x3FA3] =	sst s0  }
0x18: {  	s0 =	sld [smem:$0x3F86];
	_ =	swait.ge [sflag:s4], $0x0  }
0x19: {  	s7 =	sld [smem:$0x3F87]  }
0x1a: {  	s8 =	sadd.s32 $0xFFFFE003, lr  }
0x1b: {  	s9 =	sadd.s32 $0xFFFFFEF7, lr;
	s5 =	simm.s32 $0xFFFFFFFF;
	p2 =	slt.u32 s8, $0xFFFFF086  }
0x1c: {  	p1 =	slt.u32 s9, $0xF7A;
	s5 =	simm.s32 @!p2 $0x0  }
0x1d: {  	s5 =	simm.s32 @p1 $0x1;
	p0 =	seq.s32 s7, s2  }
0x1e: {  	s7 =	smul.u32 @!p0 $0xF7A, s2;
	p2 =	seq.s32 @!p0 s5, $0x0  }
0x1f: {  	s9 =	smul.u32 $0xF7A, s1;
	s8 =	simm.s32 @!p0 $0x1BF5;
	p2 =	por !p2, p0  }
0x20: {  	[sflag:s8] =	ssyncset.s32 @!p0 $0xFFFFF086;
	s6 =	sadd.s32 @!p0 s3, s7;
	s7 =	simm.s32 @!p0 $0x108  }
0x21: {  	s3 =	sadd.s32 s3, s9;
	s6 =	sadd.s32 @!p0 $0x88, s6;
	s7 =	simm.s32 @p2 $0x1082  }
0x22: {  	[simem:s7], [sflag:s8] =	dma.local @!p0 [hbm:s6], $0xF7A  }
0x23: {  	s9 =	sor.u32 $0xD0000000, s2;
	s6 =	simm.s32 $0x108;
	_ =	swait.ge @!p0 [sflag:s8], $0x0  }
0x24: {  	s3 =	sadd.s32 $0x88, s3;
	s6 =	simm.s32 @!p1 $0x1082;
	[sflag:s4] =	ssyncset.s32 $0xFFFFF086  }
0x25: {  	[simem:s6], [sflag:s4] =	dma.local [hbm:s3], $0xF7A  }
0x26: {  	[smem:$0x3F87] =	sst s1;
	(tag) =	ssettag s2;
	_ =	strace s9  }
0x27: {  	s1 =	sld [smem:$0x3F97]  }
0x28: {  	s2 =	sld [smem:$0x3F98]  }
0x29: {  	s4 =	sld [smem:$0x3F9A]  }
0x2a: {  	p0 =	seq.s32 s5, $0x0;
	s5 =	sld [smem:$0x3F9B]  }
0x2b: {  	s6 =	sld [smem:$0x3F9C]  }
0x2c: {  	s7 =	sld [smem:$0x3F9D]  }
0x2d: {  	s3 =	simm.s32 $0x108;
	s8 =	sld [smem:$0x3F9E]  }
0x2e: {  	s3 =	simm.s32 @!p0 $0x1082;
	s9 =	sld [smem:$0x3F9F]  }
0x2f: {  	lr =	sadd.s32 s0, s3;
	s0 =	sld [smem:$0x3F96]  }
0x30: {  	s3 =	sld [smem:$0x3F99]  }
0x31: {  	[smem:$0x3FA2] =	sst s10  }
0x32: {  	s10 =	sld [smem:$0x3FA0];
	_ =	sdelay $0x3  }
0x33: {  	p0 =	seq.s32 s10, $0x1;
	s10 =	sld [smem:$0x3FA2];
	_ =	sdelay $0x3  }
0x34: {  	[smem:$0x3FA2] =	sst s10  }
0x35: {  	s10 =	sld [smem:$0x3FA1];
	_ =	sdelay $0x3  }
0x36: {  	p1 =	seq.s32 s10, $0x1;
	s10 =	sld [smem:$0x3FA2];
	_ =	sdelay $0x3  }
0x37: {  	[smem:$0x3FA2] =	sst s10  }
0x38: {  	s10 =	sld [smem:$0x3FA3]  }
0x39: {  	_ = 	snop;
	(pc) =	sbr.ind lr, $3  }
0x3a: {  	_ = 	snop  }
0x3b: {  	_ = 	snop  }
0x3c: {  	p2 =	seq.s32 s10, $0x1;
	s10 =	sld [smem:$0x3FA2]  }
0x3d: {  	_ =	shalt  }
0x3e: {  	_ =	shalt  }
0x3f: {  	_ =	shalt  }
0x40: {  	_ =	shalt  }
0x41: {  	_ =	shalt  }
0x42: {  	_ =	shalt  }
0x43: {  	_ =	shalt  }
0x44: {  	_ =	shalt  }
0x45: {  	_ =	shalt  }
0x46: {  	_ =	shalt  }
0x47: {  	_ =	shalt  }
0x48: {  	_ =	shalt  }
0x49: {  	_ =	shalt  }
0x4a: {  	_ =	shalt  }
0x4b: {  	_ =	shalt  }
0x4c: {  	_ =	shalt  }
0x4d: {  	_ =	shalt  }
0x4e: {  	_ =	shalt  }
0x4f: {  	_ =	shalt  }
0x50: {  	_ =	shalt  }
0x51: {  	_ =	shalt  }
0x52: {  	_ =	shalt  }
0x53: {  	_ =	shalt  }
0x54: {  	_ =	shalt  }
0x55: {  	_ =	shalt  }
0x56: {  	_ =	shalt  }
0x57: {  	_ =	shalt  }
0x58: {  	_ =	shalt  }
0x59: {  	_ =	shalt  }
0x5a: {  	_ =	shalt  }
0x5b: {  	_ =	shalt  }
0x5c: {  	_ =	shalt  }
0x5d: {  	_ =	shalt  }
0x5e: {  	_ =	shalt  }
0x5f: {  	_ =	shalt  }
0x60: {  	_ =	shalt  }
0x61: {  	_ =	shalt  }
0x62: {  	_ =	shalt  }
0x63: {  	_ =	shalt  }
0x64: {  	_ =	shalt  }
0x65: {  	_ =	shalt  }
0x66: {  	_ =	shalt  }
0x67: {  	_ =	shalt  }
0x68: {  	_ =	shalt  }
0x69: {  	_ =	shalt  }
0x6a: {  	_ =	shalt  }
0x6b: {  	_ =	shalt  }
0x6c: {  	_ =	shalt  }
0x6d: {  	_ =	shalt  }
0x6e: {  	_ =	shalt  }
0x6f: {  	_ =	shalt  }
0x70: {  	_ =	shalt  }
0x71: {  	_ =	shalt  }
0x72: {  	_ =	shalt  }
0x73: {  	_ =	shalt  }
0x74: {  	_ =	shalt  }
0x75: {  	_ =	shalt  }
0x76: {  	_ =	shalt  }
0x77: {  	_ =	shalt  }
0x78: {  	_ =	shalt  }
0x79: {  	_ =	shalt  }
0x7a: {  	_ =	shalt  }
0x7b: {  	_ =	shalt  }
0x7c: {  	_ =	shalt  }
0x7d: {  	_ =	shalt  }
0x7e: {  	_ =	shalt  }
0x7f: {  	_ =	shalt  }
0x80: {  	_ =	shalt  }
0x81: {  	_ =	shalt  }
0x82: {  	_ =	shalt  }
0x83: {  	_ =	shalt  }
0x84: {  	_ =	shalt  }
0x85: {  	_ =	shalt  }
0x86: {  	_ =	shalt  }
0x87: {  	_ =	shalt  }
.Lfunc_end0:
.L_simem_size_0:
called_computation.7_lowered:
.L_overlay_start_0:
0x88: {  	s2 =	sld [smem:$0x3FD9]  }
0x89: {  	s3 =	sld [smem:$0x3FFE];
	_ =	sdelay $0x1  }
0x8a: {  	s1 =	srdreg.scid  }
0x8b: {  	s0 =	sand.u32 $0x1, s1  }
0x8c: {  	s16 =	sshll.u32 s0, $0xA;
	s2 =	sadd.s32 s3, s2  }
0x8d: {  	s2 =	sadd.s32 s2, s16  }
0x8e: {  	[smem:$0x3FAE] =	sst s2  }
0x8f: {  	_ = 	snop  }
0x90: {  	(tm) =	ssettm $0x1  }
0x91: {  	s17 =	sld [smem:$0x3FFB];
	_ =	sdelay $0x3  }
0x92: {  	_ =	strace s17  }
0x93: {  	s2 =	sld [smem:$0x3FFC];
	_ =	sdelay $0x3  }
0x94: {  	_ =	strace s2  }
0x95: {  	s2 =	sld [smem:$0x3FFD];
	_ =	sdelay $0x3  }
0x96: {  	_ =	strace s2  }
0x97: {  	_ =	strace $0x8FFFFFFF  }
0x98: {  	s18 =	sld [smem:$0x3FDB];
	_ =	sdelay $0x1  }
0x99: {  	s19 =	simm.s32 $_scs_section_size  }
0x9a: {  	s4 =	simm.s32 $_size__tile_overlayer_lowered;
	s5 =	simm.s32 $_tile_overlayer_lowered  }
0x9b: {  	s22 =	simm.s32 $0x1BFF;
	s21 =	sshll.u32 s5, $0x1;
	s2 =	sadd.s32 s19, s18  }
0x9c: {  	s6 =	simm.s32 $0x0;
	s20 =	sshll.u32 s4, $0x1;
	s4 =	sadd.s32 s21, s2  }
0x9d: {  	[timem:s6], [sflag:s22] =	dma.local [hbm:s4], s20  }
0x9e: {  	_ =	swait.ge [sflag:s22], s20  }
0x9f: {  	s3 =	ssub.s32 $0x0, s20;
	[sflag:s22] =	ssyncset.done $0x0  }
0xa0: {  	[sflag:s22] =	ssyncadd.s32 s3;
	_ =	sdelay $0x1  }
0xa1: {  	s23 =	simm.s32 $0x1B8B  }
0xa2: {  	_ =	swait.ge [sflag:s23], $0x1  }
0xa3: {  	[sflag:s23] =	ssyncset.done $0x0  }
0xa4: {  	s25 =	simm.s32 $0x1B8E;
	s24 =	sld [smem:$0x3FFE];
	[sflag:s23] =	ssyncadd.s32 $0xFFFFFFFF  }
0xa5: {  	s26 =	simm.s32 $execute0_lowered;
	[smem:$0x3FD2] =	sst s25  }
0xa6: {  	s4 =	sshll.u32 s26, $0x1;
	_ =	strace $0x8000005B;
	[dreg:$0x1] =	wrdreg $0xFFFFFFFF  }
0xa7: {  	s28 =	simm.s32 $_size_execute0_lowered;
	s2 =	sadd.s32 s2, s4;
	[dreg:$0x0] =	wrdreg $0x0  }
0xa8: {  	s4 =	sshll.u32 s28, $0x1;
	[dreg:$0x2] =	wrdreg s2  }
0xa9: {  	[dreg:$0x3] =	wrdreg s4  }
0xaa: {  	[dreg:$0x4] =	wrdreg $0xC0  }
0xab: {  	_ =	task [dreg:s6], $0x5FFFF  }
0xac: {  	[dreg:$0x1] =	wrdreg $0xFFFFFFFF  }
0xad: {  	[dreg:$0x0] =	wrdreg $0x60  }
0xae: {  	[dreg:$0x2] =	wrdreg s24  }
0xaf: {  	[dreg:$0x3] =	wrdreg $0x9  }
0xb0: {  	_ =	task.clear_ibuf [dreg:s6], $0x4FFFF;
	_ =	strace $0x9000005B  }
0xb1: {  	s29 =	simm.s32 $0x9;
	_ =	strace $0x8000005D  }
0xb2: {  	_ =	swait.ge [sflag:s29], $0x1  }
0xb3: {  	[sflag:s29] =	ssyncadd.s32 $0xFFFFFFFF  }
0xb4: {  	_ =	strace $0x9000005D  }
0xb5: {  	_ =	sfence  }
0xb6: {  	s30 =	sld [smem:$0x0];
	_ =	sdelay $0x2  }
0xb7: {  	s31 =	sshll.u32 s1, $0xD;
	s1 =	sshrl.u32 s1, $0x2  }
0xb8: {  	s3 =	sand.u32 $0x4000, s31;
	s1 =	sadd.s32 s1, s30  }
0xb9: {  	s0 =	sor.u32 s3, s0;
	s1 =	sshll.u32 s1, $0x11  }
0xba: {  	s0 =	sor.u32 s1, s0  }
0xbb: {  	s0 =	sadd.s32 $0x8F2B, s0  }
0xbc: {  	[sflag:s0] =	ssyncadd.remote.s32 $0x1  }
0xbd: {  	_ =	sfence.sel $0xFFFF  }
0xbe: {  	[dreg:$0x0] =	wrdreg $0xFFFFFFFF;
	(pc) =	sbr.abs _section_cstart, $3  }
0xbf: {  	[dreg:$0x1] =	wrdreg $0xFFFFFFFF  }
0xc0: {  	_ =	task.clear_ibuf [dreg:s6], $0x2FFFF;
	_ =	strace $0x9FFFFFFF  }
0xc1: {  	(tm) =	ssettm $0x7FFFFFFF  }
tec
execute0_lowered:
.L_overlay_start_1:
0x0: {  	(tag) =	ssettag $0x1  }
0x1: {  	s0 =	srdreg.scid  }
0x2: {  	s2 =	stileid.u32;
	s1 =	rddreg [dreg:$0x0];
	s10 =	simm.s32 $0x880  }
0x3: {  	s11 =	simm.s32 $0x1080;
	s12 =	simm.s32 $0x1880;
	s13 =	simm.s32 $0x2080  }
0x4: {  	s14 =	simm.s32 $0x2880;
	s15 =	simm.s32 $0x3080;
	s16 =	simm.s32 $0x3880  }
0x5: {  	s17 =	simm.s32 $0x4080;
	s18 =	simm.s32 $0x4880;
	s19 =	simm.s32 $0x5080  }
0x6: {  	s20 =	simm.s32 $0x5880;
	s21 =	simm.s32 $0x6080;
	s22 =	simm.s32 $0x6880  }
0x7: {  	s23 =	simm.s32 $0x7080;
	s24 =	simm.s32 $0x7880;
	s28 =	simm.s32 $0x9080  }
0x8: {  	s29 =	simm.s32 $0x9880;
	s30 =	simm.s32 $0xA080;
	s31 =	simm.s32 $0xA880  }
0x9: {  	s0 =	sand.u32 $0x1, s0;
	s3 =	sshll.u32 s2, $0x4;
	s2 =	simm.s32 $0x0  }
0xa: {  	s4 =	sshll.u32 s0, $0x3;
	[smem:$0x7FF] =	sst s2;
	s0 =	ssub.s32 $0x2, s0  }
0xb: {  	s3 =	sor.u32 s4, s3;
	_ =	strace $0x8000005C;
	s7 =	sshrl.u32 s0, $0x1  }
0xc: {  	s4 =	smul.u32 $0x300, s3;
	s5 =	sadd.s32 s3, s1;
	s3 =	sadd.s32 $0x30800, s1  }
0xd: {  	s0 =	ssub.s32 s0, s7;
	s7 =	simm.s32 $0x2;
	s6 =	sadd.s32 $0x30400, s5  }
0xe: {  	s5 =	sadd.s32 $0x30600, s5;
	s4 =	sadd.s32 s4, s1;
	[dreg:$0x2] =	wrdreg s6  }
0xf: {  	[dreg:$0x4] =	wrdreg s5;
	s5 =	sadd.s32 $0x30A00, s1;
	s6 =	smax.u32 s0, $0x1  }
0x10: {  	v2 =	vlaneseq.u32;
	s0 =	simm.s32 $0x1;
	s25 =	sadd.s32 $0x200, s4;
	s26 =	sadd.s32 $0x7E800, s4  }
0x11: {  	vm0 =	vmmov $0xffff;
	v1 =	vshrl.u32 v2, $0x3;
	s4 =	sadd.s32 $0x30900, s1;
	s1 =	simm.s32 $0x80;
	[dreg:$0x3] =	wrdreg s25  }
0x12: {  	v0 =	vand.u32 $0x7, v2;
	v2 =	vor.u32 $0x8, v2;
	v1 =	vmul.u32 $0x8, v1;
	[dreg:$0x5] =	wrdreg s26;
	s25 =	simm.s32 $0x8080;
	s26 =	simm.s32 $0x8880  }
.LBB2_1:
0x13: {  	s9 =	rddreg [dreg:$0x2]  }
0x14: {  	[tilespmem:s2], [sflag:$0x2] =	stream.linear.gather [hbm4b:s9+s2], $0x40, $0x38;
	[tilespmem:$0xC080] =	vst v63  }
0x15: {  	_ =	swait.ge [sflag:s7], $0x40  }
0x16: {  	[sflag:s7] =	ssyncset.done $0x0  }
0x17: {  	[sflag:s7] =	ssyncadd.s32 $0xFFFFFFC0  }
0x18: {  	v3 =	vld [tilespmem:$0x0];
	_ =	sdelay $0x4  }
0x19: {  	v4 =	vshrl.u32 v3, $0x3  }
0x1a: {  	v4 =	vmul.u32 $0x30, v4  }
0x1b: {  	v3 =	vand.u32 $0x7, v3  }
0x1c: {  	v3 =	vor.u32 v3, v4  }
0x1d: {  	v4 =	vperm.xlane v3, v0;
	_ =	sdelay $0x1  }
0x1e: {  	v4 =	vadd.s32 v1, v4;
	_ =	sdelay $0x3  }
0x1f: {  	v3 =	vperm.xlane v3, v2  }
0x20: {  	[tilespmem:s1], [sflag:$0x1] =	stream.indirect_vreg.gather [hbm4b:s3+s2], $0x80, v4, vm0, $0xb8;
	[tilespmem:$0xC080] =	vst v63  }
0x21: {  	v3 =	vadd.s32 v1, v3  }
0x22: {  	[tilespmem:s10], [sflag:$0x1] =	stream.indirect_vreg.gather [hbm4b:s4+s2], $0x80, v4, vm0, $0xb8;
	[tilespmem:$0xC080] =	vst v63  }
0x23: {  	_ = 	snop  }
0x24: {  	[tilespmem:s11], [sflag:$0x1] =	stream.indirect_vreg.gather [hbm4b:s5+s2], $0x80, v4, vm0, $0xb8;
	[tilespmem:$0xC080] =	vst v63  }
0x25: {  	_ = 	snop  }
0x26: {  	[tilespmem:s12], [sflag:$0x1] =	stream.indirect_vreg.gather [hbm4b:s3+s2], $0x80, v3, vm0, $0xb8;
	[tilespmem:$0xC080] =	vst v63  }
0x27: {  	_ = 	snop  }
0x28: {  	[tilespmem:s13], [sflag:$0x1] =	stream.indirect_vreg.gather [hbm4b:s4+s2], $0x80, v3, vm0, $0xb8;
	[tilespmem:$0xC080] =	vst v63  }
0x29: {  	_ = 	snop  }
0x2a: {  	[tilespmem:s14], [sflag:$0x1] =	stream.indirect_vreg.gather [hbm4b:s5+s2], $0x80, v3, vm0, $0xb8;
	[tilespmem:$0xC080] =	vst v63  }
0x2b: {  	v3 =	vld [tilespmem:$0x10];
	_ =	sdelay $0x4  }
0x2c: {  	v57 =	vshrl.u32 v3, $0x3  }
0x2d: {  	v4 =	vmul.u32 $0x30, v57  }
0x2e: {  	v3 =	vand.u32 $0x7, v3  }
0x2f: {  	v3 =	vor.u32 v3, v4  }
0x30: {  	v4 =	vperm.xlane v3, v0;
	_ =	sdelay $0x1  }
0x31: {  	v4 =	vadd.s32 v1, v4;
	_ =	sdelay $0x3  }
0x32: {  	v3 =	vperm.xlane v3, v2  }
0x33: {  	[tilespmem:s15], [sflag:$0x1] =	stream.indirect_vreg.gather [hbm4b:s3+s2], $0x80, v4, vm0, $0xb8;
	[tilespmem:$0xC080] =	vst v63  }
0x34: {  	v3 =	vadd.s32 v1, v3  }
0x35: {  	[tilespmem:s16], [sflag:$0x1] =	stream.indirect_vreg.gather [hbm4b:s4+s2], $0x80, v4, vm0, $0xb8;
	[tilespmem:$0xC080] =	vst v63  }
0x36: {  	_ = 	snop  }
0x37: {  	[tilespmem:s17], [sflag:$0x1] =	stream.indirect_vreg.gather [hbm4b:s5+s2], $0x80, v4, vm0, $0xb8;
	[tilespmem:$0xC080] =	vst v63  }
0x38: {  	_ = 	snop  }
0x39: {  	[tilespmem:s18], [sflag:$0x1] =	stream.indirect_vreg.gather [hbm4b:s3+s2], $0x80, v3, vm0, $0xb8;
	[tilespmem:$0xC080] =	vst v63  }
0x3a: {  	_ = 	snop  }
0x3b: {  	[tilespmem:s19], [sflag:$0x1] =	stream.indirect_vreg.gather [hbm4b:s4+s2], $0x80, v3, vm0, $0xb8;
	[tilespmem:$0xC080] =	vst v63  }
0x3c: {  	_ = 	snop  }
0x3d: {  	[tilespmem:s20], [sflag:$0x1] =	stream.indirect_vreg.gather [hbm4b:s5+s2], $0x80, v3, vm0, $0xb8;
	[tilespmem:$0xC080] =	vst v63  }
0x3e: {  	v3 =	vld [tilespmem:$0x20];
	_ =	sdelay $0x4  }
0x3f: {  	v58 =	vshrl.u32 v3, $0x3  }
0x40: {  	v4 =	vmul.u32 $0x30, v58  }
0x41: {  	v3 =	vand.u32 $0x7, v3  }
0x42: {  	v3 =	vor.u32 v3, v4  }
0x43: {  	v4 =	vperm.xlane v3, v0;
	_ =	sdelay $0x1  }
0x44: {  	v4 =	vadd.s32 v1, v4;
	_ =	sdelay $0x3  }
0x45: {  	v3 =	vperm.xlane v3, v2  }
0x46: {  	[tilespmem:s21], [sflag:$0x1] =	stream.indirect_vreg.gather [hbm4b:s3+s2], $0x80, v4, vm0, $0xb8;
	[tilespmem:$0xC080] =	vst v63  }
0x47: {  	v3 =	vadd.s32 v1, v3  }
0x48: {  	[tilespmem:s22], [sflag:$0x1] =	stream.indirect_vreg.gather [hbm4b:s4+s2], $0x80, v4, vm0, $0xb8;
	[tilespmem:$0xC080] =	vst v63  }
0x49: {  	_ = 	snop  }
0x4a: {  	[tilespmem:s23], [sflag:$0x1] =	stream.indirect_vreg.gather [hbm4b:s5+s2], $0x80, v4, vm0, $0xb8;
	[tilespmem:$0xC080] =	vst v63  }
0x4b: {  	_ = 	snop  }
0x4c: {  	[tilespmem:s24], [sflag:$0x1] =	stream.indirect_vreg.gather [hbm4b:s3+s2], $0x80, v3, vm0, $0xb8;
	[tilespmem:$0xC080] =	vst v63  }
0x4d: {  	_ = 	snop  }
0x4e: {  	[tilespmem:s25], [sflag:$0x1] =	stream.indirect_vreg.gather [hbm4b:s4+s2], $0x80, v3, vm0, $0xb8;
	[tilespmem:$0xC080] =	vst v63  }
0x4f: {  	_ = 	snop  }
0x50: {  	[tilespmem:s26], [sflag:$0x1] =	stream.indirect_vreg.gather [hbm4b:s5+s2], $0x80, v3, vm0, $0xb8;
	[tilespmem:$0xC080] =	vst v63  }
0x51: {  	v3 =	vld [tilespmem:$0x30];
	_ =	sdelay $0x4  }
0x52: {  	v59 =	vshrl.u32 v3, $0x3  }
0x53: {  	v4 =	vmul.u32 $0x30, v59  }
0x54: {  	v3 =	vand.u32 $0x7, v3  }
0x55: {  	v3 =	vor.u32 v3, v4  }
0x56: {  	v4 =	vperm.xlane v3, v0;
	_ =	sdelay $0x1  }
0x57: {  	v4 =	vadd.s32 v1, v4;
	_ =	sdelay $0x3  }
0x58: {  	v3 =	vperm.xlane v3, v2  }
0x59: {  	[tilespmem:s28], [sflag:$0x1] =	stream.indirect_vreg.gather [hbm4b:s3+s2], $0x80, v4, vm0, $0xb8;
	[tilespmem:$0xC080] =	vst v63  }
0x5a: {  	v3 =	vadd.s32 v1, v3  }
0x5b: {  	[tilespmem:s29], [sflag:$0x1] =	stream.indirect_vreg.gather [hbm4b:s4+s2], $0x80, v4, vm0, $0xb8;
	[tilespmem:$0xC080] =	vst v63  }
0x5c: {  	_ = 	snop  }
0x5d: {  	[tilespmem:s30], [sflag:$0x1] =	stream.indirect_vreg.gather [hbm4b:s5+s2], $0x80, v4, vm0, $0xb8;
	[tilespmem:$0xC080] =	vst v63  }
0x5e: {  	_ = 	snop  }
0x5f: {  	[tilespmem:s31], [sflag:$0x1] =	stream.indirect_vreg.gather [hbm4b:s3+s2], $0x80, v3, vm0, $0xb8;
	[tilespmem:$0xC080] =	vst v63  }
0x60: {  	s8 =	simm.s32 $0xB080  }
0x61: {  	[tilespmem:s8], [sflag:$0x1] =	stream.indirect_vreg.gather [hbm4b:s4+s2], $0x80, v3, vm0, $0xb8;
	[tilespmem:$0xC080] =	vst v63  }
0x62: {  	s8 =	simm.s32 $0xB880  }
0x63: {  	[tilespmem:s8], [sflag:$0x1] =	stream.indirect_vreg.gather [hbm4b:s5+s2], $0x80, v3, vm0, $0xb8;
	[tilespmem:$0xC080] =	vst v63  }
0x64: {  	_ =	swait.ge [sflag:s0], $0xC000  }
0x65: {  	[sflag:s0] =	ssyncset.done $0x0  }
0x66: {  	s9 =	rddreg [dreg:$0x3];
	[sflag:s0] =	ssyncadd.s32 $0xFFFF4000  }
0x67: {  	[hbm4b:s9+s2] =	stream.linear.scatter [tilespmem:s1], [sflag:$0x2], $0xC000, $0x38;
	[tilespmem:$0xC080] =	vst v63  }
0x68: {  	_ =	swait.ge [sflag:s7], $0xC000  }
0x69: {  	[sflag:s7] =	ssyncset.done $0x0  }
0x6a: {  	s9 =	rddreg [dreg:$0x4];
	[sflag:s7] =	ssyncadd.s32 $0xFFFF4000  }
0x6b: {  	[tilespmem:s2], [sflag:$0x2] =	stream.linear.gather [hbm4b:s9+s2], $0x40, $0x38;
	[tilespmem:$0xC080] =	vst v63  }
0x6c: {  	_ =	swait.ge [sflag:s7], $0x40  }
0x6d: {  	[sflag:s7] =	ssyncset.done $0x0  }
0x6e: {  	[sflag:s7] =	ssyncadd.s32 $0xFFFFFFC0  }
0x6f: {  	v3 =	vld [tilespmem:$0x0];
	_ =	sdelay $0x4  }
0x70: {  	v60 =	vshrl.u32 v3, $0x3  }
0x71: {  	v4 =	vmul.u32 $0x30, v60  }
0x72: {  	v3 =	vand.u32 $0x7, v3  }
0x73: {  	v3 =	vor.u32 v3, v4  }
0x74: {  	v4 =	vperm.xlane v3, v0;
	_ =	sdelay $0x1  }
0x75: {  	v4 =	vadd.s32 v1, v4;
	_ =	sdelay $0x3  }
0x76: {  	v3 =	vperm.xlane v3, v2  }
0x77: {  	[tilespmem:s1], [sflag:$0x1] =	stream.indirect_vreg.gather [hbm4b:s3+s2], $0x80, v4, vm0, $0xb8;
	[tilespmem:$0xC080] =	vst v63  }
0x78: {  	v3 =	vadd.s32 v1, v3  }
0x79: {  	[tilespmem:s10], [sflag:$0x1] =	stream.indirect_vreg.gather [hbm4b:s4+s2], $0x80, v4, vm0, $0xb8;
	[tilespmem:$0xC080] =	vst v63  }
0x7a: {  	_ = 	snop  }
0x7b: {  	[tilespmem:s11], [sflag:$0x1] =	stream.indirect_vreg.gather [hbm4b:s5+s2], $0x80, v4, vm0, $0xb8;
	[tilespmem:$0xC080] =	vst v63  }
0x7c: {  	_ = 	snop  }
0x7d: {  	[tilespmem:s12], [sflag:$0x1] =	stream.indirect_vreg.gather [hbm4b:s3+s2], $0x80, v3, vm0, $0xb8;
	[tilespmem:$0xC080] =	vst v63  }
0x7e: {  	_ = 	snop  }
0x7f: {  	[tilespmem:s13], [sflag:$0x1] =	stream.indirect_vreg.gather [hbm4b:s4+s2], $0x80, v3, vm0, $0xb8;
	[tilespmem:$0xC080] =	vst v63  }
0x80: {  	_ = 	snop  }
0x81: {  	[tilespmem:s14], [sflag:$0x1] =	stream.indirect_vreg.gather [hbm4b:s5+s2], $0x80, v3, vm0, $0xb8;
	[tilespmem:$0xC080] =	vst v63  }
0x82: {  	v3 =	vld [tilespmem:$0x10];
	_ =	sdelay $0x4  }
0x83: {  	v61 =	vshrl.u32 v3, $0x3  }
0x84: {  	v4 =	vmul.u32 $0x30, v61  }
0x85: {  	v3 =	vand.u32 $0x7, v3  }
0x86: {  	v3 =	vor.u32 v3, v4  }
0x87: {  	v4 =	vperm.xlane v3, v0;
	_ =	sdelay $0x1  }
0x88: {  	v4 =	vadd.s32 v1, v4;
	_ =	sdelay $0x3  }
0x89: {  	v3 =	vperm.xlane v3, v2  }
0x8a: {  	[tilespmem:s15], [sflag:$0x1] =	stream.indirect_vreg.gather [hbm4b:s3+s2], $0x80, v4, vm0, $0xb8;
	[tilespmem:$0xC080] =	vst v63  }
0x8b: {  	v3 =	vadd.s32 v1, v3  }
0x8c: {  	[tilespmem:s16], [sflag:$0x1] =	stream.indirect_vreg.gather [hbm4b:s4+s2], $0x80, v4, vm0, $0xb8;
	[tilespmem:$0xC080] =	vst v63  }
0x8d: {  	_ = 	snop  }
0x8e: {  	[tilespmem:s17], [sflag:$0x1] =	stream.indirect_vreg.gather [hbm4b:s5+s2], $0x80, v4, vm0, $0xb8;
	[tilespmem:$0xC080] =	vst v63  }
0x8f: {  	_ = 	snop  }
0x90: {  	[tilespmem:s18], [sflag:$0x1] =	stream.indirect_vreg.gather [hbm4b:s3+s2], $0x80, v3, vm0, $0xb8;
	[tilespmem:$0xC080] =	vst v63  }
0x91: {  	_ = 	snop  }
0x92: {  	[tilespmem:s19], [sflag:$0x1] =	stream.indirect_vreg.gather [hbm4b:s4+s2], $0x80, v3, vm0, $0xb8;
	[tilespmem:$0xC080] =	vst v63  }
0x93: {  	_ = 	snop  }
0x94: {  	[tilespmem:s20], [sflag:$0x1] =	stream.indirect_vreg.gather [hbm4b:s5+s2], $0x80, v3, vm0, $0xb8;
	[tilespmem:$0xC080] =	vst v63  }
0x95: {  	v3 =	vld [tilespmem:$0x20];
	_ =	sdelay $0x4  }
0x96: {  	v62 =	vshrl.u32 v3, $0x3  }
0x97: {  	v4 =	vmul.u32 $0x30, v62  }
0x98: {  	v3 =	vand.u32 $0x7, v3  }
0x99: {  	v3 =	vor.u32 v3, v4  }
0x9a: {  	v4 =	vperm.xlane v3, v0;
	_ =	sdelay $0x1  }
0x9b: {  	v4 =	vadd.s32 v1, v4;
	_ =	sdelay $0x3  }
0x9c: {  	v3 =	vperm.xlane v3, v2  }
0x9d: {  	[tilespmem:s21], [sflag:$0x1] =	stream.indirect_vreg.gather [hbm4b:s3+s2], $0x80, v4, vm0, $0xb8;
	[tilespmem:$0xC080] =	vst v63  }
0x9e: {  	v3 =	vadd.s32 v1, v3  }
0x9f: {  	[tilespmem:s22], [sflag:$0x1] =	stream.indirect_vreg.gather [hbm4b:s4+s2], $0x80, v4, vm0, $0xb8;
	[tilespmem:$0xC080] =	vst v63  }
0xa0: {  	_ = 	snop  }
0xa1: {  	[tilespmem:s23], [sflag:$0x1] =	stream.indirect_vreg.gather [hbm4b:s5+s2], $0x80, v4, vm0, $0xb8;
	[tilespmem:$0xC080] =	vst v63  }
0xa2: {  	_ = 	snop  }
0xa3: {  	[tilespmem:s24], [sflag:$0x1] =	stream.indirect_vreg.gather [hbm4b:s3+s2], $0x80, v3, vm0, $0xb8;
	[tilespmem:$0xC080] =	vst v63  }
0xa4: {  	_ = 	snop  }
0xa5: {  	[tilespmem:s25], [sflag:$0x1] =	stream.indirect_vreg.gather [hbm4b:s4+s2], $0x80, v3, vm0, $0xb8;
	[tilespmem:$0xC080] =	vst v63  }
0xa6: {  	_ = 	snop  }
0xa7: {  	[tilespmem:s26], [sflag:$0x1] =	stream.indirect_vreg.gather [hbm4b:s5+s2], $0x80, v3, vm0, $0xb8;
	[tilespmem:$0xC080] =	vst v63  }
0xa8: {  	v3 =	vld [tilespmem:$0x30];
	_ =	sdelay $0x4  }
0xa9: {  	v63 =	vshrl.u32 v3, $0x3  }
0xaa: {  	v4 =	vmul.u32 $0x30, v63  }
0xab: {  	v3 =	vand.u32 $0x7, v3  }
0xac: {  	v3 =	vor.u32 v3, v4  }
0xad: {  	v4 =	vperm.xlane v3, v0;
	_ =	sdelay $0x1  }
0xae: {  	v4 =	vadd.s32 v1, v4;
	_ =	sdelay $0x3  }
0xaf: {  	v3 =	vperm.xlane v3, v2  }
0xb0: {  	[tilespmem:s28], [sflag:$0x1] =	stream.indirect_vreg.gather [hbm4b:s3+s2], $0x80, v4, vm0, $0xb8;
	[tilespmem:$0xC080] =	vst v63  }
0xb1: {  	v3 =	vadd.s32 v1, v3  }
0xb2: {  	[tilespmem:s29], [sflag:$0x1] =	stream.indirect_vreg.gather [hbm4b:s4+s2], $0x80, v4, vm0, $0xb8;
	[tilespmem:$0xC080] =	vst v63  }
0xb3: {  	_ = 	snop  }
0xb4: {  	[tilespmem:s30], [sflag:$0x1] =	stream.indirect_vreg.gather [hbm4b:s5+s2], $0x80, v4, vm0, $0xb8;
	[tilespmem:$0xC080] =	vst v63  }
0xb5: {  	_ = 	snop  }
0xb6: {  	[tilespmem:s31], [sflag:$0x1] =	stream.indirect_vreg.gather [hbm4b:s3+s2], $0x80, v3, vm0, $0xb8;
	[tilespmem:$0xC080] =	vst v63  }
0xb7: {  	s9 =	simm.s32 $0xB080  }
0xb8: {  	[tilespmem:s9], [sflag:$0x1] =	stream.indirect_vreg.gather [hbm4b:s4+s2], $0x80, v3, vm0, $0xb8;
	[tilespmem:$0xC080] =	vst v63  }
0xb9: {  	_ = 	snop  }
0xba: {  	[tilespmem:s8], [sflag:$0x1] =	stream.indirect_vreg.gather [hbm4b:s5+s2], $0x80, v3, vm0, $0xb8;
	[tilespmem:$0xC080] =	vst v63  }
0xbb: {  	_ =	swait.ge [sflag:s0], $0xC000  }
0xbc: {  	p0 =	sne.s32 s6, $0x1;
	[sflag:s0] =	ssyncset.done $0x0  }
.Ltmp0:
0xbd: {  	s8 =	rddreg [dreg:$0x5];
	[sflag:s0] =	ssyncadd.s32 $0xFFFF4000;
	(pc) =	sbr.rel @p0 .LBB2_1-.Ltmp0, $4  }
0xbe: {  	[hbm4b:s8+s2] =	stream.linear.scatter [tilespmem:s1], [sflag:$0x2], $0xC000, $0x38;
	[tilespmem:$0xC080] =	vst v63  }
0xbf: {  	_ =	swait.ge [sflag:s7], $0xC000  }
0xc0: {  	[sflag:s7] =	ssyncset.done $0x0  }
0xc1: {  	s6 =	sadd.s32 $0xFFFFFFFF, s6;
	[sflag:s7] =	ssyncadd.s32 $0xFFFF4000  }
0xc2: {  	_ =	sfence.sel $0x180000  }
0xc3: {  	[bflag:$0x0] =	sbarrier.arrive $0xFFFF  }
0xc4: {  	_ =	strace $0x9000005C  }
0xc5: {  	s0 =	stileid.u32;
	[bflag:$0x2] =	sbarrier.arrive $0xFFFF  }
0xc6: {  	p0 =	sne.s32 s0, $0x0;
	s0 =	rddreg [dreg:$0x1]  }
0xc7: {  	s0 =	sadd.s32 @!p0 $0x100000, s0  }
0xc8: {  	[sflag:s0] =	ssyncadd.tile.s32 @!p0 $0x1;
	_ =	shalt  }
.Lfunc_end2:
_tile_overlayer_lowered:
.L_overlay_start_2:
0xc9: {  	(tag) =	ssettag $0x2  }
0xca: {  	s0 =	rddreg [dreg:$0x0];
	s2 =	stileid.u32  }
0xcb: {  	s1 =	rddreg [dreg:$0x1];
	p0 =	sne.s32 s2, $0x0  }
0xcc: {  	s3 =	rddreg [dreg:$0x2];
	[bflag:$0x3] =	sbarrier.arrive $0xFFFF;
	s2 =	simm.s32 @!p0 $0x1C02  }
0xcd: {  	[timem:s3], [sflag:s2] =	dma.local @!p0 [hbm:s0], s1  }
0xce: {  	s0 =	simm.s32 @!p0 $0x2  }
0xcf: {  	_ =	swait.ge @!p0 [sflag:s0], s1  }
0xd0: {  	s1 =	ssub.s32 @!p0 $0x0, s1;
	[sflag:s0] =	ssyncset.done @!p0 $0x0  }
0xd1: {  	[sflag:s0] =	ssyncadd.s32 @!p0 s1  }
0xd2: {  	[bflag:$0x3] =	sbarrier.arrive $0xFFFF  }
0xd3: {  	_ =	shalt  }

</sc_bundles>
